<compile_context>
chip_gen: v7x
topology: tpu7x:2x2x1
jax: 0.10.2.dev20260603
libtpu: 0.0.44.dev20260713+nightly
codegen_flags: <defaults>
</compile_context>

<pallas_src>
import functools

import jax
import jax.numpy as jnp
from jax import lax
from jax.experimental import pallas as pl
from jax.experimental.pallas import tpu as pltpu
from jax.experimental.pallas import tpu_sc as plsc

RES = 2048
M = RES * RES
N = 1048576
L = 16
NC, NS = 2, 16
NW = NC * NS
PER_W = N // NW
C = 1024
K = C // 128
NCHUNK = PER_W // C
NPAIR = NCHUNK // 2
NTILE = (RES // 8) * (RES // 128)
TPW = NTILE // NW
TSZ = 8 * 128

_mesh = plsc.VectorSubcoreMesh(core_axis_name="c", subcore_axis_name="s")


@functools.partial(
    pl.kernel,
    mesh=_mesh,
    compiler_params=pltpu.CompilerParams(
        needs_layout_passes=False, use_tc_tiling_on_sc=False),
    out_type=jax.ShapeDtypeStruct((8 * M,), jnp.float32),
    scratch_types=[
        pltpu.VMEM((3 * (TSZ + 128),), jnp.float32),
        pltpu.VMEM((3 * (TSZ + 128),), jnp.float32),
        pltpu.VMEM((8 * TSZ,), jnp.float32),
        pltpu.VMEM((8 * TSZ,), jnp.float32),
        pltpu.SemaphoreType.DMA,
        pltpu.SemaphoreType.DMA,
        pltpu.SemaphoreType.DMA,
        pltpu.SemaphoreType.DMA,
    ],
)
def _build_kernel(table_hbm, t8_hbm, cb0, cb1, ob0, ob1,
                  sem_i0, sem_i1, sem_o0, sem_o1):
    wid = lax.axis_index("s") * NC + lax.axis_index("c")
    t0 = wid * TPW
    lane = lax.iota(jnp.int32, L)
    sem_i = {id(cb0): sem_i0, id(cb1): sem_i1}
    sem_o = {id(ob0): sem_o0, id(ob1): sem_o1}

    CSZ = TSZ + 128

    def fetch(ti, cb):
        off = ti * TSZ
        ei = jnp.where(ti + 16 < NTILE, ti + 16, ti) * TSZ
        for c in range(3):
            pltpu.async_copy(table_hbm.at[pl.ds(c * M + off, TSZ)],
                             cb.at[pl.ds(c * CSZ, TSZ)], sem_i[id(cb)])
            pltpu.async_copy(table_hbm.at[pl.ds(c * M + ei, 128)],
                             cb.at[pl.ds(c * CSZ + TSZ, 128)], sem_i[id(cb)])

    def drain_fetch(cb):
        for c in range(3):
            pltpu.make_async_copy(table_hbm.at[pl.ds(0, TSZ)],
                                  cb.at[pl.ds(c * CSZ, TSZ)],
                                  sem_i[id(cb)]).wait()
            pltpu.make_async_copy(table_hbm.at[pl.ds(0, 128)],
                                  cb.at[pl.ds(c * CSZ + TSZ, 128)],
                                  sem_i[id(cb)]).wait()

    def shuffle(cb, ob):
        @plsc.parallel_loop(0, TSZ // L, unroll=4)
        def body(v):
            s = v * L
            idx8 = (s + lane) * 8
            for c in range(3):
                lo = cb[pl.ds(c * CSZ + s, L)]
                hi = cb[pl.ds(c * CSZ + s + 128, L)]
                plsc.store_scatter(ob, [idx8 + c], lo)
                plsc.store_scatter(ob, [idx8 + (4 + c)], hi)

    def emit(ti, ob):
        ty = ti >> 4
        tx = ti & 15
        for ry in range(8):
            dst = (ty * 8 + ry) * (RES * 8) + tx * 1024
            pltpu.async_copy(ob.at[pl.ds(ry * 1024, 1024)],
                             t8_hbm.at[pl.ds(dst, 1024)], sem_o[id(ob)])

    def drain_emit(ob):
        for ry in range(8):
            pltpu.make_async_copy(ob.at[pl.ds(ry * 1024, 1024)],
                                  t8_hbm.at[pl.ds(0, 1024)],
                                  sem_o[id(ob)]).wait()

    fetch(t0, cb0)
    fetch(t0 + 1, cb1)
    drain_fetch(cb0)
    shuffle(cb0, ob0)
    fetch(t0 + 2, cb0)
    emit(t0, ob0)
    drain_fetch(cb1)
    shuffle(cb1, ob1)
    fetch(t0 + 3, cb1)
    emit(t0 + 1, ob1)

    def pair_body(j, carry):
        ti = t0 + 2 * j
        drain_fetch(cb0)
        drain_emit(ob0)
        shuffle(cb0, ob0)

        @pl.when(2 * j + 2 < TPW)
        def _():
            fetch(ti + 2, cb0)

        emit(ti, ob0)
        drain_fetch(cb1)
        drain_emit(ob1)
        shuffle(cb1, ob1)

        @pl.when(2 * j + 3 < TPW)
        def _():
            fetch(ti + 3, cb1)

        emit(ti + 1, ob1)
        return carry

    lax.fori_loop(1, TPW // 2, pair_body, 0)
    drain_emit(ob0)
    drain_emit(ob1)


@functools.partial(
    pl.kernel,
    mesh=_mesh,
    compiler_params=pltpu.CompilerParams(
        needs_layout_passes=False, use_tc_tiling_on_sc=False),
    out_type=jax.ShapeDtypeStruct((3 * N,), jnp.float32),
    scratch_types=[
        pltpu.VMEM((2, C), jnp.float32),
        pltpu.VMEM((2, C), jnp.float32),
        pltpu.VMEM((2, C), jnp.float32),
        pltpu.VMEM((2, C), jnp.float32),
        pltpu.VMEM((2, 2, K, 128), jnp.int32),
        pltpu.VMEM((C, 8), jnp.float32),
        pltpu.VMEM((C, 8), jnp.float32),
        pltpu.VMEM((C, 8), jnp.float32),
        pltpu.VMEM((C, 8), jnp.float32),
        pltpu.VMEM((3 * C,), jnp.float32),
        pltpu.VMEM((3 * C,), jnp.float32),
        pltpu.SemaphoreType.DMA,
        pltpu.SemaphoreType.DMA,
        pltpu.SemaphoreType.DMA,
        pltpu.SemaphoreType.DMA,
        pltpu.SemaphoreType.DMA,
    ],
)
def _grid_kernel(xs_hbm, ys_hbm, t8_hbm, out_hbm,
                 xs_v, ys_v, wx_v, wy_v, idx_v,
                 g0a, g1a, g0b, g1b,
                 outa, outb, sem_a, sem_b, sem_i0, sem_i1, sem_o):
    wid = lax.axis_index("s") * NC + lax.axis_index("c")
    base = wid * PER_W
    lane = lax.iota(jnp.int32, L)
    gbufs = ((g0a, g1a), (g0b, g1b))
    outs = (outa, outb)
    sems = (sem_a, sem_b)
    chans = tuple(jnp.full((L,), c, jnp.int32) for c in range(3))
    chans_hi = tuple(jnp.full((L,), 4 + c, jnp.int32) for c in range(3))

    sem_i = (sem_i0, sem_i1)

    def prefetch_xy(ci, b):
        off = base + ci * C
        pltpu.async_copy(xs_hbm.at[pl.ds(off, C)], xs_v.at[b], sem_i[b])
        pltpu.async_copy(ys_hbm.at[pl.ds(off, C)], ys_v.at[b], sem_i[b])

    def caf(ci, b):
        pltpu.make_async_copy(
            xs_hbm.at[pl.ds(0, C)], xs_v.at[b], sem_i[b]).wait()
        pltpu.make_async_copy(
            ys_hbm.at[pl.ds(0, C)], ys_v.at[b], sem_i[b]).wait()

        @plsc.parallel_loop(0, C // L, unroll=2)
        def idx_body(v):
            s = v * L
            x = xs_v[b, pl.ds(s, L)] * (RES - 1.0)
            xi = jnp.minimum(jnp.maximum(x.astype(jnp.int32), 0), RES - 2)
            tx = x - xi.astype(jnp.float32)
            y = ys_v[b, pl.ds(s, L)] * (RES - 1.0)
            yi = jnp.minimum(jnp.maximum(y.astype(jnp.int32), 0), RES - 2)
            ty = y - yi.astype(jnp.float32)
            wx_v[b, pl.ds(s, L)] = tx
            wy_v[b, pl.ds(s, L)] = ty
            r00 = yi * RES + xi
            k = v // 8
            col = (v % 8) * L
            idx_v[b, 0, k, pl.ds(col, L)] = r00
            idx_v[b, 1, k, pl.ds(col, L)] = r00 + 1

        @pl.when(ci + 2 < NCHUNK)
        def _():
            prefetch_xy(ci + 2, b)

        for k in range(K):
            for t in range(2):
                pltpu.async_copy(
                    t8_hbm.at[idx_v.at[b, t, k]],
                    gbufs[b][t].at[pl.ds(k * 128, 128), :],
                    sems[b])

    def drain_gathers(b):
        for t in range(2):
            pltpu.make_async_copy(
                t8_hbm.at[pl.ds(0, C), :], gbufs[b][t], sems[b]).wait()

    def combine(ci, b):
        g0, g1 = gbufs[b]
        out_v = outs[b]

        @plsc.parallel_loop(0, C // L, unroll=2)
        def comb_body(j):
            s = j * L
            idxp = s + lane
            tx = wx_v[b, pl.ds(s, L)]
            ty = wy_v[b, pl.ds(s, L)]
            ux = 1.0 - tx
            uy = 1.0 - ty
            w00 = ux * uy
            w01 = tx * uy
            w10 = ux * ty
            w11 = tx * ty
            for cc in range(3):
                a = plsc.load_gather(g0, [idxp, chans[cc]])
                b2 = plsc.load_gather(g1, [idxp, chans[cc]])
                d2 = plsc.load_gather(g0, [idxp, chans_hi[cc]])
                e2 = plsc.load_gather(g1, [idxp, chans_hi[cc]])
                out_v[pl.ds(cc * C + s, L)] = (
                    a * w00 + b2 * w01 + d2 * w10 + e2 * w11)

        off = base + ci * C
        return [pltpu.async_copy(out_v.at[pl.ds(cc * C, C)],
                                 out_hbm.at[pl.ds(cc * N + off, C)], sem_o)
                for cc in range(3)]

    prefetch_xy(0, 0)
    prefetch_xy(1, 1)
    caf(0, 0)

    def pair_body(j, carry):
        ci = 2 * j
        caf(ci + 1, 1)
        drain_gathers(0)
        cps_a = combine(ci, 0)

        @pl.when(ci + 2 < NCHUNK)
        def _():
            caf(ci + 2, 0)

        drain_gathers(1)
        cps_b = combine(ci + 1, 1)
        for cp in cps_a + cps_b:
            cp.wait()
        return carry

    lax.fori_loop(0, NPAIR, pair_body, 0)


def kernel(input, feature_params):
    xs = input[:, 0]
    ys = input[:, 1]
    table = (feature_params.transpose(2, 0, 1)
             .reshape(3, RES // 8, 8, RES // 128, 128)
             .transpose(0, 1, 3, 2, 4)
             .reshape(3 * M))
    t8 = _build_kernel(table).reshape(M, 8)
    out_flat = _grid_kernel(xs, ys, t8)
    return out_flat.reshape(3, N).transpose(1, 0)

# --- scband reference (transcript-rebuilt; emitter-appended) ---
"""Pipeline reference for scband-py-torch-feature-grid2-d-9466107920632 (READ-ONLY COPY).

The authoritative reference and input builder live on the scoring server;
editing this copy changes nothing except your own understanding.
"""

import jax, jax.numpy as jnp
import numpy as np

RES = 2048
N = 1048576

def setup_inputs(seed: int = 0) -> dict:
    key = jax.random.key(seed)
    k1, k2 = jax.random.split(key)
    inp = jax.random.uniform(k1, (N, 2), dtype=jnp.float32)
    feature_params = jax.random.normal(k2, (RES, RES, 3), dtype=jnp.float32) * 0.01
    return {"input": inp, "feature_params": feature_params}

def reference(input, feature_params):
    res = feature_params.shape[0]
    scaled = input * (res - 1)
    lower_idx = jnp.clip(jnp.floor(scaled).astype(jnp.int32), 0, res - 2)
    upper_idx = jnp.clip(lower_idx + 1, 0, res - 1)
    t = scaled - lower_idx.astype(jnp.float32)
    x_low, y_low = lower_idx[:, 0], lower_idx[:, 1]
    x_up, y_up = upper_idx[:, 0], upper_idx[:, 1]
    tx = t[:, 0:1]
    ty = t[:, 1:2]
    c00 = feature_params[y_low, x_low]
    c01 = feature_params[y_low, x_up]
    c10 = feature_params[y_up, x_low]
    c11 = feature_params[y_up, x_up]
    c0 = c00 * (1 - tx) + c01 * tx
    c1 = c10 * (1 - tx) + c11 * tx
    output = c0 * (1 - ty) + c1 * ty
    return output

if __name__ == "__main__":
    import jax
    _d = setup_inputs()
    print(jax.jit(kernel)(*tuple(_d.values())))

</pallas_src>

<mosaic_0001>
#map = affine_map<(d0, d1) -> (0)>
#map1 = affine_map<(d0, d1) -> (0, 0)>
module attributes {stable_mosaic.version = 14 : i64} {
  func.func @_grid_kernel(%arg0: i32, %arg1: i32, %arg2: memref<1048576xf32, #tpu.memory_space<hbm>>, %arg3: memref<1048576xf32, #tpu.memory_space<hbm>>, %arg4: memref<4194304x8xf32, #tpu.memory_space<hbm>>, %arg5: memref<3145728xf32, #tpu.memory_space<hbm>>, %arg6: memref<2x1024xf32, #tpu.memory_space<vmem>>, %arg7: memref<2x1024xf32, #tpu.memory_space<vmem>>, %arg8: memref<2x1024xf32, #tpu.memory_space<vmem>>, %arg9: memref<2x1024xf32, #tpu.memory_space<vmem>>, %arg10: memref<2x2x8x128xi32, #tpu.memory_space<vmem>>, %arg11: memref<1024x8xf32, #tpu.memory_space<vmem>>, %arg12: memref<1024x8xf32, #tpu.memory_space<vmem>>, %arg13: memref<1024x8xf32, #tpu.memory_space<vmem>>, %arg14: memref<1024x8xf32, #tpu.memory_space<vmem>>, %arg15: memref<3072xf32, #tpu.memory_space<vmem>>, %arg16: memref<3072xf32, #tpu.memory_space<vmem>>, %arg17: memref<!tpu.dma_semaphore, #tpu.memory_space<semaphore_mem>>, %arg18: memref<!tpu.dma_semaphore, #tpu.memory_space<semaphore_mem>>, %arg19: memref<!tpu.dma_semaphore, #tpu.memory_space<semaphore_mem>>, %arg20: memref<!tpu.dma_semaphore, #tpu.memory_space<semaphore_mem>>, %arg21: memref<!tpu.dma_semaphore, #tpu.memory_space<semaphore_mem>>) attributes {dimension_semantics = [#tpu.dimension_semantics<core_parallel>, #tpu.dimension_semantics<subcore_parallel>], iteration_bounds = array<i64: 2, 16>, scalar_prefetch = 0 : i64, scratch_operands = 16 : i64, tpu.core_type = #tpu.core_type<sc_vector_subcore>, window_params = [{transform_indices = #map}, {transform_indices = #map}, {transform_indices = #map1}, {transform_indices = #map}]} {
    %mul3A = arith.constant 2 : i32
    %mul3A_0 = arith.muli %arg1, %mul3A : i32
    %add3A = arith.addi %mul3A_0, %arg0 : i32
    %mul3A_1 = arith.constant 32768 : i32
    %mul3A_2 = arith.muli %add3A, %mul3A_1 : i32
    %iota3A = tpu.iota {dimensions = array<i32: 0>} : vector<16xi32>
    %broadcast_in_dim3A = arith.constant 0 : i32
    %broadcast_in_dim3A_3 = vector.broadcast %broadcast_in_dim3A : i32 to vector<16xi32>
    %broadcast_in_dim3A_4 = arith.constant 1 : i32
    %broadcast_in_dim3A_5 = vector.broadcast %broadcast_in_dim3A_4 : i32 to vector<16xi32>
    %broadcast_in_dim3A_6 = arith.constant 2 : i32
    %broadcast_in_dim3A_7 = vector.broadcast %broadcast_in_dim3A_6 : i32 to vector<16xi32>
    %broadcast_in_dim3A_8 = arith.constant 4 : i32
    %broadcast_in_dim3A_9 = vector.broadcast %broadcast_in_dim3A_8 : i32 to vector<16xi32>
    %broadcast_in_dim3A_10 = arith.constant 5 : i32
    %broadcast_in_dim3A_11 = vector.broadcast %broadcast_in_dim3A_10 : i32 to vector<16xi32>
    %broadcast_in_dim3A_12 = arith.constant 6 : i32
    %broadcast_in_dim3A_13 = vector.broadcast %broadcast_in_dim3A_12 : i32 to vector<16xi32>
    %add3A_14 = arith.constant 0 : i32
    %add3A_15 = arith.addi %mul3A_2, %add3A_14 : i32
    %dma_start3A = arith.constant 0 : i32
    %dma_start3A_16 = arith.constant 0 : i32
    %dma_start3A_17 = tpu.memref_slice %arg6[%dma_start3A, %dma_start3A_16] : memref<2x1024xf32, #tpu.memory_space<vmem>> -> memref<1x1024xf32, #tpu.memory_space<vmem>>
    %dma_start3A_18 = tpu.memref_squeeze %dma_start3A_17 : memref<1x1024xf32, #tpu.memory_space<vmem>> -> memref<1024xf32, #tpu.memory_space<vmem>>
    %dma_start3A_19 = tpu.memref_slice %arg2[%add3A_15] : memref<1048576xf32, #tpu.memory_space<hbm>> -> memref<1024xf32, #tpu.memory_space<hbm>>
    %dma_start3A_20 = arith.constant 0 : i32
    %dma_start3A_21 = tpu.memref_slice %arg6[%dma_start3A, %dma_start3A_20] : memref<2x1024xf32, #tpu.memory_space<vmem>> -> memref<1x1024xf32, #tpu.memory_space<vmem>>
    %dma_start3A_22 = tpu.memref_squeeze %dma_start3A_21 : memref<1x1024xf32, #tpu.memory_space<vmem>> -> memref<1024xf32, #tpu.memory_space<vmem>>
    %dma_start3A_23 = tpu.memref_slice %arg2[%add3A_15] : memref<1048576xf32, #tpu.memory_space<hbm>> -> memref<1024xf32, #tpu.memory_space<hbm>>
    tpu.enqueue_dma source(%dma_start3A_23 : memref<1024xf32, #tpu.memory_space<hbm>>) target(%dma_start3A_22 : memref<1024xf32, #tpu.memory_space<vmem>>) target_semaphore(%arg19 : memref<!tpu.dma_semaphore, #tpu.memory_space<semaphore_mem>>)
    %dma_start3A_24 = arith.constant 0 : i32
    %dma_start3A_25 = arith.constant 0 : i32
    %dma_start3A_26 = tpu.memref_slice %arg7[%dma_start3A_24, %dma_start3A_25] : memref<2x1024xf32, #tpu.memory_space<vmem>> -> memref<1x1024xf32, #tpu.memory_space<vmem>>
    %dma_start3A_27 = tpu.memref_squeeze %dma_start3A_26 : memref<1x1024xf32, #tpu.memory_space<vmem>> -> memref<1024xf32, #tpu.memory_space<vmem>>
    %dma_start3A_28 = tpu.memref_slice %arg3[%add3A_15] : memref<1048576xf32, #tpu.memory_space<hbm>> -> memref<1024xf32, #tpu.memory_space<hbm>>
    %dma_start3A_29 = arith.constant 0 : i32
    %dma_start3A_30 = tpu.memref_slice %arg7[%dma_start3A_24, %dma_start3A_29] : memref<2x1024xf32, #tpu.memory_space<vmem>> -> memref<1x1024xf32, #tpu.memory_space<vmem>>
    %dma_start3A_31 = tpu.memref_squeeze %dma_start3A_30 : memref<1x1024xf32, #tpu.memory_space<vmem>> -> memref<1024xf32, #tpu.memory_space<vmem>>
    %dma_start3A_32 = tpu.memref_slice %arg3[%add3A_15] : memref<1048576xf32, #tpu.memory_space<hbm>> -> memref<1024xf32, #tpu.memory_space<hbm>>
    tpu.enqueue_dma source(%dma_start3A_32 : memref<1024xf32, #tpu.memory_space<hbm>>) target(%dma_start3A_31 : memref<1024xf32, #tpu.memory_space<vmem>>) target_semaphore(%arg19 : memref<!tpu.dma_semaphore, #tpu.memory_space<semaphore_mem>>)
    %add3A_33 = arith.constant 1024 : i32
    %add3A_34 = arith.addi %mul3A_2, %add3A_33 : i32
    %dma_start3A_35 = arith.constant 1 : i32
    %dma_start3A_36 = arith.constant 0 : i32
    %dma_start3A_37 = tpu.memref_slice %arg6[%dma_start3A_35, %dma_start3A_36] : memref<2x1024xf32, #tpu.memory_space<vmem>> -> memref<1x1024xf32, #tpu.memory_space<vmem>>
    %dma_start3A_38 = tpu.memref_squeeze %dma_start3A_37 : memref<1x1024xf32, #tpu.memory_space<vmem>> -> memref<1024xf32, #tpu.memory_space<vmem>>
    %dma_start3A_39 = tpu.memref_slice %arg2[%add3A_34] : memref<1048576xf32, #tpu.memory_space<hbm>> -> memref<1024xf32, #tpu.memory_space<hbm>>
    %dma_start3A_40 = arith.constant 0 : i32
    %dma_start3A_41 = tpu.memref_slice %arg6[%dma_start3A_35, %dma_start3A_40] : memref<2x1024xf32, #tpu.memory_space<vmem>> -> memref<1x1024xf32, #tpu.memory_space<vmem>>
    %dma_start3A_42 = tpu.memref_squeeze %dma_start3A_41 : memref<1x1024xf32, #tpu.memory_space<vmem>> -> memref<1024xf32, #tpu.memory_space<vmem>>
    %dma_start3A_43 = tpu.memref_slice %arg2[%add3A_34] : memref<1048576xf32, #tpu.memory_space<hbm>> -> memref<1024xf32, #tpu.memory_space<hbm>>
    tpu.enqueue_dma source(%dma_start3A_43 : memref<1024xf32, #tpu.memory_space<hbm>>) target(%dma_start3A_42 : memref<1024xf32, #tpu.memory_space<vmem>>) target_semaphore(%arg20 : memref<!tpu.dma_semaphore, #tpu.memory_space<semaphore_mem>>)
    %dma_start3A_44 = arith.constant 1 : i32
    %dma_start3A_45 = arith.constant 0 : i32
    %dma_start3A_46 = tpu.memref_slice %arg7[%dma_start3A_44, %dma_start3A_45] : memref<2x1024xf32, #tpu.memory_space<vmem>> -> memref<1x1024xf32, #tpu.memory_space<vmem>>
    %dma_start3A_47 = tpu.memref_squeeze %dma_start3A_46 : memref<1x1024xf32, #tpu.memory_space<vmem>> -> memref<1024xf32, #tpu.memory_space<vmem>>
    %dma_start3A_48 = tpu.memref_slice %arg3[%add3A_34] : memref<1048576xf32, #tpu.memory_space<hbm>> -> memref<1024xf32, #tpu.memory_space<hbm>>
    %dma_start3A_49 = arith.constant 0 : i32
    %dma_start3A_50 = tpu.memref_slice %arg7[%dma_start3A_44, %dma_start3A_49] : memref<2x1024xf32, #tpu.memory_space<vmem>> -> memref<1x1024xf32, #tpu.memory_space<vmem>>
    %dma_start3A_51 = tpu.memref_squeeze %dma_start3A_50 : memref<1x1024xf32, #tpu.memory_space<vmem>> -> memref<1024xf32, #tpu.memory_space<vmem>>
    %dma_start3A_52 = tpu.memref_slice %arg3[%add3A_34] : memref<1048576xf32, #tpu.memory_space<hbm>> -> memref<1024xf32, #tpu.memory_space<hbm>>
    tpu.enqueue_dma source(%dma_start3A_52 : memref<1024xf32, #tpu.memory_space<hbm>>) target(%dma_start3A_51 : memref<1024xf32, #tpu.memory_space<vmem>>) target_semaphore(%arg20 : memref<!tpu.dma_semaphore, #tpu.memory_space<semaphore_mem>>)
    %dma_wait3A = arith.constant 0 : i32
    %dma_wait3A_53 = arith.constant 0 : i32
    %dma_wait3A_54 = tpu.memref_slice %arg6[%dma_wait3A, %dma_wait3A_53] : memref<2x1024xf32, #tpu.memory_space<vmem>> -> memref<1x1024xf32, #tpu.memory_space<vmem>>
    %dma_wait3A_55 = tpu.memref_squeeze %dma_wait3A_54 : memref<1x1024xf32, #tpu.memory_space<vmem>> -> memref<1024xf32, #tpu.memory_space<vmem>>
    %dma_wait3A_56 = arith.constant 0 : i32
    %dma_wait3A_57 = tpu.memref_slice %arg2[%dma_wait3A_56] : memref<1048576xf32, #tpu.memory_space<hbm>> -> memref<1024xf32, #tpu.memory_space<hbm>>
    %dma_wait3A_58 = arith.constant 0 : i32
    %dma_wait3A_59 = tpu.memref_slice %arg6[%dma_wait3A, %dma_wait3A_58] : memref<2x1024xf32, #tpu.memory_space<vmem>> -> memref<1x1024xf32, #tpu.memory_space<vmem>>
    %dma_wait3A_60 = tpu.memref_squeeze %dma_wait3A_59 : memref<1x1024xf32, #tpu.memory_space<vmem>> -> memref<1024xf32, #tpu.memory_space<vmem>>
    %dma_wait3A_61 = arith.constant 0 : i32
    %dma_wait3A_62 = tpu.memref_slice %arg2[%dma_wait3A_61] : memref<1048576xf32, #tpu.memory_space<hbm>> -> memref<1024xf32, #tpu.memory_space<hbm>>
    tpu.wait_dma2 semaphore(%arg19 : memref<!tpu.dma_semaphore, #tpu.memory_space<semaphore_mem>>) src(%dma_wait3A_62 : memref<1024xf32, #tpu.memory_space<hbm>>) dst(%dma_wait3A_60 : memref<1024xf32, #tpu.memory_space<vmem>>)
    %dma_wait3A_63 = arith.constant 0 : i32
    %dma_wait3A_64 = arith.constant 0 : i32
    %dma_wait3A_65 = tpu.memref_slice %arg7[%dma_wait3A_63, %dma_wait3A_64] : memref<2x1024xf32, #tpu.memory_space<vmem>> -> memref<1x1024xf32, #tpu.memory_space<vmem>>
    %dma_wait3A_66 = tpu.memref_squeeze %dma_wait3A_65 : memref<1x1024xf32, #tpu.memory_space<vmem>> -> memref<1024xf32, #tpu.memory_space<vmem>>
    %dma_wait3A_67 = arith.constant 0 : i32
    %dma_wait3A_68 = tpu.memref_slice %arg3[%dma_wait3A_67] : memref<1048576xf32, #tpu.memory_space<hbm>> -> memref<1024xf32, #tpu.memory_space<hbm>>
    %dma_wait3A_69 = arith.constant 0 : i32
    %dma_wait3A_70 = tpu.memref_slice %arg7[%dma_wait3A_63, %dma_wait3A_69] : memref<2x1024xf32, #tpu.memory_space<vmem>> -> memref<1x1024xf32, #tpu.memory_space<vmem>>
    %dma_wait3A_71 = tpu.memref_squeeze %dma_wait3A_70 : memref<1x1024xf32, #tpu.memory_space<vmem>> -> memref<1024xf32, #tpu.memory_space<vmem>>
    %dma_wait3A_72 = arith.constant 0 : i32
    %dma_wait3A_73 = tpu.memref_slice %arg3[%dma_wait3A_72] : memref<1048576xf32, #tpu.memory_space<hbm>> -> memref<1024xf32, #tpu.memory_space<hbm>>
    tpu.wait_dma2 semaphore(%arg19 : memref<!tpu.dma_semaphore, #tpu.memory_space<semaphore_mem>>) src(%dma_wait3A_73 : memref<1024xf32, #tpu.memory_space<hbm>>) dst(%dma_wait3A_71 : memref<1024xf32, #tpu.memory_space<vmem>>)
    %parallel_loop3A = arith.constant 0 : i32
    %parallel_loop3A_74 = arith.constant 64 : i32
    %parallel_loop3A_75 = arith.constant 1 : i32
    scf.for %parallel_loop3A_293 = %parallel_loop3A to %parallel_loop3A_74 step %parallel_loop3A_75  : i32 {
      %parallel_loop3A_294 = arith.constant 16 : i32
      %parallel_loop3A_295 = arith.muli %parallel_loop3A_293, %parallel_loop3A_294 : i32
      %parallel_loop3A_296 = arith.constant 0 : i32
      %parallel_loop3A_297 = arith.index_cast %parallel_loop3A_296 : i32 to index
      %parallel_loop3A_298 = arith.index_cast %parallel_loop3A_295 : i32 to index
      %parallel_loop3A_299 = tpu.vector_load %arg6[%parallel_loop3A_297, %parallel_loop3A_298] {strides = array<i32>} : memref<2x1024xf32, #tpu.memory_space<vmem>>, vector<16xf32>,
      %parallel_loop3A_300 = arith.constant 2.047000e+03 : f32
      %parallel_loop3A_301 = vector.broadcast %parallel_loop3A_300 : f32 to vector<16xf32>
      %parallel_loop3A_302 = arith.mulf %parallel_loop3A_299, %parallel_loop3A_301 : vector<16xf32>
      %parallel_loop3A_303 = arith.fptosi %parallel_loop3A_302 : vector<16xf32> to vector<16xi32>
      %parallel_loop3A_304 = arith.constant 0 : i32
      %parallel_loop3A_305 = vector.broadcast %parallel_loop3A_304 : i32 to vector<16xi32>
      %parallel_loop3A_306 = arith.maxsi %parallel_loop3A_303, %parallel_loop3A_305 : vector<16xi32>
      %parallel_loop3A_307 = arith.constant 2046 : i32
      %parallel_loop3A_308 = vector.broadcast %parallel_loop3A_307 : i32 to vector<16xi32>
      %parallel_loop3A_309 = arith.minsi %parallel_loop3A_306, %parallel_loop3A_308 : vector<16xi32>
      %parallel_loop3A_310 = arith.sitofp %parallel_loop3A_309 : vector<16xi32> to vector<16xf32>
      %parallel_loop3A_311 = arith.subf %parallel_loop3A_302, %parallel_loop3A_310 : vector<16xf32>
      %parallel_loop3A_312 = arith.constant 0 : i32
      %parallel_loop3A_313 = arith.index_cast %parallel_loop3A_312 : i32 to index
      %parallel_loop3A_314 = arith.index_cast %parallel_loop3A_295 : i32 to index
      %parallel_loop3A_315 = tpu.vector_load %arg7[%parallel_loop3A_313, %parallel_loop3A_314] {strides = array<i32>} : memref<2x1024xf32, #tpu.memory_space<vmem>>, vector<16xf32>,
      %parallel_loop3A_316 = arith.constant 2.047000e+03 : f32
      %parallel_loop3A_317 = vector.broadcast %parallel_loop3A_316 : f32 to vector<16xf32>
      %parallel_loop3A_318 = arith.mulf %parallel_loop3A_315, %parallel_loop3A_317 : vector<16xf32>
      %parallel_loop3A_319 = arith.fptosi %parallel_loop3A_318 : vector<16xf32> to vector<16xi32>
      %parallel_loop3A_320 = arith.constant 0 : i32
      %parallel_loop3A_321 = vector.broadcast %parallel_loop3A_320 : i32 to vector<16xi32>
      %parallel_loop3A_322 = arith.maxsi %parallel_loop3A_319, %parallel_loop3A_321 : vector<16xi32>
      %parallel_loop3A_323 = arith.constant 2046 : i32
      %parallel_loop3A_324 = vector.broadcast %parallel_loop3A_323 : i32 to vector<16xi32>
      %parallel_loop3A_325 = arith.minsi %parallel_loop3A_322, %parallel_loop3A_324 : vector<16xi32>
      %parallel_loop3A_326 = arith.sitofp %parallel_loop3A_325 : vector<16xi32> to vector<16xf32>
      %parallel_loop3A_327 = arith.subf %parallel_loop3A_318, %parallel_loop3A_326 : vector<16xf32>
      %parallel_loop3A_328 = arith.constant 0 : i32
      %parallel_loop3A_329 = arith.index_cast %parallel_loop3A_328 : i32 to index
      %parallel_loop3A_330 = arith.index_cast %parallel_loop3A_295 : i32 to index
      %parallel_loop3A_331 = tpu.vector_load %arg8[%parallel_loop3A_329, %parallel_loop3A_330] {strides = array<i32>} : memref<2x1024xf32, #tpu.memory_space<vmem>>, vector<16xf32>,
      tpu.vector_store %arg8[%parallel_loop3A_329, %parallel_loop3A_330], %parallel_loop3A_311 {strides = array<i32>} : memref<2x1024xf32, #tpu.memory_space<vmem>>, vector<16xf32>,
      %parallel_loop3A_332 = arith.constant 0 : i32
      %parallel_loop3A_333 = arith.index_cast %parallel_loop3A_332 : i32 to index
      %parallel_loop3A_334 = arith.index_cast %parallel_loop3A_295 : i32 to index
      %parallel_loop3A_335 = tpu.vector_load %arg9[%parallel_loop3A_333, %parallel_loop3A_334] {strides = array<i32>} : memref<2x1024xf32, #tpu.memory_space<vmem>>, vector<16xf32>,
      tpu.vector_store %arg9[%parallel_loop3A_333, %parallel_loop3A_334], %parallel_loop3A_327 {strides = array<i32>} : memref<2x1024xf32, #tpu.memory_space<vmem>>, vector<16xf32>,
      %parallel_loop3A_336 = arith.constant 2048 : i32
      %parallel_loop3A_337 = vector.broadcast %parallel_loop3A_336 : i32 to vector<16xi32>
      %parallel_loop3A_338 = arith.muli %parallel_loop3A_325, %parallel_loop3A_337 : vector<16xi32>
      %parallel_loop3A_339 = arith.addi %parallel_loop3A_338, %parallel_loop3A_309 : vector<16xi32>
      %parallel_loop3A_340 = arith.constant 8 : i32
      %parallel_loop3A_341 = arith.divsi %parallel_loop3A_293, %parallel_loop3A_340 : i32
      %parallel_loop3A_342 = arith.constant 0 : i32
      %parallel_loop3A_343 = arith.cmpi sgt, %parallel_loop3A_293, %parallel_loop3A_342 : i32
      %parallel_loop3A_344 = arith.extui %parallel_loop3A_343 : i1 to i32
      %parallel_loop3A_345 = arith.constant 0 : i32
      %parallel_loop3A_346 = arith.cmpi slt, %parallel_loop3A_293, %parallel_loop3A_345 : i32
      %parallel_loop3A_347 = arith.extui %parallel_loop3A_346 : i1 to i32
      %parallel_loop3A_348 = arith.subi %parallel_loop3A_344, %parallel_loop3A_347 : i32
      %parallel_loop3A_349 = arith.constant 0 : i32
      %parallel_loop3A_350 = arith.cmpi sgt, %parallel_loop3A_340, %parallel_loop3A_349 : i32
      %parallel_loop3A_351 = arith.extui %parallel_loop3A_350 : i1 to i32
      %parallel_loop3A_352 = arith.constant 0 : i32
      %parallel_loop3A_353 = arith.cmpi slt, %parallel_loop3A_340, %parallel_loop3A_352 : i32
      %parallel_loop3A_354 = arith.extui %parallel_loop3A_353 : i1 to i32
      %parallel_loop3A_355 = arith.subi %parallel_loop3A_351, %parallel_loop3A_354 : i32
      %parallel_loop3A_356 = arith.cmpi ne, %parallel_loop3A_348, %parallel_loop3A_355 : i32
      %parallel_loop3A_357 = arith.remsi %parallel_loop3A_293, %parallel_loop3A_340 : i32
      %parallel_loop3A_358 = arith.constant 0 : i32
      %parallel_loop3A_359 = arith.cmpi ne, %parallel_loop3A_357, %parallel_loop3A_358 : i32
      %parallel_loop3A_360 = arith.andi %parallel_loop3A_356, %parallel_loop3A_359 : i1
      %parallel_loop3A_361 = arith.constant 1 : i32
      %parallel_loop3A_362 = arith.subi %parallel_loop3A_341, %parallel_loop3A_361 : i32
      %parallel_loop3A_363 = arith.select %parallel_loop3A_360, %parallel_loop3A_362, %parallel_loop3A_341 : i32
      %parallel_loop3A_364 = arith.constant 8 : i32
      %parallel_loop3A_365 = arith.constant 0 : i32
      %parallel_loop3A_366 = arith.cmpi eq, %parallel_loop3A_364, %parallel_loop3A_365 : i32
      %parallel_loop3A_367 = arith.constant 1 : i32
      %parallel_loop3A_368 = arith.select %parallel_loop3A_366, %parallel_loop3A_367, %parallel_loop3A_364 : i32
      %parallel_loop3A_369 = arith.remsi %parallel_loop3A_293, %parallel_loop3A_368 : i32
      %parallel_loop3A_370 = arith.constant 0 : i32
      %parallel_loop3A_371 = arith.cmpi ne, %parallel_loop3A_369, %parallel_loop3A_370 : i32
      %parallel_loop3A_372 = arith.constant 0 : i32
      %parallel_loop3A_373 = arith.cmpi slt, %parallel_loop3A_369, %parallel_loop3A_372 : i32
      %parallel_loop3A_374 = arith.constant 0 : i32
      %parallel_loop3A_375 = arith.cmpi slt, %parallel_loop3A_368, %parallel_loop3A_374 : i32
      %parallel_loop3A_376 = arith.xori %parallel_loop3A_373, %parallel_loop3A_375 : i1
      %parallel_loop3A_377 = arith.andi %parallel_loop3A_376, %parallel_loop3A_371 : i1
      %parallel_loop3A_378 = arith.addi %parallel_loop3A_369, %parallel_loop3A_368 : i32
      %parallel_loop3A_379 = arith.select %parallel_loop3A_377, %parallel_loop3A_378, %parallel_loop3A_369 : i32
      %parallel_loop3A_380 = arith.constant 16 : i32
      %parallel_loop3A_381 = arith.muli %parallel_loop3A_379, %parallel_loop3A_380 : i32
      %parallel_loop3A_382 = arith.constant 0 : i32
      %parallel_loop3A_383 = arith.constant 0 : i32
      %parallel_loop3A_384 = arith.index_cast %parallel_loop3A_382 : i32 to index
      %parallel_loop3A_385 = arith.index_cast %parallel_loop3A_383 : i32 to index
      %parallel_loop3A_386 = arith.index_cast %parallel_loop3A_363 : i32 to index
      %parallel_loop3A_387 = arith.index_cast %parallel_loop3A_381 : i32 to index
      %parallel_loop3A_388 = tpu.vector_load %arg10[%parallel_loop3A_384, %parallel_loop3A_385, %parallel_loop3A_386, %parallel_loop3A_387] {strides = array<i32>} : memref<2x2x8x128xi32, #tpu.memory_space<vmem>>, vector<16xi32>,
      tpu.vector_store %arg10[%parallel_loop3A_384, %parallel_loop3A_385, %parallel_loop3A_386, %parallel_loop3A_387], %parallel_loop3A_339 {strides = array<i32>} : memref<2x2x8x128xi32, #tpu.memory_space<vmem>>, vector<16xi32>,
      %parallel_loop3A_389 = arith.constant 1 : i32
      %parallel_loop3A_390 = vector.broadcast %parallel_loop3A_389 : i32 to vector<16xi32>
      %parallel_loop3A_391 = arith.addi %parallel_loop3A_339, %parallel_loop3A_390 : vector<16xi32>
      %parallel_loop3A_392 = arith.constant 0 : i32
      %parallel_loop3A_393 = arith.constant 1 : i32
      %parallel_loop3A_394 = arith.index_cast %parallel_loop3A_392 : i32 to index
      %parallel_loop3A_395 = arith.index_cast %parallel_loop3A_393 : i32 to index
      %parallel_loop3A_396 = arith.index_cast %parallel_loop3A_363 : i32 to index
      %parallel_loop3A_397 = arith.index_cast %parallel_loop3A_381 : i32 to index
      %parallel_loop3A_398 = tpu.vector_load %arg10[%parallel_loop3A_394, %parallel_loop3A_395, %parallel_loop3A_396, %parallel_loop3A_397] {strides = array<i32>} : memref<2x2x8x128xi32, #tpu.memory_space<vmem>>, vector<16xi32>,
      tpu.vector_store %arg10[%parallel_loop3A_394, %parallel_loop3A_395, %parallel_loop3A_396, %parallel_loop3A_397], %parallel_loop3A_391 {strides = array<i32>} : memref<2x2x8x128xi32, #tpu.memory_space<vmem>>, vector<16xi32>,
    } {sc.loop_unroll_factor = 2 : i64, sc.parallel_access}
    %add3A_76 = arith.constant 2048 : i32
    %add3A_77 = arith.addi %mul3A_2, %add3A_76 : i32
    %dma_start3A_78 = arith.constant 0 : i32
    %dma_start3A_79 = arith.constant 0 : i32
    %dma_start3A_80 = tpu.memref_slice %arg6[%dma_start3A_78, %dma_start3A_79] : memref<2x1024xf32, #tpu.memory_space<vmem>> -> memref<1x1024xf32, #tpu.memory_space<vmem>>
    %dma_start3A_81 = tpu.memref_squeeze %dma_start3A_80 : memref<1x1024xf32, #tpu.memory_space<vmem>> -> memref<1024xf32, #tpu.memory_space<vmem>>
    %dma_start3A_82 = tpu.memref_slice %arg2[%add3A_77] : memref<1048576xf32, #tpu.memory_space<hbm>> -> memref<1024xf32, #tpu.memory_space<hbm>>
    %dma_start3A_83 = arith.constant 0 : i32
    %dma_start3A_84 = tpu.memref_slice %arg6[%dma_start3A_78, %dma_start3A_83] : memref<2x1024xf32, #tpu.memory_space<vmem>> -> memref<1x1024xf32, #tpu.memory_space<vmem>>
    %dma_start3A_85 = tpu.memref_squeeze %dma_start3A_84 : memref<1x1024xf32, #tpu.memory_space<vmem>> -> memref<1024xf32, #tpu.memory_space<vmem>>
    %dma_start3A_86 = tpu.memref_slice %arg2[%add3A_77] : memref<1048576xf32, #tpu.memory_space<hbm>> -> memref<1024xf32, #tpu.memory_space<hbm>>
    tpu.enqueue_dma source(%dma_start3A_86 : memref<1024xf32, #tpu.memory_space<hbm>>) target(%dma_start3A_85 : memref<1024xf32, #tpu.memory_space<vmem>>) target_semaphore(%arg19 : memref<!tpu.dma_semaphore, #tpu.memory_space<semaphore_mem>>)
    %dma_start3A_87 = arith.constant 0 : i32
    %dma_start3A_88 = arith.constant 0 : i32
    %dma_start3A_89 = tpu.memref_slice %arg7[%dma_start3A_87, %dma_start3A_88] : memref<2x1024xf32, #tpu.memory_space<vmem>> -> memref<1x1024xf32, #tpu.memory_space<vmem>>
    %dma_start3A_90 = tpu.memref_squeeze %dma_start3A_89 : memref<1x1024xf32, #tpu.memory_space<vmem>> -> memref<1024xf32, #tpu.memory_space<vmem>>
    %dma_start3A_91 = tpu.memref_slice %arg3[%add3A_77] : memref<1048576xf32, #tpu.memory_space<hbm>> -> memref<1024xf32, #tpu.memory_space<hbm>>
    %dma_start3A_92 = arith.constant 0 : i32
    %dma_start3A_93 = tpu.memref_slice %arg7[%dma_start3A_87, %dma_start3A_92] : memref<2x1024xf32, #tpu.memory_space<vmem>> -> memref<1x1024xf32, #tpu.memory_space<vmem>>
    %dma_start3A_94 = tpu.memref_squeeze %dma_start3A_93 : memref<1x1024xf32, #tpu.memory_space<vmem>> -> memref<1024xf32, #tpu.memory_space<vmem>>
    %dma_start3A_95 = tpu.memref_slice %arg3[%add3A_77] : memref<1048576xf32, #tpu.memory_space<hbm>> -> memref<1024xf32, #tpu.memory_space<hbm>>
    tpu.enqueue_dma source(%dma_start3A_95 : memref<1024xf32, #tpu.memory_space<hbm>>) target(%dma_start3A_94 : memref<1024xf32, #tpu.memory_space<vmem>>) target_semaphore(%arg19 : memref<!tpu.dma_semaphore, #tpu.memory_space<semaphore_mem>>)
    %dma_start3A_96 = arith.constant 0 : i32
    %dma_start3A_97 = arith.constant 0 : i32
    %dma_start3A_98 = arith.constant 0 : i32
    %dma_start3A_99 = arith.constant 0 : i32
    %dma_start3A_100 = arith.constant 0 : i32
    %dma_start3A_101 = tpu.memref_slice %arg11[%dma_start3A_99, %dma_start3A_100] : memref<1024x8xf32, #tpu.memory_space<vmem>> -> memref<128x8xf32, #tpu.memory_space<vmem>>
    %dma_start3A_102 = arith.constant 0 : i32
    %dma_start3A_103 = tpu.memref_slice %arg10[%dma_start3A_96, %dma_start3A_97, %dma_start3A_98, %dma_start3A_102] : memref<2x2x8x128xi32, #tpu.memory_space<vmem>> -> memref<1x1x1x128xi32, #tpu.memory_space<vmem>>
    %dma_start3A_104 = tpu.memref_squeeze %dma_start3A_103 : memref<1x1x1x128xi32, #tpu.memory_space<vmem>> -> memref<128xi32, #tpu.memory_space<vmem>>
    %dma_start3A_105 = arith.constant 0 : i32
    %dma_start3A_106 = arith.constant 0 : i32
    %dma_start3A_107 = tpu.memref_slice %arg4[%dma_start3A_105, %dma_start3A_106] : memref<4194304x8xf32, #tpu.memory_space<hbm>> -> memref<4194304x8xf32, #tpu.memory_space<hbm>>
    tpu.enqueue_indirect_dma source(%dma_start3A_107 : memref<4194304x8xf32, #tpu.memory_space<hbm>>) target(%dma_start3A_101 : memref<128x8xf32, #tpu.memory_space<vmem>>) offsets(%dma_start3A_104 : memref<128xi32, #tpu.memory_space<vmem>>) semaphore(%arg17 : memref<!tpu.dma_semaphore, #tpu.memory_space<semaphore_mem>>)
    %dma_start3A_108 = arith.constant 0 : i32
    %dma_start3A_109 = arith.constant 1 : i32
    %dma_start3A_110 = arith.constant 0 : i32
    %dma_start3A_111 = arith.constant 0 : i32
    %dma_start3A_112 = arith.constant 0 : i32
    %dma_start3A_113 = tpu.memref_slice %arg12[%dma_start3A_111, %dma_start3A_112] : memref<1024x8xf32, #tpu.memory_space<vmem>> -> memref<128x8xf32, #tpu.memory_space<vmem>>
    %dma_start3A_114 = arith.constant 0 : i32
    %dma_start3A_115 = tpu.memref_slice %arg10[%dma_start3A_108, %dma_start3A_109, %dma_start3A_110, %dma_start3A_114] : memref<2x2x8x128xi32, #tpu.memory_space<vmem>> -> memref<1x1x1x128xi32, #tpu.memory_space<vmem>>
    %dma_start3A_116 = tpu.memref_squeeze %dma_start3A_115 : memref<1x1x1x128xi32, #tpu.memory_space<vmem>> -> memref<128xi32, #tpu.memory_space<vmem>>
    %dma_start3A_117 = arith.constant 0 : i32
    %dma_start3A_118 = arith.constant 0 : i32
    %dma_start3A_119 = tpu.memref_slice %arg4[%dma_start3A_117, %dma_start3A_118] : memref<4194304x8xf32, #tpu.memory_space<hbm>> -> memref<4194304x8xf32, #tpu.memory_space<hbm>>
    tpu.enqueue_indirect_dma source(%dma_start3A_119 : memref<4194304x8xf32, #tpu.memory_space<hbm>>) target(%dma_start3A_113 : memref<128x8xf32, #tpu.memory_space<vmem>>) offsets(%dma_start3A_116 : memref<128xi32, #tpu.memory_space<vmem>>) semaphore(%arg17 : memref<!tpu.dma_semaphore, #tpu.memory_space<semaphore_mem>>)
    %dma_start3A_120 = arith.constant 0 : i32
    %dma_start3A_121 = arith.constant 0 : i32
    %dma_start3A_122 = arith.constant 1 : i32
    %dma_start3A_123 = arith.constant 128 : i32
    %dma_start3A_124 = arith.constant 0 : i32
    %dma_start3A_125 = tpu.memref_slice %arg11[%dma_start3A_123, %dma_start3A_124] : memref<1024x8xf32, #tpu.memory_space<vmem>> -> memref<128x8xf32, #tpu.memory_space<vmem>>
    %dma_start3A_126 = arith.constant 0 : i32
    %dma_start3A_127 = tpu.memref_slice %arg10[%dma_start3A_120, %dma_start3A_121, %dma_start3A_122, %dma_start3A_126] : memref<2x2x8x128xi32, #tpu.memory_space<vmem>> -> memref<1x1x1x128xi32, #tpu.memory_space<vmem>>
    %dma_start3A_128 = tpu.memref_squeeze %dma_start3A_127 : memref<1x1x1x128xi32, #tpu.memory_space<vmem>> -> memref<128xi32, #tpu.memory_space<vmem>>
    %dma_start3A_129 = arith.constant 0 : i32
    %dma_start3A_130 = arith.constant 0 : i32
    %dma_start3A_131 = tpu.memref_slice %arg4[%dma_start3A_129, %dma_start3A_130] : memref<4194304x8xf32, #tpu.memory_space<hbm>> -> memref<4194304x8xf32, #tpu.memory_space<hbm>>
    tpu.enqueue_indirect_dma source(%dma_start3A_131 : memref<4194304x8xf32, #tpu.memory_space<hbm>>) target(%dma_start3A_125 : memref<128x8xf32, #tpu.memory_space<vmem>>) offsets(%dma_start3A_128 : memref<128xi32, #tpu.memory_space<vmem>>) semaphore(%arg17 : memref<!tpu.dma_semaphore, #tpu.memory_space<semaphore_mem>>)
    %dma_start3A_132 = arith.constant 0 : i32
    %dma_start3A_133 = arith.constant 1 : i32
    %dma_start3A_134 = arith.constant 1 : i32
    %dma_start3A_135 = arith.constant 128 : i32
    %dma_start3A_136 = arith.constant 0 : i32
    %dma_start3A_137 = tpu.memref_slice %arg12[%dma_start3A_135, %dma_start3A_136] : memref<1024x8xf32, #tpu.memory_space<vmem>> -> memref<128x8xf32, #tpu.memory_space<vmem>>
    %dma_start3A_138 = arith.constant 0 : i32
    %dma_start3A_139 = tpu.memref_slice %arg10[%dma_start3A_132, %dma_start3A_133, %dma_start3A_134, %dma_start3A_138] : memref<2x2x8x128xi32, #tpu.memory_space<vmem>> -> memref<1x1x1x128xi32, #tpu.memory_space<vmem>>
    %dma_start3A_140 = tpu.memref_squeeze %dma_start3A_139 : memref<1x1x1x128xi32, #tpu.memory_space<vmem>> -> memref<128xi32, #tpu.memory_space<vmem>>
    %dma_start3A_141 = arith.constant 0 : i32
    %dma_start3A_142 = arith.constant 0 : i32
    %dma_start3A_143 = tpu.memref_slice %arg4[%dma_start3A_141, %dma_start3A_142] : memref<4194304x8xf32, #tpu.memory_space<hbm>> -> memref<4194304x8xf32, #tpu.memory_space<hbm>>
    tpu.enqueue_indirect_dma source(%dma_start3A_143 : memref<4194304x8xf32, #tpu.memory_space<hbm>>) target(%dma_start3A_137 : memref<128x8xf32, #tpu.memory_space<vmem>>) offsets(%dma_start3A_140 : memref<128xi32, #tpu.memory_space<vmem>>) semaphore(%arg17 : memref<!tpu.dma_semaphore, #tpu.memory_space<semaphore_mem>>)
    %dma_start3A_144 = arith.constant 0 : i32
    %dma_start3A_145 = arith.constant 0 : i32
    %dma_start3A_146 = arith.constant 2 : i32
    %dma_start3A_147 = arith.constant 256 : i32
    %dma_start3A_148 = arith.constant 0 : i32
    %dma_start3A_149 = tpu.memref_slice %arg11[%dma_start3A_147, %dma_start3A_148] : memref<1024x8xf32, #tpu.memory_space<vmem>> -> memref<128x8xf32, #tpu.memory_space<vmem>>
    %dma_start3A_150 = arith.constant 0 : i32
    %dma_start3A_151 = tpu.memref_slice %arg10[%dma_start3A_144, %dma_start3A_145, %dma_start3A_146, %dma_start3A_150] : memref<2x2x8x128xi32, #tpu.memory_space<vmem>> -> memref<1x1x1x128xi32, #tpu.memory_space<vmem>>
    %dma_start3A_152 = tpu.memref_squeeze %dma_start3A_151 : memref<1x1x1x128xi32, #tpu.memory_space<vmem>> -> memref<128xi32, #tpu.memory_space<vmem>>
    %dma_start3A_153 = arith.constant 0 : i32
    %dma_start3A_154 = arith.constant 0 : i32
    %dma_start3A_155 = tpu.memref_slice %arg4[%dma_start3A_153, %dma_start3A_154] : memref<4194304x8xf32, #tpu.memory_space<hbm>> -> memref<4194304x8xf32, #tpu.memory_space<hbm>>
    tpu.enqueue_indirect_dma source(%dma_start3A_155 : memref<4194304x8xf32, #tpu.memory_space<hbm>>) target(%dma_start3A_149 : memref<128x8xf32, #tpu.memory_space<vmem>>) offsets(%dma_start3A_152 : memref<128xi32, #tpu.memory_space<vmem>>) semaphore(%arg17 : memref<!tpu.dma_semaphore, #tpu.memory_space<semaphore_mem>>)
    %dma_start3A_156 = arith.constant 0 : i32
    %dma_start3A_157 = arith.constant 1 : i32
    %dma_start3A_158 = arith.constant 2 : i32
    %dma_start3A_159 = arith.constant 256 : i32
    %dma_start3A_160 = arith.constant 0 : i32
    %dma_start3A_161 = tpu.memref_slice %arg12[%dma_start3A_159, %dma_start3A_160] : memref<1024x8xf32, #tpu.memory_space<vmem>> -> memref<128x8xf32, #tpu.memory_space<vmem>>
    %dma_start3A_162 = arith.constant 0 : i32
    %dma_start3A_163 = tpu.memref_slice %arg10[%dma_start3A_156, %dma_start3A_157, %dma_start3A_158, %dma_start3A_162] : memref<2x2x8x128xi32, #tpu.memory_space<vmem>> -> memref<1x1x1x128xi32, #tpu.memory_space<vmem>>
    %dma_start3A_164 = tpu.memref_squeeze %dma_start3A_163 : memref<1x1x1x128xi32, #tpu.memory_space<vmem>> -> memref<128xi32, #tpu.memory_space<vmem>>
    %dma_start3A_165 = arith.constant 0 : i32
    %dma_start3A_166 = arith.constant 0 : i32
    %dma_start3A_167 = tpu.memref_slice %arg4[%dma_start3A_165, %dma_start3A_166] : memref<4194304x8xf32, #tpu.memory_space<hbm>> -> memref<4194304x8xf32, #tpu.memory_space<hbm>>
    tpu.enqueue_indirect_dma source(%dma_start3A_167 : memref<4194304x8xf32, #tpu.memory_space<hbm>>) target(%dma_start3A_161 : memref<128x8xf32, #tpu.memory_space<vmem>>) offsets(%dma_start3A_164 : memref<128xi32, #tpu.memory_space<vmem>>) semaphore(%arg17 : memref<!tpu.dma_semaphore, #tpu.memory_space<semaphore_mem>>)
    %dma_start3A_168 = arith.constant 0 : i32
    %dma_start3A_169 = arith.constant 0 : i32
    %dma_start3A_170 = arith.constant 3 : i32
    %dma_start3A_171 = arith.constant 384 : i32
    %dma_start3A_172 = arith.constant 0 : i32
    %dma_start3A_173 = tpu.memref_slice %arg11[%dma_start3A_171, %dma_start3A_172] : memref<1024x8xf32, #tpu.memory_space<vmem>> -> memref<128x8xf32, #tpu.memory_space<vmem>>
    %dma_start3A_174 = arith.constant 0 : i32
    %dma_start3A_175 = tpu.memref_slice %arg10[%dma_start3A_168, %dma_start3A_169, %dma_start3A_170, %dma_start3A_174] : memref<2x2x8x128xi32, #tpu.memory_space<vmem>> -> memref<1x1x1x128xi32, #tpu.memory_space<vmem>>
    %dma_start3A_176 = tpu.memref_squeeze %dma_start3A_175 : memref<1x1x1x128xi32, #tpu.memory_space<vmem>> -> memref<128xi32, #tpu.memory_space<vmem>>
    %dma_start3A_177 = arith.constant 0 : i32
    %dma_start3A_178 = arith.constant 0 : i32
    %dma_start3A_179 = tpu.memref_slice %arg4[%dma_start3A_177, %dma_start3A_178] : memref<4194304x8xf32, #tpu.memory_space<hbm>> -> memref<4194304x8xf32, #tpu.memory_space<hbm>>
    tpu.enqueue_indirect_dma source(%dma_start3A_179 : memref<4194304x8xf32, #tpu.memory_space<hbm>>) target(%dma_start3A_173 : memref<128x8xf32, #tpu.memory_space<vmem>>) offsets(%dma_start3A_176 : memref<128xi32, #tpu.memory_space<vmem>>) semaphore(%arg17 : memref<!tpu.dma_semaphore, #tpu.memory_space<semaphore_mem>>)
    %dma_start3A_180 = arith.constant 0 : i32
    %dma_start3A_181 = arith.constant 1 : i32
    %dma_start3A_182 = arith.constant 3 : i32
    %dma_start3A_183 = arith.constant 384 : i32
    %dma_start3A_184 = arith.constant 0 : i32
    %dma_start3A_185 = tpu.memref_slice %arg12[%dma_start3A_183, %dma_start3A_184] : memref<1024x8xf32, #tpu.memory_space<vmem>> -> memref<128x8xf32, #tpu.memory_space<vmem>>
    %dma_start3A_186 = arith.constant 0 : i32
    %dma_start3A_187 = tpu.memref_slice %arg10[%dma_start3A_180, %dma_start3A_181, %dma_start3A_182, %dma_start3A_186] : memref<2x2x8x128xi32, #tpu.memory_space<vmem>> -> memref<1x1x1x128xi32, #tpu.memory_space<vmem>>
    %dma_start3A_188 = tpu.memref_squeeze %dma_start3A_187 : memref<1x1x1x128xi32, #tpu.memory_space<vmem>> -> memref<128xi32, #tpu.memory_space<vmem>>
    %dma_start3A_189 = arith.constant 0 : i32
    %dma_start3A_190 = arith.constant 0 : i32
    %dma_start3A_191 = tpu.memref_slice %arg4[%dma_start3A_189, %dma_start3A_190] : memref<4194304x8xf32, #tpu.memory_space<hbm>> -> memref<4194304x8xf32, #tpu.memory_space<hbm>>
    tpu.enqueue_indirect_dma source(%dma_start3A_191 : memref<4194304x8xf32, #tpu.memory_space<hbm>>) target(%dma_start3A_185 : memref<128x8xf32, #tpu.memory_space<vmem>>) offsets(%dma_start3A_188 : memref<128xi32, #tpu.memory_space<vmem>>) semaphore(%arg17 : memref<!tpu.dma_semaphore, #tpu.memory_space<semaphore_mem>>)
    %dma_start3A_192 = arith.constant 0 : i32
    %dma_start3A_193 = arith.constant 0 : i32
    %dma_start3A_194 = arith.constant 4 : i32
    %dma_start3A_195 = arith.constant 512 : i32
    %dma_start3A_196 = arith.constant 0 : i32
    %dma_start3A_197 = tpu.memref_slice %arg11[%dma_start3A_195, %dma_start3A_196] : memref<1024x8xf32, #tpu.memory_space<vmem>> -> memref<128x8xf32, #tpu.memory_space<vmem>>
    %dma_start3A_198 = arith.constant 0 : i32
    %dma_start3A_199 = tpu.memref_slice %arg10[%dma_start3A_192, %dma_start3A_193, %dma_start3A_194, %dma_start3A_198] : memref<2x2x8x128xi32, #tpu.memory_space<vmem>> -> memref<1x1x1x128xi32, #tpu.memory_space<vmem>>
    %dma_start3A_200 = tpu.memref_squeeze %dma_start3A_199 : memref<1x1x1x128xi32, #tpu.memory_space<vmem>> -> memref<128xi32, #tpu.memory_space<vmem>>
    %dma_start3A_201 = arith.constant 0 : i32
    %dma_start3A_202 = arith.constant 0 : i32
    %dma_start3A_203 = tpu.memref_slice %arg4[%dma_start3A_201, %dma_start3A_202] : memref<4194304x8xf32, #tpu.memory_space<hbm>> -> memref<4194304x8xf32, #tpu.memory_space<hbm>>
    tpu.enqueue_indirect_dma source(%dma_start3A_203 : memref<4194304x8xf32, #tpu.memory_space<hbm>>) target(%dma_start3A_197 : memref<128x8xf32, #tpu.memory_space<vmem>>) offsets(%dma_start3A_200 : memref<128xi32, #tpu.memory_space<vmem>>) semaphore(%arg17 : memref<!tpu.dma_semaphore, #tpu.memory_space<semaphore_mem>>)
    %dma_start3A_204 = arith.constant 0 : i32
    %dma_start3A_205 = arith.constant 1 : i32
    %dma_start3A_206 = arith.constant 4 : i32
    %dma_start3A_207 = arith.constant 512 : i32
    %dma_start3A_208 = arith.constant 0 : i32
    %dma_start3A_209 = tpu.memref_slice %arg12[%dma_start3A_207, %dma_start3A_208] : memref<1024x8xf32, #tpu.memory_space<vmem>> -> memref<128x8xf32, #tpu.memory_space<vmem>>
    %dma_start3A_210 = arith.constant 0 : i32
    %dma_start3A_211 = tpu.memref_slice %arg10[%dma_start3A_204, %dma_start3A_205, %dma_start3A_206, %dma_start3A_210] : memref<2x2x8x128xi32, #tpu.memory_space<vmem>> -> memref<1x1x1x128xi32, #tpu.memory_space<vmem>>
    %dma_start3A_212 = tpu.memref_squeeze %dma_start3A_211 : memref<1x1x1x128xi32, #tpu.memory_space<vmem>> -> memref<128xi32, #tpu.memory_space<vmem>>
    %dma_start3A_213 = arith.constant 0 : i32
    %dma_start3A_214 = arith.constant 0 : i32
    %dma_start3A_215 = tpu.memref_slice %arg4[%dma_start3A_213, %dma_start3A_214] : memref<4194304x8xf32, #tpu.memory_space<hbm>> -> memref<4194304x8xf32, #tpu.memory_space<hbm>>
    tpu.enqueue_indirect_dma source(%dma_start3A_215 : memref<4194304x8xf32, #tpu.memory_space<hbm>>) target(%dma_start3A_209 : memref<128x8xf32, #tpu.memory_space<vmem>>) offsets(%dma_start3A_212 : memref<128xi32, #tpu.memory_space<vmem>>) semaphore(%arg17 : memref<!tpu.dma_semaphore, #tpu.memory_space<semaphore_mem>>)
    %dma_start3A_216 = arith.constant 0 : i32
    %dma_start3A_217 = arith.constant 0 : i32
    %dma_start3A_218 = arith.constant 5 : i32
    %dma_start3A_219 = arith.constant 640 : i32
    %dma_start3A_220 = arith.constant 0 : i32
    %dma_start3A_221 = tpu.memref_slice %arg11[%dma_start3A_219, %dma_start3A_220] : memref<1024x8xf32, #tpu.memory_space<vmem>> -> memref<128x8xf32, #tpu.memory_space<vmem>>
    %dma_start3A_222 = arith.constant 0 : i32
    %dma_start3A_223 = tpu.memref_slice %arg10[%dma_start3A_216, %dma_start3A_217, %dma_start3A_218, %dma_start3A_222] : memref<2x2x8x128xi32, #tpu.memory_space<vmem>> -> memref<1x1x1x128xi32, #tpu.memory_space<vmem>>
    %dma_start3A_224 = tpu.memref_squeeze %dma_start3A_223 : memref<1x1x1x128xi32, #tpu.memory_space<vmem>> -> memref<128xi32, #tpu.memory_space<vmem>>
    %dma_start3A_225 = arith.constant 0 : i32
    %dma_start3A_226 = arith.constant 0 : i32
    %dma_start3A_227 = tpu.memref_slice %arg4[%dma_start3A_225, %dma_start3A_226] : memref<4194304x8xf32, #tpu.memory_space<hbm>> -> memref<4194304x8xf32, #tpu.memory_space<hbm>>
    tpu.enqueue_indirect_dma source(%dma_start3A_227 : memref<4194304x8xf32, #tpu.memory_space<hbm>>) target(%dma_start3A_221 : memref<128x8xf32, #tpu.memory_space<vmem>>) offsets(%dma_start3A_224 : memref<128xi32, #tpu.memory_space<vmem>>) semaphore(%arg17 : memref<!tpu.dma_semaphore, #tpu.memory_space<semaphore_mem>>)
    %dma_start3A_228 = arith.constant 0 : i32
    %dma_start3A_229 = arith.constant 1 : i32
    %dma_start3A_230 = arith.constant 5 : i32
    %dma_start3A_231 = arith.constant 640 : i32
    %dma_start3A_232 = arith.constant 0 : i32
    %dma_start3A_233 = tpu.memref_slice %arg12[%dma_start3A_231, %dma_start3A_232] : memref<1024x8xf32, #tpu.memory_space<vmem>> -> memref<128x8xf32, #tpu.memory_space<vmem>>
    %dma_start3A_234 = arith.constant 0 : i32
    %dma_start3A_235 = tpu.memref_slice %arg10[%dma_start3A_228, %dma_start3A_229, %dma_start3A_230, %dma_start3A_234] : memref<2x2x8x128xi32, #tpu.memory_space<vmem>> -> memref<1x1x1x128xi32, #tpu.memory_space<vmem>>
    %dma_start3A_236 = tpu.memref_squeeze %dma_start3A_235 : memref<1x1x1x128xi32, #tpu.memory_space<vmem>> -> memref<128xi32, #tpu.memory_space<vmem>>
    %dma_start3A_237 = arith.constant 0 : i32
    %dma_start3A_238 = arith.constant 0 : i32
    %dma_start3A_239 = tpu.memref_slice %arg4[%dma_start3A_237, %dma_start3A_238] : memref<4194304x8xf32, #tpu.memory_space<hbm>> -> memref<4194304x8xf32, #tpu.memory_space<hbm>>
    tpu.enqueue_indirect_dma source(%dma_start3A_239 : memref<4194304x8xf32, #tpu.memory_space<hbm>>) target(%dma_start3A_233 : memref<128x8xf32, #tpu.memory_space<vmem>>) offsets(%dma_start3A_236 : memref<128xi32, #tpu.memory_space<vmem>>) semaphore(%arg17 : memref<!tpu.dma_semaphore, #tpu.memory_space<semaphore_mem>>)
    %dma_start3A_240 = arith.constant 0 : i32
    %dma_start3A_241 = arith.constant 0 : i32
    %dma_start3A_242 = arith.constant 6 : i32
    %dma_start3A_243 = arith.constant 768 : i32
    %dma_start3A_244 = arith.constant 0 : i32
    %dma_start3A_245 = tpu.memref_slice %arg11[%dma_start3A_243, %dma_start3A_244] : memref<1024x8xf32, #tpu.memory_space<vmem>> -> memref<128x8xf32, #tpu.memory_space<vmem>>
    %dma_start3A_246 = arith.constant 0 : i32
    %dma_start3A_247 = tpu.memref_slice %arg10[%dma_start3A_240, %dma_start3A_241, %dma_start3A_242, %dma_start3A_246] : memref<2x2x8x128xi32, #tpu.memory_space<vmem>> -> memref<1x1x1x128xi32, #tpu.memory_space<vmem>>
    %dma_start3A_248 = tpu.memref_squeeze %dma_start3A_247 : memref<1x1x1x128xi32, #tpu.memory_space<vmem>> -> memref<128xi32, #tpu.memory_space<vmem>>
    %dma_start3A_249 = arith.constant 0 : i32
    %dma_start3A_250 = arith.constant 0 : i32
    %dma_start3A_251 = tpu.memref_slice %arg4[%dma_start3A_249, %dma_start3A_250] : memref<4194304x8xf32, #tpu.memory_space<hbm>> -> memref<4194304x8xf32, #tpu.memory_space<hbm>>
    tpu.enqueue_indirect_dma source(%dma_start3A_251 : memref<4194304x8xf32, #tpu.memory_space<hbm>>) target(%dma_start3A_245 : memref<128x8xf32, #tpu.memory_space<vmem>>) offsets(%dma_start3A_248 : memref<128xi32, #tpu.memory_space<vmem>>) semaphore(%arg17 : memref<!tpu.dma_semaphore, #tpu.memory_space<semaphore_mem>>)
    %dma_start3A_252 = arith.constant 0 : i32
    %dma_start3A_253 = arith.constant 1 : i32
    %dma_start3A_254 = arith.constant 6 : i32
    %dma_start3A_255 = arith.constant 768 : i32
    %dma_start3A_256 = arith.constant 0 : i32
    %dma_start3A_257 = tpu.memref_slice %arg12[%dma_start3A_255, %dma_start3A_256] : memref<1024x8xf32, #tpu.memory_space<vmem>> -> memref<128x8xf32, #tpu.memory_space<vmem>>
    %dma_start3A_258 = arith.constant 0 : i32
    %dma_start3A_259 = tpu.memref_slice %arg10[%dma_start3A_252, %dma_start3A_253, %dma_start3A_254, %dma_start3A_258] : memref<2x2x8x128xi32, #tpu.memory_space<vmem>> -> memref<1x1x1x128xi32, #tpu.memory_space<vmem>>
    %dma_start3A_260 = tpu.memref_squeeze %dma_start3A_259 : memref<1x1x1x128xi32, #tpu.memory_space<vmem>> -> memref<128xi32, #tpu.memory_space<vmem>>
    %dma_start3A_261 = arith.constant 0 : i32
    %dma_start3A_262 = arith.constant 0 : i32
    %dma_start3A_263 = tpu.memref_slice %arg4[%dma_start3A_261, %dma_start3A_262] : memref<4194304x8xf32, #tpu.memory_space<hbm>> -> memref<4194304x8xf32, #tpu.memory_space<hbm>>
    tpu.enqueue_indirect_dma source(%dma_start3A_263 : memref<4194304x8xf32, #tpu.memory_space<hbm>>) target(%dma_start3A_257 : memref<128x8xf32, #tpu.memory_space<vmem>>) offsets(%dma_start3A_260 : memref<128xi32, #tpu.memory_space<vmem>>) semaphore(%arg17 : memref<!tpu.dma_semaphore, #tpu.memory_space<semaphore_mem>>)
    %dma_start3A_264 = arith.constant 0 : i32
    %dma_start3A_265 = arith.constant 0 : i32
    %dma_start3A_266 = arith.constant 7 : i32
    %dma_start3A_267 = arith.constant 896 : i32
    %dma_start3A_268 = arith.constant 0 : i32
    %dma_start3A_269 = tpu.memref_slice %arg11[%dma_start3A_267, %dma_start3A_268] : memref<1024x8xf32, #tpu.memory_space<vmem>> -> memref<128x8xf32, #tpu.memory_space<vmem>>
    %dma_start3A_270 = arith.constant 0 : i32
    %dma_start3A_271 = tpu.memref_slice %arg10[%dma_start3A_264, %dma_start3A_265, %dma_start3A_266, %dma_start3A_270] : memref<2x2x8x128xi32, #tpu.memory_space<vmem>> -> memref<1x1x1x128xi32, #tpu.memory_space<vmem>>
    %dma_start3A_272 = tpu.memref_squeeze %dma_start3A_271 : memref<1x1x1x128xi32, #tpu.memory_space<vmem>> -> memref<128xi32, #tpu.memory_space<vmem>>
    %dma_start3A_273 = arith.constant 0 : i32
    %dma_start3A_274 = arith.constant 0 : i32
    %dma_start3A_275 = tpu.memref_slice %arg4[%dma_start3A_273, %dma_start3A_274] : memref<4194304x8xf32, #tpu.memory_space<hbm>> -> memref<4194304x8xf32, #tpu.memory_space<hbm>>
    tpu.enqueue_indirect_dma source(%dma_start3A_275 : memref<4194304x8xf32, #tpu.memory_space<hbm>>) target(%dma_start3A_269 : memref<128x8xf32, #tpu.memory_space<vmem>>) offsets(%dma_start3A_272 : memref<128xi32, #tpu.memory_space<vmem>>) semaphore(%arg17 : memref<!tpu.dma_semaphore, #tpu.memory_space<semaphore_mem>>)
    %dma_start3A_276 = arith.constant 0 : i32
    %dma_start3A_277 = arith.constant 1 : i32
    %dma_start3A_278 = arith.constant 7 : i32
    %dma_start3A_279 = arith.constant 896 : i32
    %dma_start3A_280 = arith.constant 0 : i32
    %dma_start3A_281 = tpu.memref_slice %arg12[%dma_start3A_279, %dma_start3A_280] : memref<1024x8xf32, #tpu.memory_space<vmem>> -> memref<128x8xf32, #tpu.memory_space<vmem>>
    %dma_start3A_282 = arith.constant 0 : i32
    %dma_start3A_283 = tpu.memref_slice %arg10[%dma_start3A_276, %dma_start3A_277, %dma_start3A_278, %dma_start3A_282] : memref<2x2x8x128xi32, #tpu.memory_space<vmem>> -> memref<1x1x1x128xi32, #tpu.memory_space<vmem>>
    %dma_start3A_284 = tpu.memref_squeeze %dma_start3A_283 : memref<1x1x1x128xi32, #tpu.memory_space<vmem>> -> memref<128xi32, #tpu.memory_space<vmem>>
    %dma_start3A_285 = arith.constant 0 : i32
    %dma_start3A_286 = arith.constant 0 : i32
    %dma_start3A_287 = tpu.memref_slice %arg4[%dma_start3A_285, %dma_start3A_286] : memref<4194304x8xf32, #tpu.memory_space<hbm>> -> memref<4194304x8xf32, #tpu.memory_space<hbm>>
    tpu.enqueue_indirect_dma source(%dma_start3A_287 : memref<4194304x8xf32, #tpu.memory_space<hbm>>) target(%dma_start3A_281 : memref<128x8xf32, #tpu.memory_space<vmem>>) offsets(%dma_start3A_284 : memref<128xi32, #tpu.memory_space<vmem>>) semaphore(%arg17 : memref<!tpu.dma_semaphore, #tpu.memory_space<semaphore_mem>>)
    %scan3A = arith.constant 0 : i32
    %scan3A_288 = arith.constant 0 : i32
    %scan3A_289 = arith.constant 16 : i32
    %scan3A_290 = arith.addi %scan3A_288, %scan3A_289 : i32
    %scan3A_291 = arith.constant 1 : i32
    scf.for %scan3A_293 = %scan3A_288 to %scan3A_290 step %scan3A_291  : i32 {
      %mul3A_294 = arith.constant 2 : i32
      %mul3A_295 = arith.muli %mul3A_294, %scan3A_293 : i32
      %add3A_296 = arith.constant 1 : i32
      %add3A_297 = arith.addi %mul3A_295, %add3A_296 : i32
      %dma_wait3A_298 = arith.constant 1 : i32
      %dma_wait3A_299 = arith.constant 0 : i32
      %dma_wait3A_300 = tpu.memref_slice %arg6[%dma_wait3A_298, %dma_wait3A_299] : memref<2x1024xf32, #tpu.memory_space<vmem>> -> memref<1x1024xf32, #tpu.memory_space<vmem>>
      %dma_wait3A_301 = tpu.memref_squeeze %dma_wait3A_300 : memref<1x1024xf32, #tpu.memory_space<vmem>> -> memref<1024xf32, #tpu.memory_space<vmem>>
      %dma_wait3A_302 = arith.constant 0 : i32
      %dma_wait3A_303 = tpu.memref_slice %arg2[%dma_wait3A_302] : memref<1048576xf32, #tpu.memory_space<hbm>> -> memref<1024xf32, #tpu.memory_space<hbm>>
      %dma_wait3A_304 = arith.constant 0 : i32
      %dma_wait3A_305 = tpu.memref_slice %arg6[%dma_wait3A_298, %dma_wait3A_304] : memref<2x1024xf32, #tpu.memory_space<vmem>> -> memref<1x1024xf32, #tpu.memory_space<vmem>>
      %dma_wait3A_306 = tpu.memref_squeeze %dma_wait3A_305 : memref<1x1024xf32, #tpu.memory_space<vmem>> -> memref<1024xf32, #tpu.memory_space<vmem>>
      %dma_wait3A_307 = arith.constant 0 : i32
      %dma_wait3A_308 = tpu.memref_slice %arg2[%dma_wait3A_307] : memref<1048576xf32, #tpu.memory_space<hbm>> -> memref<1024xf32, #tpu.memory_space<hbm>>
      tpu.wait_dma2 semaphore(%arg20 : memref<!tpu.dma_semaphore, #tpu.memory_space<semaphore_mem>>) src(%dma_wait3A_308 : memref<1024xf32, #tpu.memory_space<hbm>>) dst(%dma_wait3A_306 : memref<1024xf32, #tpu.memory_space<vmem>>)
      %dma_wait3A_309 = arith.constant 1 : i32
      %dma_wait3A_310 = arith.constant 0 : i32
      %dma_wait3A_311 = tpu.memref_slice %arg7[%dma_wait3A_309, %dma_wait3A_310] : memref<2x1024xf32, #tpu.memory_space<vmem>> -> memref<1x1024xf32, #tpu.memory_space<vmem>>
      %dma_wait3A_312 = tpu.memref_squeeze %dma_wait3A_311 : memref<1x1024xf32, #tpu.memory_space<vmem>> -> memref<1024xf32, #tpu.memory_space<vmem>>
      %dma_wait3A_313 = arith.constant 0 : i32
      %dma_wait3A_314 = tpu.memref_slice %arg3[%dma_wait3A_313] : memref<1048576xf32, #tpu.memory_space<hbm>> -> memref<1024xf32, #tpu.memory_space<hbm>>
      %dma_wait3A_315 = arith.constant 0 : i32
      %dma_wait3A_316 = tpu.memref_slice %arg7[%dma_wait3A_309, %dma_wait3A_315] : memref<2x1024xf32, #tpu.memory_space<vmem>> -> memref<1x1024xf32, #tpu.memory_space<vmem>>
      %dma_wait3A_317 = tpu.memref_squeeze %dma_wait3A_316 : memref<1x1024xf32, #tpu.memory_space<vmem>> -> memref<1024xf32, #tpu.memory_space<vmem>>
      %dma_wait3A_318 = arith.constant 0 : i32
      %dma_wait3A_319 = tpu.memref_slice %arg3[%dma_wait3A_318] : memref<1048576xf32, #tpu.memory_space<hbm>> -> memref<1024xf32, #tpu.memory_space<hbm>>
      tpu.wait_dma2 semaphore(%arg20 : memref<!tpu.dma_semaphore, #tpu.memory_space<semaphore_mem>>) src(%dma_wait3A_319 : memref<1024xf32, #tpu.memory_space<hbm>>) dst(%dma_wait3A_317 : memref<1024xf32, #tpu.memory_space<vmem>>)
      %parallel_loop3A_320 = arith.constant 0 : i32
      %parallel_loop3A_321 = arith.constant 64 : i32
      %parallel_loop3A_322 = arith.constant 1 : i32
      scf.for %parallel_loop3A_648 = %parallel_loop3A_320 to %parallel_loop3A_321 step %parallel_loop3A_322  : i32 {
        %parallel_loop3A_649 = arith.constant 16 : i32
        %parallel_loop3A_650 = arith.muli %parallel_loop3A_648, %parallel_loop3A_649 : i32
        %parallel_loop3A_651 = arith.constant 1 : i32
        %parallel_loop3A_652 = arith.index_cast %parallel_loop3A_651 : i32 to index
        %parallel_loop3A_653 = arith.index_cast %parallel_loop3A_650 : i32 to index
        %parallel_loop3A_654 = tpu.vector_load %arg6[%parallel_loop3A_652, %parallel_loop3A_653] {strides = array<i32>} : memref<2x1024xf32, #tpu.memory_space<vmem>>, vector<16xf32>,
        %parallel_loop3A_655 = arith.constant 2.047000e+03 : f32
        %parallel_loop3A_656 = vector.broadcast %parallel_loop3A_655 : f32 to vector<16xf32>
        %parallel_loop3A_657 = arith.mulf %parallel_loop3A_654, %parallel_loop3A_656 : vector<16xf32>
        %parallel_loop3A_658 = arith.fptosi %parallel_loop3A_657 : vector<16xf32> to vector<16xi32>
        %parallel_loop3A_659 = arith.constant 0 : i32
        %parallel_loop3A_660 = vector.broadcast %parallel_loop3A_659 : i32 to vector<16xi32>
        %parallel_loop3A_661 = arith.maxsi %parallel_loop3A_658, %parallel_loop3A_660 : vector<16xi32>
        %parallel_loop3A_662 = arith.constant 2046 : i32
        %parallel_loop3A_663 = vector.broadcast %parallel_loop3A_662 : i32 to vector<16xi32>
        %parallel_loop3A_664 = arith.minsi %parallel_loop3A_661, %parallel_loop3A_663 : vector<16xi32>
        %parallel_loop3A_665 = arith.sitofp %parallel_loop3A_664 : vector<16xi32> to vector<16xf32>
        %parallel_loop3A_666 = arith.subf %parallel_loop3A_657, %parallel_loop3A_665 : vector<16xf32>
        %parallel_loop3A_667 = arith.constant 1 : i32
        %parallel_loop3A_668 = arith.index_cast %parallel_loop3A_667 : i32 to index
        %parallel_loop3A_669 = arith.index_cast %parallel_loop3A_650 : i32 to index
        %parallel_loop3A_670 = tpu.vector_load %arg7[%parallel_loop3A_668, %parallel_loop3A_669] {strides = array<i32>} : memref<2x1024xf32, #tpu.memory_space<vmem>>, vector<16xf32>,
        %parallel_loop3A_671 = arith.constant 2.047000e+03 : f32
        %parallel_loop3A_672 = vector.broadcast %parallel_loop3A_671 : f32 to vector<16xf32>
        %parallel_loop3A_673 = arith.mulf %parallel_loop3A_670, %parallel_loop3A_672 : vector<16xf32>
        %parallel_loop3A_674 = arith.fptosi %parallel_loop3A_673 : vector<16xf32> to vector<16xi32>
        %parallel_loop3A_675 = arith.constant 0 : i32
        %parallel_loop3A_676 = vector.broadcast %parallel_loop3A_675 : i32 to vector<16xi32>
        %parallel_loop3A_677 = arith.maxsi %parallel_loop3A_674, %parallel_loop3A_676 : vector<16xi32>
        %parallel_loop3A_678 = arith.constant 2046 : i32
        %parallel_loop3A_679 = vector.broadcast %parallel_loop3A_678 : i32 to vector<16xi32>
        %parallel_loop3A_680 = arith.minsi %parallel_loop3A_677, %parallel_loop3A_679 : vector<16xi32>
        %parallel_loop3A_681 = arith.sitofp %parallel_loop3A_680 : vector<16xi32> to vector<16xf32>
        %parallel_loop3A_682 = arith.subf %parallel_loop3A_673, %parallel_loop3A_681 : vector<16xf32>
        %parallel_loop3A_683 = arith.constant 1 : i32
        %parallel_loop3A_684 = arith.index_cast %parallel_loop3A_683 : i32 to index
        %parallel_loop3A_685 = arith.index_cast %parallel_loop3A_650 : i32 to index
        %parallel_loop3A_686 = tpu.vector_load %arg8[%parallel_loop3A_684, %parallel_loop3A_685] {strides = array<i32>} : memref<2x1024xf32, #tpu.memory_space<vmem>>, vector<16xf32>,
        tpu.vector_store %arg8[%parallel_loop3A_684, %parallel_loop3A_685], %parallel_loop3A_666 {strides = array<i32>} : memref<2x1024xf32, #tpu.memory_space<vmem>>, vector<16xf32>,
        %parallel_loop3A_687 = arith.constant 1 : i32
        %parallel_loop3A_688 = arith.index_cast %parallel_loop3A_687 : i32 to index
        %parallel_loop3A_689 = arith.index_cast %parallel_loop3A_650 : i32 to index
        %parallel_loop3A_690 = tpu.vector_load %arg9[%parallel_loop3A_688, %parallel_loop3A_689] {strides = array<i32>} : memref<2x1024xf32, #tpu.memory_space<vmem>>, vector<16xf32>,
        tpu.vector_store %arg9[%parallel_loop3A_688, %parallel_loop3A_689], %parallel_loop3A_682 {strides = array<i32>} : memref<2x1024xf32, #tpu.memory_space<vmem>>, vector<16xf32>,
        %parallel_loop3A_691 = arith.constant 2048 : i32
        %parallel_loop3A_692 = vector.broadcast %parallel_loop3A_691 : i32 to vector<16xi32>
        %parallel_loop3A_693 = arith.muli %parallel_loop3A_680, %parallel_loop3A_692 : vector<16xi32>
        %parallel_loop3A_694 = arith.addi %parallel_loop3A_693, %parallel_loop3A_664 : vector<16xi32>
        %parallel_loop3A_695 = arith.constant 8 : i32
        %parallel_loop3A_696 = arith.divsi %parallel_loop3A_648, %parallel_loop3A_695 : i32
        %parallel_loop3A_697 = arith.constant 0 : i32
        %parallel_loop3A_698 = arith.cmpi sgt, %parallel_loop3A_648, %parallel_loop3A_697 : i32
        %parallel_loop3A_699 = arith.extui %parallel_loop3A_698 : i1 to i32
        %parallel_loop3A_700 = arith.constant 0 : i32
        %parallel_loop3A_701 = arith.cmpi slt, %parallel_loop3A_648, %parallel_loop3A_700 : i32
        %parallel_loop3A_702 = arith.extui %parallel_loop3A_701 : i1 to i32
        %parallel_loop3A_703 = arith.subi %parallel_loop3A_699, %parallel_loop3A_702 : i32
        %parallel_loop3A_704 = arith.constant 0 : i32
        %parallel_loop3A_705 = arith.cmpi sgt, %parallel_loop3A_695, %parallel_loop3A_704 : i32
        %parallel_loop3A_706 = arith.extui %parallel_loop3A_705 : i1 to i32
        %parallel_loop3A_707 = arith.constant 0 : i32
        %parallel_loop3A_708 = arith.cmpi slt, %parallel_loop3A_695, %parallel_loop3A_707 : i32
        %parallel_loop3A_709 = arith.extui %parallel_loop3A_708 : i1 to i32
        %parallel_loop3A_710 = arith.subi %parallel_loop3A_706, %parallel_loop3A_709 : i32
        %parallel_loop3A_711 = arith.cmpi ne, %parallel_loop3A_703, %parallel_loop3A_710 : i32
        %parallel_loop3A_712 = arith.remsi %parallel_loop3A_648, %parallel_loop3A_695 : i32
        %parallel_loop3A_713 = arith.constant 0 : i32
        %parallel_loop3A_714 = arith.cmpi ne, %parallel_loop3A_712, %parallel_loop3A_713 : i32
        %parallel_loop3A_715 = arith.andi %parallel_loop3A_711, %parallel_loop3A_714 : i1
        %parallel_loop3A_716 = arith.constant 1 : i32
        %parallel_loop3A_717 = arith.subi %parallel_loop3A_696, %parallel_loop3A_716 : i32
        %parallel_loop3A_718 = arith.select %parallel_loop3A_715, %parallel_loop3A_717, %parallel_loop3A_696 : i32
        %parallel_loop3A_719 = arith.constant 8 : i32
        %parallel_loop3A_720 = arith.constant 0 : i32
        %parallel_loop3A_721 = arith.cmpi eq, %parallel_loop3A_719, %parallel_loop3A_720 : i32
        %parallel_loop3A_722 = arith.constant 1 : i32
        %parallel_loop3A_723 = arith.select %parallel_loop3A_721, %parallel_loop3A_722, %parallel_loop3A_719 : i32
        %parallel_loop3A_724 = arith.remsi %parallel_loop3A_648, %parallel_loop3A_723 : i32
        %parallel_loop3A_725 = arith.constant 0 : i32
        %parallel_loop3A_726 = arith.cmpi ne, %parallel_loop3A_724, %parallel_loop3A_725 : i32
        %parallel_loop3A_727 = arith.constant 0 : i32
        %parallel_loop3A_728 = arith.cmpi slt, %parallel_loop3A_724, %parallel_loop3A_727 : i32
        %parallel_loop3A_729 = arith.constant 0 : i32
        %parallel_loop3A_730 = arith.cmpi slt, %parallel_loop3A_723, %parallel_loop3A_729 : i32
        %parallel_loop3A_731 = arith.xori %parallel_loop3A_728, %parallel_loop3A_730 : i1
        %parallel_loop3A_732 = arith.andi %parallel_loop3A_731, %parallel_loop3A_726 : i1
        %parallel_loop3A_733 = arith.addi %parallel_loop3A_724, %parallel_loop3A_723 : i32
        %parallel_loop3A_734 = arith.select %parallel_loop3A_732, %parallel_loop3A_733, %parallel_loop3A_724 : i32
        %parallel_loop3A_735 = arith.constant 16 : i32
        %parallel_loop3A_736 = arith.muli %parallel_loop3A_734, %parallel_loop3A_735 : i32
        %parallel_loop3A_737 = arith.constant 1 : i32
        %parallel_loop3A_738 = arith.constant 0 : i32
        %parallel_loop3A_739 = arith.index_cast %parallel_loop3A_737 : i32 to index
        %parallel_loop3A_740 = arith.index_cast %parallel_loop3A_738 : i32 to index
        %parallel_loop3A_741 = arith.index_cast %parallel_loop3A_718 : i32 to index
        %parallel_loop3A_742 = arith.index_cast %parallel_loop3A_736 : i32 to index
        %parallel_loop3A_743 = tpu.vector_load %arg10[%parallel_loop3A_739, %parallel_loop3A_740, %parallel_loop3A_741, %parallel_loop3A_742] {strides = array<i32>} : memref<2x2x8x128xi32, #tpu.memory_space<vmem>>, vector<16xi32>,
        tpu.vector_store %arg10[%parallel_loop3A_739, %parallel_loop3A_740, %parallel_loop3A_741, %parallel_loop3A_742], %parallel_loop3A_694 {strides = array<i32>} : memref<2x2x8x128xi32, #tpu.memory_space<vmem>>, vector<16xi32>,
        %parallel_loop3A_744 = arith.constant 1 : i32
        %parallel_loop3A_745 = vector.broadcast %parallel_loop3A_744 : i32 to vector<16xi32>
        %parallel_loop3A_746 = arith.addi %parallel_loop3A_694, %parallel_loop3A_745 : vector<16xi32>
        %parallel_loop3A_747 = arith.constant 1 : i32
        %parallel_loop3A_748 = arith.constant 1 : i32
        %parallel_loop3A_749 = arith.index_cast %parallel_loop3A_747 : i32 to index
        %parallel_loop3A_750 = arith.index_cast %parallel_loop3A_748 : i32 to index
        %parallel_loop3A_751 = arith.index_cast %parallel_loop3A_718 : i32 to index
        %parallel_loop3A_752 = arith.index_cast %parallel_loop3A_736 : i32 to index
        %parallel_loop3A_753 = tpu.vector_load %arg10[%parallel_loop3A_749, %parallel_loop3A_750, %parallel_loop3A_751, %parallel_loop3A_752] {strides = array<i32>} : memref<2x2x8x128xi32, #tpu.memory_space<vmem>>, vector<16xi32>,
        tpu.vector_store %arg10[%parallel_loop3A_749, %parallel_loop3A_750, %parallel_loop3A_751, %parallel_loop3A_752], %parallel_loop3A_746 {strides = array<i32>} : memref<2x2x8x128xi32, #tpu.memory_space<vmem>>, vector<16xi32>,
      } {sc.loop_unroll_factor = 2 : i64, sc.parallel_access}
      %add3A_323 = arith.constant 2 : i32
      %add3A_324 = arith.addi %add3A_297, %add3A_323 : i32
      %lt3A = arith.constant 32 : i32
      %lt3A_325 = arith.cmpi slt, %add3A_324, %lt3A : i32
      %convert_element_type3A = arith.extui %lt3A_325 : i1 to i32
      %cond3A = arith.constant 0 : i32
      %cond3A_326 = arith.cmpi ne, %convert_element_type3A, %cond3A : i32
      scf.if %cond3A_326 {
        %add3A_648 = arith.constant 2 : i32
        %add3A_649 = arith.addi %add3A_297, %add3A_648 : i32
        %mul3A_650 = arith.constant 1024 : i32
        %mul3A_651 = arith.muli %add3A_649, %mul3A_650 : i32
        %add3A_652 = arith.addi %mul3A_2, %mul3A_651 : i32
        %dma_start3A_653 = arith.constant 1 : i32
        %dma_start3A_654 = arith.constant 0 : i32
        %dma_start3A_655 = tpu.memref_slice %arg6[%dma_start3A_653, %dma_start3A_654] : memref<2x1024xf32, #tpu.memory_space<vmem>> -> memref<1x1024xf32, #tpu.memory_space<vmem>>
        %dma_start3A_656 = tpu.memref_squeeze %dma_start3A_655 : memref<1x1024xf32, #tpu.memory_space<vmem>> -> memref<1024xf32, #tpu.memory_space<vmem>>
        %dma_start3A_657 = tpu.memref_slice %arg2[%add3A_652] : memref<1048576xf32, #tpu.memory_space<hbm>> -> memref<1024xf32, #tpu.memory_space<hbm>>
        %dma_start3A_658 = arith.constant 0 : i32
        %dma_start3A_659 = tpu.memref_slice %arg6[%dma_start3A_653, %dma_start3A_658] : memref<2x1024xf32, #tpu.memory_space<vmem>> -> memref<1x1024xf32, #tpu.memory_space<vmem>>
        %dma_start3A_660 = tpu.memref_squeeze %dma_start3A_659 : memref<1x1024xf32, #tpu.memory_space<vmem>> -> memref<1024xf32, #tpu.memory_space<vmem>>
        %dma_start3A_661 = tpu.memref_slice %arg2[%add3A_652] : memref<1048576xf32, #tpu.memory_space<hbm>> -> memref<1024xf32, #tpu.memory_space<hbm>>
        tpu.enqueue_dma source(%dma_start3A_661 : memref<1024xf32, #tpu.memory_space<hbm>>) target(%dma_start3A_660 : memref<1024xf32, #tpu.memory_space<vmem>>) target_semaphore(%arg20 : memref<!tpu.dma_semaphore, #tpu.memory_space<semaphore_mem>>)
        %dma_start3A_662 = arith.constant 1 : i32
        %dma_start3A_663 = arith.constant 0 : i32
        %dma_start3A_664 = tpu.memref_slice %arg7[%dma_start3A_662, %dma_start3A_663] : memref<2x1024xf32, #tpu.memory_space<vmem>> -> memref<1x1024xf32, #tpu.memory_space<vmem>>
        %dma_start3A_665 = tpu.memref_squeeze %dma_start3A_664 : memref<1x1024xf32, #tpu.memory_space<vmem>> -> memref<1024xf32, #tpu.memory_space<vmem>>
        %dma_start3A_666 = tpu.memref_slice %arg3[%add3A_652] : memref<1048576xf32, #tpu.memory_space<hbm>> -> memref<1024xf32, #tpu.memory_space<hbm>>
        %dma_start3A_667 = arith.constant 0 : i32
        %dma_start3A_668 = tpu.memref_slice %arg7[%dma_start3A_662, %dma_start3A_667] : memref<2x1024xf32, #tpu.memory_space<vmem>> -> memref<1x1024xf32, #tpu.memory_space<vmem>>
        %dma_start3A_669 = tpu.memref_squeeze %dma_start3A_668 : memref<1x1024xf32, #tpu.memory_space<vmem>> -> memref<1024xf32, #tpu.memory_space<vmem>>
        %dma_start3A_670 = tpu.memref_slice %arg3[%add3A_652] : memref<1048576xf32, #tpu.memory_space<hbm>> -> memref<1024xf32, #tpu.memory_space<hbm>>
        tpu.enqueue_dma source(%dma_start3A_670 : memref<1024xf32, #tpu.memory_space<hbm>>) target(%dma_start3A_669 : memref<1024xf32, #tpu.memory_space<vmem>>) target_semaphore(%arg20 : memref<!tpu.dma_semaphore, #tpu.memory_space<semaphore_mem>>)
      } else {
      }
      %dma_start3A_327 = arith.constant 1 : i32
      %dma_start3A_328 = arith.constant 0 : i32
      %dma_start3A_329 = arith.constant 0 : i32
      %dma_start3A_330 = arith.constant 0 : i32
      %dma_start3A_331 = arith.constant 0 : i32
      %dma_start3A_332 = tpu.memref_slice %arg13[%dma_start3A_330, %dma_start3A_331] : memref<1024x8xf32, #tpu.memory_space<vmem>> -> memref<128x8xf32, #tpu.memory_space<vmem>>
      %dma_start3A_333 = arith.constant 0 : i32
      %dma_start3A_334 = tpu.memref_slice %arg10[%dma_start3A_327, %dma_start3A_328, %dma_start3A_329, %dma_start3A_333] : memref<2x2x8x128xi32, #tpu.memory_space<vmem>> -> memref<1x1x1x128xi32, #tpu.memory_space<vmem>>
      %dma_start3A_335 = tpu.memref_squeeze %dma_start3A_334 : memref<1x1x1x128xi32, #tpu.memory_space<vmem>> -> memref<128xi32, #tpu.memory_space<vmem>>
      %dma_start3A_336 = arith.constant 0 : i32
      %dma_start3A_337 = arith.constant 0 : i32
      %dma_start3A_338 = tpu.memref_slice %arg4[%dma_start3A_336, %dma_start3A_337] : memref<4194304x8xf32, #tpu.memory_space<hbm>> -> memref<4194304x8xf32, #tpu.memory_space<hbm>>
      tpu.enqueue_indirect_dma source(%dma_start3A_338 : memref<4194304x8xf32, #tpu.memory_space<hbm>>) target(%dma_start3A_332 : memref<128x8xf32, #tpu.memory_space<vmem>>) offsets(%dma_start3A_335 : memref<128xi32, #tpu.memory_space<vmem>>) semaphore(%arg18 : memref<!tpu.dma_semaphore, #tpu.memory_space<semaphore_mem>>)
      %dma_start3A_339 = arith.constant 1 : i32
      %dma_start3A_340 = arith.constant 1 : i32
      %dma_start3A_341 = arith.constant 0 : i32
      %dma_start3A_342 = arith.constant 0 : i32
      %dma_start3A_343 = arith.constant 0 : i32
      %dma_start3A_344 = tpu.memref_slice %arg14[%dma_start3A_342, %dma_start3A_343] : memref<1024x8xf32, #tpu.memory_space<vmem>> -> memref<128x8xf32, #tpu.memory_space<vmem>>
      %dma_start3A_345 = arith.constant 0 : i32
      %dma_start3A_346 = tpu.memref_slice %arg10[%dma_start3A_339, %dma_start3A_340, %dma_start3A_341, %dma_start3A_345] : memref<2x2x8x128xi32, #tpu.memory_space<vmem>> -> memref<1x1x1x128xi32, #tpu.memory_space<vmem>>
      %dma_start3A_347 = tpu.memref_squeeze %dma_start3A_346 : memref<1x1x1x128xi32, #tpu.memory_space<vmem>> -> memref<128xi32, #tpu.memory_space<vmem>>
      %dma_start3A_348 = arith.constant 0 : i32
      %dma_start3A_349 = arith.constant 0 : i32
      %dma_start3A_350 = tpu.memref_slice %arg4[%dma_start3A_348, %dma_start3A_349] : memref<4194304x8xf32, #tpu.memory_space<hbm>> -> memref<4194304x8xf32, #tpu.memory_space<hbm>>
      tpu.enqueue_indirect_dma source(%dma_start3A_350 : memref<4194304x8xf32, #tpu.memory_space<hbm>>) target(%dma_start3A_344 : memref<128x8xf32, #tpu.memory_space<vmem>>) offsets(%dma_start3A_347 : memref<128xi32, #tpu.memory_space<vmem>>) semaphore(%arg18 : memref<!tpu.dma_semaphore, #tpu.memory_space<semaphore_mem>>)
      %dma_start3A_351 = arith.constant 1 : i32
      %dma_start3A_352 = arith.constant 0 : i32
      %dma_start3A_353 = arith.constant 1 : i32
      %dma_start3A_354 = arith.constant 128 : i32
      %dma_start3A_355 = arith.constant 0 : i32
      %dma_start3A_356 = tpu.memref_slice %arg13[%dma_start3A_354, %dma_start3A_355] : memref<1024x8xf32, #tpu.memory_space<vmem>> -> memref<128x8xf32, #tpu.memory_space<vmem>>
      %dma_start3A_357 = arith.constant 0 : i32
      %dma_start3A_358 = tpu.memref_slice %arg10[%dma_start3A_351, %dma_start3A_352, %dma_start3A_353, %dma_start3A_357] : memref<2x2x8x128xi32, #tpu.memory_space<vmem>> -> memref<1x1x1x128xi32, #tpu.memory_space<vmem>>
      %dma_start3A_359 = tpu.memref_squeeze %dma_start3A_358 : memref<1x1x1x128xi32, #tpu.memory_space<vmem>> -> memref<128xi32, #tpu.memory_space<vmem>>
      %dma_start3A_360 = arith.constant 0 : i32
      %dma_start3A_361 = arith.constant 0 : i32
      %dma_start3A_362 = tpu.memref_slice %arg4[%dma_start3A_360, %dma_start3A_361] : memref<4194304x8xf32, #tpu.memory_space<hbm>> -> memref<4194304x8xf32, #tpu.memory_space<hbm>>
      tpu.enqueue_indirect_dma source(%dma_start3A_362 : memref<4194304x8xf32, #tpu.memory_space<hbm>>) target(%dma_start3A_356 : memref<128x8xf32, #tpu.memory_space<vmem>>) offsets(%dma_start3A_359 : memref<128xi32, #tpu.memory_space<vmem>>) semaphore(%arg18 : memref<!tpu.dma_semaphore, #tpu.memory_space<semaphore_mem>>)
      %dma_start3A_363 = arith.constant 1 : i32
      %dma_start3A_364 = arith.constant 1 : i32
      %dma_start3A_365 = arith.constant 1 : i32
      %dma_start3A_366 = arith.constant 128 : i32
      %dma_start3A_367 = arith.constant 0 : i32
      %dma_start3A_368 = tpu.memref_slice %arg14[%dma_start3A_366, %dma_start3A_367] : memref<1024x8xf32, #tpu.memory_space<vmem>> -> memref<128x8xf32, #tpu.memory_space<vmem>>
      %dma_start3A_369 = arith.constant 0 : i32
      %dma_start3A_370 = tpu.memref_slice %arg10[%dma_start3A_363, %dma_start3A_364, %dma_start3A_365, %dma_start3A_369] : memref<2x2x8x128xi32, #tpu.memory_space<vmem>> -> memref<1x1x1x128xi32, #tpu.memory_space<vmem>>
      %dma_start3A_371 = tpu.memref_squeeze %dma_start3A_370 : memref<1x1x1x128xi32, #tpu.memory_space<vmem>> -> memref<128xi32, #tpu.memory_space<vmem>>
      %dma_start3A_372 = arith.constant 0 : i32
      %dma_start3A_373 = arith.constant 0 : i32
      %dma_start3A_374 = tpu.memref_slice %arg4[%dma_start3A_372, %dma_start3A_373] : memref<4194304x8xf32, #tpu.memory_space<hbm>> -> memref<4194304x8xf32, #tpu.memory_space<hbm>>
      tpu.enqueue_indirect_dma source(%dma_start3A_374 : memref<4194304x8xf32, #tpu.memory_space<hbm>>) target(%dma_start3A_368 : memref<128x8xf32, #tpu.memory_space<vmem>>) offsets(%dma_start3A_371 : memref<128xi32, #tpu.memory_space<vmem>>) semaphore(%arg18 : memref<!tpu.dma_semaphore, #tpu.memory_space<semaphore_mem>>)
      %dma_start3A_375 = arith.constant 1 : i32
      %dma_start3A_376 = arith.constant 0 : i32
      %dma_start3A_377 = arith.constant 2 : i32
      %dma_start3A_378 = arith.constant 256 : i32
      %dma_start3A_379 = arith.constant 0 : i32
      %dma_start3A_380 = tpu.memref_slice %arg13[%dma_start3A_378, %dma_start3A_379] : memref<1024x8xf32, #tpu.memory_space<vmem>> -> memref<128x8xf32, #tpu.memory_space<vmem>>
      %dma_start3A_381 = arith.constant 0 : i32
      %dma_start3A_382 = tpu.memref_slice %arg10[%dma_start3A_375, %dma_start3A_376, %dma_start3A_377, %dma_start3A_381] : memref<2x2x8x128xi32, #tpu.memory_space<vmem>> -> memref<1x1x1x128xi32, #tpu.memory_space<vmem>>
      %dma_start3A_383 = tpu.memref_squeeze %dma_start3A_382 : memref<1x1x1x128xi32, #tpu.memory_space<vmem>> -> memref<128xi32, #tpu.memory_space<vmem>>
      %dma_start3A_384 = arith.constant 0 : i32
      %dma_start3A_385 = arith.constant 0 : i32
      %dma_start3A_386 = tpu.memref_slice %arg4[%dma_start3A_384, %dma_start3A_385] : memref<4194304x8xf32, #tpu.memory_space<hbm>> -> memref<4194304x8xf32, #tpu.memory_space<hbm>>
      tpu.enqueue_indirect_dma source(%dma_start3A_386 : memref<4194304x8xf32, #tpu.memory_space<hbm>>) target(%dma_start3A_380 : memref<128x8xf32, #tpu.memory_space<vmem>>) offsets(%dma_start3A_383 : memref<128xi32, #tpu.memory_space<vmem>>) semaphore(%arg18 : memref<!tpu.dma_semaphore, #tpu.memory_space<semaphore_mem>>)
      %dma_start3A_387 = arith.constant 1 : i32
      %dma_start3A_388 = arith.constant 1 : i32
      %dma_start3A_389 = arith.constant 2 : i32
      %dma_start3A_390 = arith.constant 256 : i32
      %dma_start3A_391 = arith.constant 0 : i32
      %dma_start3A_392 = tpu.memref_slice %arg14[%dma_start3A_390, %dma_start3A_391] : memref<1024x8xf32, #tpu.memory_space<vmem>> -> memref<128x8xf32, #tpu.memory_space<vmem>>
      %dma_start3A_393 = arith.constant 0 : i32
      %dma_start3A_394 = tpu.memref_slice %arg10[%dma_start3A_387, %dma_start3A_388, %dma_start3A_389, %dma_start3A_393] : memref<2x2x8x128xi32, #tpu.memory_space<vmem>> -> memref<1x1x1x128xi32, #tpu.memory_space<vmem>>
      %dma_start3A_395 = tpu.memref_squeeze %dma_start3A_394 : memref<1x1x1x128xi32, #tpu.memory_space<vmem>> -> memref<128xi32, #tpu.memory_space<vmem>>
      %dma_start3A_396 = arith.constant 0 : i32
      %dma_start3A_397 = arith.constant 0 : i32
      %dma_start3A_398 = tpu.memref_slice %arg4[%dma_start3A_396, %dma_start3A_397] : memref<4194304x8xf32, #tpu.memory_space<hbm>> -> memref<4194304x8xf32, #tpu.memory_space<hbm>>
      tpu.enqueue_indirect_dma source(%dma_start3A_398 : memref<4194304x8xf32, #tpu.memory_space<hbm>>) target(%dma_start3A_392 : memref<128x8xf32, #tpu.memory_space<vmem>>) offsets(%dma_start3A_395 : memref<128xi32, #tpu.memory_space<vmem>>) semaphore(%arg18 : memref<!tpu.dma_semaphore, #tpu.memory_space<semaphore_mem>>)
      %dma_start3A_399 = arith.constant 1 : i32
      %dma_start3A_400 = arith.constant 0 : i32
      %dma_start3A_401 = arith.constant 3 : i32
      %dma_start3A_402 = arith.constant 384 : i32
      %dma_start3A_403 = arith.constant 0 : i32
      %dma_start3A_404 = tpu.memref_slice %arg13[%dma_start3A_402, %dma_start3A_403] : memref<1024x8xf32, #tpu.memory_space<vmem>> -> memref<128x8xf32, #tpu.memory_space<vmem>>
      %dma_start3A_405 = arith.constant 0 : i32
      %dma_start3A_406 = tpu.memref_slice %arg10[%dma_start3A_399, %dma_start3A_400, %dma_start3A_401, %dma_start3A_405] : memref<2x2x8x128xi32, #tpu.memory_space<vmem>> -> memref<1x1x1x128xi32, #tpu.memory_space<vmem>>
      %dma_start3A_407 = tpu.memref_squeeze %dma_start3A_406 : memref<1x1x1x128xi32, #tpu.memory_space<vmem>> -> memref<128xi32, #tpu.memory_space<vmem>>
      %dma_start3A_408 = arith.constant 0 : i32
      %dma_start3A_409 = arith.constant 0 : i32
      %dma_start3A_410 = tpu.memref_slice %arg4[%dma_start3A_408, %dma_start3A_409] : memref<4194304x8xf32, #tpu.memory_space<hbm>> -> memref<4194304x8xf32, #tpu.memory_space<hbm>>
      tpu.enqueue_indirect_dma source(%dma_start3A_410 : memref<4194304x8xf32, #tpu.memory_space<hbm>>) target(%dma_start3A_404 : memref<128x8xf32, #tpu.memory_space<vmem>>) offsets(%dma_start3A_407 : memref<128xi32, #tpu.memory_space<vmem>>) semaphore(%arg18 : memref<!tpu.dma_semaphore, #tpu.memory_space<semaphore_mem>>)
      %dma_start3A_411 = arith.constant 1 : i32
      %dma_start3A_412 = arith.constant 1 : i32
      %dma_start3A_413 = arith.constant 3 : i32
      %dma_start3A_414 = arith.constant 384 : i32
      %dma_start3A_415 = arith.constant 0 : i32
      %dma_start3A_416 = tpu.memref_slice %arg14[%dma_start3A_414, %dma_start3A_415] : memref<1024x8xf32, #tpu.memory_space<vmem>> -> memref<128x8xf32, #tpu.memory_space<vmem>>
      %dma_start3A_417 = arith.constant 0 : i32
      %dma_start3A_418 = tpu.memref_slice %arg10[%dma_start3A_411, %dma_start3A_412, %dma_start3A_413, %dma_start3A_417] : memref<2x2x8x128xi32, #tpu.memory_space<vmem>> -> memref<1x1x1x128xi32, #tpu.memory_space<vmem>>
      %dma_start3A_419 = tpu.memref_squeeze %dma_start3A_418 : memref<1x1x1x128xi32, #tpu.memory_space<vmem>> -> memref<128xi32, #tpu.memory_space<vmem>>
      %dma_start3A_420 = arith.constant 0 : i32
      %dma_start3A_421 = arith.constant 0 : i32
      %dma_start3A_422 = tpu.memref_slice %arg4[%dma_start3A_420, %dma_start3A_421] : memref<4194304x8xf32, #tpu.memory_space<hbm>> -> memref<4194304x8xf32, #tpu.memory_space<hbm>>
      tpu.enqueue_indirect_dma source(%dma_start3A_422 : memref<4194304x8xf32, #tpu.memory_space<hbm>>) target(%dma_start3A_416 : memref<128x8xf32, #tpu.memory_space<vmem>>) offsets(%dma_start3A_419 : memref<128xi32, #tpu.memory_space<vmem>>) semaphore(%arg18 : memref<!tpu.dma_semaphore, #tpu.memory_space<semaphore_mem>>)
      %dma_start3A_423 = arith.constant 1 : i32
      %dma_start3A_424 = arith.constant 0 : i32
      %dma_start3A_425 = arith.constant 4 : i32
      %dma_start3A_426 = arith.constant 512 : i32
      %dma_start3A_427 = arith.constant 0 : i32
      %dma_start3A_428 = tpu.memref_slice %arg13[%dma_start3A_426, %dma_start3A_427] : memref<1024x8xf32, #tpu.memory_space<vmem>> -> memref<128x8xf32, #tpu.memory_space<vmem>>
      %dma_start3A_429 = arith.constant 0 : i32
      %dma_start3A_430 = tpu.memref_slice %arg10[%dma_start3A_423, %dma_start3A_424, %dma_start3A_425, %dma_start3A_429] : memref<2x2x8x128xi32, #tpu.memory_space<vmem>> -> memref<1x1x1x128xi32, #tpu.memory_space<vmem>>
      %dma_start3A_431 = tpu.memref_squeeze %dma_start3A_430 : memref<1x1x1x128xi32, #tpu.memory_space<vmem>> -> memref<128xi32, #tpu.memory_space<vmem>>
      %dma_start3A_432 = arith.constant 0 : i32
      %dma_start3A_433 = arith.constant 0 : i32
      %dma_start3A_434 = tpu.memref_slice %arg4[%dma_start3A_432, %dma_start3A_433] : memref<4194304x8xf32, #tpu.memory_space<hbm>> -> memref<4194304x8xf32, #tpu.memory_space<hbm>>
      tpu.enqueue_indirect_dma source(%dma_start3A_434 : memref<4194304x8xf32, #tpu.memory_space<hbm>>) target(%dma_start3A_428 : memref<128x8xf32, #tpu.memory_space<vmem>>) offsets(%dma_start3A_431 : memref<128xi32, #tpu.memory_space<vmem>>) semaphore(%arg18 : memref<!tpu.dma_semaphore, #tpu.memory_space<semaphore_mem>>)
      %dma_start3A_435 = arith.constant 1 : i32
      %dma_start3A_436 = arith.constant 1 : i32
      %dma_start3A_437 = arith.constant 4 : i32
      %dma_start3A_438 = arith.constant 512 : i32
      %dma_start3A_439 = arith.constant 0 : i32
      %dma_start3A_440 = tpu.memref_slice %arg14[%dma_start3A_438, %dma_start3A_439] : memref<1024x8xf32, #tpu.memory_space<vmem>> -> memref<128x8xf32, #tpu.memory_space<vmem>>
      %dma_start3A_441 = arith.constant 0 : i32
      %dma_start3A_442 = tpu.memref_slice %arg10[%dma_start3A_435, %dma_start3A_436, %dma_start3A_437, %dma_start3A_441] : memref<2x2x8x128xi32, #tpu.memory_space<vmem>> -> memref<1x1x1x128xi32, #tpu.memory_space<vmem>>
      %dma_start3A_443 = tpu.memref_squeeze %dma_start3A_442 : memref<1x1x1x128xi32, #tpu.memory_space<vmem>> -> memref<128xi32, #tpu.memory_space<vmem>>
      %dma_start3A_444 = arith.constant 0 : i32
      %dma_start3A_445 = arith.constant 0 : i32
      %dma_start3A_446 = tpu.memref_slice %arg4[%dma_start3A_444, %dma_start3A_445] : memref<4194304x8xf32, #tpu.memory_space<hbm>> -> memref<4194304x8xf32, #tpu.memory_space<hbm>>
      tpu.enqueue_indirect_dma source(%dma_start3A_446 : memref<4194304x8xf32, #tpu.memory_space<hbm>>) target(%dma_start3A_440 : memref<128x8xf32, #tpu.memory_space<vmem>>) offsets(%dma_start3A_443 : memref<128xi32, #tpu.memory_space<vmem>>) semaphore(%arg18 : memref<!tpu.dma_semaphore, #tpu.memory_space<semaphore_mem>>)
      %dma_start3A_447 = arith.constant 1 : i32
      %dma_start3A_448 = arith.constant 0 : i32
      %dma_start3A_449 = arith.constant 5 : i32
      %dma_start3A_450 = arith.constant 640 : i32
      %dma_start3A_451 = arith.constant 0 : i32
      %dma_start3A_452 = tpu.memref_slice %arg13[%dma_start3A_450, %dma_start3A_451] : memref<1024x8xf32, #tpu.memory_space<vmem>> -> memref<128x8xf32, #tpu.memory_space<vmem>>
      %dma_start3A_453 = arith.constant 0 : i32
      %dma_start3A_454 = tpu.memref_slice %arg10[%dma_start3A_447, %dma_start3A_448, %dma_start3A_449, %dma_start3A_453] : memref<2x2x8x128xi32, #tpu.memory_space<vmem>> -> memref<1x1x1x128xi32, #tpu.memory_space<vmem>>
      %dma_start3A_455 = tpu.memref_squeeze %dma_start3A_454 : memref<1x1x1x128xi32, #tpu.memory_space<vmem>> -> memref<128xi32, #tpu.memory_space<vmem>>
      %dma_start3A_456 = arith.constant 0 : i32
      %dma_start3A_457 = arith.constant 0 : i32
      %dma_start3A_458 = tpu.memref_slice %arg4[%dma_start3A_456, %dma_start3A_457] : memref<4194304x8xf32, #tpu.memory_space<hbm>> -> memref<4194304x8xf32, #tpu.memory_space<hbm>>
      tpu.enqueue_indirect_dma source(%dma_start3A_458 : memref<4194304x8xf32, #tpu.memory_space<hbm>>) target(%dma_start3A_452 : memref<128x8xf32, #tpu.memory_space<vmem>>) offsets(%dma_start3A_455 : memref<128xi32, #tpu.memory_space<vmem>>) semaphore(%arg18 : memref<!tpu.dma_semaphore, #tpu.memory_space<semaphore_mem>>)
      %dma_start3A_459 = arith.constant 1 : i32
      %dma_start3A_460 = arith.constant 1 : i32
      %dma_start3A_461 = arith.constant 5 : i32
      %dma_start3A_462 = arith.constant 640 : i32
      %dma_start3A_463 = arith.constant 0 : i32
      %dma_start3A_464 = tpu.memref_slice %arg14[%dma_start3A_462, %dma_start3A_463] : memref<1024x8xf32, #tpu.memory_space<vmem>> -> memref<128x8xf32, #tpu.memory_space<vmem>>
      %dma_start3A_465 = arith.constant 0 : i32
      %dma_start3A_466 = tpu.memref_slice %arg10[%dma_start3A_459, %dma_start3A_460, %dma_start3A_461, %dma_start3A_465] : memref<2x2x8x128xi32, #tpu.memory_space<vmem>> -> memref<1x1x1x128xi32, #tpu.memory_space<vmem>>
      %dma_start3A_467 = tpu.memref_squeeze %dma_start3A_466 : memref<1x1x1x128xi32, #tpu.memory_space<vmem>> -> memref<128xi32, #tpu.memory_space<vmem>>
      %dma_start3A_468 = arith.constant 0 : i32
      %dma_start3A_469 = arith.constant 0 : i32
      %dma_start3A_470 = tpu.memref_slice %arg4[%dma_start3A_468, %dma_start3A_469] : memref<4194304x8xf32, #tpu.memory_space<hbm>> -> memref<4194304x8xf32, #tpu.memory_space<hbm>>
      tpu.enqueue_indirect_dma source(%dma_start3A_470 : memref<4194304x8xf32, #tpu.memory_space<hbm>>) target(%dma_start3A_464 : memref<128x8xf32, #tpu.memory_space<vmem>>) offsets(%dma_start3A_467 : memref<128xi32, #tpu.memory_space<vmem>>) semaphore(%arg18 : memref<!tpu.dma_semaphore, #tpu.memory_space<semaphore_mem>>)
      %dma_start3A_471 = arith.constant 1 : i32
      %dma_start3A_472 = arith.constant 0 : i32
      %dma_start3A_473 = arith.constant 6 : i32
      %dma_start3A_474 = arith.constant 768 : i32
      %dma_start3A_475 = arith.constant 0 : i32
      %dma_start3A_476 = tpu.memref_slice %arg13[%dma_start3A_474, %dma_start3A_475] : memref<1024x8xf32, #tpu.memory_space<vmem>> -> memref<128x8xf32, #tpu.memory_space<vmem>>
      %dma_start3A_477 = arith.constant 0 : i32
      %dma_start3A_478 = tpu.memref_slice %arg10[%dma_start3A_471, %dma_start3A_472, %dma_start3A_473, %dma_start3A_477] : memref<2x2x8x128xi32, #tpu.memory_space<vmem>> -> memref<1x1x1x128xi32, #tpu.memory_space<vmem>>
      %dma_start3A_479 = tpu.memref_squeeze %dma_start3A_478 : memref<1x1x1x128xi32, #tpu.memory_space<vmem>> -> memref<128xi32, #tpu.memory_space<vmem>>
      %dma_start3A_480 = arith.constant 0 : i32
      %dma_start3A_481 = arith.constant 0 : i32
      %dma_start3A_482 = tpu.memref_slice %arg4[%dma_start3A_480, %dma_start3A_481] : memref<4194304x8xf32, #tpu.memory_space<hbm>> -> memref<4194304x8xf32, #tpu.memory_space<hbm>>
      tpu.enqueue_indirect_dma source(%dma_start3A_482 : memref<4194304x8xf32, #tpu.memory_space<hbm>>) target(%dma_start3A_476 : memref<128x8xf32, #tpu.memory_space<vmem>>) offsets(%dma_start3A_479 : memref<128xi32, #tpu.memory_space<vmem>>) semaphore(%arg18 : memref<!tpu.dma_semaphore, #tpu.memory_space<semaphore_mem>>)
      %dma_start3A_483 = arith.constant 1 : i32
      %dma_start3A_484 = arith.constant 1 : i32
      %dma_start3A_485 = arith.constant 6 : i32
      %dma_start3A_486 = arith.constant 768 : i32
      %dma_start3A_487 = arith.constant 0 : i32
      %dma_start3A_488 = tpu.memref_slice %arg14[%dma_start3A_486, %dma_start3A_487] : memref<1024x8xf32, #tpu.memory_space<vmem>> -> memref<128x8xf32, #tpu.memory_space<vmem>>
      %dma_start3A_489 = arith.constant 0 : i32
      %dma_start3A_490 = tpu.memref_slice %arg10[%dma_start3A_483, %dma_start3A_484, %dma_start3A_485, %dma_start3A_489] : memref<2x2x8x128xi32, #tpu.memory_space<vmem>> -> memref<1x1x1x128xi32, #tpu.memory_space<vmem>>
      %dma_start3A_491 = tpu.memref_squeeze %dma_start3A_490 : memref<1x1x1x128xi32, #tpu.memory_space<vmem>> -> memref<128xi32, #tpu.memory_space<vmem>>
      %dma_start3A_492 = arith.constant 0 : i32
      %dma_start3A_493 = arith.constant 0 : i32
      %dma_start3A_494 = tpu.memref_slice %arg4[%dma_start3A_492, %dma_start3A_493] : memref<4194304x8xf32, #tpu.memory_space<hbm>> -> memref<4194304x8xf32, #tpu.memory_space<hbm>>
      tpu.enqueue_indirect_dma source(%dma_start3A_494 : memref<4194304x8xf32, #tpu.memory_space<hbm>>) target(%dma_start3A_488 : memref<128x8xf32, #tpu.memory_space<vmem>>) offsets(%dma_start3A_491 : memref<128xi32, #tpu.memory_space<vmem>>) semaphore(%arg18 : memref<!tpu.dma_semaphore, #tpu.memory_space<semaphore_mem>>)
      %dma_start3A_495 = arith.constant 1 : i32
      %dma_start3A_496 = arith.constant 0 : i32
      %dma_start3A_497 = arith.constant 7 : i32
      %dma_start3A_498 = arith.constant 896 : i32
      %dma_start3A_499 = arith.constant 0 : i32
      %dma_start3A_500 = tpu.memref_slice %arg13[%dma_start3A_498, %dma_start3A_499] : memref<1024x8xf32, #tpu.memory_space<vmem>> -> memref<128x8xf32, #tpu.memory_space<vmem>>
      %dma_start3A_501 = arith.constant 0 : i32
      %dma_start3A_502 = tpu.memref_slice %arg10[%dma_start3A_495, %dma_start3A_496, %dma_start3A_497, %dma_start3A_501] : memref<2x2x8x128xi32, #tpu.memory_space<vmem>> -> memref<1x1x1x128xi32, #tpu.memory_space<vmem>>
      %dma_start3A_503 = tpu.memref_squeeze %dma_start3A_502 : memref<1x1x1x128xi32, #tpu.memory_space<vmem>> -> memref<128xi32, #tpu.memory_space<vmem>>
      %dma_start3A_504 = arith.constant 0 : i32
      %dma_start3A_505 = arith.constant 0 : i32
      %dma_start3A_506 = tpu.memref_slice %arg4[%dma_start3A_504, %dma_start3A_505] : memref<4194304x8xf32, #tpu.memory_space<hbm>> -> memref<4194304x8xf32, #tpu.memory_space<hbm>>
      tpu.enqueue_indirect_dma source(%dma_start3A_506 : memref<4194304x8xf32, #tpu.memory_space<hbm>>) target(%dma_start3A_500 : memref<128x8xf32, #tpu.memory_space<vmem>>) offsets(%dma_start3A_503 : memref<128xi32, #tpu.memory_space<vmem>>) semaphore(%arg18 : memref<!tpu.dma_semaphore, #tpu.memory_space<semaphore_mem>>)
      %dma_start3A_507 = arith.constant 1 : i32
      %dma_start3A_508 = arith.constant 1 : i32
      %dma_start3A_509 = arith.constant 7 : i32
      %dma_start3A_510 = arith.constant 896 : i32
      %dma_start3A_511 = arith.constant 0 : i32
      %dma_start3A_512 = tpu.memref_slice %arg14[%dma_start3A_510, %dma_start3A_511] : memref<1024x8xf32, #tpu.memory_space<vmem>> -> memref<128x8xf32, #tpu.memory_space<vmem>>
      %dma_start3A_513 = arith.constant 0 : i32
      %dma_start3A_514 = tpu.memref_slice %arg10[%dma_start3A_507, %dma_start3A_508, %dma_start3A_509, %dma_start3A_513] : memref<2x2x8x128xi32, #tpu.memory_space<vmem>> -> memref<1x1x1x128xi32, #tpu.memory_space<vmem>>
      %dma_start3A_515 = tpu.memref_squeeze %dma_start3A_514 : memref<1x1x1x128xi32, #tpu.memory_space<vmem>> -> memref<128xi32, #tpu.memory_space<vmem>>
      %dma_start3A_516 = arith.constant 0 : i32
      %dma_start3A_517 = arith.constant 0 : i32
      %dma_start3A_518 = tpu.memref_slice %arg4[%dma_start3A_516, %dma_start3A_517] : memref<4194304x8xf32, #tpu.memory_space<hbm>> -> memref<4194304x8xf32, #tpu.memory_space<hbm>>
      tpu.enqueue_indirect_dma source(%dma_start3A_518 : memref<4194304x8xf32, #tpu.memory_space<hbm>>) target(%dma_start3A_512 : memref<128x8xf32, #tpu.memory_space<vmem>>) offsets(%dma_start3A_515 : memref<128xi32, #tpu.memory_space<vmem>>) semaphore(%arg18 : memref<!tpu.dma_semaphore, #tpu.memory_space<semaphore_mem>>)
      %dma_wait3A_519 = arith.constant 0 : i32
      %dma_wait3A_520 = arith.constant 0 : i32
      %dma_wait3A_521 = tpu.memref_slice %arg4[%dma_wait3A_519, %dma_wait3A_520] : memref<4194304x8xf32, #tpu.memory_space<hbm>> -> memref<1024x8xf32, #tpu.memory_space<hbm>>
      %dma_wait3A_522 = arith.constant 0 : i32
      %dma_wait3A_523 = arith.constant 0 : i32
      %dma_wait3A_524 = tpu.memref_slice %arg4[%dma_wait3A_522, %dma_wait3A_523] : memref<4194304x8xf32, #tpu.memory_space<hbm>> -> memref<1024x8xf32, #tpu.memory_space<hbm>>
      tpu.wait_dma2 semaphore(%arg17 : memref<!tpu.dma_semaphore, #tpu.memory_space<semaphore_mem>>) src(%dma_wait3A_524 : memref<1024x8xf32, #tpu.memory_space<hbm>>) dst(%arg11 : memref<1024x8xf32, #tpu.memory_space<vmem>>)
      %dma_wait3A_525 = arith.constant 0 : i32
      %dma_wait3A_526 = arith.constant 0 : i32
      %dma_wait3A_527 = tpu.memref_slice %arg4[%dma_wait3A_525, %dma_wait3A_526] : memref<4194304x8xf32, #tpu.memory_space<hbm>> -> memref<1024x8xf32, #tpu.memory_space<hbm>>
      %dma_wait3A_528 = arith.constant 0 : i32
      %dma_wait3A_529 = arith.constant 0 : i32
      %dma_wait3A_530 = tpu.memref_slice %arg4[%dma_wait3A_528, %dma_wait3A_529] : memref<4194304x8xf32, #tpu.memory_space<hbm>> -> memref<1024x8xf32, #tpu.memory_space<hbm>>
      tpu.wait_dma2 semaphore(%arg17 : memref<!tpu.dma_semaphore, #tpu.memory_space<semaphore_mem>>) src(%dma_wait3A_530 : memref<1024x8xf32, #tpu.memory_space<hbm>>) dst(%arg12 : memref<1024x8xf32, #tpu.memory_space<vmem>>)
      %parallel_loop3A_531 = arith.constant 0 : i32
      %parallel_loop3A_532 = arith.constant 64 : i32
      %parallel_loop3A_533 = arith.constant 1 : i32
      scf.for %parallel_loop3A_648 = %parallel_loop3A_531 to %parallel_loop3A_532 step %parallel_loop3A_533  : i32 {
        %parallel_loop3A_649 = arith.constant 16 : i32
        %parallel_loop3A_650 = arith.muli %parallel_loop3A_648, %parallel_loop3A_649 : i32
        %parallel_loop3A_651 = vector.broadcast %parallel_loop3A_650 : i32 to vector<16xi32>
        %parallel_loop3A_652 = arith.addi %parallel_loop3A_651, %iota3A : vector<16xi32>
        %parallel_loop3A_653 = arith.constant 0 : i32
        %parallel_loop3A_654 = arith.index_cast %parallel_loop3A_653 : i32 to index
        %parallel_loop3A_655 = arith.index_cast %parallel_loop3A_650 : i32 to index
        %parallel_loop3A_656 = tpu.vector_load %arg8[%parallel_loop3A_654, %parallel_loop3A_655] {strides = array<i32>} : memref<2x1024xf32, #tpu.memory_space<vmem>>, vector<16xf32>,
        %parallel_loop3A_657 = arith.constant 0 : i32
        %parallel_loop3A_658 = arith.index_cast %parallel_loop3A_657 : i32 to index
        %parallel_loop3A_659 = arith.index_cast %parallel_loop3A_650 : i32 to index
        %parallel_loop3A_660 = tpu.vector_load %arg9[%parallel_loop3A_658, %parallel_loop3A_659] {strides = array<i32>} : memref<2x1024xf32, #tpu.memory_space<vmem>>, vector<16xf32>,
        %parallel_loop3A_661 = arith.constant 1.000000e+00 : f32
        %parallel_loop3A_662 = vector.broadcast %parallel_loop3A_661 : f32 to vector<16xf32>
        %parallel_loop3A_663 = arith.subf %parallel_loop3A_662, %parallel_loop3A_656 : vector<16xf32>
        %parallel_loop3A_664 = arith.constant 1.000000e+00 : f32
        %parallel_loop3A_665 = vector.broadcast %parallel_loop3A_664 : f32 to vector<16xf32>
        %parallel_loop3A_666 = arith.subf %parallel_loop3A_665, %parallel_loop3A_660 : vector<16xf32>
        %parallel_loop3A_667 = arith.mulf %parallel_loop3A_663, %parallel_loop3A_666 : vector<16xf32>
        %parallel_loop3A_668 = arith.mulf %parallel_loop3A_656, %parallel_loop3A_666 : vector<16xf32>
        %parallel_loop3A_669 = arith.mulf %parallel_loop3A_663, %parallel_loop3A_660 : vector<16xf32>
        %parallel_loop3A_670 = arith.mulf %parallel_loop3A_656, %parallel_loop3A_660 : vector<16xf32>
        %parallel_loop3A_671 = tpu.vector_load_idx %arg11[%parallel_loop3A_652, %broadcast_in_dim3A_3] : memref<1024x8xf32, #tpu.memory_space<vmem>>[vector<16xi32>, vector<16xi32>], vector<16xf32>,
        %parallel_loop3A_672 = tpu.vector_load_idx %arg12[%parallel_loop3A_652, %broadcast_in_dim3A_3] : memref<1024x8xf32, #tpu.memory_space<vmem>>[vector<16xi32>, vector<16xi32>], vector<16xf32>,
        %parallel_loop3A_673 = tpu.vector_load_idx %arg11[%parallel_loop3A_652, %broadcast_in_dim3A_9] : memref<1024x8xf32, #tpu.memory_space<vmem>>[vector<16xi32>, vector<16xi32>], vector<16xf32>,
        %parallel_loop3A_674 = tpu.vector_load_idx %arg12[%parallel_loop3A_652, %broadcast_in_dim3A_9] : memref<1024x8xf32, #tpu.memory_space<vmem>>[vector<16xi32>, vector<16xi32>], vector<16xf32>,
        %parallel_loop3A_675 = arith.mulf %parallel_loop3A_671, %parallel_loop3A_667 : vector<16xf32>
        %parallel_loop3A_676 = arith.mulf %parallel_loop3A_672, %parallel_loop3A_668 : vector<16xf32>
        %parallel_loop3A_677 = arith.addf %parallel_loop3A_675, %parallel_loop3A_676 : vector<16xf32>
        %parallel_loop3A_678 = arith.mulf %parallel_loop3A_673, %parallel_loop3A_669 : vector<16xf32>
        %parallel_loop3A_679 = arith.addf %parallel_loop3A_677, %parallel_loop3A_678 : vector<16xf32>
        %parallel_loop3A_680 = arith.mulf %parallel_loop3A_674, %parallel_loop3A_670 : vector<16xf32>
        %parallel_loop3A_681 = arith.addf %parallel_loop3A_679, %parallel_loop3A_680 : vector<16xf32>
        %parallel_loop3A_682 = arith.constant 0 : i32
        %parallel_loop3A_683 = arith.addi %parallel_loop3A_682, %parallel_loop3A_650 : i32
        %parallel_loop3A_684 = arith.index_cast %parallel_loop3A_683 : i32 to index
        %parallel_loop3A_685 = tpu.vector_load %arg15[%parallel_loop3A_684] {strides = array<i32>} : memref<3072xf32, #tpu.memory_space<vmem>>, vector<16xf32>,
        tpu.vector_store %arg15[%parallel_loop3A_684], %parallel_loop3A_681 {strides = array<i32>} : memref<3072xf32, #tpu.memory_space<vmem>>, vector<16xf32>,
        %parallel_loop3A_686 = tpu.vector_load_idx %arg11[%parallel_loop3A_652, %broadcast_in_dim3A_5] : memref<1024x8xf32, #tpu.memory_space<vmem>>[vector<16xi32>, vector<16xi32>], vector<16xf32>,
        %parallel_loop3A_687 = tpu.vector_load_idx %arg12[%parallel_loop3A_652, %broadcast_in_dim3A_5] : memref<1024x8xf32, #tpu.memory_space<vmem>>[vector<16xi32>, vector<16xi32>], vector<16xf32>,
        %parallel_loop3A_688 = tpu.vector_load_idx %arg11[%parallel_loop3A_652, %broadcast_in_dim3A_11] : memref<1024x8xf32, #tpu.memory_space<vmem>>[vector<16xi32>, vector<16xi32>], vector<16xf32>,
        %parallel_loop3A_689 = tpu.vector_load_idx %arg12[%parallel_loop3A_652, %broadcast_in_dim3A_11] : memref<1024x8xf32, #tpu.memory_space<vmem>>[vector<16xi32>, vector<16xi32>], vector<16xf32>,
        %parallel_loop3A_690 = arith.mulf %parallel_loop3A_686, %parallel_loop3A_667 : vector<16xf32>
        %parallel_loop3A_691 = arith.mulf %parallel_loop3A_687, %parallel_loop3A_668 : vector<16xf32>
        %parallel_loop3A_692 = arith.addf %parallel_loop3A_690, %parallel_loop3A_691 : vector<16xf32>
        %parallel_loop3A_693 = arith.mulf %parallel_loop3A_688, %parallel_loop3A_669 : vector<16xf32>
        %parallel_loop3A_694 = arith.addf %parallel_loop3A_692, %parallel_loop3A_693 : vector<16xf32>
        %parallel_loop3A_695 = arith.mulf %parallel_loop3A_689, %parallel_loop3A_670 : vector<16xf32>
        %parallel_loop3A_696 = arith.addf %parallel_loop3A_694, %parallel_loop3A_695 : vector<16xf32>
        %parallel_loop3A_697 = arith.constant 1024 : i32
        %parallel_loop3A_698 = arith.addi %parallel_loop3A_697, %parallel_loop3A_650 : i32
        %parallel_loop3A_699 = arith.index_cast %parallel_loop3A_698 : i32 to index
        %parallel_loop3A_700 = tpu.vector_load %arg15[%parallel_loop3A_699] {strides = array<i32>} : memref<3072xf32, #tpu.memory_space<vmem>>, vector<16xf32>,
        tpu.vector_store %arg15[%parallel_loop3A_699], %parallel_loop3A_696 {strides = array<i32>} : memref<3072xf32, #tpu.memory_space<vmem>>, vector<16xf32>,
        %parallel_loop3A_701 = tpu.vector_load_idx %arg11[%parallel_loop3A_652, %broadcast_in_dim3A_7] : memref<1024x8xf32, #tpu.memory_space<vmem>>[vector<16xi32>, vector<16xi32>], vector<16xf32>,
        %parallel_loop3A_702 = tpu.vector_load_idx %arg12[%parallel_loop3A_652, %broadcast_in_dim3A_7] : memref<1024x8xf32, #tpu.memory_space<vmem>>[vector<16xi32>, vector<16xi32>], vector<16xf32>,
        %parallel_loop3A_703 = tpu.vector_load_idx %arg11[%parallel_loop3A_652, %broadcast_in_dim3A_13] : memref<1024x8xf32, #tpu.memory_space<vmem>>[vector<16xi32>, vector<16xi32>], vector<16xf32>,
        %parallel_loop3A_704 = tpu.vector_load_idx %arg12[%parallel_loop3A_652, %broadcast_in_dim3A_13] : memref<1024x8xf32, #tpu.memory_space<vmem>>[vector<16xi32>, vector<16xi32>], vector<16xf32>,
        %parallel_loop3A_705 = arith.mulf %parallel_loop3A_701, %parallel_loop3A_667 : vector<16xf32>
        %parallel_loop3A_706 = arith.mulf %parallel_loop3A_702, %parallel_loop3A_668 : vector<16xf32>
        %parallel_loop3A_707 = arith.addf %parallel_loop3A_705, %parallel_loop3A_706 : vector<16xf32>
        %parallel_loop3A_708 = arith.mulf %parallel_loop3A_703, %parallel_loop3A_669 : vector<16xf32>
        %parallel_loop3A_709 = arith.addf %parallel_loop3A_707, %parallel_loop3A_708 : vector<16xf32>
        %parallel_loop3A_710 = arith.mulf %parallel_loop3A_704, %parallel_loop3A_670 : vector<16xf32>
        %parallel_loop3A_711 = arith.addf %parallel_loop3A_709, %parallel_loop3A_710 : vector<16xf32>
        %parallel_loop3A_712 = arith.constant 2048 : i32
        %parallel_loop3A_713 = arith.addi %parallel_loop3A_712, %parallel_loop3A_650 : i32
        %parallel_loop3A_714 = arith.index_cast %parallel_loop3A_713 : i32 to index
        %parallel_loop3A_715 = tpu.vector_load %arg15[%parallel_loop3A_714] {strides = array<i32>} : memref<3072xf32, #tpu.memory_space<vmem>>, vector<16xf32>,
        tpu.vector_store %arg15[%parallel_loop3A_714], %parallel_loop3A_711 {strides = array<i32>} : memref<3072xf32, #tpu.memory_space<vmem>>, vector<16xf32>,
      } {sc.loop_unroll_factor = 2 : i64, sc.parallel_access}
      %mul3A_534 = arith.constant 1024 : i32
      %mul3A_535 = arith.muli %mul3A_295, %mul3A_534 : i32
      %add3A_536 = arith.addi %mul3A_2, %mul3A_535 : i32
      %add3A_537 = arith.constant 0 : i32
      %add3A_538 = arith.addi %add3A_537, %add3A_536 : i32
      %dma_start3A_539 = arith.constant 0 : i32
      %dma_start3A_540 = tpu.memref_slice %arg15[%dma_start3A_539] : memref<3072xf32, #tpu.memory_space<vmem>> -> memref<1024xf32, #tpu.memory_space<vmem>>
      %dma_start3A_541 = tpu.memref_slice %arg5[%add3A_538] : memref<3145728xf32, #tpu.memory_space<hbm>> -> memref<1024xf32, #tpu.memory_space<hbm>>
      %dma_start3A_542 = tpu.memref_slice %arg5[%add3A_538] : memref<3145728xf32, #tpu.memory_space<hbm>> -> memref<1024xf32, #tpu.memory_space<hbm>>
      %dma_start3A_543 = arith.constant 0 : i32
      %dma_start3A_544 = tpu.memref_slice %arg15[%dma_start3A_543] : memref<3072xf32, #tpu.memory_space<vmem>> -> memref<1024xf32, #tpu.memory_space<vmem>>
      tpu.enqueue_dma source(%dma_start3A_544 : memref<1024xf32, #tpu.memory_space<vmem>>) target(%dma_start3A_542 : memref<1024xf32, #tpu.memory_space<hbm>>) target_semaphore(%arg21 : memref<!tpu.dma_semaphore, #tpu.memory_space<semaphore_mem>>)
      %add3A_545 = arith.constant 1048576 : i32
      %add3A_546 = arith.addi %add3A_545, %add3A_536 : i32
      %dma_start3A_547 = arith.constant 1024 : i32
      %dma_start3A_548 = tpu.memref_slice %arg15[%dma_start3A_547] : memref<3072xf32, #tpu.memory_space<vmem>> -> memref<1024xf32, #tpu.memory_space<vmem>>
      %dma_start3A_549 = tpu.memref_slice %arg5[%add3A_546] : memref<3145728xf32, #tpu.memory_space<hbm>> -> memref<1024xf32, #tpu.memory_space<hbm>>
      %dma_start3A_550 = tpu.memref_slice %arg5[%add3A_546] : memref<3145728xf32, #tpu.memory_space<hbm>> -> memref<1024xf32, #tpu.memory_space<hbm>>
      %dma_start3A_551 = arith.constant 1024 : i32
      %dma_start3A_552 = tpu.memref_slice %arg15[%dma_start3A_551] : memref<3072xf32, #tpu.memory_space<vmem>> -> memref<1024xf32, #tpu.memory_space<vmem>>
      tpu.enqueue_dma source(%dma_start3A_552 : memref<1024xf32, #tpu.memory_space<vmem>>) target(%dma_start3A_550 : memref<1024xf32, #tpu.memory_space<hbm>>) target_semaphore(%arg21 : memref<!tpu.dma_semaphore, #tpu.memory_space<semaphore_mem>>)
      %add3A_553 = arith.constant 2097152 : i32
      %add3A_554 = arith.addi %add3A_553, %add3A_536 : i32
      %dma_start3A_555 = arith.constant 2048 : i32
      %dma_start3A_556 = tpu.memref_slice %arg15[%dma_start3A_555] : memref<3072xf32, #tpu.memory_space<vmem>> -> memref<1024xf32, #tpu.memory_space<vmem>>
      %dma_start3A_557 = tpu.memref_slice %arg5[%add3A_554] : memref<3145728xf32, #tpu.memory_space<hbm>> -> memref<1024xf32, #tpu.memory_space<hbm>>
      %dma_start3A_558 = tpu.memref_slice %arg5[%add3A_554] : memref<3145728xf32, #tpu.memory_space<hbm>> -> memref<1024xf32, #tpu.memory_space<hbm>>
      %dma_start3A_559 = arith.constant 2048 : i32
      %dma_start3A_560 = tpu.memref_slice %arg15[%dma_start3A_559] : memref<3072xf32, #tpu.memory_space<vmem>> -> memref<1024xf32, #tpu.memory_space<vmem>>
      tpu.enqueue_dma source(%dma_start3A_560 : memref<1024xf32, #tpu.memory_space<vmem>>) target(%dma_start3A_558 : memref<1024xf32, #tpu.memory_space<hbm>>) target_semaphore(%arg21 : memref<!tpu.dma_semaphore, #tpu.memory_space<semaphore_mem>>)
      %add3A_561 = arith.constant 2 : i32
      %add3A_562 = arith.addi %mul3A_295, %add3A_561 : i32
      %lt3A_563 = arith.constant 32 : i32
      %lt3A_564 = arith.cmpi slt, %add3A_562, %lt3A_563 : i32
      %convert_element_type3A_565 = arith.extui %lt3A_564 : i1 to i32
      %cond3A_566 = arith.constant 0 : i32
      %cond3A_567 = arith.cmpi ne, %convert_element_type3A_565, %cond3A_566 : i32
      scf.if %cond3A_567 {
        %add3A_648 = arith.constant 2 : i32
        %add3A_649 = arith.addi %mul3A_295, %add3A_648 : i32
        %dma_wait3A_650 = arith.constant 0 : i32
        %dma_wait3A_651 = arith.constant 0 : i32
        %dma_wait3A_652 = tpu.memref_slice %arg6[%dma_wait3A_650, %dma_wait3A_651] : memref<2x1024xf32, #tpu.memory_space<vmem>> -> memref<1x1024xf32, #tpu.memory_space<vmem>>
        %dma_wait3A_653 = tpu.memref_squeeze %dma_wait3A_652 : memref<1x1024xf32, #tpu.memory_space<vmem>> -> memref<1024xf32, #tpu.memory_space<vmem>>
        %dma_wait3A_654 = arith.constant 0 : i32
        %dma_wait3A_655 = tpu.memref_slice %arg2[%dma_wait3A_654] : memref<1048576xf32, #tpu.memory_space<hbm>> -> memref<1024xf32, #tpu.memory_space<hbm>>
        %dma_wait3A_656 = arith.constant 0 : i32
        %dma_wait3A_657 = tpu.memref_slice %arg6[%dma_wait3A_650, %dma_wait3A_656] : memref<2x1024xf32, #tpu.memory_space<vmem>> -> memref<1x1024xf32, #tpu.memory_space<vmem>>
        %dma_wait3A_658 = tpu.memref_squeeze %dma_wait3A_657 : memref<1x1024xf32, #tpu.memory_space<vmem>> -> memref<1024xf32, #tpu.memory_space<vmem>>
        %dma_wait3A_659 = arith.constant 0 : i32
        %dma_wait3A_660 = tpu.memref_slice %arg2[%dma_wait3A_659] : memref<1048576xf32, #tpu.memory_space<hbm>> -> memref<1024xf32, #tpu.memory_space<hbm>>
        tpu.wait_dma2 semaphore(%arg19 : memref<!tpu.dma_semaphore, #tpu.memory_space<semaphore_mem>>) src(%dma_wait3A_660 : memref<1024xf32, #tpu.memory_space<hbm>>) dst(%dma_wait3A_658 : memref<1024xf32, #tpu.memory_space<vmem>>)
        %dma_wait3A_661 = arith.constant 0 : i32
        %dma_wait3A_662 = arith.constant 0 : i32
        %dma_wait3A_663 = tpu.memref_slice %arg7[%dma_wait3A_661, %dma_wait3A_662] : memref<2x1024xf32, #tpu.memory_space<vmem>> -> memref<1x1024xf32, #tpu.memory_space<vmem>>
        %dma_wait3A_664 = tpu.memref_squeeze %dma_wait3A_663 : memref<1x1024xf32, #tpu.memory_space<vmem>> -> memref<1024xf32, #tpu.memory_space<vmem>>
        %dma_wait3A_665 = arith.constant 0 : i32
        %dma_wait3A_666 = tpu.memref_slice %arg3[%dma_wait3A_665] : memref<1048576xf32, #tpu.memory_space<hbm>> -> memref<1024xf32, #tpu.memory_space<hbm>>
        %dma_wait3A_667 = arith.constant 0 : i32
        %dma_wait3A_668 = tpu.memref_slice %arg7[%dma_wait3A_661, %dma_wait3A_667] : memref<2x1024xf32, #tpu.memory_space<vmem>> -> memref<1x1024xf32, #tpu.memory_space<vmem>>
        %dma_wait3A_669 = tpu.memref_squeeze %dma_wait3A_668 : memref<1x1024xf32, #tpu.memory_space<vmem>> -> memref<1024xf32, #tpu.memory_space<vmem>>
        %dma_wait3A_670 = arith.constant 0 : i32
        %dma_wait3A_671 = tpu.memref_slice %arg3[%dma_wait3A_670] : memref<1048576xf32, #tpu.memory_space<hbm>> -> memref<1024xf32, #tpu.memory_space<hbm>>
        tpu.wait_dma2 semaphore(%arg19 : memref<!tpu.dma_semaphore, #tpu.memory_space<semaphore_mem>>) src(%dma_wait3A_671 : memref<1024xf32, #tpu.memory_space<hbm>>) dst(%dma_wait3A_669 : memref<1024xf32, #tpu.memory_space<vmem>>)
        %parallel_loop3A_672 = arith.constant 0 : i32
        %parallel_loop3A_673 = arith.constant 64 : i32
        %parallel_loop3A_674 = arith.constant 1 : i32
        scf.for %parallel_loop3A_874 = %parallel_loop3A_672 to %parallel_loop3A_673 step %parallel_loop3A_674  : i32 {
          %parallel_loop3A_875 = arith.constant 16 : i32
          %parallel_loop3A_876 = arith.muli %parallel_loop3A_874, %parallel_loop3A_875 : i32
          %parallel_loop3A_877 = arith.constant 0 : i32
          %parallel_loop3A_878 = arith.index_cast %parallel_loop3A_877 : i32 to index
          %parallel_loop3A_879 = arith.index_cast %parallel_loop3A_876 : i32 to index
          %parallel_loop3A_880 = tpu.vector_load %arg6[%parallel_loop3A_878, %parallel_loop3A_879] {strides = array<i32>} : memref<2x1024xf32, #tpu.memory_space<vmem>>, vector<16xf32>,
          %parallel_loop3A_881 = arith.constant 2.047000e+03 : f32
          %parallel_loop3A_882 = vector.broadcast %parallel_loop3A_881 : f32 to vector<16xf32>
          %parallel_loop3A_883 = arith.mulf %parallel_loop3A_880, %parallel_loop3A_882 : vector<16xf32>
          %parallel_loop3A_884 = arith.fptosi %parallel_loop3A_883 : vector<16xf32> to vector<16xi32>
          %parallel_loop3A_885 = arith.constant 0 : i32
          %parallel_loop3A_886 = vector.broadcast %parallel_loop3A_885 : i32 to vector<16xi32>
          %parallel_loop3A_887 = arith.maxsi %parallel_loop3A_884, %parallel_loop3A_886 : vector<16xi32>
          %parallel_loop3A_888 = arith.constant 2046 : i32
          %parallel_loop3A_889 = vector.broadcast %parallel_loop3A_888 : i32 to vector<16xi32>
          %parallel_loop3A_890 = arith.minsi %parallel_loop3A_887, %parallel_loop3A_889 : vector<16xi32>
          %parallel_loop3A_891 = arith.sitofp %parallel_loop3A_890 : vector<16xi32> to vector<16xf32>
          %parallel_loop3A_892 = arith.subf %parallel_loop3A_883, %parallel_loop3A_891 : vector<16xf32>
          %parallel_loop3A_893 = arith.constant 0 : i32
          %parallel_loop3A_894 = arith.index_cast %parallel_loop3A_893 : i32 to index
          %parallel_loop3A_895 = arith.index_cast %parallel_loop3A_876 : i32 to index
          %parallel_loop3A_896 = tpu.vector_load %arg7[%parallel_loop3A_894, %parallel_loop3A_895] {strides = array<i32>} : memref<2x1024xf32, #tpu.memory_space<vmem>>, vector<16xf32>,
          %parallel_loop3A_897 = arith.constant 2.047000e+03 : f32
          %parallel_loop3A_898 = vector.broadcast %parallel_loop3A_897 : f32 to vector<16xf32>
          %parallel_loop3A_899 = arith.mulf %parallel_loop3A_896, %parallel_loop3A_898 : vector<16xf32>
          %parallel_loop3A_900 = arith.fptosi %parallel_loop3A_899 : vector<16xf32> to vector<16xi32>
          %parallel_loop3A_901 = arith.constant 0 : i32
          %parallel_loop3A_902 = vector.broadcast %parallel_loop3A_901 : i32 to vector<16xi32>
          %parallel_loop3A_903 = arith.maxsi %parallel_loop3A_900, %parallel_loop3A_902 : vector<16xi32>
          %parallel_loop3A_904 = arith.constant 2046 : i32
          %parallel_loop3A_905 = vector.broadcast %parallel_loop3A_904 : i32 to vector<16xi32>
          %parallel_loop3A_906 = arith.minsi %parallel_loop3A_903, %parallel_loop3A_905 : vector<16xi32>
          %parallel_loop3A_907 = arith.sitofp %parallel_loop3A_906 : vector<16xi32> to vector<16xf32>
          %parallel_loop3A_908 = arith.subf %parallel_loop3A_899, %parallel_loop3A_907 : vector<16xf32>
          %parallel_loop3A_909 = arith.constant 0 : i32
          %parallel_loop3A_910 = arith.index_cast %parallel_loop3A_909 : i32 to index
          %parallel_loop3A_911 = arith.index_cast %parallel_loop3A_876 : i32 to index
          %parallel_loop3A_912 = tpu.vector_load %arg8[%parallel_loop3A_910, %parallel_loop3A_911] {strides = array<i32>} : memref<2x1024xf32, #tpu.memory_space<vmem>>, vector<16xf32>,
          tpu.vector_store %arg8[%parallel_loop3A_910, %parallel_loop3A_911], %parallel_loop3A_892 {strides = array<i32>} : memref<2x1024xf32, #tpu.memory_space<vmem>>, vector<16xf32>,
          %parallel_loop3A_913 = arith.constant 0 : i32
          %parallel_loop3A_914 = arith.index_cast %parallel_loop3A_913 : i32 to index
          %parallel_loop3A_915 = arith.index_cast %parallel_loop3A_876 : i32 to index
          %parallel_loop3A_916 = tpu.vector_load %arg9[%parallel_loop3A_914, %parallel_loop3A_915] {strides = array<i32>} : memref<2x1024xf32, #tpu.memory_space<vmem>>, vector<16xf32>,
          tpu.vector_store %arg9[%parallel_loop3A_914, %parallel_loop3A_915], %parallel_loop3A_908 {strides = array<i32>} : memref<2x1024xf32, #tpu.memory_space<vmem>>, vector<16xf32>,
          %parallel_loop3A_917 = arith.constant 2048 : i32
          %parallel_loop3A_918 = vector.broadcast %parallel_loop3A_917 : i32 to vector<16xi32>
          %parallel_loop3A_919 = arith.muli %parallel_loop3A_906, %parallel_loop3A_918 : vector<16xi32>
          %parallel_loop3A_920 = arith.addi %parallel_loop3A_919, %parallel_loop3A_890 : vector<16xi32>
          %parallel_loop3A_921 = arith.constant 8 : i32
          %parallel_loop3A_922 = arith.divsi %parallel_loop3A_874, %parallel_loop3A_921 : i32
          %parallel_loop3A_923 = arith.constant 0 : i32
          %parallel_loop3A_924 = arith.cmpi sgt, %parallel_loop3A_874, %parallel_loop3A_923 : i32
          %parallel_loop3A_925 = arith.extui %parallel_loop3A_924 : i1 to i32
          %parallel_loop3A_926 = arith.constant 0 : i32
          %parallel_loop3A_927 = arith.cmpi slt, %parallel_loop3A_874, %parallel_loop3A_926 : i32
          %parallel_loop3A_928 = arith.extui %parallel_loop3A_927 : i1 to i32
          %parallel_loop3A_929 = arith.subi %parallel_loop3A_925, %parallel_loop3A_928 : i32
          %parallel_loop3A_930 = arith.constant 0 : i32
          %parallel_loop3A_931 = arith.cmpi sgt, %parallel_loop3A_921, %parallel_loop3A_930 : i32
          %parallel_loop3A_932 = arith.extui %parallel_loop3A_931 : i1 to i32
          %parallel_loop3A_933 = arith.constant 0 : i32
          %parallel_loop3A_934 = arith.cmpi slt, %parallel_loop3A_921, %parallel_loop3A_933 : i32
          %parallel_loop3A_935 = arith.extui %parallel_loop3A_934 : i1 to i32
          %parallel_loop3A_936 = arith.subi %parallel_loop3A_932, %parallel_loop3A_935 : i32
          %parallel_loop3A_937 = arith.cmpi ne, %parallel_loop3A_929, %parallel_loop3A_936 : i32
          %parallel_loop3A_938 = arith.remsi %parallel_loop3A_874, %parallel_loop3A_921 : i32
          %parallel_loop3A_939 = arith.constant 0 : i32
          %parallel_loop3A_940 = arith.cmpi ne, %parallel_loop3A_938, %parallel_loop3A_939 : i32
          %parallel_loop3A_941 = arith.andi %parallel_loop3A_937, %parallel_loop3A_940 : i1
          %parallel_loop3A_942 = arith.constant 1 : i32
          %parallel_loop3A_943 = arith.subi %parallel_loop3A_922, %parallel_loop3A_942 : i32
          %parallel_loop3A_944 = arith.select %parallel_loop3A_941, %parallel_loop3A_943, %parallel_loop3A_922 : i32
          %parallel_loop3A_945 = arith.constant 8 : i32
          %parallel_loop3A_946 = arith.constant 0 : i32
          %parallel_loop3A_947 = arith.cmpi eq, %parallel_loop3A_945, %parallel_loop3A_946 : i32
          %parallel_loop3A_948 = arith.constant 1 : i32
          %parallel_loop3A_949 = arith.select %parallel_loop3A_947, %parallel_loop3A_948, %parallel_loop3A_945 : i32
          %parallel_loop3A_950 = arith.remsi %parallel_loop3A_874, %parallel_loop3A_949 : i32
          %parallel_loop3A_951 = arith.constant 0 : i32
          %parallel_loop3A_952 = arith.cmpi ne, %parallel_loop3A_950, %parallel_loop3A_951 : i32
          %parallel_loop3A_953 = arith.constant 0 : i32
          %parallel_loop3A_954 = arith.cmpi slt, %parallel_loop3A_950, %parallel_loop3A_953 : i32
          %parallel_loop3A_955 = arith.constant 0 : i32
          %parallel_loop3A_956 = arith.cmpi slt, %parallel_loop3A_949, %parallel_loop3A_955 : i32
          %parallel_loop3A_957 = arith.xori %parallel_loop3A_954, %parallel_loop3A_956 : i1
          %parallel_loop3A_958 = arith.andi %parallel_loop3A_957, %parallel_loop3A_952 : i1
          %parallel_loop3A_959 = arith.addi %parallel_loop3A_950, %parallel_loop3A_949 : i32
          %parallel_loop3A_960 = arith.select %parallel_loop3A_958, %parallel_loop3A_959, %parallel_loop3A_950 : i32
          %parallel_loop3A_961 = arith.constant 16 : i32
          %parallel_loop3A_962 = arith.muli %parallel_loop3A_960, %parallel_loop3A_961 : i32
          %parallel_loop3A_963 = arith.constant 0 : i32
          %parallel_loop3A_964 = arith.constant 0 : i32
          %parallel_loop3A_965 = arith.index_cast %parallel_loop3A_963 : i32 to index
          %parallel_loop3A_966 = arith.index_cast %parallel_loop3A_964 : i32 to index
          %parallel_loop3A_967 = arith.index_cast %parallel_loop3A_944 : i32 to index
          %parallel_loop3A_968 = arith.index_cast %parallel_loop3A_962 : i32 to index
          %parallel_loop3A_969 = tpu.vector_load %arg10[%parallel_loop3A_965, %parallel_loop3A_966, %parallel_loop3A_967, %parallel_loop3A_968] {strides = array<i32>} : memref<2x2x8x128xi32, #tpu.memory_space<vmem>>, vector<16xi32>,
          tpu.vector_store %arg10[%parallel_loop3A_965, %parallel_loop3A_966, %parallel_loop3A_967, %parallel_loop3A_968], %parallel_loop3A_920 {strides = array<i32>} : memref<2x2x8x128xi32, #tpu.memory_space<vmem>>, vector<16xi32>,
          %parallel_loop3A_970 = arith.constant 1 : i32
          %parallel_loop3A_971 = vector.broadcast %parallel_loop3A_970 : i32 to vector<16xi32>
          %parallel_loop3A_972 = arith.addi %parallel_loop3A_920, %parallel_loop3A_971 : vector<16xi32>
          %parallel_loop3A_973 = arith.constant 0 : i32
          %parallel_loop3A_974 = arith.constant 1 : i32
          %parallel_loop3A_975 = arith.index_cast %parallel_loop3A_973 : i32 to index
          %parallel_loop3A_976 = arith.index_cast %parallel_loop3A_974 : i32 to index
          %parallel_loop3A_977 = arith.index_cast %parallel_loop3A_944 : i32 to index
          %parallel_loop3A_978 = arith.index_cast %parallel_loop3A_962 : i32 to index
          %parallel_loop3A_979 = tpu.vector_load %arg10[%parallel_loop3A_975, %parallel_loop3A_976, %parallel_loop3A_977, %parallel_loop3A_978] {strides = array<i32>} : memref<2x2x8x128xi32, #tpu.memory_space<vmem>>, vector<16xi32>,
          tpu.vector_store %arg10[%parallel_loop3A_975, %parallel_loop3A_976, %parallel_loop3A_977, %parallel_loop3A_978], %parallel_loop3A_972 {strides = array<i32>} : memref<2x2x8x128xi32, #tpu.memory_space<vmem>>, vector<16xi32>,
        } {sc.loop_unroll_factor = 2 : i64, sc.parallel_access}
        %add3A_675 = arith.constant 2 : i32
        %add3A_676 = arith.addi %add3A_649, %add3A_675 : i32
        %lt3A_677 = arith.constant 32 : i32
        %lt3A_678 = arith.cmpi slt, %add3A_676, %lt3A_677 : i32
        %convert_element_type3A_679 = arith.extui %lt3A_678 : i1 to i32
        %cond3A_680 = arith.constant 0 : i32
        %cond3A_681 = arith.cmpi ne, %convert_element_type3A_679, %cond3A_680 : i32
        scf.if %cond3A_681 {
          %add3A_874 = arith.constant 2 : i32
          %add3A_875 = arith.addi %add3A_649, %add3A_874 : i32
          %mul3A_876 = arith.constant 1024 : i32
          %mul3A_877 = arith.muli %add3A_875, %mul3A_876 : i32
          %add3A_878 = arith.addi %mul3A_2, %mul3A_877 : i32
          %dma_start3A_879 = arith.constant 0 : i32
          %dma_start3A_880 = arith.constant 0 : i32
          %dma_start3A_881 = tpu.memref_slice %arg6[%dma_start3A_879, %dma_start3A_880] : memref<2x1024xf32, #tpu.memory_space<vmem>> -> memref<1x1024xf32, #tpu.memory_space<vmem>>
          %dma_start3A_882 = tpu.memref_squeeze %dma_start3A_881 : memref<1x1024xf32, #tpu.memory_space<vmem>> -> memref<1024xf32, #tpu.memory_space<vmem>>
          %dma_start3A_883 = tpu.memref_slice %arg2[%add3A_878] : memref<1048576xf32, #tpu.memory_space<hbm>> -> memref<1024xf32, #tpu.memory_space<hbm>>
          %dma_start3A_884 = arith.constant 0 : i32
          %dma_start3A_885 = tpu.memref_slice %arg6[%dma_start3A_879, %dma_start3A_884] : memref<2x1024xf32, #tpu.memory_space<vmem>> -> memref<1x1024xf32, #tpu.memory_space<vmem>>
          %dma_start3A_886 = tpu.memref_squeeze %dma_start3A_885 : memref<1x1024xf32, #tpu.memory_space<vmem>> -> memref<1024xf32, #tpu.memory_space<vmem>>
          %dma_start3A_887 = tpu.memref_slice %arg2[%add3A_878] : memref<1048576xf32, #tpu.memory_space<hbm>> -> memref<1024xf32, #tpu.memory_space<hbm>>
          tpu.enqueue_dma source(%dma_start3A_887 : memref<1024xf32, #tpu.memory_space<hbm>>) target(%dma_start3A_886 : memref<1024xf32, #tpu.memory_space<vmem>>) target_semaphore(%arg19 : memref<!tpu.dma_semaphore, #tpu.memory_space<semaphore_mem>>)
          %dma_start3A_888 = arith.constant 0 : i32
          %dma_start3A_889 = arith.constant 0 : i32
          %dma_start3A_890 = tpu.memref_slice %arg7[%dma_start3A_888, %dma_start3A_889] : memref<2x1024xf32, #tpu.memory_space<vmem>> -> memref<1x1024xf32, #tpu.memory_space<vmem>>
          %dma_start3A_891 = tpu.memref_squeeze %dma_start3A_890 : memref<1x1024xf32, #tpu.memory_space<vmem>> -> memref<1024xf32, #tpu.memory_space<vmem>>
          %dma_start3A_892 = tpu.memref_slice %arg3[%add3A_878] : memref<1048576xf32, #tpu.memory_space<hbm>> -> memref<1024xf32, #tpu.memory_space<hbm>>
          %dma_start3A_893 = arith.constant 0 : i32
          %dma_start3A_894 = tpu.memref_slice %arg7[%dma_start3A_888, %dma_start3A_893] : memref<2x1024xf32, #tpu.memory_space<vmem>> -> memref<1x1024xf32, #tpu.memory_space<vmem>>
          %dma_start3A_895 = tpu.memref_squeeze %dma_start3A_894 : memref<1x1024xf32, #tpu.memory_space<vmem>> -> memref<1024xf32, #tpu.memory_space<vmem>>
          %dma_start3A_896 = tpu.memref_slice %arg3[%add3A_878] : memref<1048576xf32, #tpu.memory_space<hbm>> -> memref<1024xf32, #tpu.memory_space<hbm>>
          tpu.enqueue_dma source(%dma_start3A_896 : memref<1024xf32, #tpu.memory_space<hbm>>) target(%dma_start3A_895 : memref<1024xf32, #tpu.memory_space<vmem>>) target_semaphore(%arg19 : memref<!tpu.dma_semaphore, #tpu.memory_space<semaphore_mem>>)
        } else {
        }
        %dma_start3A_682 = arith.constant 0 : i32
        %dma_start3A_683 = arith.constant 0 : i32
        %dma_start3A_684 = arith.constant 0 : i32
        %dma_start3A_685 = arith.constant 0 : i32
        %dma_start3A_686 = arith.constant 0 : i32
        %dma_start3A_687 = tpu.memref_slice %arg11[%dma_start3A_685, %dma_start3A_686] : memref<1024x8xf32, #tpu.memory_space<vmem>> -> memref<128x8xf32, #tpu.memory_space<vmem>>
        %dma_start3A_688 = arith.constant 0 : i32
        %dma_start3A_689 = tpu.memref_slice %arg10[%dma_start3A_682, %dma_start3A_683, %dma_start3A_684, %dma_start3A_688] : memref<2x2x8x128xi32, #tpu.memory_space<vmem>> -> memref<1x1x1x128xi32, #tpu.memory_space<vmem>>
        %dma_start3A_690 = tpu.memref_squeeze %dma_start3A_689 : memref<1x1x1x128xi32, #tpu.memory_space<vmem>> -> memref<128xi32, #tpu.memory_space<vmem>>
        %dma_start3A_691 = arith.constant 0 : i32
        %dma_start3A_692 = arith.constant 0 : i32
        %dma_start3A_693 = tpu.memref_slice %arg4[%dma_start3A_691, %dma_start3A_692] : memref<4194304x8xf32, #tpu.memory_space<hbm>> -> memref<4194304x8xf32, #tpu.memory_space<hbm>>
        tpu.enqueue_indirect_dma source(%dma_start3A_693 : memref<4194304x8xf32, #tpu.memory_space<hbm>>) target(%dma_start3A_687 : memref<128x8xf32, #tpu.memory_space<vmem>>) offsets(%dma_start3A_690 : memref<128xi32, #tpu.memory_space<vmem>>) semaphore(%arg17 : memref<!tpu.dma_semaphore, #tpu.memory_space<semaphore_mem>>)
        %dma_start3A_694 = arith.constant 0 : i32
        %dma_start3A_695 = arith.constant 1 : i32
        %dma_start3A_696 = arith.constant 0 : i32
        %dma_start3A_697 = arith.constant 0 : i32
        %dma_start3A_698 = arith.constant 0 : i32
        %dma_start3A_699 = tpu.memref_slice %arg12[%dma_start3A_697, %dma_start3A_698] : memref<1024x8xf32, #tpu.memory_space<vmem>> -> memref<128x8xf32, #tpu.memory_space<vmem>>
        %dma_start3A_700 = arith.constant 0 : i32
        %dma_start3A_701 = tpu.memref_slice %arg10[%dma_start3A_694, %dma_start3A_695, %dma_start3A_696, %dma_start3A_700] : memref<2x2x8x128xi32, #tpu.memory_space<vmem>> -> memref<1x1x1x128xi32, #tpu.memory_space<vmem>>
        %dma_start3A_702 = tpu.memref_squeeze %dma_start3A_701 : memref<1x1x1x128xi32, #tpu.memory_space<vmem>> -> memref<128xi32, #tpu.memory_space<vmem>>
        %dma_start3A_703 = arith.constant 0 : i32
        %dma_start3A_704 = arith.constant 0 : i32
        %dma_start3A_705 = tpu.memref_slice %arg4[%dma_start3A_703, %dma_start3A_704] : memref<4194304x8xf32, #tpu.memory_space<hbm>> -> memref<4194304x8xf32, #tpu.memory_space<hbm>>
        tpu.enqueue_indirect_dma source(%dma_start3A_705 : memref<4194304x8xf32, #tpu.memory_space<hbm>>) target(%dma_start3A_699 : memref<128x8xf32, #tpu.memory_space<vmem>>) offsets(%dma_start3A_702 : memref<128xi32, #tpu.memory_space<vmem>>) semaphore(%arg17 : memref<!tpu.dma_semaphore, #tpu.memory_space<semaphore_mem>>)
        %dma_start3A_706 = arith.constant 0 : i32
        %dma_start3A_707 = arith.constant 0 : i32
        %dma_start3A_708 = arith.constant 1 : i32
        %dma_start3A_709 = arith.constant 128 : i32
        %dma_start3A_710 = arith.constant 0 : i32
        %dma_start3A_711 = tpu.memref_slice %arg11[%dma_start3A_709, %dma_start3A_710] : memref<1024x8xf32, #tpu.memory_space<vmem>> -> memref<128x8xf32, #tpu.memory_space<vmem>>
        %dma_start3A_712 = arith.constant 0 : i32
        %dma_start3A_713 = tpu.memref_slice %arg10[%dma_start3A_706, %dma_start3A_707, %dma_start3A_708, %dma_start3A_712] : memref<2x2x8x128xi32, #tpu.memory_space<vmem>> -> memref<1x1x1x128xi32, #tpu.memory_space<vmem>>
        %dma_start3A_714 = tpu.memref_squeeze %dma_start3A_713 : memref<1x1x1x128xi32, #tpu.memory_space<vmem>> -> memref<128xi32, #tpu.memory_space<vmem>>
        %dma_start3A_715 = arith.constant 0 : i32
        %dma_start3A_716 = arith.constant 0 : i32
        %dma_start3A_717 = tpu.memref_slice %arg4[%dma_start3A_715, %dma_start3A_716] : memref<4194304x8xf32, #tpu.memory_space<hbm>> -> memref<4194304x8xf32, #tpu.memory_space<hbm>>
        tpu.enqueue_indirect_dma source(%dma_start3A_717 : memref<4194304x8xf32, #tpu.memory_space<hbm>>) target(%dma_start3A_711 : memref<128x8xf32, #tpu.memory_space<vmem>>) offsets(%dma_start3A_714 : memref<128xi32, #tpu.memory_space<vmem>>) semaphore(%arg17 : memref<!tpu.dma_semaphore, #tpu.memory_space<semaphore_mem>>)
        %dma_start3A_718 = arith.constant 0 : i32
        %dma_start3A_719 = arith.constant 1 : i32
        %dma_start3A_720 = arith.constant 1 : i32
        %dma_start3A_721 = arith.constant 128 : i32
        %dma_start3A_722 = arith.constant 0 : i32
        %dma_start3A_723 = tpu.memref_slice %arg12[%dma_start3A_721, %dma_start3A_722] : memref<1024x8xf32, #tpu.memory_space<vmem>> -> memref<128x8xf32, #tpu.memory_space<vmem>>
        %dma_start3A_724 = arith.constant 0 : i32
        %dma_start3A_725 = tpu.memref_slice %arg10[%dma_start3A_718, %dma_start3A_719, %dma_start3A_720, %dma_start3A_724] : memref<2x2x8x128xi32, #tpu.memory_space<vmem>> -> memref<1x1x1x128xi32, #tpu.memory_space<vmem>>
        %dma_start3A_726 = tpu.memref_squeeze %dma_start3A_725 : memref<1x1x1x128xi32, #tpu.memory_space<vmem>> -> memref<128xi32, #tpu.memory_space<vmem>>
        %dma_start3A_727 = arith.constant 0 : i32
        %dma_start3A_728 = arith.constant 0 : i32
        %dma_start3A_729 = tpu.memref_slice %arg4[%dma_start3A_727, %dma_start3A_728] : memref<4194304x8xf32, #tpu.memory_space<hbm>> -> memref<4194304x8xf32, #tpu.memory_space<hbm>>
        tpu.enqueue_indirect_dma source(%dma_start3A_729 : memref<4194304x8xf32, #tpu.memory_space<hbm>>) target(%dma_start3A_723 : memref<128x8xf32, #tpu.memory_space<vmem>>) offsets(%dma_start3A_726 : memref<128xi32, #tpu.memory_space<vmem>>) semaphore(%arg17 : memref<!tpu.dma_semaphore, #tpu.memory_space<semaphore_mem>>)
        %dma_start3A_730 = arith.constant 0 : i32
        %dma_start3A_731 = arith.constant 0 : i32
        %dma_start3A_732 = arith.constant 2 : i32
        %dma_start3A_733 = arith.constant 256 : i32
        %dma_start3A_734 = arith.constant 0 : i32
        %dma_start3A_735 = tpu.memref_slice %arg11[%dma_start3A_733, %dma_start3A_734] : memref<1024x8xf32, #tpu.memory_space<vmem>> -> memref<128x8xf32, #tpu.memory_space<vmem>>
        %dma_start3A_736 = arith.constant 0 : i32
        %dma_start3A_737 = tpu.memref_slice %arg10[%dma_start3A_730, %dma_start3A_731, %dma_start3A_732, %dma_start3A_736] : memref<2x2x8x128xi32, #tpu.memory_space<vmem>> -> memref<1x1x1x128xi32, #tpu.memory_space<vmem>>
        %dma_start3A_738 = tpu.memref_squeeze %dma_start3A_737 : memref<1x1x1x128xi32, #tpu.memory_space<vmem>> -> memref<128xi32, #tpu.memory_space<vmem>>
        %dma_start3A_739 = arith.constant 0 : i32
        %dma_start3A_740 = arith.constant 0 : i32
        %dma_start3A_741 = tpu.memref_slice %arg4[%dma_start3A_739, %dma_start3A_740] : memref<4194304x8xf32, #tpu.memory_space<hbm>> -> memref<4194304x8xf32, #tpu.memory_space<hbm>>
        tpu.enqueue_indirect_dma source(%dma_start3A_741 : memref<4194304x8xf32, #tpu.memory_space<hbm>>) target(%dma_start3A_735 : memref<128x8xf32, #tpu.memory_space<vmem>>) offsets(%dma_start3A_738 : memref<128xi32, #tpu.memory_space<vmem>>) semaphore(%arg17 : memref<!tpu.dma_semaphore, #tpu.memory_space<semaphore_mem>>)
        %dma_start3A_742 = arith.constant 0 : i32
        %dma_start3A_743 = arith.constant 1 : i32
        %dma_start3A_744 = arith.constant 2 : i32
        %dma_start3A_745 = arith.constant 256 : i32
        %dma_start3A_746 = arith.constant 0 : i32
        %dma_start3A_747 = tpu.memref_slice %arg12[%dma_start3A_745, %dma_start3A_746] : memref<1024x8xf32, #tpu.memory_space<vmem>> -> memref<128x8xf32, #tpu.memory_space<vmem>>
        %dma_start3A_748 = arith.constant 0 : i32
        %dma_start3A_749 = tpu.memref_slice %arg10[%dma_start3A_742, %dma_start3A_743, %dma_start3A_744, %dma_start3A_748] : memref<2x2x8x128xi32, #tpu.memory_space<vmem>> -> memref<1x1x1x128xi32, #tpu.memory_space<vmem>>
        %dma_start3A_750 = tpu.memref_squeeze %dma_start3A_749 : memref<1x1x1x128xi32, #tpu.memory_space<vmem>> -> memref<128xi32, #tpu.memory_space<vmem>>
        %dma_start3A_751 = arith.constant 0 : i32
        %dma_start3A_752 = arith.constant 0 : i32
        %dma_start3A_753 = tpu.memref_slice %arg4[%dma_start3A_751, %dma_start3A_752] : memref<4194304x8xf32, #tpu.memory_space<hbm>> -> memref<4194304x8xf32, #tpu.memory_space<hbm>>
        tpu.enqueue_indirect_dma source(%dma_start3A_753 : memref<4194304x8xf32, #tpu.memory_space<hbm>>) target(%dma_start3A_747 : memref<128x8xf32, #tpu.memory_space<vmem>>) offsets(%dma_start3A_750 : memref<128xi32, #tpu.memory_space<vmem>>) semaphore(%arg17 : memref<!tpu.dma_semaphore, #tpu.memory_space<semaphore_mem>>)
        %dma_start3A_754 = arith.constant 0 : i32
        %dma_start3A_755 = arith.constant 0 : i32
        %dma_start3A_756 = arith.constant 3 : i32
        %dma_start3A_757 = arith.constant 384 : i32
        %dma_start3A_758 = arith.constant 0 : i32
        %dma_start3A_759 = tpu.memref_slice %arg11[%dma_start3A_757, %dma_start3A_758] : memref<1024x8xf32, #tpu.memory_space<vmem>> -> memref<128x8xf32, #tpu.memory_space<vmem>>
        %dma_start3A_760 = arith.constant 0 : i32
        %dma_start3A_761 = tpu.memref_slice %arg10[%dma_start3A_754, %dma_start3A_755, %dma_start3A_756, %dma_start3A_760] : memref<2x2x8x128xi32, #tpu.memory_space<vmem>> -> memref<1x1x1x128xi32, #tpu.memory_space<vmem>>
        %dma_start3A_762 = tpu.memref_squeeze %dma_start3A_761 : memref<1x1x1x128xi32, #tpu.memory_space<vmem>> -> memref<128xi32, #tpu.memory_space<vmem>>
        %dma_start3A_763 = arith.constant 0 : i32
        %dma_start3A_764 = arith.constant 0 : i32
        %dma_start3A_765 = tpu.memref_slice %arg4[%dma_start3A_763, %dma_start3A_764] : memref<4194304x8xf32, #tpu.memory_space<hbm>> -> memref<4194304x8xf32, #tpu.memory_space<hbm>>
        tpu.enqueue_indirect_dma source(%dma_start3A_765 : memref<4194304x8xf32, #tpu.memory_space<hbm>>) target(%dma_start3A_759 : memref<128x8xf32, #tpu.memory_space<vmem>>) offsets(%dma_start3A_762 : memref<128xi32, #tpu.memory_space<vmem>>) semaphore(%arg17 : memref<!tpu.dma_semaphore, #tpu.memory_space<semaphore_mem>>)
        %dma_start3A_766 = arith.constant 0 : i32
        %dma_start3A_767 = arith.constant 1 : i32
        %dma_start3A_768 = arith.constant 3 : i32
        %dma_start3A_769 = arith.constant 384 : i32
        %dma_start3A_770 = arith.constant 0 : i32
        %dma_start3A_771 = tpu.memref_slice %arg12[%dma_start3A_769, %dma_start3A_770] : memref<1024x8xf32, #tpu.memory_space<vmem>> -> memref<128x8xf32, #tpu.memory_space<vmem>>
        %dma_start3A_772 = arith.constant 0 : i32
        %dma_start3A_773 = tpu.memref_slice %arg10[%dma_start3A_766, %dma_start3A_767, %dma_start3A_768, %dma_start3A_772] : memref<2x2x8x128xi32, #tpu.memory_space<vmem>> -> memref<1x1x1x128xi32, #tpu.memory_space<vmem>>
        %dma_start3A_774 = tpu.memref_squeeze %dma_start3A_773 : memref<1x1x1x128xi32, #tpu.memory_space<vmem>> -> memref<128xi32, #tpu.memory_space<vmem>>
        %dma_start3A_775 = arith.constant 0 : i32
        %dma_start3A_776 = arith.constant 0 : i32
        %dma_start3A_777 = tpu.memref_slice %arg4[%dma_start3A_775, %dma_start3A_776] : memref<4194304x8xf32, #tpu.memory_space<hbm>> -> memref<4194304x8xf32, #tpu.memory_space<hbm>>
        tpu.enqueue_indirect_dma source(%dma_start3A_777 : memref<4194304x8xf32, #tpu.memory_space<hbm>>) target(%dma_start3A_771 : memref<128x8xf32, #tpu.memory_space<vmem>>) offsets(%dma_start3A_774 : memref<128xi32, #tpu.memory_space<vmem>>) semaphore(%arg17 : memref<!tpu.dma_semaphore, #tpu.memory_space<semaphore_mem>>)
        %dma_start3A_778 = arith.constant 0 : i32
        %dma_start3A_779 = arith.constant 0 : i32
        %dma_start3A_780 = arith.constant 4 : i32
        %dma_start3A_781 = arith.constant 512 : i32
        %dma_start3A_782 = arith.constant 0 : i32
        %dma_start3A_783 = tpu.memref_slice %arg11[%dma_start3A_781, %dma_start3A_782] : memref<1024x8xf32, #tpu.memory_space<vmem>> -> memref<128x8xf32, #tpu.memory_space<vmem>>
        %dma_start3A_784 = arith.constant 0 : i32
        %dma_start3A_785 = tpu.memref_slice %arg10[%dma_start3A_778, %dma_start3A_779, %dma_start3A_780, %dma_start3A_784] : memref<2x2x8x128xi32, #tpu.memory_space<vmem>> -> memref<1x1x1x128xi32, #tpu.memory_space<vmem>>
        %dma_start3A_786 = tpu.memref_squeeze %dma_start3A_785 : memref<1x1x1x128xi32, #tpu.memory_space<vmem>> -> memref<128xi32, #tpu.memory_space<vmem>>
        %dma_start3A_787 = arith.constant 0 : i32
        %dma_start3A_788 = arith.constant 0 : i32
        %dma_start3A_789 = tpu.memref_slice %arg4[%dma_start3A_787, %dma_start3A_788] : memref<4194304x8xf32, #tpu.memory_space<hbm>> -> memref<4194304x8xf32, #tpu.memory_space<hbm>>
        tpu.enqueue_indirect_dma source(%dma_start3A_789 : memref<4194304x8xf32, #tpu.memory_space<hbm>>) target(%dma_start3A_783 : memref<128x8xf32, #tpu.memory_space<vmem>>) offsets(%dma_start3A_786 : memref<128xi32, #tpu.memory_space<vmem>>) semaphore(%arg17 : memref<!tpu.dma_semaphore, #tpu.memory_space<semaphore_mem>>)
        %dma_start3A_790 = arith.constant 0 : i32
        %dma_start3A_791 = arith.constant 1 : i32
        %dma_start3A_792 = arith.constant 4 : i32
        %dma_start3A_793 = arith.constant 512 : i32
        %dma_start3A_794 = arith.constant 0 : i32
        %dma_start3A_795 = tpu.memref_slice %arg12[%dma_start3A_793, %dma_start3A_794] : memref<1024x8xf32, #tpu.memory_space<vmem>> -> memref<128x8xf32, #tpu.memory_space<vmem>>
        %dma_start3A_796 = arith.constant 0 : i32
        %dma_start3A_797 = tpu.memref_slice %arg10[%dma_start3A_790, %dma_start3A_791, %dma_start3A_792, %dma_start3A_796] : memref<2x2x8x128xi32, #tpu.memory_space<vmem>> -> memref<1x1x1x128xi32, #tpu.memory_space<vmem>>
        %dma_start3A_798 = tpu.memref_squeeze %dma_start3A_797 : memref<1x1x1x128xi32, #tpu.memory_space<vmem>> -> memref<128xi32, #tpu.memory_space<vmem>>
        %dma_start3A_799 = arith.constant 0 : i32
        %dma_start3A_800 = arith.constant 0 : i32
        %dma_start3A_801 = tpu.memref_slice %arg4[%dma_start3A_799, %dma_start3A_800] : memref<4194304x8xf32, #tpu.memory_space<hbm>> -> memref<4194304x8xf32, #tpu.memory_space<hbm>>
        tpu.enqueue_indirect_dma source(%dma_start3A_801 : memref<4194304x8xf32, #tpu.memory_space<hbm>>) target(%dma_start3A_795 : memref<128x8xf32, #tpu.memory_space<vmem>>) offsets(%dma_start3A_798 : memref<128xi32, #tpu.memory_space<vmem>>) semaphore(%arg17 : memref<!tpu.dma_semaphore, #tpu.memory_space<semaphore_mem>>)
        %dma_start3A_802 = arith.constant 0 : i32
        %dma_start3A_803 = arith.constant 0 : i32
        %dma_start3A_804 = arith.constant 5 : i32
        %dma_start3A_805 = arith.constant 640 : i32
        %dma_start3A_806 = arith.constant 0 : i32
        %dma_start3A_807 = tpu.memref_slice %arg11[%dma_start3A_805, %dma_start3A_806] : memref<1024x8xf32, #tpu.memory_space<vmem>> -> memref<128x8xf32, #tpu.memory_space<vmem>>
        %dma_start3A_808 = arith.constant 0 : i32
        %dma_start3A_809 = tpu.memref_slice %arg10[%dma_start3A_802, %dma_start3A_803, %dma_start3A_804, %dma_start3A_808] : memref<2x2x8x128xi32, #tpu.memory_space<vmem>> -> memref<1x1x1x128xi32, #tpu.memory_space<vmem>>
        %dma_start3A_810 = tpu.memref_squeeze %dma_start3A_809 : memref<1x1x1x128xi32, #tpu.memory_space<vmem>> -> memref<128xi32, #tpu.memory_space<vmem>>
        %dma_start3A_811 = arith.constant 0 : i32
        %dma_start3A_812 = arith.constant 0 : i32
        %dma_start3A_813 = tpu.memref_slice %arg4[%dma_start3A_811, %dma_start3A_812] : memref<4194304x8xf32, #tpu.memory_space<hbm>> -> memref<4194304x8xf32, #tpu.memory_space<hbm>>
        tpu.enqueue_indirect_dma source(%dma_start3A_813 : memref<4194304x8xf32, #tpu.memory_space<hbm>>) target(%dma_start3A_807 : memref<128x8xf32, #tpu.memory_space<vmem>>) offsets(%dma_start3A_810 : memref<128xi32, #tpu.memory_space<vmem>>) semaphore(%arg17 : memref<!tpu.dma_semaphore, #tpu.memory_space<semaphore_mem>>)
        %dma_start3A_814 = arith.constant 0 : i32
        %dma_start3A_815 = arith.constant 1 : i32
        %dma_start3A_816 = arith.constant 5 : i32
        %dma_start3A_817 = arith.constant 640 : i32
        %dma_start3A_818 = arith.constant 0 : i32
        %dma_start3A_819 = tpu.memref_slice %arg12[%dma_start3A_817, %dma_start3A_818] : memref<1024x8xf32, #tpu.memory_space<vmem>> -> memref<128x8xf32, #tpu.memory_space<vmem>>
        %dma_start3A_820 = arith.constant 0 : i32
        %dma_start3A_821 = tpu.memref_slice %arg10[%dma_start3A_814, %dma_start3A_815, %dma_start3A_816, %dma_start3A_820] : memref<2x2x8x128xi32, #tpu.memory_space<vmem>> -> memref<1x1x1x128xi32, #tpu.memory_space<vmem>>
        %dma_start3A_822 = tpu.memref_squeeze %dma_start3A_821 : memref<1x1x1x128xi32, #tpu.memory_space<vmem>> -> memref<128xi32, #tpu.memory_space<vmem>>
        %dma_start3A_823 = arith.constant 0 : i32
        %dma_start3A_824 = arith.constant 0 : i32
        %dma_start3A_825 = tpu.memref_slice %arg4[%dma_start3A_823, %dma_start3A_824] : memref<4194304x8xf32, #tpu.memory_space<hbm>> -> memref<4194304x8xf32, #tpu.memory_space<hbm>>
        tpu.enqueue_indirect_dma source(%dma_start3A_825 : memref<4194304x8xf32, #tpu.memory_space<hbm>>) target(%dma_start3A_819 : memref<128x8xf32, #tpu.memory_space<vmem>>) offsets(%dma_start3A_822 : memref<128xi32, #tpu.memory_space<vmem>>) semaphore(%arg17 : memref<!tpu.dma_semaphore, #tpu.memory_space<semaphore_mem>>)
        %dma_start3A_826 = arith.constant 0 : i32
        %dma_start3A_827 = arith.constant 0 : i32
        %dma_start3A_828 = arith.constant 6 : i32
        %dma_start3A_829 = arith.constant 768 : i32
        %dma_start3A_830 = arith.constant 0 : i32
        %dma_start3A_831 = tpu.memref_slice %arg11[%dma_start3A_829, %dma_start3A_830] : memref<1024x8xf32, #tpu.memory_space<vmem>> -> memref<128x8xf32, #tpu.memory_space<vmem>>
        %dma_start3A_832 = arith.constant 0 : i32
        %dma_start3A_833 = tpu.memref_slice %arg10[%dma_start3A_826, %dma_start3A_827, %dma_start3A_828, %dma_start3A_832] : memref<2x2x8x128xi32, #tpu.memory_space<vmem>> -> memref<1x1x1x128xi32, #tpu.memory_space<vmem>>
        %dma_start3A_834 = tpu.memref_squeeze %dma_start3A_833 : memref<1x1x1x128xi32, #tpu.memory_space<vmem>> -> memref<128xi32, #tpu.memory_space<vmem>>
        %dma_start3A_835 = arith.constant 0 : i32
        %dma_start3A_836 = arith.constant 0 : i32
        %dma_start3A_837 = tpu.memref_slice %arg4[%dma_start3A_835, %dma_start3A_836] : memref<4194304x8xf32, #tpu.memory_space<hbm>> -> memref<4194304x8xf32, #tpu.memory_space<hbm>>
        tpu.enqueue_indirect_dma source(%dma_start3A_837 : memref<4194304x8xf32, #tpu.memory_space<hbm>>) target(%dma_start3A_831 : memref<128x8xf32, #tpu.memory_space<vmem>>) offsets(%dma_start3A_834 : memref<128xi32, #tpu.memory_space<vmem>>) semaphore(%arg17 : memref<!tpu.dma_semaphore, #tpu.memory_space<semaphore_mem>>)
        %dma_start3A_838 = arith.constant 0 : i32
        %dma_start3A_839 = arith.constant 1 : i32
        %dma_start3A_840 = arith.constant 6 : i32
        %dma_start3A_841 = arith.constant 768 : i32
        %dma_start3A_842 = arith.constant 0 : i32
        %dma_start3A_843 = tpu.memref_slice %arg12[%dma_start3A_841, %dma_start3A_842] : memref<1024x8xf32, #tpu.memory_space<vmem>> -> memref<128x8xf32, #tpu.memory_space<vmem>>
        %dma_start3A_844 = arith.constant 0 : i32
        %dma_start3A_845 = tpu.memref_slice %arg10[%dma_start3A_838, %dma_start3A_839, %dma_start3A_840, %dma_start3A_844] : memref<2x2x8x128xi32, #tpu.memory_space<vmem>> -> memref<1x1x1x128xi32, #tpu.memory_space<vmem>>
        %dma_start3A_846 = tpu.memref_squeeze %dma_start3A_845 : memref<1x1x1x128xi32, #tpu.memory_space<vmem>> -> memref<128xi32, #tpu.memory_space<vmem>>
        %dma_start3A_847 = arith.constant 0 : i32
        %dma_start3A_848 = arith.constant 0 : i32
        %dma_start3A_849 = tpu.memref_slice %arg4[%dma_start3A_847, %dma_start3A_848] : memref<4194304x8xf32, #tpu.memory_space<hbm>> -> memref<4194304x8xf32, #tpu.memory_space<hbm>>
        tpu.enqueue_indirect_dma source(%dma_start3A_849 : memref<4194304x8xf32, #tpu.memory_space<hbm>>) target(%dma_start3A_843 : memref<128x8xf32, #tpu.memory_space<vmem>>) offsets(%dma_start3A_846 : memref<128xi32, #tpu.memory_space<vmem>>) semaphore(%arg17 : memref<!tpu.dma_semaphore, #tpu.memory_space<semaphore_mem>>)
        %dma_start3A_850 = arith.constant 0 : i32
        %dma_start3A_851 = arith.constant 0 : i32
        %dma_start3A_852 = arith.constant 7 : i32
        %dma_start3A_853 = arith.constant 896 : i32
        %dma_start3A_854 = arith.constant 0 : i32
        %dma_start3A_855 = tpu.memref_slice %arg11[%dma_start3A_853, %dma_start3A_854] : memref<1024x8xf32, #tpu.memory_space<vmem>> -> memref<128x8xf32, #tpu.memory_space<vmem>>
        %dma_start3A_856 = arith.constant 0 : i32
        %dma_start3A_857 = tpu.memref_slice %arg10[%dma_start3A_850, %dma_start3A_851, %dma_start3A_852, %dma_start3A_856] : memref<2x2x8x128xi32, #tpu.memory_space<vmem>> -> memref<1x1x1x128xi32, #tpu.memory_space<vmem>>
        %dma_start3A_858 = tpu.memref_squeeze %dma_start3A_857 : memref<1x1x1x128xi32, #tpu.memory_space<vmem>> -> memref<128xi32, #tpu.memory_space<vmem>>
        %dma_start3A_859 = arith.constant 0 : i32
        %dma_start3A_860 = arith.constant 0 : i32
        %dma_start3A_861 = tpu.memref_slice %arg4[%dma_start3A_859, %dma_start3A_860] : memref<4194304x8xf32, #tpu.memory_space<hbm>> -> memref<4194304x8xf32, #tpu.memory_space<hbm>>
        tpu.enqueue_indirect_dma source(%dma_start3A_861 : memref<4194304x8xf32, #tpu.memory_space<hbm>>) target(%dma_start3A_855 : memref<128x8xf32, #tpu.memory_space<vmem>>) offsets(%dma_start3A_858 : memref<128xi32, #tpu.memory_space<vmem>>) semaphore(%arg17 : memref<!tpu.dma_semaphore, #tpu.memory_space<semaphore_mem>>)
        %dma_start3A_862 = arith.constant 0 : i32
        %dma_start3A_863 = arith.constant 1 : i32
        %dma_start3A_864 = arith.constant 7 : i32
        %dma_start3A_865 = arith.constant 896 : i32
        %dma_start3A_866 = arith.constant 0 : i32
        %dma_start3A_867 = tpu.memref_slice %arg12[%dma_start3A_865, %dma_start3A_866] : memref<1024x8xf32, #tpu.memory_space<vmem>> -> memref<128x8xf32, #tpu.memory_space<vmem>>
        %dma_start3A_868 = arith.constant 0 : i32
        %dma_start3A_869 = tpu.memref_slice %arg10[%dma_start3A_862, %dma_start3A_863, %dma_start3A_864, %dma_start3A_868] : memref<2x2x8x128xi32, #tpu.memory_space<vmem>> -> memref<1x1x1x128xi32, #tpu.memory_space<vmem>>
        %dma_start3A_870 = tpu.memref_squeeze %dma_start3A_869 : memref<1x1x1x128xi32, #tpu.memory_space<vmem>> -> memref<128xi32, #tpu.memory_space<vmem>>
        %dma_start3A_871 = arith.constant 0 : i32
        %dma_start3A_872 = arith.constant 0 : i32
        %dma_start3A_873 = tpu.memref_slice %arg4[%dma_start3A_871, %dma_start3A_872] : memref<4194304x8xf32, #tpu.memory_space<hbm>> -> memref<4194304x8xf32, #tpu.memory_space<hbm>>
        tpu.enqueue_indirect_dma source(%dma_start3A_873 : memref<4194304x8xf32, #tpu.memory_space<hbm>>) target(%dma_start3A_867 : memref<128x8xf32, #tpu.memory_space<vmem>>) offsets(%dma_start3A_870 : memref<128xi32, #tpu.memory_space<vmem>>) semaphore(%arg17 : memref<!tpu.dma_semaphore, #tpu.memory_space<semaphore_mem>>)
      } else {
      }
      %dma_wait3A_568 = arith.constant 0 : i32
      %dma_wait3A_569 = arith.constant 0 : i32
      %dma_wait3A_570 = tpu.memref_slice %arg4[%dma_wait3A_568, %dma_wait3A_569] : memref<4194304x8xf32, #tpu.memory_space<hbm>> -> memref<1024x8xf32, #tpu.memory_space<hbm>>
      %dma_wait3A_571 = arith.constant 0 : i32
      %dma_wait3A_572 = arith.constant 0 : i32
      %dma_wait3A_573 = tpu.memref_slice %arg4[%dma_wait3A_571, %dma_wait3A_572] : memref<4194304x8xf32, #tpu.memory_space<hbm>> -> memref<1024x8xf32, #tpu.memory_space<hbm>>
      tpu.wait_dma2 semaphore(%arg18 : memref<!tpu.dma_semaphore, #tpu.memory_space<semaphore_mem>>) src(%dma_wait3A_573 : memref<1024x8xf32, #tpu.memory_space<hbm>>) dst(%arg13 : memref<1024x8xf32, #tpu.memory_space<vmem>>)
      %dma_wait3A_574 = arith.constant 0 : i32
      %dma_wait3A_575 = arith.constant 0 : i32
      %dma_wait3A_576 = tpu.memref_slice %arg4[%dma_wait3A_574, %dma_wait3A_575] : memref<4194304x8xf32, #tpu.memory_space<hbm>> -> memref<1024x8xf32, #tpu.memory_space<hbm>>
      %dma_wait3A_577 = arith.constant 0 : i32
      %dma_wait3A_578 = arith.constant 0 : i32
      %dma_wait3A_579 = tpu.memref_slice %arg4[%dma_wait3A_577, %dma_wait3A_578] : memref<4194304x8xf32, #tpu.memory_space<hbm>> -> memref<1024x8xf32, #tpu.memory_space<hbm>>
      tpu.wait_dma2 semaphore(%arg18 : memref<!tpu.dma_semaphore, #tpu.memory_space<semaphore_mem>>) src(%dma_wait3A_579 : memref<1024x8xf32, #tpu.memory_space<hbm>>) dst(%arg14 : memref<1024x8xf32, #tpu.memory_space<vmem>>)
      %add3A_580 = arith.constant 1 : i32
      %add3A_581 = arith.addi %mul3A_295, %add3A_580 : i32
      %parallel_loop3A_582 = arith.constant 0 : i32
      %parallel_loop3A_583 = arith.constant 64 : i32
      %parallel_loop3A_584 = arith.constant 1 : i32
      scf.for %parallel_loop3A_648 = %parallel_loop3A_582 to %parallel_loop3A_583 step %parallel_loop3A_584  : i32 {
        %parallel_loop3A_649 = arith.constant 16 : i32
        %parallel_loop3A_650 = arith.muli %parallel_loop3A_648, %parallel_loop3A_649 : i32
        %parallel_loop3A_651 = vector.broadcast %parallel_loop3A_650 : i32 to vector<16xi32>
        %parallel_loop3A_652 = arith.addi %parallel_loop3A_651, %iota3A : vector<16xi32>
        %parallel_loop3A_653 = arith.constant 1 : i32
        %parallel_loop3A_654 = arith.index_cast %parallel_loop3A_653 : i32 to index
        %parallel_loop3A_655 = arith.index_cast %parallel_loop3A_650 : i32 to index
        %parallel_loop3A_656 = tpu.vector_load %arg8[%parallel_loop3A_654, %parallel_loop3A_655] {strides = array<i32>} : memref<2x1024xf32, #tpu.memory_space<vmem>>, vector<16xf32>,
        %parallel_loop3A_657 = arith.constant 1 : i32
        %parallel_loop3A_658 = arith.index_cast %parallel_loop3A_657 : i32 to index
        %parallel_loop3A_659 = arith.index_cast %parallel_loop3A_650 : i32 to index
        %parallel_loop3A_660 = tpu.vector_load %arg9[%parallel_loop3A_658, %parallel_loop3A_659] {strides = array<i32>} : memref<2x1024xf32, #tpu.memory_space<vmem>>, vector<16xf32>,
        %parallel_loop3A_661 = arith.constant 1.000000e+00 : f32
        %parallel_loop3A_662 = vector.broadcast %parallel_loop3A_661 : f32 to vector<16xf32>
        %parallel_loop3A_663 = arith.subf %parallel_loop3A_662, %parallel_loop3A_656 : vector<16xf32>
        %parallel_loop3A_664 = arith.constant 1.000000e+00 : f32
        %parallel_loop3A_665 = vector.broadcast %parallel_loop3A_664 : f32 to vector<16xf32>
        %parallel_loop3A_666 = arith.subf %parallel_loop3A_665, %parallel_loop3A_660 : vector<16xf32>
        %parallel_loop3A_667 = arith.mulf %parallel_loop3A_663, %parallel_loop3A_666 : vector<16xf32>
        %parallel_loop3A_668 = arith.mulf %parallel_loop3A_656, %parallel_loop3A_666 : vector<16xf32>
        %parallel_loop3A_669 = arith.mulf %parallel_loop3A_663, %parallel_loop3A_660 : vector<16xf32>
        %parallel_loop3A_670 = arith.mulf %parallel_loop3A_656, %parallel_loop3A_660 : vector<16xf32>
        %parallel_loop3A_671 = tpu.vector_load_idx %arg13[%parallel_loop3A_652, %broadcast_in_dim3A_3] : memref<1024x8xf32, #tpu.memory_space<vmem>>[vector<16xi32>, vector<16xi32>], vector<16xf32>,
        %parallel_loop3A_672 = tpu.vector_load_idx %arg14[%parallel_loop3A_652, %broadcast_in_dim3A_3] : memref<1024x8xf32, #tpu.memory_space<vmem>>[vector<16xi32>, vector<16xi32>], vector<16xf32>,
        %parallel_loop3A_673 = tpu.vector_load_idx %arg13[%parallel_loop3A_652, %broadcast_in_dim3A_9] : memref<1024x8xf32, #tpu.memory_space<vmem>>[vector<16xi32>, vector<16xi32>], vector<16xf32>,
        %parallel_loop3A_674 = tpu.vector_load_idx %arg14[%parallel_loop3A_652, %broadcast_in_dim3A_9] : memref<1024x8xf32, #tpu.memory_space<vmem>>[vector<16xi32>, vector<16xi32>], vector<16xf32>,
        %parallel_loop3A_675 = arith.mulf %parallel_loop3A_671, %parallel_loop3A_667 : vector<16xf32>
        %parallel_loop3A_676 = arith.mulf %parallel_loop3A_672, %parallel_loop3A_668 : vector<16xf32>
        %parallel_loop3A_677 = arith.addf %parallel_loop3A_675, %parallel_loop3A_676 : vector<16xf32>
        %parallel_loop3A_678 = arith.mulf %parallel_loop3A_673, %parallel_loop3A_669 : vector<16xf32>
        %parallel_loop3A_679 = arith.addf %parallel_loop3A_677, %parallel_loop3A_678 : vector<16xf32>
        %parallel_loop3A_680 = arith.mulf %parallel_loop3A_674, %parallel_loop3A_670 : vector<16xf32>
        %parallel_loop3A_681 = arith.addf %parallel_loop3A_679, %parallel_loop3A_680 : vector<16xf32>
        %parallel_loop3A_682 = arith.constant 0 : i32
        %parallel_loop3A_683 = arith.addi %parallel_loop3A_682, %parallel_loop3A_650 : i32
        %parallel_loop3A_684 = arith.index_cast %parallel_loop3A_683 : i32 to index
        %parallel_loop3A_685 = tpu.vector_load %arg16[%parallel_loop3A_684] {strides = array<i32>} : memref<3072xf32, #tpu.memory_space<vmem>>, vector<16xf32>,
        tpu.vector_store %arg16[%parallel_loop3A_684], %parallel_loop3A_681 {strides = array<i32>} : memref<3072xf32, #tpu.memory_space<vmem>>, vector<16xf32>,
        %parallel_loop3A_686 = tpu.vector_load_idx %arg13[%parallel_loop3A_652, %broadcast_in_dim3A_5] : memref<1024x8xf32, #tpu.memory_space<vmem>>[vector<16xi32>, vector<16xi32>], vector<16xf32>,
        %parallel_loop3A_687 = tpu.vector_load_idx %arg14[%parallel_loop3A_652, %broadcast_in_dim3A_5] : memref<1024x8xf32, #tpu.memory_space<vmem>>[vector<16xi32>, vector<16xi32>], vector<16xf32>,
        %parallel_loop3A_688 = tpu.vector_load_idx %arg13[%parallel_loop3A_652, %broadcast_in_dim3A_11] : memref<1024x8xf32, #tpu.memory_space<vmem>>[vector<16xi32>, vector<16xi32>], vector<16xf32>,
        %parallel_loop3A_689 = tpu.vector_load_idx %arg14[%parallel_loop3A_652, %broadcast_in_dim3A_11] : memref<1024x8xf32, #tpu.memory_space<vmem>>[vector<16xi32>, vector<16xi32>], vector<16xf32>,
        %parallel_loop3A_690 = arith.mulf %parallel_loop3A_686, %parallel_loop3A_667 : vector<16xf32>
        %parallel_loop3A_691 = arith.mulf %parallel_loop3A_687, %parallel_loop3A_668 : vector<16xf32>
        %parallel_loop3A_692 = arith.addf %parallel_loop3A_690, %parallel_loop3A_691 : vector<16xf32>
        %parallel_loop3A_693 = arith.mulf %parallel_loop3A_688, %parallel_loop3A_669 : vector<16xf32>
        %parallel_loop3A_694 = arith.addf %parallel_loop3A_692, %parallel_loop3A_693 : vector<16xf32>
        %parallel_loop3A_695 = arith.mulf %parallel_loop3A_689, %parallel_loop3A_670 : vector<16xf32>
        %parallel_loop3A_696 = arith.addf %parallel_loop3A_694, %parallel_loop3A_695 : vector<16xf32>
        %parallel_loop3A_697 = arith.constant 1024 : i32
        %parallel_loop3A_698 = arith.addi %parallel_loop3A_697, %parallel_loop3A_650 : i32
        %parallel_loop3A_699 = arith.index_cast %parallel_loop3A_698 : i32 to index
        %parallel_loop3A_700 = tpu.vector_load %arg16[%parallel_loop3A_699] {strides = array<i32>} : memref<3072xf32, #tpu.memory_space<vmem>>, vector<16xf32>,
        tpu.vector_store %arg16[%parallel_loop3A_699], %parallel_loop3A_696 {strides = array<i32>} : memref<3072xf32, #tpu.memory_space<vmem>>, vector<16xf32>,
        %parallel_loop3A_701 = tpu.vector_load_idx %arg13[%parallel_loop3A_652, %broadcast_in_dim3A_7] : memref<1024x8xf32, #tpu.memory_space<vmem>>[vector<16xi32>, vector<16xi32>], vector<16xf32>,
        %parallel_loop3A_702 = tpu.vector_load_idx %arg14[%parallel_loop3A_652, %broadcast_in_dim3A_7] : memref<1024x8xf32, #tpu.memory_space<vmem>>[vector<16xi32>, vector<16xi32>], vector<16xf32>,
        %parallel_loop3A_703 = tpu.vector_load_idx %arg13[%parallel_loop3A_652, %broadcast_in_dim3A_13] : memref<1024x8xf32, #tpu.memory_space<vmem>>[vector<16xi32>, vector<16xi32>], vector<16xf32>,
        %parallel_loop3A_704 = tpu.vector_load_idx %arg14[%parallel_loop3A_652, %broadcast_in_dim3A_13] : memref<1024x8xf32, #tpu.memory_space<vmem>>[vector<16xi32>, vector<16xi32>], vector<16xf32>,
        %parallel_loop3A_705 = arith.mulf %parallel_loop3A_701, %parallel_loop3A_667 : vector<16xf32>
        %parallel_loop3A_706 = arith.mulf %parallel_loop3A_702, %parallel_loop3A_668 : vector<16xf32>
        %parallel_loop3A_707 = arith.addf %parallel_loop3A_705, %parallel_loop3A_706 : vector<16xf32>
        %parallel_loop3A_708 = arith.mulf %parallel_loop3A_703, %parallel_loop3A_669 : vector<16xf32>
        %parallel_loop3A_709 = arith.addf %parallel_loop3A_707, %parallel_loop3A_708 : vector<16xf32>
        %parallel_loop3A_710 = arith.mulf %parallel_loop3A_704, %parallel_loop3A_670 : vector<16xf32>
        %parallel_loop3A_711 = arith.addf %parallel_loop3A_709, %parallel_loop3A_710 : vector<16xf32>
        %parallel_loop3A_712 = arith.constant 2048 : i32
        %parallel_loop3A_713 = arith.addi %parallel_loop3A_712, %parallel_loop3A_650 : i32
        %parallel_loop3A_714 = arith.index_cast %parallel_loop3A_713 : i32 to index
        %parallel_loop3A_715 = tpu.vector_load %arg16[%parallel_loop3A_714] {strides = array<i32>} : memref<3072xf32, #tpu.memory_space<vmem>>, vector<16xf32>,
        tpu.vector_store %arg16[%parallel_loop3A_714], %parallel_loop3A_711 {strides = array<i32>} : memref<3072xf32, #tpu.memory_space<vmem>>, vector<16xf32>,
      } {sc.loop_unroll_factor = 2 : i64, sc.parallel_access}
      %mul3A_585 = arith.constant 1024 : i32
      %mul3A_586 = arith.muli %add3A_581, %mul3A_585 : i32
      %add3A_587 = arith.addi %mul3A_2, %mul3A_586 : i32
      %add3A_588 = arith.constant 0 : i32
      %add3A_589 = arith.addi %add3A_588, %add3A_587 : i32
      %dma_start3A_590 = arith.constant 0 : i32
      %dma_start3A_591 = tpu.memref_slice %arg16[%dma_start3A_590] : memref<3072xf32, #tpu.memory_space<vmem>> -> memref<1024xf32, #tpu.memory_space<vmem>>
      %dma_start3A_592 = tpu.memref_slice %arg5[%add3A_589] : memref<3145728xf32, #tpu.memory_space<hbm>> -> memref<1024xf32, #tpu.memory_space<hbm>>
      %dma_start3A_593 = tpu.memref_slice %arg5[%add3A_589] : memref<3145728xf32, #tpu.memory_space<hbm>> -> memref<1024xf32, #tpu.memory_space<hbm>>
      %dma_start3A_594 = arith.constant 0 : i32
      %dma_start3A_595 = tpu.memref_slice %arg16[%dma_start3A_594] : memref<3072xf32, #tpu.memory_space<vmem>> -> memref<1024xf32, #tpu.memory_space<vmem>>
      tpu.enqueue_dma source(%dma_start3A_595 : memref<1024xf32, #tpu.memory_space<vmem>>) target(%dma_start3A_593 : memref<1024xf32, #tpu.memory_space<hbm>>) target_semaphore(%arg21 : memref<!tpu.dma_semaphore, #tpu.memory_space<semaphore_mem>>)
      %add3A_596 = arith.constant 1048576 : i32
      %add3A_597 = arith.addi %add3A_596, %add3A_587 : i32
      %dma_start3A_598 = arith.constant 1024 : i32
      %dma_start3A_599 = tpu.memref_slice %arg16[%dma_start3A_598] : memref<3072xf32, #tpu.memory_space<vmem>> -> memref<1024xf32, #tpu.memory_space<vmem>>
      %dma_start3A_600 = tpu.memref_slice %arg5[%add3A_597] : memref<3145728xf32, #tpu.memory_space<hbm>> -> memref<1024xf32, #tpu.memory_space<hbm>>
      %dma_start3A_601 = tpu.memref_slice %arg5[%add3A_597] : memref<3145728xf32, #tpu.memory_space<hbm>> -> memref<1024xf32, #tpu.memory_space<hbm>>
      %dma_start3A_602 = arith.constant 1024 : i32
      %dma_start3A_603 = tpu.memref_slice %arg16[%dma_start3A_602] : memref<3072xf32, #tpu.memory_space<vmem>> -> memref<1024xf32, #tpu.memory_space<vmem>>
      tpu.enqueue_dma source(%dma_start3A_603 : memref<1024xf32, #tpu.memory_space<vmem>>) target(%dma_start3A_601 : memref<1024xf32, #tpu.memory_space<hbm>>) target_semaphore(%arg21 : memref<!tpu.dma_semaphore, #tpu.memory_space<semaphore_mem>>)
      %add3A_604 = arith.constant 2097152 : i32
      %add3A_605 = arith.addi %add3A_604, %add3A_587 : i32
      %dma_start3A_606 = arith.constant 2048 : i32
      %dma_start3A_607 = tpu.memref_slice %arg16[%dma_start3A_606] : memref<3072xf32, #tpu.memory_space<vmem>> -> memref<1024xf32, #tpu.memory_space<vmem>>
      %dma_start3A_608 = tpu.memref_slice %arg5[%add3A_605] : memref<3145728xf32, #tpu.memory_space<hbm>> -> memref<1024xf32, #tpu.memory_space<hbm>>
      %dma_start3A_609 = tpu.memref_slice %arg5[%add3A_605] : memref<3145728xf32, #tpu.memory_space<hbm>> -> memref<1024xf32, #tpu.memory_space<hbm>>
      %dma_start3A_610 = arith.constant 2048 : i32
      %dma_start3A_611 = tpu.memref_slice %arg16[%dma_start3A_610] : memref<3072xf32, #tpu.memory_space<vmem>> -> memref<1024xf32, #tpu.memory_space<vmem>>
      tpu.enqueue_dma source(%dma_start3A_611 : memref<1024xf32, #tpu.memory_space<vmem>>) target(%dma_start3A_609 : memref<1024xf32, #tpu.memory_space<hbm>>) target_semaphore(%arg21 : memref<!tpu.dma_semaphore, #tpu.memory_space<semaphore_mem>>)
      %dma_wait3A_612 = arith.constant 0 : i32
      %dma_wait3A_613 = tpu.memref_slice %arg15[%dma_wait3A_612] : memref<3072xf32, #tpu.memory_space<vmem>> -> memref<1024xf32, #tpu.memory_space<vmem>>
      %dma_wait3A_614 = tpu.memref_slice %arg5[%add3A_538] : memref<3145728xf32, #tpu.memory_space<hbm>> -> memref<1024xf32, #tpu.memory_space<hbm>>
      %dma_wait3A_615 = tpu.memref_slice %arg5[%add3A_538] : memref<3145728xf32, #tpu.memory_space<hbm>> -> memref<1024xf32, #tpu.memory_space<hbm>>
      %dma_wait3A_616 = arith.constant 0 : i32
      %dma_wait3A_617 = tpu.memref_slice %arg15[%dma_wait3A_616] : memref<3072xf32, #tpu.memory_space<vmem>> -> memref<1024xf32, #tpu.memory_space<vmem>>
      tpu.wait_dma2 semaphore(%arg21 : memref<!tpu.dma_semaphore, #tpu.memory_space<semaphore_mem>>) src(%dma_wait3A_617 : memref<1024xf32, #tpu.memory_space<vmem>>) dst(%dma_wait3A_615 : memref<1024xf32, #tpu.memory_space<hbm>>)
      %dma_wait3A_618 = arith.constant 1024 : i32
      %dma_wait3A_619 = tpu.memref_slice %arg15[%dma_wait3A_618] : memref<3072xf32, #tpu.memory_space<vmem>> -> memref<1024xf32, #tpu.memory_space<vmem>>
      %dma_wait3A_620 = tpu.memref_slice %arg5[%add3A_546] : memref<3145728xf32, #tpu.memory_space<hbm>> -> memref<1024xf32, #tpu.memory_space<hbm>>
      %dma_wait3A_621 = tpu.memref_slice %arg5[%add3A_546] : memref<3145728xf32, #tpu.memory_space<hbm>> -> memref<1024xf32, #tpu.memory_space<hbm>>
      %dma_wait3A_622 = arith.constant 1024 : i32
      %dma_wait3A_623 = tpu.memref_slice %arg15[%dma_wait3A_622] : memref<3072xf32, #tpu.memory_space<vmem>> -> memref<1024xf32, #tpu.memory_space<vmem>>
      tpu.wait_dma2 semaphore(%arg21 : memref<!tpu.dma_semaphore, #tpu.memory_space<semaphore_mem>>) src(%dma_wait3A_623 : memref<1024xf32, #tpu.memory_space<vmem>>) dst(%dma_wait3A_621 : memref<1024xf32, #tpu.memory_space<hbm>>)
      %dma_wait3A_624 = arith.constant 2048 : i32
      %dma_wait3A_625 = tpu.memref_slice %arg15[%dma_wait3A_624] : memref<3072xf32, #tpu.memory_space<vmem>> -> memref<1024xf32, #tpu.memory_space<vmem>>
      %dma_wait3A_626 = tpu.memref_slice %arg5[%add3A_554] : memref<3145728xf32, #tpu.memory_space<hbm>> -> memref<1024xf32, #tpu.memory_space<hbm>>
      %dma_wait3A_627 = tpu.memref_slice %arg5[%add3A_554] : memref<3145728xf32, #tpu.memory_space<hbm>> -> memref<1024xf32, #tpu.memory_space<hbm>>
      %dma_wait3A_628 = arith.constant 2048 : i32
      %dma_wait3A_629 = tpu.memref_slice %arg15[%dma_wait3A_628] : memref<3072xf32, #tpu.memory_space<vmem>> -> memref<1024xf32, #tpu.memory_space<vmem>>
      tpu.wait_dma2 semaphore(%arg21 : memref<!tpu.dma_semaphore, #tpu.memory_space<semaphore_mem>>) src(%dma_wait3A_629 : memref<1024xf32, #tpu.memory_space<vmem>>) dst(%dma_wait3A_627 : memref<1024xf32, #tpu.memory_space<hbm>>)
      %dma_wait3A_630 = arith.constant 0 : i32
      %dma_wait3A_631 = tpu.memref_slice %arg16[%dma_wait3A_630] : memref<3072xf32, #tpu.memory_space<vmem>> -> memref<1024xf32, #tpu.memory_space<vmem>>
      %dma_wait3A_632 = tpu.memref_slice %arg5[%add3A_589] : memref<3145728xf32, #tpu.memory_space<hbm>> -> memref<1024xf32, #tpu.memory_space<hbm>>
      %dma_wait3A_633 = tpu.memref_slice %arg5[%add3A_589] : memref<3145728xf32, #tpu.memory_space<hbm>> -> memref<1024xf32, #tpu.memory_space<hbm>>
      %dma_wait3A_634 = arith.constant 0 : i32
      %dma_wait3A_635 = tpu.memref_slice %arg16[%dma_wait3A_634] : memref<3072xf32, #tpu.memory_space<vmem>> -> memref<1024xf32, #tpu.memory_space<vmem>>
      tpu.wait_dma2 semaphore(%arg21 : memref<!tpu.dma_semaphore, #tpu.memory_space<semaphore_mem>>) src(%dma_wait3A_635 : memref<1024xf32, #tpu.memory_space<vmem>>) dst(%dma_wait3A_633 : memref<1024xf32, #tpu.memory_space<hbm>>)
      %dma_wait3A_636 = arith.constant 1024 : i32
      %dma_wait3A_637 = tpu.memref_slice %arg16[%dma_wait3A_636] : memref<3072xf32, #tpu.memory_space<vmem>> -> memref<1024xf32, #tpu.memory_space<vmem>>
      %dma_wait3A_638 = tpu.memref_slice %arg5[%add3A_597] : memref<3145728xf32, #tpu.memory_space<hbm>> -> memref<1024xf32, #tpu.memory_space<hbm>>
      %dma_wait3A_639 = tpu.memref_slice %arg5[%add3A_597] : memref<3145728xf32, #tpu.memory_space<hbm>> -> memref<1024xf32, #tpu.memory_space<hbm>>
      %dma_wait3A_640 = arith.constant 1024 : i32
      %dma_wait3A_641 = tpu.memref_slice %arg16[%dma_wait3A_640] : memref<3072xf32, #tpu.memory_space<vmem>> -> memref<1024xf32, #tpu.memory_space<vmem>>
      tpu.wait_dma2 semaphore(%arg21 : memref<!tpu.dma_semaphore, #tpu.memory_space<semaphore_mem>>) src(%dma_wait3A_641 : memref<1024xf32, #tpu.memory_space<vmem>>) dst(%dma_wait3A_639 : memref<1024xf32, #tpu.memory_space<hbm>>)
      %dma_wait3A_642 = arith.constant 2048 : i32
      %dma_wait3A_643 = tpu.memref_slice %arg16[%dma_wait3A_642] : memref<3072xf32, #tpu.memory_space<vmem>> -> memref<1024xf32, #tpu.memory_space<vmem>>
      %dma_wait3A_644 = tpu.memref_slice %arg5[%add3A_605] : memref<3145728xf32, #tpu.memory_space<hbm>> -> memref<1024xf32, #tpu.memory_space<hbm>>
      %dma_wait3A_645 = tpu.memref_slice %arg5[%add3A_605] : memref<3145728xf32, #tpu.memory_space<hbm>> -> memref<1024xf32, #tpu.memory_space<hbm>>
      %dma_wait3A_646 = arith.constant 2048 : i32
      %dma_wait3A_647 = tpu.memref_slice %arg16[%dma_wait3A_646] : memref<3072xf32, #tpu.memory_space<vmem>> -> memref<1024xf32, #tpu.memory_space<vmem>>
      tpu.wait_dma2 semaphore(%arg21 : memref<!tpu.dma_semaphore, #tpu.memory_space<semaphore_mem>>) src(%dma_wait3A_647 : memref<1024xf32, #tpu.memory_space<vmem>>) dst(%dma_wait3A_645 : memref<1024xf32, #tpu.memory_space<hbm>>)
    }
    %scan3A_292 = arith.constant 16 : i32
    return
  }
}

#map = affine_map<(d0, d1) -> (0)>
module attributes {stable_mosaic.version = 14 : i64} {
  func.func @_build_kernel(%arg0: i32, %arg1: i32, %arg2: memref<12582912xf32, #tpu.memory_space<hbm>>, %arg3: memref<33554432xf32, #tpu.memory_space<hbm>>, %arg4: memref<3456xf32, #tpu.memory_space<vmem>>, %arg5: memref<3456xf32, #tpu.memory_space<vmem>>, %arg6: memref<8192xf32, #tpu.memory_space<vmem>>, %arg7: memref<8192xf32, #tpu.memory_space<vmem>>, %arg8: memref<!tpu.dma_semaphore, #tpu.memory_space<semaphore_mem>>, %arg9: memref<!tpu.dma_semaphore, #tpu.memory_space<semaphore_mem>>, %arg10: memref<!tpu.dma_semaphore, #tpu.memory_space<semaphore_mem>>, %arg11: memref<!tpu.dma_semaphore, #tpu.memory_space<semaphore_mem>>) attributes {dimension_semantics = [#tpu.dimension_semantics<core_parallel>, #tpu.dimension_semantics<subcore_parallel>], iteration_bounds = array<i64: 2, 16>, scalar_prefetch = 0 : i64, scratch_operands = 8 : i64, tpu.core_type = #tpu.core_type<sc_vector_subcore>, window_params = [{transform_indices = #map}, {transform_indices = #map}]} {
    %mul3A = arith.constant 2 : i32
    %mul3A_0 = arith.muli %arg1, %mul3A : i32
    %add3A = arith.addi %mul3A_0, %arg0 : i32
    %mul3A_1 = arith.constant 128 : i32
    %mul3A_2 = arith.muli %add3A, %mul3A_1 : i32
    %iota3A = tpu.iota {dimensions = array<i32: 0>} : vector<16xi32>
    %mul3A_3 = arith.constant 1024 : i32
    %mul3A_4 = arith.muli %mul3A_2, %mul3A_3 : i32
    %add3A_5 = arith.constant 16 : i32
    %add3A_6 = arith.addi %mul3A_2, %add3A_5 : i32
    %lt3A = arith.constant 4096 : i32
    %lt3A_7 = arith.cmpi slt, %add3A_6, %lt3A : i32
    %add3A_8 = arith.constant 16 : i32
    %add3A_9 = arith.addi %mul3A_2, %add3A_8 : i32
    %select_n3A = arith.select %lt3A_7, %add3A_9, %mul3A_2 : i32
    %mul3A_10 = arith.constant 1024 : i32
    %mul3A_11 = arith.muli %select_n3A, %mul3A_10 : i32
    %add3A_12 = arith.constant 0 : i32
    %add3A_13 = arith.addi %add3A_12, %mul3A_4 : i32
    %dma_start3A = arith.constant 0 : i32
    %dma_start3A_14 = tpu.memref_slice %arg4[%dma_start3A] : memref<3456xf32, #tpu.memory_space<vmem>> -> memref<1024xf32, #tpu.memory_space<vmem>>
    %dma_start3A_15 = tpu.memref_slice %arg2[%add3A_13] : memref<12582912xf32, #tpu.memory_space<hbm>> -> memref<1024xf32, #tpu.memory_space<hbm>>
    %dma_start3A_16 = arith.constant 0 : i32
    %dma_start3A_17 = tpu.memref_slice %arg4[%dma_start3A_16] : memref<3456xf32, #tpu.memory_space<vmem>> -> memref<1024xf32, #tpu.memory_space<vmem>>
    %dma_start3A_18 = tpu.memref_slice %arg2[%add3A_13] : memref<12582912xf32, #tpu.memory_space<hbm>> -> memref<1024xf32, #tpu.memory_space<hbm>>
    tpu.enqueue_dma source(%dma_start3A_18 : memref<1024xf32, #tpu.memory_space<hbm>>) target(%dma_start3A_17 : memref<1024xf32, #tpu.memory_space<vmem>>) target_semaphore(%arg8 : memref<!tpu.dma_semaphore, #tpu.memory_space<semaphore_mem>>)
    %add3A_19 = arith.constant 0 : i32
    %add3A_20 = arith.addi %add3A_19, %mul3A_11 : i32
    %dma_start3A_21 = arith.constant 1024 : i32
    %dma_start3A_22 = tpu.memref_slice %arg4[%dma_start3A_21] : memref<3456xf32, #tpu.memory_space<vmem>> -> memref<128xf32, #tpu.memory_space<vmem>>
    %dma_start3A_23 = tpu.memref_slice %arg2[%add3A_20] : memref<12582912xf32, #tpu.memory_space<hbm>> -> memref<128xf32, #tpu.memory_space<hbm>>
    %dma_start3A_24 = arith.constant 1024 : i32
    %dma_start3A_25 = tpu.memref_slice %arg4[%dma_start3A_24] : memref<3456xf32, #tpu.memory_space<vmem>> -> memref<128xf32, #tpu.memory_space<vmem>>
    %dma_start3A_26 = tpu.memref_slice %arg2[%add3A_20] : memref<12582912xf32, #tpu.memory_space<hbm>> -> memref<128xf32, #tpu.memory_space<hbm>>
    tpu.enqueue_dma source(%dma_start3A_26 : memref<128xf32, #tpu.memory_space<hbm>>) target(%dma_start3A_25 : memref<128xf32, #tpu.memory_space<vmem>>) target_semaphore(%arg8 : memref<!tpu.dma_semaphore, #tpu.memory_space<semaphore_mem>>)
    %add3A_27 = arith.constant 4194304 : i32
    %add3A_28 = arith.addi %add3A_27, %mul3A_4 : i32
    %dma_start3A_29 = arith.constant 1152 : i32
    %dma_start3A_30 = tpu.memref_slice %arg4[%dma_start3A_29] : memref<3456xf32, #tpu.memory_space<vmem>> -> memref<1024xf32, #tpu.memory_space<vmem>>
    %dma_start3A_31 = tpu.memref_slice %arg2[%add3A_28] : memref<12582912xf32, #tpu.memory_space<hbm>> -> memref<1024xf32, #tpu.memory_space<hbm>>
    %dma_start3A_32 = arith.constant 1152 : i32
    %dma_start3A_33 = tpu.memref_slice %arg4[%dma_start3A_32] : memref<3456xf32, #tpu.memory_space<vmem>> -> memref<1024xf32, #tpu.memory_space<vmem>>
    %dma_start3A_34 = tpu.memref_slice %arg2[%add3A_28] : memref<12582912xf32, #tpu.memory_space<hbm>> -> memref<1024xf32, #tpu.memory_space<hbm>>
    tpu.enqueue_dma source(%dma_start3A_34 : memref<1024xf32, #tpu.memory_space<hbm>>) target(%dma_start3A_33 : memref<1024xf32, #tpu.memory_space<vmem>>) target_semaphore(%arg8 : memref<!tpu.dma_semaphore, #tpu.memory_space<semaphore_mem>>)
    %add3A_35 = arith.constant 4194304 : i32
    %add3A_36 = arith.addi %add3A_35, %mul3A_11 : i32
    %dma_start3A_37 = arith.constant 2176 : i32
    %dma_start3A_38 = tpu.memref_slice %arg4[%dma_start3A_37] : memref<3456xf32, #tpu.memory_space<vmem>> -> memref<128xf32, #tpu.memory_space<vmem>>
    %dma_start3A_39 = tpu.memref_slice %arg2[%add3A_36] : memref<12582912xf32, #tpu.memory_space<hbm>> -> memref<128xf32, #tpu.memory_space<hbm>>
    %dma_start3A_40 = arith.constant 2176 : i32
    %dma_start3A_41 = tpu.memref_slice %arg4[%dma_start3A_40] : memref<3456xf32, #tpu.memory_space<vmem>> -> memref<128xf32, #tpu.memory_space<vmem>>
    %dma_start3A_42 = tpu.memref_slice %arg2[%add3A_36] : memref<12582912xf32, #tpu.memory_space<hbm>> -> memref<128xf32, #tpu.memory_space<hbm>>
    tpu.enqueue_dma source(%dma_start3A_42 : memref<128xf32, #tpu.memory_space<hbm>>) target(%dma_start3A_41 : memref<128xf32, #tpu.memory_space<vmem>>) target_semaphore(%arg8 : memref<!tpu.dma_semaphore, #tpu.memory_space<semaphore_mem>>)
    %add3A_43 = arith.constant 8388608 : i32
    %add3A_44 = arith.addi %add3A_43, %mul3A_4 : i32
    %dma_start3A_45 = arith.constant 2304 : i32
    %dma_start3A_46 = tpu.memref_slice %arg4[%dma_start3A_45] : memref<3456xf32, #tpu.memory_space<vmem>> -> memref<1024xf32, #tpu.memory_space<vmem>>
    %dma_start3A_47 = tpu.memref_slice %arg2[%add3A_44] : memref<12582912xf32, #tpu.memory_space<hbm>> -> memref<1024xf32, #tpu.memory_space<hbm>>
    %dma_start3A_48 = arith.constant 2304 : i32
    %dma_start3A_49 = tpu.memref_slice %arg4[%dma_start3A_48] : memref<3456xf32, #tpu.memory_space<vmem>> -> memref<1024xf32, #tpu.memory_space<vmem>>
    %dma_start3A_50 = tpu.memref_slice %arg2[%add3A_44] : memref<12582912xf32, #tpu.memory_space<hbm>> -> memref<1024xf32, #tpu.memory_space<hbm>>
    tpu.enqueue_dma source(%dma_start3A_50 : memref<1024xf32, #tpu.memory_space<hbm>>) target(%dma_start3A_49 : memref<1024xf32, #tpu.memory_space<vmem>>) target_semaphore(%arg8 : memref<!tpu.dma_semaphore, #tpu.memory_space<semaphore_mem>>)
    %add3A_51 = arith.constant 8388608 : i32
    %add3A_52 = arith.addi %add3A_51, %mul3A_11 : i32
    %dma_start3A_53 = arith.constant 3328 : i32
    %dma_start3A_54 = tpu.memref_slice %arg4[%dma_start3A_53] : memref<3456xf32, #tpu.memory_space<vmem>> -> memref<128xf32, #tpu.memory_space<vmem>>
    %dma_start3A_55 = tpu.memref_slice %arg2[%add3A_52] : memref<12582912xf32, #tpu.memory_space<hbm>> -> memref<128xf32, #tpu.memory_space<hbm>>
    %dma_start3A_56 = arith.constant 3328 : i32
    %dma_start3A_57 = tpu.memref_slice %arg4[%dma_start3A_56] : memref<3456xf32, #tpu.memory_space<vmem>> -> memref<128xf32, #tpu.memory_space<vmem>>
    %dma_start3A_58 = tpu.memref_slice %arg2[%add3A_52] : memref<12582912xf32, #tpu.memory_space<hbm>> -> memref<128xf32, #tpu.memory_space<hbm>>
    tpu.enqueue_dma source(%dma_start3A_58 : memref<128xf32, #tpu.memory_space<hbm>>) target(%dma_start3A_57 : memref<128xf32, #tpu.memory_space<vmem>>) target_semaphore(%arg8 : memref<!tpu.dma_semaphore, #tpu.memory_space<semaphore_mem>>)
    %add3A_59 = arith.constant 1 : i32
    %add3A_60 = arith.addi %mul3A_2, %add3A_59 : i32
    %mul3A_61 = arith.constant 1024 : i32
    %mul3A_62 = arith.muli %add3A_60, %mul3A_61 : i32
    %add3A_63 = arith.constant 16 : i32
    %add3A_64 = arith.addi %add3A_60, %add3A_63 : i32
    %lt3A_65 = arith.constant 4096 : i32
    %lt3A_66 = arith.cmpi slt, %add3A_64, %lt3A_65 : i32
    %add3A_67 = arith.constant 16 : i32
    %add3A_68 = arith.addi %add3A_60, %add3A_67 : i32
    %select_n3A_69 = arith.select %lt3A_66, %add3A_68, %add3A_60 : i32
    %mul3A_70 = arith.constant 1024 : i32
    %mul3A_71 = arith.muli %select_n3A_69, %mul3A_70 : i32
    %add3A_72 = arith.constant 0 : i32
    %add3A_73 = arith.addi %add3A_72, %mul3A_62 : i32
    %dma_start3A_74 = arith.constant 0 : i32
    %dma_start3A_75 = tpu.memref_slice %arg5[%dma_start3A_74] : memref<3456xf32, #tpu.memory_space<vmem>> -> memref<1024xf32, #tpu.memory_space<vmem>>
    %dma_start3A_76 = tpu.memref_slice %arg2[%add3A_73] : memref<12582912xf32, #tpu.memory_space<hbm>> -> memref<1024xf32, #tpu.memory_space<hbm>>
    %dma_start3A_77 = arith.constant 0 : i32
    %dma_start3A_78 = tpu.memref_slice %arg5[%dma_start3A_77] : memref<3456xf32, #tpu.memory_space<vmem>> -> memref<1024xf32, #tpu.memory_space<vmem>>
    %dma_start3A_79 = tpu.memref_slice %arg2[%add3A_73] : memref<12582912xf32, #tpu.memory_space<hbm>> -> memref<1024xf32, #tpu.memory_space<hbm>>
    tpu.enqueue_dma source(%dma_start3A_79 : memref<1024xf32, #tpu.memory_space<hbm>>) target(%dma_start3A_78 : memref<1024xf32, #tpu.memory_space<vmem>>) target_semaphore(%arg9 : memref<!tpu.dma_semaphore, #tpu.memory_space<semaphore_mem>>)
    %add3A_80 = arith.constant 0 : i32
    %add3A_81 = arith.addi %add3A_80, %mul3A_71 : i32
    %dma_start3A_82 = arith.constant 1024 : i32
    %dma_start3A_83 = tpu.memref_slice %arg5[%dma_start3A_82] : memref<3456xf32, #tpu.memory_space<vmem>> -> memref<128xf32, #tpu.memory_space<vmem>>
    %dma_start3A_84 = tpu.memref_slice %arg2[%add3A_81] : memref<12582912xf32, #tpu.memory_space<hbm>> -> memref<128xf32, #tpu.memory_space<hbm>>
    %dma_start3A_85 = arith.constant 1024 : i32
    %dma_start3A_86 = tpu.memref_slice %arg5[%dma_start3A_85] : memref<3456xf32, #tpu.memory_space<vmem>> -> memref<128xf32, #tpu.memory_space<vmem>>
    %dma_start3A_87 = tpu.memref_slice %arg2[%add3A_81] : memref<12582912xf32, #tpu.memory_space<hbm>> -> memref<128xf32, #tpu.memory_space<hbm>>
    tpu.enqueue_dma source(%dma_start3A_87 : memref<128xf32, #tpu.memory_space<hbm>>) target(%dma_start3A_86 : memref<128xf32, #tpu.memory_space<vmem>>) target_semaphore(%arg9 : memref<!tpu.dma_semaphore, #tpu.memory_space<semaphore_mem>>)
    %add3A_88 = arith.constant 4194304 : i32
    %add3A_89 = arith.addi %add3A_88, %mul3A_62 : i32
    %dma_start3A_90 = arith.constant 1152 : i32
    %dma_start3A_91 = tpu.memref_slice %arg5[%dma_start3A_90] : memref<3456xf32, #tpu.memory_space<vmem>> -> memref<1024xf32, #tpu.memory_space<vmem>>
    %dma_start3A_92 = tpu.memref_slice %arg2[%add3A_89] : memref<12582912xf32, #tpu.memory_space<hbm>> -> memref<1024xf32, #tpu.memory_space<hbm>>
    %dma_start3A_93 = arith.constant 1152 : i32
    %dma_start3A_94 = tpu.memref_slice %arg5[%dma_start3A_93] : memref<3456xf32, #tpu.memory_space<vmem>> -> memref<1024xf32, #tpu.memory_space<vmem>>
    %dma_start3A_95 = tpu.memref_slice %arg2[%add3A_89] : memref<12582912xf32, #tpu.memory_space<hbm>> -> memref<1024xf32, #tpu.memory_space<hbm>>
    tpu.enqueue_dma source(%dma_start3A_95 : memref<1024xf32, #tpu.memory_space<hbm>>) target(%dma_start3A_94 : memref<1024xf32, #tpu.memory_space<vmem>>) target_semaphore(%arg9 : memref<!tpu.dma_semaphore, #tpu.memory_space<semaphore_mem>>)
    %add3A_96 = arith.constant 4194304 : i32
    %add3A_97 = arith.addi %add3A_96, %mul3A_71 : i32
    %dma_start3A_98 = arith.constant 2176 : i32
    %dma_start3A_99 = tpu.memref_slice %arg5[%dma_start3A_98] : memref<3456xf32, #tpu.memory_space<vmem>> -> memref<128xf32, #tpu.memory_space<vmem>>
    %dma_start3A_100 = tpu.memref_slice %arg2[%add3A_97] : memref<12582912xf32, #tpu.memory_space<hbm>> -> memref<128xf32, #tpu.memory_space<hbm>>
    %dma_start3A_101 = arith.constant 2176 : i32
    %dma_start3A_102 = tpu.memref_slice %arg5[%dma_start3A_101] : memref<3456xf32, #tpu.memory_space<vmem>> -> memref<128xf32, #tpu.memory_space<vmem>>
    %dma_start3A_103 = tpu.memref_slice %arg2[%add3A_97] : memref<12582912xf32, #tpu.memory_space<hbm>> -> memref<128xf32, #tpu.memory_space<hbm>>
    tpu.enqueue_dma source(%dma_start3A_103 : memref<128xf32, #tpu.memory_space<hbm>>) target(%dma_start3A_102 : memref<128xf32, #tpu.memory_space<vmem>>) target_semaphore(%arg9 : memref<!tpu.dma_semaphore, #tpu.memory_space<semaphore_mem>>)
    %add3A_104 = arith.constant 8388608 : i32
    %add3A_105 = arith.addi %add3A_104, %mul3A_62 : i32
    %dma_start3A_106 = arith.constant 2304 : i32
    %dma_start3A_107 = tpu.memref_slice %arg5[%dma_start3A_106] : memref<3456xf32, #tpu.memory_space<vmem>> -> memref<1024xf32, #tpu.memory_space<vmem>>
    %dma_start3A_108 = tpu.memref_slice %arg2[%add3A_105] : memref<12582912xf32, #tpu.memory_space<hbm>> -> memref<1024xf32, #tpu.memory_space<hbm>>
    %dma_start3A_109 = arith.constant 2304 : i32
    %dma_start3A_110 = tpu.memref_slice %arg5[%dma_start3A_109] : memref<3456xf32, #tpu.memory_space<vmem>> -> memref<1024xf32, #tpu.memory_space<vmem>>
    %dma_start3A_111 = tpu.memref_slice %arg2[%add3A_105] : memref<12582912xf32, #tpu.memory_space<hbm>> -> memref<1024xf32, #tpu.memory_space<hbm>>
    tpu.enqueue_dma source(%dma_start3A_111 : memref<1024xf32, #tpu.memory_space<hbm>>) target(%dma_start3A_110 : memref<1024xf32, #tpu.memory_space<vmem>>) target_semaphore(%arg9 : memref<!tpu.dma_semaphore, #tpu.memory_space<semaphore_mem>>)
    %add3A_112 = arith.constant 8388608 : i32
    %add3A_113 = arith.addi %add3A_112, %mul3A_71 : i32
    %dma_start3A_114 = arith.constant 3328 : i32
    %dma_start3A_115 = tpu.memref_slice %arg5[%dma_start3A_114] : memref<3456xf32, #tpu.memory_space<vmem>> -> memref<128xf32, #tpu.memory_space<vmem>>
    %dma_start3A_116 = tpu.memref_slice %arg2[%add3A_113] : memref<12582912xf32, #tpu.memory_space<hbm>> -> memref<128xf32, #tpu.memory_space<hbm>>
    %dma_start3A_117 = arith.constant 3328 : i32
    %dma_start3A_118 = tpu.memref_slice %arg5[%dma_start3A_117] : memref<3456xf32, #tpu.memory_space<vmem>> -> memref<128xf32, #tpu.memory_space<vmem>>
    %dma_start3A_119 = tpu.memref_slice %arg2[%add3A_113] : memref<12582912xf32, #tpu.memory_space<hbm>> -> memref<128xf32, #tpu.memory_space<hbm>>
    tpu.enqueue_dma source(%dma_start3A_119 : memref<128xf32, #tpu.memory_space<hbm>>) target(%dma_start3A_118 : memref<128xf32, #tpu.memory_space<vmem>>) target_semaphore(%arg9 : memref<!tpu.dma_semaphore, #tpu.memory_space<semaphore_mem>>)
    %dma_wait3A = arith.constant 0 : i32
    %dma_wait3A_120 = tpu.memref_slice %arg4[%dma_wait3A] : memref<3456xf32, #tpu.memory_space<vmem>> -> memref<1024xf32, #tpu.memory_space<vmem>>
    %dma_wait3A_121 = arith.constant 0 : i32
    %dma_wait3A_122 = tpu.memref_slice %arg2[%dma_wait3A_121] : memref<12582912xf32, #tpu.memory_space<hbm>> -> memref<1024xf32, #tpu.memory_space<hbm>>
    %dma_wait3A_123 = arith.constant 0 : i32
    %dma_wait3A_124 = tpu.memref_slice %arg4[%dma_wait3A_123] : memref<3456xf32, #tpu.memory_space<vmem>> -> memref<1024xf32, #tpu.memory_space<vmem>>
    %dma_wait3A_125 = arith.constant 0 : i32
    %dma_wait3A_126 = tpu.memref_slice %arg2[%dma_wait3A_125] : memref<12582912xf32, #tpu.memory_space<hbm>> -> memref<1024xf32, #tpu.memory_space<hbm>>
    tpu.wait_dma2 semaphore(%arg8 : memref<!tpu.dma_semaphore, #tpu.memory_space<semaphore_mem>>) src(%dma_wait3A_126 : memref<1024xf32, #tpu.memory_space<hbm>>) dst(%dma_wait3A_124 : memref<1024xf32, #tpu.memory_space<vmem>>)
    %dma_wait3A_127 = arith.constant 1024 : i32
    %dma_wait3A_128 = tpu.memref_slice %arg4[%dma_wait3A_127] : memref<3456xf32, #tpu.memory_space<vmem>> -> memref<128xf32, #tpu.memory_space<vmem>>
    %dma_wait3A_129 = arith.constant 0 : i32
    %dma_wait3A_130 = tpu.memref_slice %arg2[%dma_wait3A_129] : memref<12582912xf32, #tpu.memory_space<hbm>> -> memref<128xf32, #tpu.memory_space<hbm>>
    %dma_wait3A_131 = arith.constant 1024 : i32
    %dma_wait3A_132 = tpu.memref_slice %arg4[%dma_wait3A_131] : memref<3456xf32, #tpu.memory_space<vmem>> -> memref<128xf32, #tpu.memory_space<vmem>>
    %dma_wait3A_133 = arith.constant 0 : i32
    %dma_wait3A_134 = tpu.memref_slice %arg2[%dma_wait3A_133] : memref<12582912xf32, #tpu.memory_space<hbm>> -> memref<128xf32, #tpu.memory_space<hbm>>
    tpu.wait_dma2 semaphore(%arg8 : memref<!tpu.dma_semaphore, #tpu.memory_space<semaphore_mem>>) src(%dma_wait3A_134 : memref<128xf32, #tpu.memory_space<hbm>>) dst(%dma_wait3A_132 : memref<128xf32, #tpu.memory_space<vmem>>)
    %dma_wait3A_135 = arith.constant 1152 : i32
    %dma_wait3A_136 = tpu.memref_slice %arg4[%dma_wait3A_135] : memref<3456xf32, #tpu.memory_space<vmem>> -> memref<1024xf32, #tpu.memory_space<vmem>>
    %dma_wait3A_137 = arith.constant 0 : i32
    %dma_wait3A_138 = tpu.memref_slice %arg2[%dma_wait3A_137] : memref<12582912xf32, #tpu.memory_space<hbm>> -> memref<1024xf32, #tpu.memory_space<hbm>>
    %dma_wait3A_139 = arith.constant 1152 : i32
    %dma_wait3A_140 = tpu.memref_slice %arg4[%dma_wait3A_139] : memref<3456xf32, #tpu.memory_space<vmem>> -> memref<1024xf32, #tpu.memory_space<vmem>>
    %dma_wait3A_141 = arith.constant 0 : i32
    %dma_wait3A_142 = tpu.memref_slice %arg2[%dma_wait3A_141] : memref<12582912xf32, #tpu.memory_space<hbm>> -> memref<1024xf32, #tpu.memory_space<hbm>>
    tpu.wait_dma2 semaphore(%arg8 : memref<!tpu.dma_semaphore, #tpu.memory_space<semaphore_mem>>) src(%dma_wait3A_142 : memref<1024xf32, #tpu.memory_space<hbm>>) dst(%dma_wait3A_140 : memref<1024xf32, #tpu.memory_space<vmem>>)
    %dma_wait3A_143 = arith.constant 2176 : i32
    %dma_wait3A_144 = tpu.memref_slice %arg4[%dma_wait3A_143] : memref<3456xf32, #tpu.memory_space<vmem>> -> memref<128xf32, #tpu.memory_space<vmem>>
    %dma_wait3A_145 = arith.constant 0 : i32
    %dma_wait3A_146 = tpu.memref_slice %arg2[%dma_wait3A_145] : memref<12582912xf32, #tpu.memory_space<hbm>> -> memref<128xf32, #tpu.memory_space<hbm>>
    %dma_wait3A_147 = arith.constant 2176 : i32
    %dma_wait3A_148 = tpu.memref_slice %arg4[%dma_wait3A_147] : memref<3456xf32, #tpu.memory_space<vmem>> -> memref<128xf32, #tpu.memory_space<vmem>>
    %dma_wait3A_149 = arith.constant 0 : i32
    %dma_wait3A_150 = tpu.memref_slice %arg2[%dma_wait3A_149] : memref<12582912xf32, #tpu.memory_space<hbm>> -> memref<128xf32, #tpu.memory_space<hbm>>
    tpu.wait_dma2 semaphore(%arg8 : memref<!tpu.dma_semaphore, #tpu.memory_space<semaphore_mem>>) src(%dma_wait3A_150 : memref<128xf32, #tpu.memory_space<hbm>>) dst(%dma_wait3A_148 : memref<128xf32, #tpu.memory_space<vmem>>)
    %dma_wait3A_151 = arith.constant 2304 : i32
    %dma_wait3A_152 = tpu.memref_slice %arg4[%dma_wait3A_151] : memref<3456xf32, #tpu.memory_space<vmem>> -> memref<1024xf32, #tpu.memory_space<vmem>>
    %dma_wait3A_153 = arith.constant 0 : i32
    %dma_wait3A_154 = tpu.memref_slice %arg2[%dma_wait3A_153] : memref<12582912xf32, #tpu.memory_space<hbm>> -> memref<1024xf32, #tpu.memory_space<hbm>>
    %dma_wait3A_155 = arith.constant 2304 : i32
    %dma_wait3A_156 = tpu.memref_slice %arg4[%dma_wait3A_155] : memref<3456xf32, #tpu.memory_space<vmem>> -> memref<1024xf32, #tpu.memory_space<vmem>>
    %dma_wait3A_157 = arith.constant 0 : i32
    %dma_wait3A_158 = tpu.memref_slice %arg2[%dma_wait3A_157] : memref<12582912xf32, #tpu.memory_space<hbm>> -> memref<1024xf32, #tpu.memory_space<hbm>>
    tpu.wait_dma2 semaphore(%arg8 : memref<!tpu.dma_semaphore, #tpu.memory_space<semaphore_mem>>) src(%dma_wait3A_158 : memref<1024xf32, #tpu.memory_space<hbm>>) dst(%dma_wait3A_156 : memref<1024xf32, #tpu.memory_space<vmem>>)
    %dma_wait3A_159 = arith.constant 3328 : i32
    %dma_wait3A_160 = tpu.memref_slice %arg4[%dma_wait3A_159] : memref<3456xf32, #tpu.memory_space<vmem>> -> memref<128xf32, #tpu.memory_space<vmem>>
    %dma_wait3A_161 = arith.constant 0 : i32
    %dma_wait3A_162 = tpu.memref_slice %arg2[%dma_wait3A_161] : memref<12582912xf32, #tpu.memory_space<hbm>> -> memref<128xf32, #tpu.memory_space<hbm>>
    %dma_wait3A_163 = arith.constant 3328 : i32
    %dma_wait3A_164 = tpu.memref_slice %arg4[%dma_wait3A_163] : memref<3456xf32, #tpu.memory_space<vmem>> -> memref<128xf32, #tpu.memory_space<vmem>>
    %dma_wait3A_165 = arith.constant 0 : i32
    %dma_wait3A_166 = tpu.memref_slice %arg2[%dma_wait3A_165] : memref<12582912xf32, #tpu.memory_space<hbm>> -> memref<128xf32, #tpu.memory_space<hbm>>
    tpu.wait_dma2 semaphore(%arg8 : memref<!tpu.dma_semaphore, #tpu.memory_space<semaphore_mem>>) src(%dma_wait3A_166 : memref<128xf32, #tpu.memory_space<hbm>>) dst(%dma_wait3A_164 : memref<128xf32, #tpu.memory_space<vmem>>)
    %parallel_loop3A = arith.constant 0 : i32
    %parallel_loop3A_167 = arith.constant 64 : i32
    %parallel_loop3A_168 = arith.constant 1 : i32
    scf.for %parallel_loop3A_723 = %parallel_loop3A to %parallel_loop3A_167 step %parallel_loop3A_168  : i32 {
      %parallel_loop3A_724 = arith.constant 16 : i32
      %parallel_loop3A_725 = arith.muli %parallel_loop3A_723, %parallel_loop3A_724 : i32
      %parallel_loop3A_726 = vector.broadcast %parallel_loop3A_725 : i32 to vector<16xi32>
      %parallel_loop3A_727 = arith.addi %parallel_loop3A_726, %iota3A : vector<16xi32>
      %parallel_loop3A_728 = arith.constant 8 : i32
      %parallel_loop3A_729 = vector.broadcast %parallel_loop3A_728 : i32 to vector<16xi32>
      %parallel_loop3A_730 = arith.muli %parallel_loop3A_727, %parallel_loop3A_729 : vector<16xi32>
      %parallel_loop3A_731 = arith.constant 0 : i32
      %parallel_loop3A_732 = arith.addi %parallel_loop3A_731, %parallel_loop3A_725 : i32
      %parallel_loop3A_733 = arith.index_cast %parallel_loop3A_732 : i32 to index
      %parallel_loop3A_734 = tpu.vector_load %arg4[%parallel_loop3A_733] {strides = array<i32>} : memref<3456xf32, #tpu.memory_space<vmem>>, vector<16xf32>,
      %parallel_loop3A_735 = arith.constant 0 : i32
      %parallel_loop3A_736 = arith.addi %parallel_loop3A_735, %parallel_loop3A_725 : i32
      %parallel_loop3A_737 = arith.constant 128 : i32
      %parallel_loop3A_738 = arith.addi %parallel_loop3A_736, %parallel_loop3A_737 : i32
      %parallel_loop3A_739 = arith.index_cast %parallel_loop3A_738 : i32 to index
      %parallel_loop3A_740 = tpu.vector_load %arg4[%parallel_loop3A_739] {strides = array<i32>} : memref<3456xf32, #tpu.memory_space<vmem>>, vector<16xf32>,
      %parallel_loop3A_741 = arith.constant 0 : i32
      %parallel_loop3A_742 = vector.broadcast %parallel_loop3A_741 : i32 to vector<16xi32>
      %parallel_loop3A_743 = arith.addi %parallel_loop3A_730, %parallel_loop3A_742 : vector<16xi32>
      tpu.vector_store_idx %arg6[%parallel_loop3A_743], %parallel_loop3A_734 : memref<8192xf32, #tpu.memory_space<vmem>>[vector<16xi32>], vector<16xf32>,
      %parallel_loop3A_744 = arith.constant 4 : i32
      %parallel_loop3A_745 = vector.broadcast %parallel_loop3A_744 : i32 to vector<16xi32>
      %parallel_loop3A_746 = arith.addi %parallel_loop3A_730, %parallel_loop3A_745 : vector<16xi32>
      tpu.vector_store_idx %arg6[%parallel_loop3A_746], %parallel_loop3A_740 : memref<8192xf32, #tpu.memory_space<vmem>>[vector<16xi32>], vector<16xf32>,
      %parallel_loop3A_747 = arith.constant 1152 : i32
      %parallel_loop3A_748 = arith.addi %parallel_loop3A_747, %parallel_loop3A_725 : i32
      %parallel_loop3A_749 = arith.index_cast %parallel_loop3A_748 : i32 to index
      %parallel_loop3A_750 = tpu.vector_load %arg4[%parallel_loop3A_749] {strides = array<i32>} : memref<3456xf32, #tpu.memory_space<vmem>>, vector<16xf32>,
      %parallel_loop3A_751 = arith.constant 1152 : i32
      %parallel_loop3A_752 = arith.addi %parallel_loop3A_751, %parallel_loop3A_725 : i32
      %parallel_loop3A_753 = arith.constant 128 : i32
      %parallel_loop3A_754 = arith.addi %parallel_loop3A_752, %parallel_loop3A_753 : i32
      %parallel_loop3A_755 = arith.index_cast %parallel_loop3A_754 : i32 to index
      %parallel_loop3A_756 = tpu.vector_load %arg4[%parallel_loop3A_755] {strides = array<i32>} : memref<3456xf32, #tpu.memory_space<vmem>>, vector<16xf32>,
      %parallel_loop3A_757 = arith.constant 1 : i32
      %parallel_loop3A_758 = vector.broadcast %parallel_loop3A_757 : i32 to vector<16xi32>
      %parallel_loop3A_759 = arith.addi %parallel_loop3A_730, %parallel_loop3A_758 : vector<16xi32>
      tpu.vector_store_idx %arg6[%parallel_loop3A_759], %parallel_loop3A_750 : memref<8192xf32, #tpu.memory_space<vmem>>[vector<16xi32>], vector<16xf32>,
      %parallel_loop3A_760 = arith.constant 5 : i32
      %parallel_loop3A_761 = vector.broadcast %parallel_loop3A_760 : i32 to vector<16xi32>
      %parallel_loop3A_762 = arith.addi %parallel_loop3A_730, %parallel_loop3A_761 : vector<16xi32>
      tpu.vector_store_idx %arg6[%parallel_loop3A_762], %parallel_loop3A_756 : memref<8192xf32, #tpu.memory_space<vmem>>[vector<16xi32>], vector<16xf32>,
      %parallel_loop3A_763 = arith.constant 2304 : i32
      %parallel_loop3A_764 = arith.addi %parallel_loop3A_763, %parallel_loop3A_725 : i32
      %parallel_loop3A_765 = arith.index_cast %parallel_loop3A_764 : i32 to index
      %parallel_loop3A_766 = tpu.vector_load %arg4[%parallel_loop3A_765] {strides = array<i32>} : memref<3456xf32, #tpu.memory_space<vmem>>, vector<16xf32>,
      %parallel_loop3A_767 = arith.constant 2304 : i32
      %parallel_loop3A_768 = arith.addi %parallel_loop3A_767, %parallel_loop3A_725 : i32
      %parallel_loop3A_769 = arith.constant 128 : i32
      %parallel_loop3A_770 = arith.addi %parallel_loop3A_768, %parallel_loop3A_769 : i32
      %parallel_loop3A_771 = arith.index_cast %parallel_loop3A_770 : i32 to index
      %parallel_loop3A_772 = tpu.vector_load %arg4[%parallel_loop3A_771] {strides = array<i32>} : memref<3456xf32, #tpu.memory_space<vmem>>, vector<16xf32>,
      %parallel_loop3A_773 = arith.constant 2 : i32
      %parallel_loop3A_774 = vector.broadcast %parallel_loop3A_773 : i32 to vector<16xi32>
      %parallel_loop3A_775 = arith.addi %parallel_loop3A_730, %parallel_loop3A_774 : vector<16xi32>
      tpu.vector_store_idx %arg6[%parallel_loop3A_775], %parallel_loop3A_766 : memref<8192xf32, #tpu.memory_space<vmem>>[vector<16xi32>], vector<16xf32>,
      %parallel_loop3A_776 = arith.constant 6 : i32
      %parallel_loop3A_777 = vector.broadcast %parallel_loop3A_776 : i32 to vector<16xi32>
      %parallel_loop3A_778 = arith.addi %parallel_loop3A_730, %parallel_loop3A_777 : vector<16xi32>
      tpu.vector_store_idx %arg6[%parallel_loop3A_778], %parallel_loop3A_772 : memref<8192xf32, #tpu.memory_space<vmem>>[vector<16xi32>], vector<16xf32>,
    } {sc.loop_unroll_factor = 4 : i64, sc.parallel_access}
    %add3A_169 = arith.constant 2 : i32
    %add3A_170 = arith.addi %mul3A_2, %add3A_169 : i32
    %mul3A_171 = arith.constant 1024 : i32
    %mul3A_172 = arith.muli %add3A_170, %mul3A_171 : i32
    %add3A_173 = arith.constant 16 : i32
    %add3A_174 = arith.addi %add3A_170, %add3A_173 : i32
    %lt3A_175 = arith.constant 4096 : i32
    %lt3A_176 = arith.cmpi slt, %add3A_174, %lt3A_175 : i32
    %add3A_177 = arith.constant 16 : i32
    %add3A_178 = arith.addi %add3A_170, %add3A_177 : i32
    %select_n3A_179 = arith.select %lt3A_176, %add3A_178, %add3A_170 : i32
    %mul3A_180 = arith.constant 1024 : i32
    %mul3A_181 = arith.muli %select_n3A_179, %mul3A_180 : i32
    %add3A_182 = arith.constant 0 : i32
    %add3A_183 = arith.addi %add3A_182, %mul3A_172 : i32
    %dma_start3A_184 = arith.constant 0 : i32
    %dma_start3A_185 = tpu.memref_slice %arg4[%dma_start3A_184] : memref<3456xf32, #tpu.memory_space<vmem>> -> memref<1024xf32, #tpu.memory_space<vmem>>
    %dma_start3A_186 = tpu.memref_slice %arg2[%add3A_183] : memref<12582912xf32, #tpu.memory_space<hbm>> -> memref<1024xf32, #tpu.memory_space<hbm>>
    %dma_start3A_187 = arith.constant 0 : i32
    %dma_start3A_188 = tpu.memref_slice %arg4[%dma_start3A_187] : memref<3456xf32, #tpu.memory_space<vmem>> -> memref<1024xf32, #tpu.memory_space<vmem>>
    %dma_start3A_189 = tpu.memref_slice %arg2[%add3A_183] : memref<12582912xf32, #tpu.memory_space<hbm>> -> memref<1024xf32, #tpu.memory_space<hbm>>
    tpu.enqueue_dma source(%dma_start3A_189 : memref<1024xf32, #tpu.memory_space<hbm>>) target(%dma_start3A_188 : memref<1024xf32, #tpu.memory_space<vmem>>) target_semaphore(%arg8 : memref<!tpu.dma_semaphore, #tpu.memory_space<semaphore_mem>>)
    %add3A_190 = arith.constant 0 : i32
    %add3A_191 = arith.addi %add3A_190, %mul3A_181 : i32
    %dma_start3A_192 = arith.constant 1024 : i32
    %dma_start3A_193 = tpu.memref_slice %arg4[%dma_start3A_192] : memref<3456xf32, #tpu.memory_space<vmem>> -> memref<128xf32, #tpu.memory_space<vmem>>
    %dma_start3A_194 = tpu.memref_slice %arg2[%add3A_191] : memref<12582912xf32, #tpu.memory_space<hbm>> -> memref<128xf32, #tpu.memory_space<hbm>>
    %dma_start3A_195 = arith.constant 1024 : i32
    %dma_start3A_196 = tpu.memref_slice %arg4[%dma_start3A_195] : memref<3456xf32, #tpu.memory_space<vmem>> -> memref<128xf32, #tpu.memory_space<vmem>>
    %dma_start3A_197 = tpu.memref_slice %arg2[%add3A_191] : memref<12582912xf32, #tpu.memory_space<hbm>> -> memref<128xf32, #tpu.memory_space<hbm>>
    tpu.enqueue_dma source(%dma_start3A_197 : memref<128xf32, #tpu.memory_space<hbm>>) target(%dma_start3A_196 : memref<128xf32, #tpu.memory_space<vmem>>) target_semaphore(%arg8 : memref<!tpu.dma_semaphore, #tpu.memory_space<semaphore_mem>>)
    %add3A_198 = arith.constant 4194304 : i32
    %add3A_199 = arith.addi %add3A_198, %mul3A_172 : i32
    %dma_start3A_200 = arith.constant 1152 : i32
    %dma_start3A_201 = tpu.memref_slice %arg4[%dma_start3A_200] : memref<3456xf32, #tpu.memory_space<vmem>> -> memref<1024xf32, #tpu.memory_space<vmem>>
    %dma_start3A_202 = tpu.memref_slice %arg2[%add3A_199] : memref<12582912xf32, #tpu.memory_space<hbm>> -> memref<1024xf32, #tpu.memory_space<hbm>>
    %dma_start3A_203 = arith.constant 1152 : i32
    %dma_start3A_204 = tpu.memref_slice %arg4[%dma_start3A_203] : memref<3456xf32, #tpu.memory_space<vmem>> -> memref<1024xf32, #tpu.memory_space<vmem>>
    %dma_start3A_205 = tpu.memref_slice %arg2[%add3A_199] : memref<12582912xf32, #tpu.memory_space<hbm>> -> memref<1024xf32, #tpu.memory_space<hbm>>
    tpu.enqueue_dma source(%dma_start3A_205 : memref<1024xf32, #tpu.memory_space<hbm>>) target(%dma_start3A_204 : memref<1024xf32, #tpu.memory_space<vmem>>) target_semaphore(%arg8 : memref<!tpu.dma_semaphore, #tpu.memory_space<semaphore_mem>>)
    %add3A_206 = arith.constant 4194304 : i32
    %add3A_207 = arith.addi %add3A_206, %mul3A_181 : i32
    %dma_start3A_208 = arith.constant 2176 : i32
    %dma_start3A_209 = tpu.memref_slice %arg4[%dma_start3A_208] : memref<3456xf32, #tpu.memory_space<vmem>> -> memref<128xf32, #tpu.memory_space<vmem>>
    %dma_start3A_210 = tpu.memref_slice %arg2[%add3A_207] : memref<12582912xf32, #tpu.memory_space<hbm>> -> memref<128xf32, #tpu.memory_space<hbm>>
    %dma_start3A_211 = arith.constant 2176 : i32
    %dma_start3A_212 = tpu.memref_slice %arg4[%dma_start3A_211] : memref<3456xf32, #tpu.memory_space<vmem>> -> memref<128xf32, #tpu.memory_space<vmem>>
    %dma_start3A_213 = tpu.memref_slice %arg2[%add3A_207] : memref<12582912xf32, #tpu.memory_space<hbm>> -> memref<128xf32, #tpu.memory_space<hbm>>
    tpu.enqueue_dma source(%dma_start3A_213 : memref<128xf32, #tpu.memory_space<hbm>>) target(%dma_start3A_212 : memref<128xf32, #tpu.memory_space<vmem>>) target_semaphore(%arg8 : memref<!tpu.dma_semaphore, #tpu.memory_space<semaphore_mem>>)
    %add3A_214 = arith.constant 8388608 : i32
    %add3A_215 = arith.addi %add3A_214, %mul3A_172 : i32
    %dma_start3A_216 = arith.constant 2304 : i32
    %dma_start3A_217 = tpu.memref_slice %arg4[%dma_start3A_216] : memref<3456xf32, #tpu.memory_space<vmem>> -> memref<1024xf32, #tpu.memory_space<vmem>>
    %dma_start3A_218 = tpu.memref_slice %arg2[%add3A_215] : memref<12582912xf32, #tpu.memory_space<hbm>> -> memref<1024xf32, #tpu.memory_space<hbm>>
    %dma_start3A_219 = arith.constant 2304 : i32
    %dma_start3A_220 = tpu.memref_slice %arg4[%dma_start3A_219] : memref<3456xf32, #tpu.memory_space<vmem>> -> memref<1024xf32, #tpu.memory_space<vmem>>
    %dma_start3A_221 = tpu.memref_slice %arg2[%add3A_215] : memref<12582912xf32, #tpu.memory_space<hbm>> -> memref<1024xf32, #tpu.memory_space<hbm>>
    tpu.enqueue_dma source(%dma_start3A_221 : memref<1024xf32, #tpu.memory_space<hbm>>) target(%dma_start3A_220 : memref<1024xf32, #tpu.memory_space<vmem>>) target_semaphore(%arg8 : memref<!tpu.dma_semaphore, #tpu.memory_space<semaphore_mem>>)
    %add3A_222 = arith.constant 8388608 : i32
    %add3A_223 = arith.addi %add3A_222, %mul3A_181 : i32
    %dma_start3A_224 = arith.constant 3328 : i32
    %dma_start3A_225 = tpu.memref_slice %arg4[%dma_start3A_224] : memref<3456xf32, #tpu.memory_space<vmem>> -> memref<128xf32, #tpu.memory_space<vmem>>
    %dma_start3A_226 = tpu.memref_slice %arg2[%add3A_223] : memref<12582912xf32, #tpu.memory_space<hbm>> -> memref<128xf32, #tpu.memory_space<hbm>>
    %dma_start3A_227 = arith.constant 3328 : i32
    %dma_start3A_228 = tpu.memref_slice %arg4[%dma_start3A_227] : memref<3456xf32, #tpu.memory_space<vmem>> -> memref<128xf32, #tpu.memory_space<vmem>>
    %dma_start3A_229 = tpu.memref_slice %arg2[%add3A_223] : memref<12582912xf32, #tpu.memory_space<hbm>> -> memref<128xf32, #tpu.memory_space<hbm>>
    tpu.enqueue_dma source(%dma_start3A_229 : memref<128xf32, #tpu.memory_space<hbm>>) target(%dma_start3A_228 : memref<128xf32, #tpu.memory_space<vmem>>) target_semaphore(%arg8 : memref<!tpu.dma_semaphore, #tpu.memory_space<semaphore_mem>>)
    %shift_right_arithmetic3A = arith.constant 4 : i32
    %shift_right_arithmetic3A_230 = arith.shrsi %mul3A_2, %shift_right_arithmetic3A : i32
    %and3A = arith.constant 15 : i32
    %and3A_231 = arith.andi %mul3A_2, %and3A : i32
    %mul3A_232 = arith.constant 8 : i32
    %mul3A_233 = arith.muli %shift_right_arithmetic3A_230, %mul3A_232 : i32
    %add3A_234 = arith.constant 0 : i32
    %add3A_235 = arith.addi %mul3A_233, %add3A_234 : i32
    %mul3A_236 = arith.constant 16384 : i32
    %mul3A_237 = arith.muli %add3A_235, %mul3A_236 : i32
    %mul3A_238 = arith.constant 1024 : i32
    %mul3A_239 = arith.muli %and3A_231, %mul3A_238 : i32
    %add3A_240 = arith.addi %mul3A_237, %mul3A_239 : i32
    %dma_start3A_241 = arith.constant 0 : i32
    %dma_start3A_242 = tpu.memref_slice %arg6[%dma_start3A_241] : memref<8192xf32, #tpu.memory_space<vmem>> -> memref<1024xf32, #tpu.memory_space<vmem>>
    %dma_start3A_243 = tpu.memref_slice %arg3[%add3A_240] : memref<33554432xf32, #tpu.memory_space<hbm>> -> memref<1024xf32, #tpu.memory_space<hbm>>
    %dma_start3A_244 = tpu.memref_slice %arg3[%add3A_240] : memref<33554432xf32, #tpu.memory_space<hbm>> -> memref<1024xf32, #tpu.memory_space<hbm>>
    %dma_start3A_245 = arith.constant 0 : i32
    %dma_start3A_246 = tpu.memref_slice %arg6[%dma_start3A_245] : memref<8192xf32, #tpu.memory_space<vmem>> -> memref<1024xf32, #tpu.memory_space<vmem>>
    tpu.enqueue_dma source(%dma_start3A_246 : memref<1024xf32, #tpu.memory_space<vmem>>) target(%dma_start3A_244 : memref<1024xf32, #tpu.memory_space<hbm>>) target_semaphore(%arg10 : memref<!tpu.dma_semaphore, #tpu.memory_space<semaphore_mem>>)
    %mul3A_247 = arith.constant 8 : i32
    %mul3A_248 = arith.muli %shift_right_arithmetic3A_230, %mul3A_247 : i32
    %add3A_249 = arith.constant 1 : i32
    %add3A_250 = arith.addi %mul3A_248, %add3A_249 : i32
    %mul3A_251 = arith.constant 16384 : i32
    %mul3A_252 = arith.muli %add3A_250, %mul3A_251 : i32
    %mul3A_253 = arith.constant 1024 : i32
    %mul3A_254 = arith.muli %and3A_231, %mul3A_253 : i32
    %add3A_255 = arith.addi %mul3A_252, %mul3A_254 : i32
    %dma_start3A_256 = arith.constant 1024 : i32
    %dma_start3A_257 = tpu.memref_slice %arg6[%dma_start3A_256] : memref<8192xf32, #tpu.memory_space<vmem>> -> memref<1024xf32, #tpu.memory_space<vmem>>
    %dma_start3A_258 = tpu.memref_slice %arg3[%add3A_255] : memref<33554432xf32, #tpu.memory_space<hbm>> -> memref<1024xf32, #tpu.memory_space<hbm>>
    %dma_start3A_259 = tpu.memref_slice %arg3[%add3A_255] : memref<33554432xf32, #tpu.memory_space<hbm>> -> memref<1024xf32, #tpu.memory_space<hbm>>
    %dma_start3A_260 = arith.constant 1024 : i32
    %dma_start3A_261 = tpu.memref_slice %arg6[%dma_start3A_260] : memref<8192xf32, #tpu.memory_space<vmem>> -> memref<1024xf32, #tpu.memory_space<vmem>>
    tpu.enqueue_dma source(%dma_start3A_261 : memref<1024xf32, #tpu.memory_space<vmem>>) target(%dma_start3A_259 : memref<1024xf32, #tpu.memory_space<hbm>>) target_semaphore(%arg10 : memref<!tpu.dma_semaphore, #tpu.memory_space<semaphore_mem>>)
    %mul3A_262 = arith.constant 8 : i32
    %mul3A_263 = arith.muli %shift_right_arithmetic3A_230, %mul3A_262 : i32
    %add3A_264 = arith.constant 2 : i32
    %add3A_265 = arith.addi %mul3A_263, %add3A_264 : i32
    %mul3A_266 = arith.constant 16384 : i32
    %mul3A_267 = arith.muli %add3A_265, %mul3A_266 : i32
    %mul3A_268 = arith.constant 1024 : i32
    %mul3A_269 = arith.muli %and3A_231, %mul3A_268 : i32
    %add3A_270 = arith.addi %mul3A_267, %mul3A_269 : i32
    %dma_start3A_271 = arith.constant 2048 : i32
    %dma_start3A_272 = tpu.memref_slice %arg6[%dma_start3A_271] : memref<8192xf32, #tpu.memory_space<vmem>> -> memref<1024xf32, #tpu.memory_space<vmem>>
    %dma_start3A_273 = tpu.memref_slice %arg3[%add3A_270] : memref<33554432xf32, #tpu.memory_space<hbm>> -> memref<1024xf32, #tpu.memory_space<hbm>>
    %dma_start3A_274 = tpu.memref_slice %arg3[%add3A_270] : memref<33554432xf32, #tpu.memory_space<hbm>> -> memref<1024xf32, #tpu.memory_space<hbm>>
    %dma_start3A_275 = arith.constant 2048 : i32
    %dma_start3A_276 = tpu.memref_slice %arg6[%dma_start3A_275] : memref<8192xf32, #tpu.memory_space<vmem>> -> memref<1024xf32, #tpu.memory_space<vmem>>
    tpu.enqueue_dma source(%dma_start3A_276 : memref<1024xf32, #tpu.memory_space<vmem>>) target(%dma_start3A_274 : memref<1024xf32, #tpu.memory_space<hbm>>) target_semaphore(%arg10 : memref<!tpu.dma_semaphore, #tpu.memory_space<semaphore_mem>>)
    %mul3A_277 = arith.constant 8 : i32
    %mul3A_278 = arith.muli %shift_right_arithmetic3A_230, %mul3A_277 : i32
    %add3A_279 = arith.constant 3 : i32
    %add3A_280 = arith.addi %mul3A_278, %add3A_279 : i32
    %mul3A_281 = arith.constant 16384 : i32
    %mul3A_282 = arith.muli %add3A_280, %mul3A_281 : i32
    %mul3A_283 = arith.constant 1024 : i32
    %mul3A_284 = arith.muli %and3A_231, %mul3A_283 : i32
    %add3A_285 = arith.addi %mul3A_282, %mul3A_284 : i32
    %dma_start3A_286 = arith.constant 3072 : i32
    %dma_start3A_287 = tpu.memref_slice %arg6[%dma_start3A_286] : memref<8192xf32, #tpu.memory_space<vmem>> -> memref<1024xf32, #tpu.memory_space<vmem>>
    %dma_start3A_288 = tpu.memref_slice %arg3[%add3A_285] : memref<33554432xf32, #tpu.memory_space<hbm>> -> memref<1024xf32, #tpu.memory_space<hbm>>
    %dma_start3A_289 = tpu.memref_slice %arg3[%add3A_285] : memref<33554432xf32, #tpu.memory_space<hbm>> -> memref<1024xf32, #tpu.memory_space<hbm>>
    %dma_start3A_290 = arith.constant 3072 : i32
    %dma_start3A_291 = tpu.memref_slice %arg6[%dma_start3A_290] : memref<8192xf32, #tpu.memory_space<vmem>> -> memref<1024xf32, #tpu.memory_space<vmem>>
    tpu.enqueue_dma source(%dma_start3A_291 : memref<1024xf32, #tpu.memory_space<vmem>>) target(%dma_start3A_289 : memref<1024xf32, #tpu.memory_space<hbm>>) target_semaphore(%arg10 : memref<!tpu.dma_semaphore, #tpu.memory_space<semaphore_mem>>)
    %mul3A_292 = arith.constant 8 : i32
    %mul3A_293 = arith.muli %shift_right_arithmetic3A_230, %mul3A_292 : i32
    %add3A_294 = arith.constant 4 : i32
    %add3A_295 = arith.addi %mul3A_293, %add3A_294 : i32
    %mul3A_296 = arith.constant 16384 : i32
    %mul3A_297 = arith.muli %add3A_295, %mul3A_296 : i32
    %mul3A_298 = arith.constant 1024 : i32
    %mul3A_299 = arith.muli %and3A_231, %mul3A_298 : i32
    %add3A_300 = arith.addi %mul3A_297, %mul3A_299 : i32
    %dma_start3A_301 = arith.constant 4096 : i32
    %dma_start3A_302 = tpu.memref_slice %arg6[%dma_start3A_301] : memref<8192xf32, #tpu.memory_space<vmem>> -> memref<1024xf32, #tpu.memory_space<vmem>>
    %dma_start3A_303 = tpu.memref_slice %arg3[%add3A_300] : memref<33554432xf32, #tpu.memory_space<hbm>> -> memref<1024xf32, #tpu.memory_space<hbm>>
    %dma_start3A_304 = tpu.memref_slice %arg3[%add3A_300] : memref<33554432xf32, #tpu.memory_space<hbm>> -> memref<1024xf32, #tpu.memory_space<hbm>>
    %dma_start3A_305 = arith.constant 4096 : i32
    %dma_start3A_306 = tpu.memref_slice %arg6[%dma_start3A_305] : memref<8192xf32, #tpu.memory_space<vmem>> -> memref<1024xf32, #tpu.memory_space<vmem>>
    tpu.enqueue_dma source(%dma_start3A_306 : memref<1024xf32, #tpu.memory_space<vmem>>) target(%dma_start3A_304 : memref<1024xf32, #tpu.memory_space<hbm>>) target_semaphore(%arg10 : memref<!tpu.dma_semaphore, #tpu.memory_space<semaphore_mem>>)
    %mul3A_307 = arith.constant 8 : i32
    %mul3A_308 = arith.muli %shift_right_arithmetic3A_230, %mul3A_307 : i32
    %add3A_309 = arith.constant 5 : i32
    %add3A_310 = arith.addi %mul3A_308, %add3A_309 : i32
    %mul3A_311 = arith.constant 16384 : i32
    %mul3A_312 = arith.muli %add3A_310, %mul3A_311 : i32
    %mul3A_313 = arith.constant 1024 : i32
    %mul3A_314 = arith.muli %and3A_231, %mul3A_313 : i32
    %add3A_315 = arith.addi %mul3A_312, %mul3A_314 : i32
    %dma_start3A_316 = arith.constant 5120 : i32
    %dma_start3A_317 = tpu.memref_slice %arg6[%dma_start3A_316] : memref<8192xf32, #tpu.memory_space<vmem>> -> memref<1024xf32, #tpu.memory_space<vmem>>
    %dma_start3A_318 = tpu.memref_slice %arg3[%add3A_315] : memref<33554432xf32, #tpu.memory_space<hbm>> -> memref<1024xf32, #tpu.memory_space<hbm>>
    %dma_start3A_319 = tpu.memref_slice %arg3[%add3A_315] : memref<33554432xf32, #tpu.memory_space<hbm>> -> memref<1024xf32, #tpu.memory_space<hbm>>
    %dma_start3A_320 = arith.constant 5120 : i32
    %dma_start3A_321 = tpu.memref_slice %arg6[%dma_start3A_320] : memref<8192xf32, #tpu.memory_space<vmem>> -> memref<1024xf32, #tpu.memory_space<vmem>>
    tpu.enqueue_dma source(%dma_start3A_321 : memref<1024xf32, #tpu.memory_space<vmem>>) target(%dma_start3A_319 : memref<1024xf32, #tpu.memory_space<hbm>>) target_semaphore(%arg10 : memref<!tpu.dma_semaphore, #tpu.memory_space<semaphore_mem>>)
    %mul3A_322 = arith.constant 8 : i32
    %mul3A_323 = arith.muli %shift_right_arithmetic3A_230, %mul3A_322 : i32
    %add3A_324 = arith.constant 6 : i32
    %add3A_325 = arith.addi %mul3A_323, %add3A_324 : i32
    %mul3A_326 = arith.constant 16384 : i32
    %mul3A_327 = arith.muli %add3A_325, %mul3A_326 : i32
    %mul3A_328 = arith.constant 1024 : i32
    %mul3A_329 = arith.muli %and3A_231, %mul3A_328 : i32
    %add3A_330 = arith.addi %mul3A_327, %mul3A_329 : i32
    %dma_start3A_331 = arith.constant 6144 : i32
    %dma_start3A_332 = tpu.memref_slice %arg6[%dma_start3A_331] : memref<8192xf32, #tpu.memory_space<vmem>> -> memref<1024xf32, #tpu.memory_space<vmem>>
    %dma_start3A_333 = tpu.memref_slice %arg3[%add3A_330] : memref<33554432xf32, #tpu.memory_space<hbm>> -> memref<1024xf32, #tpu.memory_space<hbm>>
    %dma_start3A_334 = tpu.memref_slice %arg3[%add3A_330] : memref<33554432xf32, #tpu.memory_space<hbm>> -> memref<1024xf32, #tpu.memory_space<hbm>>
    %dma_start3A_335 = arith.constant 6144 : i32
    %dma_start3A_336 = tpu.memref_slice %arg6[%dma_start3A_335] : memref<8192xf32, #tpu.memory_space<vmem>> -> memref<1024xf32, #tpu.memory_space<vmem>>
    tpu.enqueue_dma source(%dma_start3A_336 : memref<1024xf32, #tpu.memory_space<vmem>>) target(%dma_start3A_334 : memref<1024xf32, #tpu.memory_space<hbm>>) target_semaphore(%arg10 : memref<!tpu.dma_semaphore, #tpu.memory_space<semaphore_mem>>)
    %mul3A_337 = arith.constant 8 : i32
    %mul3A_338 = arith.muli %shift_right_arithmetic3A_230, %mul3A_337 : i32
    %add3A_339 = arith.constant 7 : i32
    %add3A_340 = arith.addi %mul3A_338, %add3A_339 : i32
    %mul3A_341 = arith.constant 16384 : i32
    %mul3A_342 = arith.muli %add3A_340, %mul3A_341 : i32
    %mul3A_343 = arith.constant 1024 : i32
    %mul3A_344 = arith.muli %and3A_231, %mul3A_343 : i32
    %add3A_345 = arith.addi %mul3A_342, %mul3A_344 : i32
    %dma_start3A_346 = arith.constant 7168 : i32
    %dma_start3A_347 = tpu.memref_slice %arg6[%dma_start3A_346] : memref<8192xf32, #tpu.memory_space<vmem>> -> memref<1024xf32, #tpu.memory_space<vmem>>
    %dma_start3A_348 = tpu.memref_slice %arg3[%add3A_345] : memref<33554432xf32, #tpu.memory_space<hbm>> -> memref<1024xf32, #tpu.memory_space<hbm>>
    %dma_start3A_349 = tpu.memref_slice %arg3[%add3A_345] : memref<33554432xf32, #tpu.memory_space<hbm>> -> memref<1024xf32, #tpu.memory_space<hbm>>
    %dma_start3A_350 = arith.constant 7168 : i32
    %dma_start3A_351 = tpu.memref_slice %arg6[%dma_start3A_350] : memref<8192xf32, #tpu.memory_space<vmem>> -> memref<1024xf32, #tpu.memory_space<vmem>>
    tpu.enqueue_dma source(%dma_start3A_351 : memref<1024xf32, #tpu.memory_space<vmem>>) target(%dma_start3A_349 : memref<1024xf32, #tpu.memory_space<hbm>>) target_semaphore(%arg10 : memref<!tpu.dma_semaphore, #tpu.memory_space<semaphore_mem>>)
    %dma_wait3A_352 = arith.constant 0 : i32
    %dma_wait3A_353 = tpu.memref_slice %arg5[%dma_wait3A_352] : memref<3456xf32, #tpu.memory_space<vmem>> -> memref<1024xf32, #tpu.memory_space<vmem>>
    %dma_wait3A_354 = arith.constant 0 : i32
    %dma_wait3A_355 = tpu.memref_slice %arg2[%dma_wait3A_354] : memref<12582912xf32, #tpu.memory_space<hbm>> -> memref<1024xf32, #tpu.memory_space<hbm>>
    %dma_wait3A_356 = arith.constant 0 : i32
    %dma_wait3A_357 = tpu.memref_slice %arg5[%dma_wait3A_356] : memref<3456xf32, #tpu.memory_space<vmem>> -> memref<1024xf32, #tpu.memory_space<vmem>>
    %dma_wait3A_358 = arith.constant 0 : i32
    %dma_wait3A_359 = tpu.memref_slice %arg2[%dma_wait3A_358] : memref<12582912xf32, #tpu.memory_space<hbm>> -> memref<1024xf32, #tpu.memory_space<hbm>>
    tpu.wait_dma2 semaphore(%arg9 : memref<!tpu.dma_semaphore, #tpu.memory_space<semaphore_mem>>) src(%dma_wait3A_359 : memref<1024xf32, #tpu.memory_space<hbm>>) dst(%dma_wait3A_357 : memref<1024xf32, #tpu.memory_space<vmem>>)
    %dma_wait3A_360 = arith.constant 1024 : i32
    %dma_wait3A_361 = tpu.memref_slice %arg5[%dma_wait3A_360] : memref<3456xf32, #tpu.memory_space<vmem>> -> memref<128xf32, #tpu.memory_space<vmem>>
    %dma_wait3A_362 = arith.constant 0 : i32
    %dma_wait3A_363 = tpu.memref_slice %arg2[%dma_wait3A_362] : memref<12582912xf32, #tpu.memory_space<hbm>> -> memref<128xf32, #tpu.memory_space<hbm>>
    %dma_wait3A_364 = arith.constant 1024 : i32
    %dma_wait3A_365 = tpu.memref_slice %arg5[%dma_wait3A_364] : memref<3456xf32, #tpu.memory_space<vmem>> -> memref<128xf32, #tpu.memory_space<vmem>>
    %dma_wait3A_366 = arith.constant 0 : i32
    %dma_wait3A_367 = tpu.memref_slice %arg2[%dma_wait3A_366] : memref<12582912xf32, #tpu.memory_space<hbm>> -> memref<128xf32, #tpu.memory_space<hbm>>
    tpu.wait_dma2 semaphore(%arg9 : memref<!tpu.dma_semaphore, #tpu.memory_space<semaphore_mem>>) src(%dma_wait3A_367 : memref<128xf32, #tpu.memory_space<hbm>>) dst(%dma_wait3A_365 : memref<128xf32, #tpu.memory_space<vmem>>)
    %dma_wait3A_368 = arith.constant 1152 : i32
    %dma_wait3A_369 = tpu.memref_slice %arg5[%dma_wait3A_368] : memref<3456xf32, #tpu.memory_space<vmem>> -> memref<1024xf32, #tpu.memory_space<vmem>>
    %dma_wait3A_370 = arith.constant 0 : i32
    %dma_wait3A_371 = tpu.memref_slice %arg2[%dma_wait3A_370] : memref<12582912xf32, #tpu.memory_space<hbm>> -> memref<1024xf32, #tpu.memory_space<hbm>>
    %dma_wait3A_372 = arith.constant 1152 : i32
    %dma_wait3A_373 = tpu.memref_slice %arg5[%dma_wait3A_372] : memref<3456xf32, #tpu.memory_space<vmem>> -> memref<1024xf32, #tpu.memory_space<vmem>>
    %dma_wait3A_374 = arith.constant 0 : i32
    %dma_wait3A_375 = tpu.memref_slice %arg2[%dma_wait3A_374] : memref<12582912xf32, #tpu.memory_space<hbm>> -> memref<1024xf32, #tpu.memory_space<hbm>>
    tpu.wait_dma2 semaphore(%arg9 : memref<!tpu.dma_semaphore, #tpu.memory_space<semaphore_mem>>) src(%dma_wait3A_375 : memref<1024xf32, #tpu.memory_space<hbm>>) dst(%dma_wait3A_373 : memref<1024xf32, #tpu.memory_space<vmem>>)
    %dma_wait3A_376 = arith.constant 2176 : i32
    %dma_wait3A_377 = tpu.memref_slice %arg5[%dma_wait3A_376] : memref<3456xf32, #tpu.memory_space<vmem>> -> memref<128xf32, #tpu.memory_space<vmem>>
    %dma_wait3A_378 = arith.constant 0 : i32
    %dma_wait3A_379 = tpu.memref_slice %arg2[%dma_wait3A_378] : memref<12582912xf32, #tpu.memory_space<hbm>> -> memref<128xf32, #tpu.memory_space<hbm>>
    %dma_wait3A_380 = arith.constant 2176 : i32
    %dma_wait3A_381 = tpu.memref_slice %arg5[%dma_wait3A_380] : memref<3456xf32, #tpu.memory_space<vmem>> -> memref<128xf32, #tpu.memory_space<vmem>>
    %dma_wait3A_382 = arith.constant 0 : i32
    %dma_wait3A_383 = tpu.memref_slice %arg2[%dma_wait3A_382] : memref<12582912xf32, #tpu.memory_space<hbm>> -> memref<128xf32, #tpu.memory_space<hbm>>
    tpu.wait_dma2 semaphore(%arg9 : memref<!tpu.dma_semaphore, #tpu.memory_space<semaphore_mem>>) src(%dma_wait3A_383 : memref<128xf32, #tpu.memory_space<hbm>>) dst(%dma_wait3A_381 : memref<128xf32, #tpu.memory_space<vmem>>)
    %dma_wait3A_384 = arith.constant 2304 : i32
    %dma_wait3A_385 = tpu.memref_slice %arg5[%dma_wait3A_384] : memref<3456xf32, #tpu.memory_space<vmem>> -> memref<1024xf32, #tpu.memory_space<vmem>>
    %dma_wait3A_386 = arith.constant 0 : i32
    %dma_wait3A_387 = tpu.memref_slice %arg2[%dma_wait3A_386] : memref<12582912xf32, #tpu.memory_space<hbm>> -> memref<1024xf32, #tpu.memory_space<hbm>>
    %dma_wait3A_388 = arith.constant 2304 : i32
    %dma_wait3A_389 = tpu.memref_slice %arg5[%dma_wait3A_388] : memref<3456xf32, #tpu.memory_space<vmem>> -> memref<1024xf32, #tpu.memory_space<vmem>>
    %dma_wait3A_390 = arith.constant 0 : i32
    %dma_wait3A_391 = tpu.memref_slice %arg2[%dma_wait3A_390] : memref<12582912xf32, #tpu.memory_space<hbm>> -> memref<1024xf32, #tpu.memory_space<hbm>>
    tpu.wait_dma2 semaphore(%arg9 : memref<!tpu.dma_semaphore, #tpu.memory_space<semaphore_mem>>) src(%dma_wait3A_391 : memref<1024xf32, #tpu.memory_space<hbm>>) dst(%dma_wait3A_389 : memref<1024xf32, #tpu.memory_space<vmem>>)
    %dma_wait3A_392 = arith.constant 3328 : i32
    %dma_wait3A_393 = tpu.memref_slice %arg5[%dma_wait3A_392] : memref<3456xf32, #tpu.memory_space<vmem>> -> memref<128xf32, #tpu.memory_space<vmem>>
    %dma_wait3A_394 = arith.constant 0 : i32
    %dma_wait3A_395 = tpu.memref_slice %arg2[%dma_wait3A_394] : memref<12582912xf32, #tpu.memory_space<hbm>> -> memref<128xf32, #tpu.memory_space<hbm>>
    %dma_wait3A_396 = arith.constant 3328 : i32
    %dma_wait3A_397 = tpu.memref_slice %arg5[%dma_wait3A_396] : memref<3456xf32, #tpu.memory_space<vmem>> -> memref<128xf32, #tpu.memory_space<vmem>>
    %dma_wait3A_398 = arith.constant 0 : i32
    %dma_wait3A_399 = tpu.memref_slice %arg2[%dma_wait3A_398] : memref<12582912xf32, #tpu.memory_space<hbm>> -> memref<128xf32, #tpu.memory_space<hbm>>
    tpu.wait_dma2 semaphore(%arg9 : memref<!tpu.dma_semaphore, #tpu.memory_space<semaphore_mem>>) src(%dma_wait3A_399 : memref<128xf32, #tpu.memory_space<hbm>>) dst(%dma_wait3A_397 : memref<128xf32, #tpu.memory_space<vmem>>)
    %parallel_loop3A_400 = arith.constant 0 : i32
    %parallel_loop3A_401 = arith.constant 64 : i32
    %parallel_loop3A_402 = arith.constant 1 : i32
    scf.for %parallel_loop3A_723 = %parallel_loop3A_400 to %parallel_loop3A_401 step %parallel_loop3A_402  : i32 {
      %parallel_loop3A_724 = arith.constant 16 : i32
      %parallel_loop3A_725 = arith.muli %parallel_loop3A_723, %parallel_loop3A_724 : i32
      %parallel_loop3A_726 = vector.broadcast %parallel_loop3A_725 : i32 to vector<16xi32>
      %parallel_loop3A_727 = arith.addi %parallel_loop3A_726, %iota3A : vector<16xi32>
      %parallel_loop3A_728 = arith.constant 8 : i32
      %parallel_loop3A_729 = vector.broadcast %parallel_loop3A_728 : i32 to vector<16xi32>
      %parallel_loop3A_730 = arith.muli %parallel_loop3A_727, %parallel_loop3A_729 : vector<16xi32>
      %parallel_loop3A_731 = arith.constant 0 : i32
      %parallel_loop3A_732 = arith.addi %parallel_loop3A_731, %parallel_loop3A_725 : i32
      %parallel_loop3A_733 = arith.index_cast %parallel_loop3A_732 : i32 to index
      %parallel_loop3A_734 = tpu.vector_load %arg5[%parallel_loop3A_733] {strides = array<i32>} : memref<3456xf32, #tpu.memory_space<vmem>>, vector<16xf32>,
      %parallel_loop3A_735 = arith.constant 0 : i32
      %parallel_loop3A_736 = arith.addi %parallel_loop3A_735, %parallel_loop3A_725 : i32
      %parallel_loop3A_737 = arith.constant 128 : i32
      %parallel_loop3A_738 = arith.addi %parallel_loop3A_736, %parallel_loop3A_737 : i32
      %parallel_loop3A_739 = arith.index_cast %parallel_loop3A_738 : i32 to index
      %parallel_loop3A_740 = tpu.vector_load %arg5[%parallel_loop3A_739] {strides = array<i32>} : memref<3456xf32, #tpu.memory_space<vmem>>, vector<16xf32>,
      %parallel_loop3A_741 = arith.constant 0 : i32
      %parallel_loop3A_742 = vector.broadcast %parallel_loop3A_741 : i32 to vector<16xi32>
      %parallel_loop3A_743 = arith.addi %parallel_loop3A_730, %parallel_loop3A_742 : vector<16xi32>
      tpu.vector_store_idx %arg7[%parallel_loop3A_743], %parallel_loop3A_734 : memref<8192xf32, #tpu.memory_space<vmem>>[vector<16xi32>], vector<16xf32>,
      %parallel_loop3A_744 = arith.constant 4 : i32
      %parallel_loop3A_745 = vector.broadcast %parallel_loop3A_744 : i32 to vector<16xi32>
      %parallel_loop3A_746 = arith.addi %parallel_loop3A_730, %parallel_loop3A_745 : vector<16xi32>
      tpu.vector_store_idx %arg7[%parallel_loop3A_746], %parallel_loop3A_740 : memref<8192xf32, #tpu.memory_space<vmem>>[vector<16xi32>], vector<16xf32>,
      %parallel_loop3A_747 = arith.constant 1152 : i32
      %parallel_loop3A_748 = arith.addi %parallel_loop3A_747, %parallel_loop3A_725 : i32
      %parallel_loop3A_749 = arith.index_cast %parallel_loop3A_748 : i32 to index
      %parallel_loop3A_750 = tpu.vector_load %arg5[%parallel_loop3A_749] {strides = array<i32>} : memref<3456xf32, #tpu.memory_space<vmem>>, vector<16xf32>,
      %parallel_loop3A_751 = arith.constant 1152 : i32
      %parallel_loop3A_752 = arith.addi %parallel_loop3A_751, %parallel_loop3A_725 : i32
      %parallel_loop3A_753 = arith.constant 128 : i32
      %parallel_loop3A_754 = arith.addi %parallel_loop3A_752, %parallel_loop3A_753 : i32
      %parallel_loop3A_755 = arith.index_cast %parallel_loop3A_754 : i32 to index
      %parallel_loop3A_756 = tpu.vector_load %arg5[%parallel_loop3A_755] {strides = array<i32>} : memref<3456xf32, #tpu.memory_space<vmem>>, vector<16xf32>,
      %parallel_loop3A_757 = arith.constant 1 : i32
      %parallel_loop3A_758 = vector.broadcast %parallel_loop3A_757 : i32 to vector<16xi32>
      %parallel_loop3A_759 = arith.addi %parallel_loop3A_730, %parallel_loop3A_758 : vector<16xi32>
      tpu.vector_store_idx %arg7[%parallel_loop3A_759], %parallel_loop3A_750 : memref<8192xf32, #tpu.memory_space<vmem>>[vector<16xi32>], vector<16xf32>,
      %parallel_loop3A_760 = arith.constant 5 : i32
      %parallel_loop3A_761 = vector.broadcast %parallel_loop3A_760 : i32 to vector<16xi32>
      %parallel_loop3A_762 = arith.addi %parallel_loop3A_730, %parallel_loop3A_761 : vector<16xi32>
      tpu.vector_store_idx %arg7[%parallel_loop3A_762], %parallel_loop3A_756 : memref<8192xf32, #tpu.memory_space<vmem>>[vector<16xi32>], vector<16xf32>,
      %parallel_loop3A_763 = arith.constant 2304 : i32
      %parallel_loop3A_764 = arith.addi %parallel_loop3A_763, %parallel_loop3A_725 : i32
      %parallel_loop3A_765 = arith.index_cast %parallel_loop3A_764 : i32 to index
      %parallel_loop3A_766 = tpu.vector_load %arg5[%parallel_loop3A_765] {strides = array<i32>} : memref<3456xf32, #tpu.memory_space<vmem>>, vector<16xf32>,
      %parallel_loop3A_767 = arith.constant 2304 : i32
      %parallel_loop3A_768 = arith.addi %parallel_loop3A_767, %parallel_loop3A_725 : i32
      %parallel_loop3A_769 = arith.constant 128 : i32
      %parallel_loop3A_770 = arith.addi %parallel_loop3A_768, %parallel_loop3A_769 : i32
      %parallel_loop3A_771 = arith.index_cast %parallel_loop3A_770 : i32 to index
      %parallel_loop3A_772 = tpu.vector_load %arg5[%parallel_loop3A_771] {strides = array<i32>} : memref<3456xf32, #tpu.memory_space<vmem>>, vector<16xf32>,
      %parallel_loop3A_773 = arith.constant 2 : i32
      %parallel_loop3A_774 = vector.broadcast %parallel_loop3A_773 : i32 to vector<16xi32>
      %parallel_loop3A_775 = arith.addi %parallel_loop3A_730, %parallel_loop3A_774 : vector<16xi32>
      tpu.vector_store_idx %arg7[%parallel_loop3A_775], %parallel_loop3A_766 : memref<8192xf32, #tpu.memory_space<vmem>>[vector<16xi32>], vector<16xf32>,
      %parallel_loop3A_776 = arith.constant 6 : i32
      %parallel_loop3A_777 = vector.broadcast %parallel_loop3A_776 : i32 to vector<16xi32>
      %parallel_loop3A_778 = arith.addi %parallel_loop3A_730, %parallel_loop3A_777 : vector<16xi32>
      tpu.vector_store_idx %arg7[%parallel_loop3A_778], %parallel_loop3A_772 : memref<8192xf32, #tpu.memory_space<vmem>>[vector<16xi32>], vector<16xf32>,
    } {sc.loop_unroll_factor = 4 : i64, sc.parallel_access}
    %add3A_403 = arith.constant 3 : i32
    %add3A_404 = arith.addi %mul3A_2, %add3A_403 : i32
    %mul3A_405 = arith.constant 1024 : i32
    %mul3A_406 = arith.muli %add3A_404, %mul3A_405 : i32
    %add3A_407 = arith.constant 16 : i32
    %add3A_408 = arith.addi %add3A_404, %add3A_407 : i32
    %lt3A_409 = arith.constant 4096 : i32
    %lt3A_410 = arith.cmpi slt, %add3A_408, %lt3A_409 : i32
    %add3A_411 = arith.constant 16 : i32
    %add3A_412 = arith.addi %add3A_404, %add3A_411 : i32
    %select_n3A_413 = arith.select %lt3A_410, %add3A_412, %add3A_404 : i32
    %mul3A_414 = arith.constant 1024 : i32
    %mul3A_415 = arith.muli %select_n3A_413, %mul3A_414 : i32
    %add3A_416 = arith.constant 0 : i32
    %add3A_417 = arith.addi %add3A_416, %mul3A_406 : i32
    %dma_start3A_418 = arith.constant 0 : i32
    %dma_start3A_419 = tpu.memref_slice %arg5[%dma_start3A_418] : memref<3456xf32, #tpu.memory_space<vmem>> -> memref<1024xf32, #tpu.memory_space<vmem>>
    %dma_start3A_420 = tpu.memref_slice %arg2[%add3A_417] : memref<12582912xf32, #tpu.memory_space<hbm>> -> memref<1024xf32, #tpu.memory_space<hbm>>
    %dma_start3A_421 = arith.constant 0 : i32
    %dma_start3A_422 = tpu.memref_slice %arg5[%dma_start3A_421] : memref<3456xf32, #tpu.memory_space<vmem>> -> memref<1024xf32, #tpu.memory_space<vmem>>
    %dma_start3A_423 = tpu.memref_slice %arg2[%add3A_417] : memref<12582912xf32, #tpu.memory_space<hbm>> -> memref<1024xf32, #tpu.memory_space<hbm>>
    tpu.enqueue_dma source(%dma_start3A_423 : memref<1024xf32, #tpu.memory_space<hbm>>) target(%dma_start3A_422 : memref<1024xf32, #tpu.memory_space<vmem>>) target_semaphore(%arg9 : memref<!tpu.dma_semaphore, #tpu.memory_space<semaphore_mem>>)
    %add3A_424 = arith.constant 0 : i32
    %add3A_425 = arith.addi %add3A_424, %mul3A_415 : i32
    %dma_start3A_426 = arith.constant 1024 : i32
    %dma_start3A_427 = tpu.memref_slice %arg5[%dma_start3A_426] : memref<3456xf32, #tpu.memory_space<vmem>> -> memref<128xf32, #tpu.memory_space<vmem>>
    %dma_start3A_428 = tpu.memref_slice %arg2[%add3A_425] : memref<12582912xf32, #tpu.memory_space<hbm>> -> memref<128xf32, #tpu.memory_space<hbm>>
    %dma_start3A_429 = arith.constant 1024 : i32
    %dma_start3A_430 = tpu.memref_slice %arg5[%dma_start3A_429] : memref<3456xf32, #tpu.memory_space<vmem>> -> memref<128xf32, #tpu.memory_space<vmem>>
    %dma_start3A_431 = tpu.memref_slice %arg2[%add3A_425] : memref<12582912xf32, #tpu.memory_space<hbm>> -> memref<128xf32, #tpu.memory_space<hbm>>
    tpu.enqueue_dma source(%dma_start3A_431 : memref<128xf32, #tpu.memory_space<hbm>>) target(%dma_start3A_430 : memref<128xf32, #tpu.memory_space<vmem>>) target_semaphore(%arg9 : memref<!tpu.dma_semaphore, #tpu.memory_space<semaphore_mem>>)
    %add3A_432 = arith.constant 4194304 : i32
    %add3A_433 = arith.addi %add3A_432, %mul3A_406 : i32
    %dma_start3A_434 = arith.constant 1152 : i32
    %dma_start3A_435 = tpu.memref_slice %arg5[%dma_start3A_434] : memref<3456xf32, #tpu.memory_space<vmem>> -> memref<1024xf32, #tpu.memory_space<vmem>>
    %dma_start3A_436 = tpu.memref_slice %arg2[%add3A_433] : memref<12582912xf32, #tpu.memory_space<hbm>> -> memref<1024xf32, #tpu.memory_space<hbm>>
    %dma_start3A_437 = arith.constant 1152 : i32
    %dma_start3A_438 = tpu.memref_slice %arg5[%dma_start3A_437] : memref<3456xf32, #tpu.memory_space<vmem>> -> memref<1024xf32, #tpu.memory_space<vmem>>
    %dma_start3A_439 = tpu.memref_slice %arg2[%add3A_433] : memref<12582912xf32, #tpu.memory_space<hbm>> -> memref<1024xf32, #tpu.memory_space<hbm>>
    tpu.enqueue_dma source(%dma_start3A_439 : memref<1024xf32, #tpu.memory_space<hbm>>) target(%dma_start3A_438 : memref<1024xf32, #tpu.memory_space<vmem>>) target_semaphore(%arg9 : memref<!tpu.dma_semaphore, #tpu.memory_space<semaphore_mem>>)
    %add3A_440 = arith.constant 4194304 : i32
    %add3A_441 = arith.addi %add3A_440, %mul3A_415 : i32
    %dma_start3A_442 = arith.constant 2176 : i32
    %dma_start3A_443 = tpu.memref_slice %arg5[%dma_start3A_442] : memref<3456xf32, #tpu.memory_space<vmem>> -> memref<128xf32, #tpu.memory_space<vmem>>
    %dma_start3A_444 = tpu.memref_slice %arg2[%add3A_441] : memref<12582912xf32, #tpu.memory_space<hbm>> -> memref<128xf32, #tpu.memory_space<hbm>>
    %dma_start3A_445 = arith.constant 2176 : i32
    %dma_start3A_446 = tpu.memref_slice %arg5[%dma_start3A_445] : memref<3456xf32, #tpu.memory_space<vmem>> -> memref<128xf32, #tpu.memory_space<vmem>>
    %dma_start3A_447 = tpu.memref_slice %arg2[%add3A_441] : memref<12582912xf32, #tpu.memory_space<hbm>> -> memref<128xf32, #tpu.memory_space<hbm>>
    tpu.enqueue_dma source(%dma_start3A_447 : memref<128xf32, #tpu.memory_space<hbm>>) target(%dma_start3A_446 : memref<128xf32, #tpu.memory_space<vmem>>) target_semaphore(%arg9 : memref<!tpu.dma_semaphore, #tpu.memory_space<semaphore_mem>>)
    %add3A_448 = arith.constant 8388608 : i32
    %add3A_449 = arith.addi %add3A_448, %mul3A_406 : i32
    %dma_start3A_450 = arith.constant 2304 : i32
    %dma_start3A_451 = tpu.memref_slice %arg5[%dma_start3A_450] : memref<3456xf32, #tpu.memory_space<vmem>> -> memref<1024xf32, #tpu.memory_space<vmem>>
    %dma_start3A_452 = tpu.memref_slice %arg2[%add3A_449] : memref<12582912xf32, #tpu.memory_space<hbm>> -> memref<1024xf32, #tpu.memory_space<hbm>>
    %dma_start3A_453 = arith.constant 2304 : i32
    %dma_start3A_454 = tpu.memref_slice %arg5[%dma_start3A_453] : memref<3456xf32, #tpu.memory_space<vmem>> -> memref<1024xf32, #tpu.memory_space<vmem>>
    %dma_start3A_455 = tpu.memref_slice %arg2[%add3A_449] : memref<12582912xf32, #tpu.memory_space<hbm>> -> memref<1024xf32, #tpu.memory_space<hbm>>
    tpu.enqueue_dma source(%dma_start3A_455 : memref<1024xf32, #tpu.memory_space<hbm>>) target(%dma_start3A_454 : memref<1024xf32, #tpu.memory_space<vmem>>) target_semaphore(%arg9 : memref<!tpu.dma_semaphore, #tpu.memory_space<semaphore_mem>>)
    %add3A_456 = arith.constant 8388608 : i32
    %add3A_457 = arith.addi %add3A_456, %mul3A_415 : i32
    %dma_start3A_458 = arith.constant 3328 : i32
    %dma_start3A_459 = tpu.memref_slice %arg5[%dma_start3A_458] : memref<3456xf32, #tpu.memory_space<vmem>> -> memref<128xf32, #tpu.memory_space<vmem>>
    %dma_start3A_460 = tpu.memref_slice %arg2[%add3A_457] : memref<12582912xf32, #tpu.memory_space<hbm>> -> memref<128xf32, #tpu.memory_space<hbm>>
    %dma_start3A_461 = arith.constant 3328 : i32
    %dma_start3A_462 = tpu.memref_slice %arg5[%dma_start3A_461] : memref<3456xf32, #tpu.memory_space<vmem>> -> memref<128xf32, #tpu.memory_space<vmem>>
    %dma_start3A_463 = tpu.memref_slice %arg2[%add3A_457] : memref<12582912xf32, #tpu.memory_space<hbm>> -> memref<128xf32, #tpu.memory_space<hbm>>
    tpu.enqueue_dma source(%dma_start3A_463 : memref<128xf32, #tpu.memory_space<hbm>>) target(%dma_start3A_462 : memref<128xf32, #tpu.memory_space<vmem>>) target_semaphore(%arg9 : memref<!tpu.dma_semaphore, #tpu.memory_space<semaphore_mem>>)
    %add3A_464 = arith.constant 1 : i32
    %add3A_465 = arith.addi %mul3A_2, %add3A_464 : i32
    %shift_right_arithmetic3A_466 = arith.constant 4 : i32
    %shift_right_arithmetic3A_467 = arith.shrsi %add3A_465, %shift_right_arithmetic3A_466 : i32
    %and3A_468 = arith.constant 15 : i32
    %and3A_469 = arith.andi %add3A_465, %and3A_468 : i32
    %mul3A_470 = arith.constant 8 : i32
    %mul3A_471 = arith.muli %shift_right_arithmetic3A_467, %mul3A_470 : i32
    %add3A_472 = arith.constant 0 : i32
    %add3A_473 = arith.addi %mul3A_471, %add3A_472 : i32
    %mul3A_474 = arith.constant 16384 : i32
    %mul3A_475 = arith.muli %add3A_473, %mul3A_474 : i32
    %mul3A_476 = arith.constant 1024 : i32
    %mul3A_477 = arith.muli %and3A_469, %mul3A_476 : i32
    %add3A_478 = arith.addi %mul3A_475, %mul3A_477 : i32
    %dma_start3A_479 = arith.constant 0 : i32
    %dma_start3A_480 = tpu.memref_slice %arg7[%dma_start3A_479] : memref<8192xf32, #tpu.memory_space<vmem>> -> memref<1024xf32, #tpu.memory_space<vmem>>
    %dma_start3A_481 = tpu.memref_slice %arg3[%add3A_478] : memref<33554432xf32, #tpu.memory_space<hbm>> -> memref<1024xf32, #tpu.memory_space<hbm>>
    %dma_start3A_482 = tpu.memref_slice %arg3[%add3A_478] : memref<33554432xf32, #tpu.memory_space<hbm>> -> memref<1024xf32, #tpu.memory_space<hbm>>
    %dma_start3A_483 = arith.constant 0 : i32
    %dma_start3A_484 = tpu.memref_slice %arg7[%dma_start3A_483] : memref<8192xf32, #tpu.memory_space<vmem>> -> memref<1024xf32, #tpu.memory_space<vmem>>
    tpu.enqueue_dma source(%dma_start3A_484 : memref<1024xf32, #tpu.memory_space<vmem>>) target(%dma_start3A_482 : memref<1024xf32, #tpu.memory_space<hbm>>) target_semaphore(%arg11 : memref<!tpu.dma_semaphore, #tpu.memory_space<semaphore_mem>>)
    %mul3A_485 = arith.constant 8 : i32
    %mul3A_486 = arith.muli %shift_right_arithmetic3A_467, %mul3A_485 : i32
    %add3A_487 = arith.constant 1 : i32
    %add3A_488 = arith.addi %mul3A_486, %add3A_487 : i32
    %mul3A_489 = arith.constant 16384 : i32
    %mul3A_490 = arith.muli %add3A_488, %mul3A_489 : i32
    %mul3A_491 = arith.constant 1024 : i32
    %mul3A_492 = arith.muli %and3A_469, %mul3A_491 : i32
    %add3A_493 = arith.addi %mul3A_490, %mul3A_492 : i32
    %dma_start3A_494 = arith.constant 1024 : i32
    %dma_start3A_495 = tpu.memref_slice %arg7[%dma_start3A_494] : memref<8192xf32, #tpu.memory_space<vmem>> -> memref<1024xf32, #tpu.memory_space<vmem>>
    %dma_start3A_496 = tpu.memref_slice %arg3[%add3A_493] : memref<33554432xf32, #tpu.memory_space<hbm>> -> memref<1024xf32, #tpu.memory_space<hbm>>
    %dma_start3A_497 = tpu.memref_slice %arg3[%add3A_493] : memref<33554432xf32, #tpu.memory_space<hbm>> -> memref<1024xf32, #tpu.memory_space<hbm>>
    %dma_start3A_498 = arith.constant 1024 : i32
    %dma_start3A_499 = tpu.memref_slice %arg7[%dma_start3A_498] : memref<8192xf32, #tpu.memory_space<vmem>> -> memref<1024xf32, #tpu.memory_space<vmem>>
    tpu.enqueue_dma source(%dma_start3A_499 : memref<1024xf32, #tpu.memory_space<vmem>>) target(%dma_start3A_497 : memref<1024xf32, #tpu.memory_space<hbm>>) target_semaphore(%arg11 : memref<!tpu.dma_semaphore, #tpu.memory_space<semaphore_mem>>)
    %mul3A_500 = arith.constant 8 : i32
    %mul3A_501 = arith.muli %shift_right_arithmetic3A_467, %mul3A_500 : i32
    %add3A_502 = arith.constant 2 : i32
    %add3A_503 = arith.addi %mul3A_501, %add3A_502 : i32
    %mul3A_504 = arith.constant 16384 : i32
    %mul3A_505 = arith.muli %add3A_503, %mul3A_504 : i32
    %mul3A_506 = arith.constant 1024 : i32
    %mul3A_507 = arith.muli %and3A_469, %mul3A_506 : i32
    %add3A_508 = arith.addi %mul3A_505, %mul3A_507 : i32
    %dma_start3A_509 = arith.constant 2048 : i32
    %dma_start3A_510 = tpu.memref_slice %arg7[%dma_start3A_509] : memref<8192xf32, #tpu.memory_space<vmem>> -> memref<1024xf32, #tpu.memory_space<vmem>>
    %dma_start3A_511 = tpu.memref_slice %arg3[%add3A_508] : memref<33554432xf32, #tpu.memory_space<hbm>> -> memref<1024xf32, #tpu.memory_space<hbm>>
    %dma_start3A_512 = tpu.memref_slice %arg3[%add3A_508] : memref<33554432xf32, #tpu.memory_space<hbm>> -> memref<1024xf32, #tpu.memory_space<hbm>>
    %dma_start3A_513 = arith.constant 2048 : i32
    %dma_start3A_514 = tpu.memref_slice %arg7[%dma_start3A_513] : memref<8192xf32, #tpu.memory_space<vmem>> -> memref<1024xf32, #tpu.memory_space<vmem>>
    tpu.enqueue_dma source(%dma_start3A_514 : memref<1024xf32, #tpu.memory_space<vmem>>) target(%dma_start3A_512 : memref<1024xf32, #tpu.memory_space<hbm>>) target_semaphore(%arg11 : memref<!tpu.dma_semaphore, #tpu.memory_space<semaphore_mem>>)
    %mul3A_515 = arith.constant 8 : i32
    %mul3A_516 = arith.muli %shift_right_arithmetic3A_467, %mul3A_515 : i32
    %add3A_517 = arith.constant 3 : i32
    %add3A_518 = arith.addi %mul3A_516, %add3A_517 : i32
    %mul3A_519 = arith.constant 16384 : i32
    %mul3A_520 = arith.muli %add3A_518, %mul3A_519 : i32
    %mul3A_521 = arith.constant 1024 : i32
    %mul3A_522 = arith.muli %and3A_469, %mul3A_521 : i32
    %add3A_523 = arith.addi %mul3A_520, %mul3A_522 : i32
    %dma_start3A_524 = arith.constant 3072 : i32
    %dma_start3A_525 = tpu.memref_slice %arg7[%dma_start3A_524] : memref<8192xf32, #tpu.memory_space<vmem>> -> memref<1024xf32, #tpu.memory_space<vmem>>
    %dma_start3A_526 = tpu.memref_slice %arg3[%add3A_523] : memref<33554432xf32, #tpu.memory_space<hbm>> -> memref<1024xf32, #tpu.memory_space<hbm>>
    %dma_start3A_527 = tpu.memref_slice %arg3[%add3A_523] : memref<33554432xf32, #tpu.memory_space<hbm>> -> memref<1024xf32, #tpu.memory_space<hbm>>
    %dma_start3A_528 = arith.constant 3072 : i32
    %dma_start3A_529 = tpu.memref_slice %arg7[%dma_start3A_528] : memref<8192xf32, #tpu.memory_space<vmem>> -> memref<1024xf32, #tpu.memory_space<vmem>>
    tpu.enqueue_dma source(%dma_start3A_529 : memref<1024xf32, #tpu.memory_space<vmem>>) target(%dma_start3A_527 : memref<1024xf32, #tpu.memory_space<hbm>>) target_semaphore(%arg11 : memref<!tpu.dma_semaphore, #tpu.memory_space<semaphore_mem>>)
    %mul3A_530 = arith.constant 8 : i32
    %mul3A_531 = arith.muli %shift_right_arithmetic3A_467, %mul3A_530 : i32
    %add3A_532 = arith.constant 4 : i32
    %add3A_533 = arith.addi %mul3A_531, %add3A_532 : i32
    %mul3A_534 = arith.constant 16384 : i32
    %mul3A_535 = arith.muli %add3A_533, %mul3A_534 : i32
    %mul3A_536 = arith.constant 1024 : i32
    %mul3A_537 = arith.muli %and3A_469, %mul3A_536 : i32
    %add3A_538 = arith.addi %mul3A_535, %mul3A_537 : i32
    %dma_start3A_539 = arith.constant 4096 : i32
    %dma_start3A_540 = tpu.memref_slice %arg7[%dma_start3A_539] : memref<8192xf32, #tpu.memory_space<vmem>> -> memref<1024xf32, #tpu.memory_space<vmem>>
    %dma_start3A_541 = tpu.memref_slice %arg3[%add3A_538] : memref<33554432xf32, #tpu.memory_space<hbm>> -> memref<1024xf32, #tpu.memory_space<hbm>>
    %dma_start3A_542 = tpu.memref_slice %arg3[%add3A_538] : memref<33554432xf32, #tpu.memory_space<hbm>> -> memref<1024xf32, #tpu.memory_space<hbm>>
    %dma_start3A_543 = arith.constant 4096 : i32
    %dma_start3A_544 = tpu.memref_slice %arg7[%dma_start3A_543] : memref<8192xf32, #tpu.memory_space<vmem>> -> memref<1024xf32, #tpu.memory_space<vmem>>
    tpu.enqueue_dma source(%dma_start3A_544 : memref<1024xf32, #tpu.memory_space<vmem>>) target(%dma_start3A_542 : memref<1024xf32, #tpu.memory_space<hbm>>) target_semaphore(%arg11 : memref<!tpu.dma_semaphore, #tpu.memory_space<semaphore_mem>>)
    %mul3A_545 = arith.constant 8 : i32
    %mul3A_546 = arith.muli %shift_right_arithmetic3A_467, %mul3A_545 : i32
    %add3A_547 = arith.constant 5 : i32
    %add3A_548 = arith.addi %mul3A_546, %add3A_547 : i32
    %mul3A_549 = arith.constant 16384 : i32
    %mul3A_550 = arith.muli %add3A_548, %mul3A_549 : i32
    %mul3A_551 = arith.constant 1024 : i32
    %mul3A_552 = arith.muli %and3A_469, %mul3A_551 : i32
    %add3A_553 = arith.addi %mul3A_550, %mul3A_552 : i32
    %dma_start3A_554 = arith.constant 5120 : i32
    %dma_start3A_555 = tpu.memref_slice %arg7[%dma_start3A_554] : memref<8192xf32, #tpu.memory_space<vmem>> -> memref<1024xf32, #tpu.memory_space<vmem>>
    %dma_start3A_556 = tpu.memref_slice %arg3[%add3A_553] : memref<33554432xf32, #tpu.memory_space<hbm>> -> memref<1024xf32, #tpu.memory_space<hbm>>
    %dma_start3A_557 = tpu.memref_slice %arg3[%add3A_553] : memref<33554432xf32, #tpu.memory_space<hbm>> -> memref<1024xf32, #tpu.memory_space<hbm>>
    %dma_start3A_558 = arith.constant 5120 : i32
    %dma_start3A_559 = tpu.memref_slice %arg7[%dma_start3A_558] : memref<8192xf32, #tpu.memory_space<vmem>> -> memref<1024xf32, #tpu.memory_space<vmem>>
    tpu.enqueue_dma source(%dma_start3A_559 : memref<1024xf32, #tpu.memory_space<vmem>>) target(%dma_start3A_557 : memref<1024xf32, #tpu.memory_space<hbm>>) target_semaphore(%arg11 : memref<!tpu.dma_semaphore, #tpu.memory_space<semaphore_mem>>)
    %mul3A_560 = arith.constant 8 : i32
    %mul3A_561 = arith.muli %shift_right_arithmetic3A_467, %mul3A_560 : i32
    %add3A_562 = arith.constant 6 : i32
    %add3A_563 = arith.addi %mul3A_561, %add3A_562 : i32
    %mul3A_564 = arith.constant 16384 : i32
    %mul3A_565 = arith.muli %add3A_563, %mul3A_564 : i32
    %mul3A_566 = arith.constant 1024 : i32
    %mul3A_567 = arith.muli %and3A_469, %mul3A_566 : i32
    %add3A_568 = arith.addi %mul3A_565, %mul3A_567 : i32
    %dma_start3A_569 = arith.constant 6144 : i32
    %dma_start3A_570 = tpu.memref_slice %arg7[%dma_start3A_569] : memref<8192xf32, #tpu.memory_space<vmem>> -> memref<1024xf32, #tpu.memory_space<vmem>>
    %dma_start3A_571 = tpu.memref_slice %arg3[%add3A_568] : memref<33554432xf32, #tpu.memory_space<hbm>> -> memref<1024xf32, #tpu.memory_space<hbm>>
    %dma_start3A_572 = tpu.memref_slice %arg3[%add3A_568] : memref<33554432xf32, #tpu.memory_space<hbm>> -> memref<1024xf32, #tpu.memory_space<hbm>>
    %dma_start3A_573 = arith.constant 6144 : i32
    %dma_start3A_574 = tpu.memref_slice %arg7[%dma_start3A_573] : memref<8192xf32, #tpu.memory_space<vmem>> -> memref<1024xf32, #tpu.memory_space<vmem>>
    tpu.enqueue_dma source(%dma_start3A_574 : memref<1024xf32, #tpu.memory_space<vmem>>) target(%dma_start3A_572 : memref<1024xf32, #tpu.memory_space<hbm>>) target_semaphore(%arg11 : memref<!tpu.dma_semaphore, #tpu.memory_space<semaphore_mem>>)
    %mul3A_575 = arith.constant 8 : i32
    %mul3A_576 = arith.muli %shift_right_arithmetic3A_467, %mul3A_575 : i32
    %add3A_577 = arith.constant 7 : i32
    %add3A_578 = arith.addi %mul3A_576, %add3A_577 : i32
    %mul3A_579 = arith.constant 16384 : i32
    %mul3A_580 = arith.muli %add3A_578, %mul3A_579 : i32
    %mul3A_581 = arith.constant 1024 : i32
    %mul3A_582 = arith.muli %and3A_469, %mul3A_581 : i32
    %add3A_583 = arith.addi %mul3A_580, %mul3A_582 : i32
    %dma_start3A_584 = arith.constant 7168 : i32
    %dma_start3A_585 = tpu.memref_slice %arg7[%dma_start3A_584] : memref<8192xf32, #tpu.memory_space<vmem>> -> memref<1024xf32, #tpu.memory_space<vmem>>
    %dma_start3A_586 = tpu.memref_slice %arg3[%add3A_583] : memref<33554432xf32, #tpu.memory_space<hbm>> -> memref<1024xf32, #tpu.memory_space<hbm>>
    %dma_start3A_587 = tpu.memref_slice %arg3[%add3A_583] : memref<33554432xf32, #tpu.memory_space<hbm>> -> memref<1024xf32, #tpu.memory_space<hbm>>
    %dma_start3A_588 = arith.constant 7168 : i32
    %dma_start3A_589 = tpu.memref_slice %arg7[%dma_start3A_588] : memref<8192xf32, #tpu.memory_space<vmem>> -> memref<1024xf32, #tpu.memory_space<vmem>>
    tpu.enqueue_dma source(%dma_start3A_589 : memref<1024xf32, #tpu.memory_space<vmem>>) target(%dma_start3A_587 : memref<1024xf32, #tpu.memory_space<hbm>>) target_semaphore(%arg11 : memref<!tpu.dma_semaphore, #tpu.memory_space<semaphore_mem>>)
    %scan3A = arith.constant 0 : i32
    %scan3A_590 = arith.constant 1 : i32
    %scan3A_591 = arith.constant 63 : i32
    %scan3A_592 = arith.addi %scan3A_590, %scan3A_591 : i32
    %scan3A_593 = arith.constant 1 : i32
    scf.for %scan3A_723 = %scan3A_590 to %scan3A_592 step %scan3A_593  : i32 {
      %mul3A_724 = arith.constant 2 : i32
      %mul3A_725 = arith.muli %mul3A_724, %scan3A_723 : i32
      %add3A_726 = arith.addi %mul3A_2, %mul3A_725 : i32
      %dma_wait3A_727 = arith.constant 0 : i32
      %dma_wait3A_728 = tpu.memref_slice %arg4[%dma_wait3A_727] : memref<3456xf32, #tpu.memory_space<vmem>> -> memref<1024xf32, #tpu.memory_space<vmem>>
      %dma_wait3A_729 = arith.constant 0 : i32
      %dma_wait3A_730 = tpu.memref_slice %arg2[%dma_wait3A_729] : memref<12582912xf32, #tpu.memory_space<hbm>> -> memref<1024xf32, #tpu.memory_space<hbm>>
      %dma_wait3A_731 = arith.constant 0 : i32
      %dma_wait3A_732 = tpu.memref_slice %arg4[%dma_wait3A_731] : memref<3456xf32, #tpu.memory_space<vmem>> -> memref<1024xf32, #tpu.memory_space<vmem>>
      %dma_wait3A_733 = arith.constant 0 : i32
      %dma_wait3A_734 = tpu.memref_slice %arg2[%dma_wait3A_733] : memref<12582912xf32, #tpu.memory_space<hbm>> -> memref<1024xf32, #tpu.memory_space<hbm>>
      tpu.wait_dma2 semaphore(%arg8 : memref<!tpu.dma_semaphore, #tpu.memory_space<semaphore_mem>>) src(%dma_wait3A_734 : memref<1024xf32, #tpu.memory_space<hbm>>) dst(%dma_wait3A_732 : memref<1024xf32, #tpu.memory_space<vmem>>)
      %dma_wait3A_735 = arith.constant 1024 : i32
      %dma_wait3A_736 = tpu.memref_slice %arg4[%dma_wait3A_735] : memref<3456xf32, #tpu.memory_space<vmem>> -> memref<128xf32, #tpu.memory_space<vmem>>
      %dma_wait3A_737 = arith.constant 0 : i32
      %dma_wait3A_738 = tpu.memref_slice %arg2[%dma_wait3A_737] : memref<12582912xf32, #tpu.memory_space<hbm>> -> memref<128xf32, #tpu.memory_space<hbm>>
      %dma_wait3A_739 = arith.constant 1024 : i32
      %dma_wait3A_740 = tpu.memref_slice %arg4[%dma_wait3A_739] : memref<3456xf32, #tpu.memory_space<vmem>> -> memref<128xf32, #tpu.memory_space<vmem>>
      %dma_wait3A_741 = arith.constant 0 : i32
      %dma_wait3A_742 = tpu.memref_slice %arg2[%dma_wait3A_741] : memref<12582912xf32, #tpu.memory_space<hbm>> -> memref<128xf32, #tpu.memory_space<hbm>>
      tpu.wait_dma2 semaphore(%arg8 : memref<!tpu.dma_semaphore, #tpu.memory_space<semaphore_mem>>) src(%dma_wait3A_742 : memref<128xf32, #tpu.memory_space<hbm>>) dst(%dma_wait3A_740 : memref<128xf32, #tpu.memory_space<vmem>>)
      %dma_wait3A_743 = arith.constant 1152 : i32
      %dma_wait3A_744 = tpu.memref_slice %arg4[%dma_wait3A_743] : memref<3456xf32, #tpu.memory_space<vmem>> -> memref<1024xf32, #tpu.memory_space<vmem>>
      %dma_wait3A_745 = arith.constant 0 : i32
      %dma_wait3A_746 = tpu.memref_slice %arg2[%dma_wait3A_745] : memref<12582912xf32, #tpu.memory_space<hbm>> -> memref<1024xf32, #tpu.memory_space<hbm>>
      %dma_wait3A_747 = arith.constant 1152 : i32
      %dma_wait3A_748 = tpu.memref_slice %arg4[%dma_wait3A_747] : memref<3456xf32, #tpu.memory_space<vmem>> -> memref<1024xf32, #tpu.memory_space<vmem>>
      %dma_wait3A_749 = arith.constant 0 : i32
      %dma_wait3A_750 = tpu.memref_slice %arg2[%dma_wait3A_749] : memref<12582912xf32, #tpu.memory_space<hbm>> -> memref<1024xf32, #tpu.memory_space<hbm>>
      tpu.wait_dma2 semaphore(%arg8 : memref<!tpu.dma_semaphore, #tpu.memory_space<semaphore_mem>>) src(%dma_wait3A_750 : memref<1024xf32, #tpu.memory_space<hbm>>) dst(%dma_wait3A_748 : memref<1024xf32, #tpu.memory_space<vmem>>)
      %dma_wait3A_751 = arith.constant 2176 : i32
      %dma_wait3A_752 = tpu.memref_slice %arg4[%dma_wait3A_751] : memref<3456xf32, #tpu.memory_space<vmem>> -> memref<128xf32, #tpu.memory_space<vmem>>
      %dma_wait3A_753 = arith.constant 0 : i32
      %dma_wait3A_754 = tpu.memref_slice %arg2[%dma_wait3A_753] : memref<12582912xf32, #tpu.memory_space<hbm>> -> memref<128xf32, #tpu.memory_space<hbm>>
      %dma_wait3A_755 = arith.constant 2176 : i32
      %dma_wait3A_756 = tpu.memref_slice %arg4[%dma_wait3A_755] : memref<3456xf32, #tpu.memory_space<vmem>> -> memref<128xf32, #tpu.memory_space<vmem>>
      %dma_wait3A_757 = arith.constant 0 : i32
      %dma_wait3A_758 = tpu.memref_slice %arg2[%dma_wait3A_757] : memref<12582912xf32, #tpu.memory_space<hbm>> -> memref<128xf32, #tpu.memory_space<hbm>>
      tpu.wait_dma2 semaphore(%arg8 : memref<!tpu.dma_semaphore, #tpu.memory_space<semaphore_mem>>) src(%dma_wait3A_758 : memref<128xf32, #tpu.memory_space<hbm>>) dst(%dma_wait3A_756 : memref<128xf32, #tpu.memory_space<vmem>>)
      %dma_wait3A_759 = arith.constant 2304 : i32
      %dma_wait3A_760 = tpu.memref_slice %arg4[%dma_wait3A_759] : memref<3456xf32, #tpu.memory_space<vmem>> -> memref<1024xf32, #tpu.memory_space<vmem>>
      %dma_wait3A_761 = arith.constant 0 : i32
      %dma_wait3A_762 = tpu.memref_slice %arg2[%dma_wait3A_761] : memref<12582912xf32, #tpu.memory_space<hbm>> -> memref<1024xf32, #tpu.memory_space<hbm>>
      %dma_wait3A_763 = arith.constant 2304 : i32
      %dma_wait3A_764 = tpu.memref_slice %arg4[%dma_wait3A_763] : memref<3456xf32, #tpu.memory_space<vmem>> -> memref<1024xf32, #tpu.memory_space<vmem>>
      %dma_wait3A_765 = arith.constant 0 : i32
      %dma_wait3A_766 = tpu.memref_slice %arg2[%dma_wait3A_765] : memref<12582912xf32, #tpu.memory_space<hbm>> -> memref<1024xf32, #tpu.memory_space<hbm>>
      tpu.wait_dma2 semaphore(%arg8 : memref<!tpu.dma_semaphore, #tpu.memory_space<semaphore_mem>>) src(%dma_wait3A_766 : memref<1024xf32, #tpu.memory_space<hbm>>) dst(%dma_wait3A_764 : memref<1024xf32, #tpu.memory_space<vmem>>)
      %dma_wait3A_767 = arith.constant 3328 : i32
      %dma_wait3A_768 = tpu.memref_slice %arg4[%dma_wait3A_767] : memref<3456xf32, #tpu.memory_space<vmem>> -> memref<128xf32, #tpu.memory_space<vmem>>
      %dma_wait3A_769 = arith.constant 0 : i32
      %dma_wait3A_770 = tpu.memref_slice %arg2[%dma_wait3A_769] : memref<12582912xf32, #tpu.memory_space<hbm>> -> memref<128xf32, #tpu.memory_space<hbm>>
      %dma_wait3A_771 = arith.constant 3328 : i32
      %dma_wait3A_772 = tpu.memref_slice %arg4[%dma_wait3A_771] : memref<3456xf32, #tpu.memory_space<vmem>> -> memref<128xf32, #tpu.memory_space<vmem>>
      %dma_wait3A_773 = arith.constant 0 : i32
      %dma_wait3A_774 = tpu.memref_slice %arg2[%dma_wait3A_773] : memref<12582912xf32, #tpu.memory_space<hbm>> -> memref<128xf32, #tpu.memory_space<hbm>>
      tpu.wait_dma2 semaphore(%arg8 : memref<!tpu.dma_semaphore, #tpu.memory_space<semaphore_mem>>) src(%dma_wait3A_774 : memref<128xf32, #tpu.memory_space<hbm>>) dst(%dma_wait3A_772 : memref<128xf32, #tpu.memory_space<vmem>>)
      %dma_wait3A_775 = arith.constant 0 : i32
      %dma_wait3A_776 = tpu.memref_slice %arg6[%dma_wait3A_775] : memref<8192xf32, #tpu.memory_space<vmem>> -> memref<1024xf32, #tpu.memory_space<vmem>>
      %dma_wait3A_777 = arith.constant 0 : i32
      %dma_wait3A_778 = tpu.memref_slice %arg3[%dma_wait3A_777] : memref<33554432xf32, #tpu.memory_space<hbm>> -> memref<1024xf32, #tpu.memory_space<hbm>>
      %dma_wait3A_779 = arith.constant 0 : i32
      %dma_wait3A_780 = tpu.memref_slice %arg3[%dma_wait3A_779] : memref<33554432xf32, #tpu.memory_space<hbm>> -> memref<1024xf32, #tpu.memory_space<hbm>>
      %dma_wait3A_781 = arith.constant 0 : i32
      %dma_wait3A_782 = tpu.memref_slice %arg6[%dma_wait3A_781] : memref<8192xf32, #tpu.memory_space<vmem>> -> memref<1024xf32, #tpu.memory_space<vmem>>
      tpu.wait_dma2 semaphore(%arg10 : memref<!tpu.dma_semaphore, #tpu.memory_space<semaphore_mem>>) src(%dma_wait3A_782 : memref<1024xf32, #tpu.memory_space<vmem>>) dst(%dma_wait3A_780 : memref<1024xf32, #tpu.memory_space<hbm>>)
      %dma_wait3A_783 = arith.constant 1024 : i32
      %dma_wait3A_784 = tpu.memref_slice %arg6[%dma_wait3A_783] : memref<8192xf32, #tpu.memory_space<vmem>> -> memref<1024xf32, #tpu.memory_space<vmem>>
      %dma_wait3A_785 = arith.constant 0 : i32
      %dma_wait3A_786 = tpu.memref_slice %arg3[%dma_wait3A_785] : memref<33554432xf32, #tpu.memory_space<hbm>> -> memref<1024xf32, #tpu.memory_space<hbm>>
      %dma_wait3A_787 = arith.constant 0 : i32
      %dma_wait3A_788 = tpu.memref_slice %arg3[%dma_wait3A_787] : memref<33554432xf32, #tpu.memory_space<hbm>> -> memref<1024xf32, #tpu.memory_space<hbm>>
      %dma_wait3A_789 = arith.constant 1024 : i32
      %dma_wait3A_790 = tpu.memref_slice %arg6[%dma_wait3A_789] : memref<8192xf32, #tpu.memory_space<vmem>> -> memref<1024xf32, #tpu.memory_space<vmem>>
      tpu.wait_dma2 semaphore(%arg10 : memref<!tpu.dma_semaphore, #tpu.memory_space<semaphore_mem>>) src(%dma_wait3A_790 : memref<1024xf32, #tpu.memory_space<vmem>>) dst(%dma_wait3A_788 : memref<1024xf32, #tpu.memory_space<hbm>>)
      %dma_wait3A_791 = arith.constant 2048 : i32
      %dma_wait3A_792 = tpu.memref_slice %arg6[%dma_wait3A_791] : memref<8192xf32, #tpu.memory_space<vmem>> -> memref<1024xf32, #tpu.memory_space<vmem>>
      %dma_wait3A_793 = arith.constant 0 : i32
      %dma_wait3A_794 = tpu.memref_slice %arg3[%dma_wait3A_793] : memref<33554432xf32, #tpu.memory_space<hbm>> -> memref<1024xf32, #tpu.memory_space<hbm>>
      %dma_wait3A_795 = arith.constant 0 : i32
      %dma_wait3A_796 = tpu.memref_slice %arg3[%dma_wait3A_795] : memref<33554432xf32, #tpu.memory_space<hbm>> -> memref<1024xf32, #tpu.memory_space<hbm>>
      %dma_wait3A_797 = arith.constant 2048 : i32
      %dma_wait3A_798 = tpu.memref_slice %arg6[%dma_wait3A_797] : memref<8192xf32, #tpu.memory_space<vmem>> -> memref<1024xf32, #tpu.memory_space<vmem>>
      tpu.wait_dma2 semaphore(%arg10 : memref<!tpu.dma_semaphore, #tpu.memory_space<semaphore_mem>>) src(%dma_wait3A_798 : memref<1024xf32, #tpu.memory_space<vmem>>) dst(%dma_wait3A_796 : memref<1024xf32, #tpu.memory_space<hbm>>)
      %dma_wait3A_799 = arith.constant 3072 : i32
      %dma_wait3A_800 = tpu.memref_slice %arg6[%dma_wait3A_799] : memref<8192xf32, #tpu.memory_space<vmem>> -> memref<1024xf32, #tpu.memory_space<vmem>>
      %dma_wait3A_801 = arith.constant 0 : i32
      %dma_wait3A_802 = tpu.memref_slice %arg3[%dma_wait3A_801] : memref<33554432xf32, #tpu.memory_space<hbm>> -> memref<1024xf32, #tpu.memory_space<hbm>>
      %dma_wait3A_803 = arith.constant 0 : i32
      %dma_wait3A_804 = tpu.memref_slice %arg3[%dma_wait3A_803] : memref<33554432xf32, #tpu.memory_space<hbm>> -> memref<1024xf32, #tpu.memory_space<hbm>>
      %dma_wait3A_805 = arith.constant 3072 : i32
      %dma_wait3A_806 = tpu.memref_slice %arg6[%dma_wait3A_805] : memref<8192xf32, #tpu.memory_space<vmem>> -> memref<1024xf32, #tpu.memory_space<vmem>>
      tpu.wait_dma2 semaphore(%arg10 : memref<!tpu.dma_semaphore, #tpu.memory_space<semaphore_mem>>) src(%dma_wait3A_806 : memref<1024xf32, #tpu.memory_space<vmem>>) dst(%dma_wait3A_804 : memref<1024xf32, #tpu.memory_space<hbm>>)
      %dma_wait3A_807 = arith.constant 4096 : i32
      %dma_wait3A_808 = tpu.memref_slice %arg6[%dma_wait3A_807] : memref<8192xf32, #tpu.memory_space<vmem>> -> memref<1024xf32, #tpu.memory_space<vmem>>
      %dma_wait3A_809 = arith.constant 0 : i32
      %dma_wait3A_810 = tpu.memref_slice %arg3[%dma_wait3A_809] : memref<33554432xf32, #tpu.memory_space<hbm>> -> memref<1024xf32, #tpu.memory_space<hbm>>
      %dma_wait3A_811 = arith.constant 0 : i32
      %dma_wait3A_812 = tpu.memref_slice %arg3[%dma_wait3A_811] : memref<33554432xf32, #tpu.memory_space<hbm>> -> memref<1024xf32, #tpu.memory_space<hbm>>
      %dma_wait3A_813 = arith.constant 4096 : i32
      %dma_wait3A_814 = tpu.memref_slice %arg6[%dma_wait3A_813] : memref<8192xf32, #tpu.memory_space<vmem>> -> memref<1024xf32, #tpu.memory_space<vmem>>
      tpu.wait_dma2 semaphore(%arg10 : memref<!tpu.dma_semaphore, #tpu.memory_space<semaphore_mem>>) src(%dma_wait3A_814 : memref<1024xf32, #tpu.memory_space<vmem>>) dst(%dma_wait3A_812 : memref<1024xf32, #tpu.memory_space<hbm>>)
      %dma_wait3A_815 = arith.constant 5120 : i32
      %dma_wait3A_816 = tpu.memref_slice %arg6[%dma_wait3A_815] : memref<8192xf32, #tpu.memory_space<vmem>> -> memref<1024xf32, #tpu.memory_space<vmem>>
      %dma_wait3A_817 = arith.constant 0 : i32
      %dma_wait3A_818 = tpu.memref_slice %arg3[%dma_wait3A_817] : memref<33554432xf32, #tpu.memory_space<hbm>> -> memref<1024xf32, #tpu.memory_space<hbm>>
      %dma_wait3A_819 = arith.constant 0 : i32
      %dma_wait3A_820 = tpu.memref_slice %arg3[%dma_wait3A_819] : memref<33554432xf32, #tpu.memory_space<hbm>> -> memref<1024xf32, #tpu.memory_space<hbm>>
      %dma_wait3A_821 = arith.constant 5120 : i32
      %dma_wait3A_822 = tpu.memref_slice %arg6[%dma_wait3A_821] : memref<8192xf32, #tpu.memory_space<vmem>> -> memref<1024xf32, #tpu.memory_space<vmem>>
      tpu.wait_dma2 semaphore(%arg10 : memref<!tpu.dma_semaphore, #tpu.memory_space<semaphore_mem>>) src(%dma_wait3A_822 : memref<1024xf32, #tpu.memory_space<vmem>>) dst(%dma_wait3A_820 : memref<1024xf32, #tpu.memory_space<hbm>>)
      %dma_wait3A_823 = arith.constant 6144 : i32
      %dma_wait3A_824 = tpu.memref_slice %arg6[%dma_wait3A_823] : memref<8192xf32, #tpu.memory_space<vmem>> -> memref<1024xf32, #tpu.memory_space<vmem>>
      %dma_wait3A_825 = arith.constant 0 : i32
      %dma_wait3A_826 = tpu.memref_slice %arg3[%dma_wait3A_825] : memref<33554432xf32, #tpu.memory_space<hbm>> -> memref<1024xf32, #tpu.memory_space<hbm>>
      %dma_wait3A_827 = arith.constant 0 : i32
      %dma_wait3A_828 = tpu.memref_slice %arg3[%dma_wait3A_827] : memref<33554432xf32, #tpu.memory_space<hbm>> -> memref<1024xf32, #tpu.memory_space<hbm>>
      %dma_wait3A_829 = arith.constant 6144 : i32
      %dma_wait3A_830 = tpu.memref_slice %arg6[%dma_wait3A_829] : memref<8192xf32, #tpu.memory_space<vmem>> -> memref<1024xf32, #tpu.memory_space<vmem>>
      tpu.wait_dma2 semaphore(%arg10 : memref<!tpu.dma_semaphore, #tpu.memory_space<semaphore_mem>>) src(%dma_wait3A_830 : memref<1024xf32, #tpu.memory_space<vmem>>) dst(%dma_wait3A_828 : memref<1024xf32, #tpu.memory_space<hbm>>)
      %dma_wait3A_831 = arith.constant 7168 : i32
      %dma_wait3A_832 = tpu.memref_slice %arg6[%dma_wait3A_831] : memref<8192xf32, #tpu.memory_space<vmem>> -> memref<1024xf32, #tpu.memory_space<vmem>>
      %dma_wait3A_833 = arith.constant 0 : i32
      %dma_wait3A_834 = tpu.memref_slice %arg3[%dma_wait3A_833] : memref<33554432xf32, #tpu.memory_space<hbm>> -> memref<1024xf32, #tpu.memory_space<hbm>>
      %dma_wait3A_835 = arith.constant 0 : i32
      %dma_wait3A_836 = tpu.memref_slice %arg3[%dma_wait3A_835] : memref<33554432xf32, #tpu.memory_space<hbm>> -> memref<1024xf32, #tpu.memory_space<hbm>>
      %dma_wait3A_837 = arith.constant 7168 : i32
      %dma_wait3A_838 = tpu.memref_slice %arg6[%dma_wait3A_837] : memref<8192xf32, #tpu.memory_space<vmem>> -> memref<1024xf32, #tpu.memory_space<vmem>>
      tpu.wait_dma2 semaphore(%arg10 : memref<!tpu.dma_semaphore, #tpu.memory_space<semaphore_mem>>) src(%dma_wait3A_838 : memref<1024xf32, #tpu.memory_space<vmem>>) dst(%dma_wait3A_836 : memref<1024xf32, #tpu.memory_space<hbm>>)
      %parallel_loop3A_839 = arith.constant 0 : i32
      %parallel_loop3A_840 = arith.constant 64 : i32
      %parallel_loop3A_841 = arith.constant 1 : i32
      scf.for %parallel_loop3A_1223 = %parallel_loop3A_839 to %parallel_loop3A_840 step %parallel_loop3A_841  : i32 {
        %parallel_loop3A_1224 = arith.constant 16 : i32
        %parallel_loop3A_1225 = arith.muli %parallel_loop3A_1223, %parallel_loop3A_1224 : i32
        %parallel_loop3A_1226 = vector.broadcast %parallel_loop3A_1225 : i32 to vector<16xi32>
        %parallel_loop3A_1227 = arith.addi %parallel_loop3A_1226, %iota3A : vector<16xi32>
        %parallel_loop3A_1228 = arith.constant 8 : i32
        %parallel_loop3A_1229 = vector.broadcast %parallel_loop3A_1228 : i32 to vector<16xi32>
        %parallel_loop3A_1230 = arith.muli %parallel_loop3A_1227, %parallel_loop3A_1229 : vector<16xi32>
        %parallel_loop3A_1231 = arith.constant 0 : i32
        %parallel_loop3A_1232 = arith.addi %parallel_loop3A_1231, %parallel_loop3A_1225 : i32
        %parallel_loop3A_1233 = arith.index_cast %parallel_loop3A_1232 : i32 to index
        %parallel_loop3A_1234 = tpu.vector_load %arg4[%parallel_loop3A_1233] {strides = array<i32>} : memref<3456xf32, #tpu.memory_space<vmem>>, vector<16xf32>,
        %parallel_loop3A_1235 = arith.constant 0 : i32
        %parallel_loop3A_1236 = arith.addi %parallel_loop3A_1235, %parallel_loop3A_1225 : i32
        %parallel_loop3A_1237 = arith.constant 128 : i32
        %parallel_loop3A_1238 = arith.addi %parallel_loop3A_1236, %parallel_loop3A_1237 : i32
        %parallel_loop3A_1239 = arith.index_cast %parallel_loop3A_1238 : i32 to index
        %parallel_loop3A_1240 = tpu.vector_load %arg4[%parallel_loop3A_1239] {strides = array<i32>} : memref<3456xf32, #tpu.memory_space<vmem>>, vector<16xf32>,
        %parallel_loop3A_1241 = arith.constant 0 : i32
        %parallel_loop3A_1242 = vector.broadcast %parallel_loop3A_1241 : i32 to vector<16xi32>
        %parallel_loop3A_1243 = arith.addi %parallel_loop3A_1230, %parallel_loop3A_1242 : vector<16xi32>
        tpu.vector_store_idx %arg6[%parallel_loop3A_1243], %parallel_loop3A_1234 : memref<8192xf32, #tpu.memory_space<vmem>>[vector<16xi32>], vector<16xf32>,
        %parallel_loop3A_1244 = arith.constant 4 : i32
        %parallel_loop3A_1245 = vector.broadcast %parallel_loop3A_1244 : i32 to vector<16xi32>
        %parallel_loop3A_1246 = arith.addi %parallel_loop3A_1230, %parallel_loop3A_1245 : vector<16xi32>
        tpu.vector_store_idx %arg6[%parallel_loop3A_1246], %parallel_loop3A_1240 : memref<8192xf32, #tpu.memory_space<vmem>>[vector<16xi32>], vector<16xf32>,
        %parallel_loop3A_1247 = arith.constant 1152 : i32
        %parallel_loop3A_1248 = arith.addi %parallel_loop3A_1247, %parallel_loop3A_1225 : i32
        %parallel_loop3A_1249 = arith.index_cast %parallel_loop3A_1248 : i32 to index
        %parallel_loop3A_1250 = tpu.vector_load %arg4[%parallel_loop3A_1249] {strides = array<i32>} : memref<3456xf32, #tpu.memory_space<vmem>>, vector<16xf32>,
        %parallel_loop3A_1251 = arith.constant 1152 : i32
        %parallel_loop3A_1252 = arith.addi %parallel_loop3A_1251, %parallel_loop3A_1225 : i32
        %parallel_loop3A_1253 = arith.constant 128 : i32
        %parallel_loop3A_1254 = arith.addi %parallel_loop3A_1252, %parallel_loop3A_1253 : i32
        %parallel_loop3A_1255 = arith.index_cast %parallel_loop3A_1254 : i32 to index
        %parallel_loop3A_1256 = tpu.vector_load %arg4[%parallel_loop3A_1255] {strides = array<i32>} : memref<3456xf32, #tpu.memory_space<vmem>>, vector<16xf32>,
        %parallel_loop3A_1257 = arith.constant 1 : i32
        %parallel_loop3A_1258 = vector.broadcast %parallel_loop3A_1257 : i32 to vector<16xi32>
        %parallel_loop3A_1259 = arith.addi %parallel_loop3A_1230, %parallel_loop3A_1258 : vector<16xi32>
        tpu.vector_store_idx %arg6[%parallel_loop3A_1259], %parallel_loop3A_1250 : memref<8192xf32, #tpu.memory_space<vmem>>[vector<16xi32>], vector<16xf32>,
        %parallel_loop3A_1260 = arith.constant 5 : i32
        %parallel_loop3A_1261 = vector.broadcast %parallel_loop3A_1260 : i32 to vector<16xi32>
        %parallel_loop3A_1262 = arith.addi %parallel_loop3A_1230, %parallel_loop3A_1261 : vector<16xi32>
        tpu.vector_store_idx %arg6[%parallel_loop3A_1262], %parallel_loop3A_1256 : memref<8192xf32, #tpu.memory_space<vmem>>[vector<16xi32>], vector<16xf32>,
        %parallel_loop3A_1263 = arith.constant 2304 : i32
        %parallel_loop3A_1264 = arith.addi %parallel_loop3A_1263, %parallel_loop3A_1225 : i32
        %parallel_loop3A_1265 = arith.index_cast %parallel_loop3A_1264 : i32 to index
        %parallel_loop3A_1266 = tpu.vector_load %arg4[%parallel_loop3A_1265] {strides = array<i32>} : memref<3456xf32, #tpu.memory_space<vmem>>, vector<16xf32>,
        %parallel_loop3A_1267 = arith.constant 2304 : i32
        %parallel_loop3A_1268 = arith.addi %parallel_loop3A_1267, %parallel_loop3A_1225 : i32
        %parallel_loop3A_1269 = arith.constant 128 : i32
        %parallel_loop3A_1270 = arith.addi %parallel_loop3A_1268, %parallel_loop3A_1269 : i32
        %parallel_loop3A_1271 = arith.index_cast %parallel_loop3A_1270 : i32 to index
        %parallel_loop3A_1272 = tpu.vector_load %arg4[%parallel_loop3A_1271] {strides = array<i32>} : memref<3456xf32, #tpu.memory_space<vmem>>, vector<16xf32>,
        %parallel_loop3A_1273 = arith.constant 2 : i32
        %parallel_loop3A_1274 = vector.broadcast %parallel_loop3A_1273 : i32 to vector<16xi32>
        %parallel_loop3A_1275 = arith.addi %parallel_loop3A_1230, %parallel_loop3A_1274 : vector<16xi32>
        tpu.vector_store_idx %arg6[%parallel_loop3A_1275], %parallel_loop3A_1266 : memref<8192xf32, #tpu.memory_space<vmem>>[vector<16xi32>], vector<16xf32>,
        %parallel_loop3A_1276 = arith.constant 6 : i32
        %parallel_loop3A_1277 = vector.broadcast %parallel_loop3A_1276 : i32 to vector<16xi32>
        %parallel_loop3A_1278 = arith.addi %parallel_loop3A_1230, %parallel_loop3A_1277 : vector<16xi32>
        tpu.vector_store_idx %arg6[%parallel_loop3A_1278], %parallel_loop3A_1272 : memref<8192xf32, #tpu.memory_space<vmem>>[vector<16xi32>], vector<16xf32>,
      } {sc.loop_unroll_factor = 4 : i64, sc.parallel_access}
      %mul3A_842 = arith.constant 2 : i32
      %mul3A_843 = arith.muli %mul3A_842, %scan3A_723 : i32
      %add3A_844 = arith.constant 2 : i32
      %add3A_845 = arith.addi %mul3A_843, %add3A_844 : i32
      %lt3A_846 = arith.constant 128 : i32
      %lt3A_847 = arith.cmpi slt, %add3A_845, %lt3A_846 : i32
      %convert_element_type3A = arith.extui %lt3A_847 : i1 to i32
      %cond3A = arith.constant 0 : i32
      %cond3A_848 = arith.cmpi ne, %convert_element_type3A, %cond3A : i32
      scf.if %cond3A_848 {
        %add3A_1223 = arith.constant 2 : i32
        %add3A_1224 = arith.addi %add3A_726, %add3A_1223 : i32
        %mul3A_1225 = arith.constant 1024 : i32
        %mul3A_1226 = arith.muli %add3A_1224, %mul3A_1225 : i32
        %add3A_1227 = arith.constant 16 : i32
        %add3A_1228 = arith.addi %add3A_1224, %add3A_1227 : i32
        %lt3A_1229 = arith.constant 4096 : i32
        %lt3A_1230 = arith.cmpi slt, %add3A_1228, %lt3A_1229 : i32
        %add3A_1231 = arith.constant 16 : i32
        %add3A_1232 = arith.addi %add3A_1224, %add3A_1231 : i32
        %select_n3A_1233 = arith.select %lt3A_1230, %add3A_1232, %add3A_1224 : i32
        %mul3A_1234 = arith.constant 1024 : i32
        %mul3A_1235 = arith.muli %select_n3A_1233, %mul3A_1234 : i32
        %add3A_1236 = arith.constant 0 : i32
        %add3A_1237 = arith.addi %add3A_1236, %mul3A_1226 : i32
        %dma_start3A_1238 = arith.constant 0 : i32
        %dma_start3A_1239 = tpu.memref_slice %arg4[%dma_start3A_1238] : memref<3456xf32, #tpu.memory_space<vmem>> -> memref<1024xf32, #tpu.memory_space<vmem>>
        %dma_start3A_1240 = tpu.memref_slice %arg2[%add3A_1237] : memref<12582912xf32, #tpu.memory_space<hbm>> -> memref<1024xf32, #tpu.memory_space<hbm>>
        %dma_start3A_1241 = arith.constant 0 : i32
        %dma_start3A_1242 = tpu.memref_slice %arg4[%dma_start3A_1241] : memref<3456xf32, #tpu.memory_space<vmem>> -> memref<1024xf32, #tpu.memory_space<vmem>>
        %dma_start3A_1243 = tpu.memref_slice %arg2[%add3A_1237] : memref<12582912xf32, #tpu.memory_space<hbm>> -> memref<1024xf32, #tpu.memory_space<hbm>>
        tpu.enqueue_dma source(%dma_start3A_1243 : memref<1024xf32, #tpu.memory_space<hbm>>) target(%dma_start3A_1242 : memref<1024xf32, #tpu.memory_space<vmem>>) target_semaphore(%arg8 : memref<!tpu.dma_semaphore, #tpu.memory_space<semaphore_mem>>)
        %add3A_1244 = arith.constant 0 : i32
        %add3A_1245 = arith.addi %add3A_1244, %mul3A_1235 : i32
        %dma_start3A_1246 = arith.constant 1024 : i32
        %dma_start3A_1247 = tpu.memref_slice %arg4[%dma_start3A_1246] : memref<3456xf32, #tpu.memory_space<vmem>> -> memref<128xf32, #tpu.memory_space<vmem>>
        %dma_start3A_1248 = tpu.memref_slice %arg2[%add3A_1245] : memref<12582912xf32, #tpu.memory_space<hbm>> -> memref<128xf32, #tpu.memory_space<hbm>>
        %dma_start3A_1249 = arith.constant 1024 : i32
        %dma_start3A_1250 = tpu.memref_slice %arg4[%dma_start3A_1249] : memref<3456xf32, #tpu.memory_space<vmem>> -> memref<128xf32, #tpu.memory_space<vmem>>
        %dma_start3A_1251 = tpu.memref_slice %arg2[%add3A_1245] : memref<12582912xf32, #tpu.memory_space<hbm>> -> memref<128xf32, #tpu.memory_space<hbm>>
        tpu.enqueue_dma source(%dma_start3A_1251 : memref<128xf32, #tpu.memory_space<hbm>>) target(%dma_start3A_1250 : memref<128xf32, #tpu.memory_space<vmem>>) target_semaphore(%arg8 : memref<!tpu.dma_semaphore, #tpu.memory_space<semaphore_mem>>)
        %add3A_1252 = arith.constant 4194304 : i32
        %add3A_1253 = arith.addi %add3A_1252, %mul3A_1226 : i32
        %dma_start3A_1254 = arith.constant 1152 : i32
        %dma_start3A_1255 = tpu.memref_slice %arg4[%dma_start3A_1254] : memref<3456xf32, #tpu.memory_space<vmem>> -> memref<1024xf32, #tpu.memory_space<vmem>>
        %dma_start3A_1256 = tpu.memref_slice %arg2[%add3A_1253] : memref<12582912xf32, #tpu.memory_space<hbm>> -> memref<1024xf32, #tpu.memory_space<hbm>>
        %dma_start3A_1257 = arith.constant 1152 : i32
        %dma_start3A_1258 = tpu.memref_slice %arg4[%dma_start3A_1257] : memref<3456xf32, #tpu.memory_space<vmem>> -> memref<1024xf32, #tpu.memory_space<vmem>>
        %dma_start3A_1259 = tpu.memref_slice %arg2[%add3A_1253] : memref<12582912xf32, #tpu.memory_space<hbm>> -> memref<1024xf32, #tpu.memory_space<hbm>>
        tpu.enqueue_dma source(%dma_start3A_1259 : memref<1024xf32, #tpu.memory_space<hbm>>) target(%dma_start3A_1258 : memref<1024xf32, #tpu.memory_space<vmem>>) target_semaphore(%arg8 : memref<!tpu.dma_semaphore, #tpu.memory_space<semaphore_mem>>)
        %add3A_1260 = arith.constant 4194304 : i32
        %add3A_1261 = arith.addi %add3A_1260, %mul3A_1235 : i32
        %dma_start3A_1262 = arith.constant 2176 : i32
        %dma_start3A_1263 = tpu.memref_slice %arg4[%dma_start3A_1262] : memref<3456xf32, #tpu.memory_space<vmem>> -> memref<128xf32, #tpu.memory_space<vmem>>
        %dma_start3A_1264 = tpu.memref_slice %arg2[%add3A_1261] : memref<12582912xf32, #tpu.memory_space<hbm>> -> memref<128xf32, #tpu.memory_space<hbm>>
        %dma_start3A_1265 = arith.constant 2176 : i32
        %dma_start3A_1266 = tpu.memref_slice %arg4[%dma_start3A_1265] : memref<3456xf32, #tpu.memory_space<vmem>> -> memref<128xf32, #tpu.memory_space<vmem>>
        %dma_start3A_1267 = tpu.memref_slice %arg2[%add3A_1261] : memref<12582912xf32, #tpu.memory_space<hbm>> -> memref<128xf32, #tpu.memory_space<hbm>>
        tpu.enqueue_dma source(%dma_start3A_1267 : memref<128xf32, #tpu.memory_space<hbm>>) target(%dma_start3A_1266 : memref<128xf32, #tpu.memory_space<vmem>>) target_semaphore(%arg8 : memref<!tpu.dma_semaphore, #tpu.memory_space<semaphore_mem>>)
        %add3A_1268 = arith.constant 8388608 : i32
        %add3A_1269 = arith.addi %add3A_1268, %mul3A_1226 : i32
        %dma_start3A_1270 = arith.constant 2304 : i32
        %dma_start3A_1271 = tpu.memref_slice %arg4[%dma_start3A_1270] : memref<3456xf32, #tpu.memory_space<vmem>> -> memref<1024xf32, #tpu.memory_space<vmem>>
        %dma_start3A_1272 = tpu.memref_slice %arg2[%add3A_1269] : memref<12582912xf32, #tpu.memory_space<hbm>> -> memref<1024xf32, #tpu.memory_space<hbm>>
        %dma_start3A_1273 = arith.constant 2304 : i32
        %dma_start3A_1274 = tpu.memref_slice %arg4[%dma_start3A_1273] : memref<3456xf32, #tpu.memory_space<vmem>> -> memref<1024xf32, #tpu.memory_space<vmem>>
        %dma_start3A_1275 = tpu.memref_slice %arg2[%add3A_1269] : memref<12582912xf32, #tpu.memory_space<hbm>> -> memref<1024xf32, #tpu.memory_space<hbm>>
        tpu.enqueue_dma source(%dma_start3A_1275 : memref<1024xf32, #tpu.memory_space<hbm>>) target(%dma_start3A_1274 : memref<1024xf32, #tpu.memory_space<vmem>>) target_semaphore(%arg8 : memref<!tpu.dma_semaphore, #tpu.memory_space<semaphore_mem>>)
        %add3A_1276 = arith.constant 8388608 : i32
        %add3A_1277 = arith.addi %add3A_1276, %mul3A_1235 : i32
        %dma_start3A_1278 = arith.constant 3328 : i32
        %dma_start3A_1279 = tpu.memref_slice %arg4[%dma_start3A_1278] : memref<3456xf32, #tpu.memory_space<vmem>> -> memref<128xf32, #tpu.memory_space<vmem>>
        %dma_start3A_1280 = tpu.memref_slice %arg2[%add3A_1277] : memref<12582912xf32, #tpu.memory_space<hbm>> -> memref<128xf32, #tpu.memory_space<hbm>>
        %dma_start3A_1281 = arith.constant 3328 : i32
        %dma_start3A_1282 = tpu.memref_slice %arg4[%dma_start3A_1281] : memref<3456xf32, #tpu.memory_space<vmem>> -> memref<128xf32, #tpu.memory_space<vmem>>
        %dma_start3A_1283 = tpu.memref_slice %arg2[%add3A_1277] : memref<12582912xf32, #tpu.memory_space<hbm>> -> memref<128xf32, #tpu.memory_space<hbm>>
        tpu.enqueue_dma source(%dma_start3A_1283 : memref<128xf32, #tpu.memory_space<hbm>>) target(%dma_start3A_1282 : memref<128xf32, #tpu.memory_space<vmem>>) target_semaphore(%arg8 : memref<!tpu.dma_semaphore, #tpu.memory_space<semaphore_mem>>)
      } else {
      }
      %shift_right_arithmetic3A_849 = arith.constant 4 : i32
      %shift_right_arithmetic3A_850 = arith.shrsi %add3A_726, %shift_right_arithmetic3A_849 : i32
      %and3A_851 = arith.constant 15 : i32
      %and3A_852 = arith.andi %add3A_726, %and3A_851 : i32
      %mul3A_853 = arith.constant 8 : i32
      %mul3A_854 = arith.muli %shift_right_arithmetic3A_850, %mul3A_853 : i32
      %add3A_855 = arith.constant 0 : i32
      %add3A_856 = arith.addi %mul3A_854, %add3A_855 : i32
      %mul3A_857 = arith.constant 16384 : i32
      %mul3A_858 = arith.muli %add3A_856, %mul3A_857 : i32
      %mul3A_859 = arith.constant 1024 : i32
      %mul3A_860 = arith.muli %and3A_852, %mul3A_859 : i32
      %add3A_861 = arith.addi %mul3A_858, %mul3A_860 : i32
      %dma_start3A_862 = arith.constant 0 : i32
      %dma_start3A_863 = tpu.memref_slice %arg6[%dma_start3A_862] : memref<8192xf32, #tpu.memory_space<vmem>> -> memref<1024xf32, #tpu.memory_space<vmem>>
      %dma_start3A_864 = tpu.memref_slice %arg3[%add3A_861] : memref<33554432xf32, #tpu.memory_space<hbm>> -> memref<1024xf32, #tpu.memory_space<hbm>>
      %dma_start3A_865 = tpu.memref_slice %arg3[%add3A_861] : memref<33554432xf32, #tpu.memory_space<hbm>> -> memref<1024xf32, #tpu.memory_space<hbm>>
      %dma_start3A_866 = arith.constant 0 : i32
      %dma_start3A_867 = tpu.memref_slice %arg6[%dma_start3A_866] : memref<8192xf32, #tpu.memory_space<vmem>> -> memref<1024xf32, #tpu.memory_space<vmem>>
      tpu.enqueue_dma source(%dma_start3A_867 : memref<1024xf32, #tpu.memory_space<vmem>>) target(%dma_start3A_865 : memref<1024xf32, #tpu.memory_space<hbm>>) target_semaphore(%arg10 : memref<!tpu.dma_semaphore, #tpu.memory_space<semaphore_mem>>)
      %mul3A_868 = arith.constant 8 : i32
      %mul3A_869 = arith.muli %shift_right_arithmetic3A_850, %mul3A_868 : i32
      %add3A_870 = arith.constant 1 : i32
      %add3A_871 = arith.addi %mul3A_869, %add3A_870 : i32
      %mul3A_872 = arith.constant 16384 : i32
      %mul3A_873 = arith.muli %add3A_871, %mul3A_872 : i32
      %mul3A_874 = arith.constant 1024 : i32
      %mul3A_875 = arith.muli %and3A_852, %mul3A_874 : i32
      %add3A_876 = arith.addi %mul3A_873, %mul3A_875 : i32
      %dma_start3A_877 = arith.constant 1024 : i32
      %dma_start3A_878 = tpu.memref_slice %arg6[%dma_start3A_877] : memref<8192xf32, #tpu.memory_space<vmem>> -> memref<1024xf32, #tpu.memory_space<vmem>>
      %dma_start3A_879 = tpu.memref_slice %arg3[%add3A_876] : memref<33554432xf32, #tpu.memory_space<hbm>> -> memref<1024xf32, #tpu.memory_space<hbm>>
      %dma_start3A_880 = tpu.memref_slice %arg3[%add3A_876] : memref<33554432xf32, #tpu.memory_space<hbm>> -> memref<1024xf32, #tpu.memory_space<hbm>>
      %dma_start3A_881 = arith.constant 1024 : i32
      %dma_start3A_882 = tpu.memref_slice %arg6[%dma_start3A_881] : memref<8192xf32, #tpu.memory_space<vmem>> -> memref<1024xf32, #tpu.memory_space<vmem>>
      tpu.enqueue_dma source(%dma_start3A_882 : memref<1024xf32, #tpu.memory_space<vmem>>) target(%dma_start3A_880 : memref<1024xf32, #tpu.memory_space<hbm>>) target_semaphore(%arg10 : memref<!tpu.dma_semaphore, #tpu.memory_space<semaphore_mem>>)
      %mul3A_883 = arith.constant 8 : i32
      %mul3A_884 = arith.muli %shift_right_arithmetic3A_850, %mul3A_883 : i32
      %add3A_885 = arith.constant 2 : i32
      %add3A_886 = arith.addi %mul3A_884, %add3A_885 : i32
      %mul3A_887 = arith.constant 16384 : i32
      %mul3A_888 = arith.muli %add3A_886, %mul3A_887 : i32
      %mul3A_889 = arith.constant 1024 : i32
      %mul3A_890 = arith.muli %and3A_852, %mul3A_889 : i32
      %add3A_891 = arith.addi %mul3A_888, %mul3A_890 : i32
      %dma_start3A_892 = arith.constant 2048 : i32
      %dma_start3A_893 = tpu.memref_slice %arg6[%dma_start3A_892] : memref<8192xf32, #tpu.memory_space<vmem>> -> memref<1024xf32, #tpu.memory_space<vmem>>
      %dma_start3A_894 = tpu.memref_slice %arg3[%add3A_891] : memref<33554432xf32, #tpu.memory_space<hbm>> -> memref<1024xf32, #tpu.memory_space<hbm>>
      %dma_start3A_895 = tpu.memref_slice %arg3[%add3A_891] : memref<33554432xf32, #tpu.memory_space<hbm>> -> memref<1024xf32, #tpu.memory_space<hbm>>
      %dma_start3A_896 = arith.constant 2048 : i32
      %dma_start3A_897 = tpu.memref_slice %arg6[%dma_start3A_896] : memref<8192xf32, #tpu.memory_space<vmem>> -> memref<1024xf32, #tpu.memory_space<vmem>>
      tpu.enqueue_dma source(%dma_start3A_897 : memref<1024xf32, #tpu.memory_space<vmem>>) target(%dma_start3A_895 : memref<1024xf32, #tpu.memory_space<hbm>>) target_semaphore(%arg10 : memref<!tpu.dma_semaphore, #tpu.memory_space<semaphore_mem>>)
      %mul3A_898 = arith.constant 8 : i32
      %mul3A_899 = arith.muli %shift_right_arithmetic3A_850, %mul3A_898 : i32
      %add3A_900 = arith.constant 3 : i32
      %add3A_901 = arith.addi %mul3A_899, %add3A_900 : i32
      %mul3A_902 = arith.constant 16384 : i32
      %mul3A_903 = arith.muli %add3A_901, %mul3A_902 : i32
      %mul3A_904 = arith.constant 1024 : i32
      %mul3A_905 = arith.muli %and3A_852, %mul3A_904 : i32
      %add3A_906 = arith.addi %mul3A_903, %mul3A_905 : i32
      %dma_start3A_907 = arith.constant 3072 : i32
      %dma_start3A_908 = tpu.memref_slice %arg6[%dma_start3A_907] : memref<8192xf32, #tpu.memory_space<vmem>> -> memref<1024xf32, #tpu.memory_space<vmem>>
      %dma_start3A_909 = tpu.memref_slice %arg3[%add3A_906] : memref<33554432xf32, #tpu.memory_space<hbm>> -> memref<1024xf32, #tpu.memory_space<hbm>>
      %dma_start3A_910 = tpu.memref_slice %arg3[%add3A_906] : memref<33554432xf32, #tpu.memory_space<hbm>> -> memref<1024xf32, #tpu.memory_space<hbm>>
      %dma_start3A_911 = arith.constant 3072 : i32
      %dma_start3A_912 = tpu.memref_slice %arg6[%dma_start3A_911] : memref<8192xf32, #tpu.memory_space<vmem>> -> memref<1024xf32, #tpu.memory_space<vmem>>
      tpu.enqueue_dma source(%dma_start3A_912 : memref<1024xf32, #tpu.memory_space<vmem>>) target(%dma_start3A_910 : memref<1024xf32, #tpu.memory_space<hbm>>) target_semaphore(%arg10 : memref<!tpu.dma_semaphore, #tpu.memory_space<semaphore_mem>>)
      %mul3A_913 = arith.constant 8 : i32
      %mul3A_914 = arith.muli %shift_right_arithmetic3A_850, %mul3A_913 : i32
      %add3A_915 = arith.constant 4 : i32
      %add3A_916 = arith.addi %mul3A_914, %add3A_915 : i32
      %mul3A_917 = arith.constant 16384 : i32
      %mul3A_918 = arith.muli %add3A_916, %mul3A_917 : i32
      %mul3A_919 = arith.constant 1024 : i32
      %mul3A_920 = arith.muli %and3A_852, %mul3A_919 : i32
      %add3A_921 = arith.addi %mul3A_918, %mul3A_920 : i32
      %dma_start3A_922 = arith.constant 4096 : i32
      %dma_start3A_923 = tpu.memref_slice %arg6[%dma_start3A_922] : memref<8192xf32, #tpu.memory_space<vmem>> -> memref<1024xf32, #tpu.memory_space<vmem>>
      %dma_start3A_924 = tpu.memref_slice %arg3[%add3A_921] : memref<33554432xf32, #tpu.memory_space<hbm>> -> memref<1024xf32, #tpu.memory_space<hbm>>
      %dma_start3A_925 = tpu.memref_slice %arg3[%add3A_921] : memref<33554432xf32, #tpu.memory_space<hbm>> -> memref<1024xf32, #tpu.memory_space<hbm>>
      %dma_start3A_926 = arith.constant 4096 : i32
      %dma_start3A_927 = tpu.memref_slice %arg6[%dma_start3A_926] : memref<8192xf32, #tpu.memory_space<vmem>> -> memref<1024xf32, #tpu.memory_space<vmem>>
      tpu.enqueue_dma source(%dma_start3A_927 : memref<1024xf32, #tpu.memory_space<vmem>>) target(%dma_start3A_925 : memref<1024xf32, #tpu.memory_space<hbm>>) target_semaphore(%arg10 : memref<!tpu.dma_semaphore, #tpu.memory_space<semaphore_mem>>)
      %mul3A_928 = arith.constant 8 : i32
      %mul3A_929 = arith.muli %shift_right_arithmetic3A_850, %mul3A_928 : i32
      %add3A_930 = arith.constant 5 : i32
      %add3A_931 = arith.addi %mul3A_929, %add3A_930 : i32
      %mul3A_932 = arith.constant 16384 : i32
      %mul3A_933 = arith.muli %add3A_931, %mul3A_932 : i32
      %mul3A_934 = arith.constant 1024 : i32
      %mul3A_935 = arith.muli %and3A_852, %mul3A_934 : i32
      %add3A_936 = arith.addi %mul3A_933, %mul3A_935 : i32
      %dma_start3A_937 = arith.constant 5120 : i32
      %dma_start3A_938 = tpu.memref_slice %arg6[%dma_start3A_937] : memref<8192xf32, #tpu.memory_space<vmem>> -> memref<1024xf32, #tpu.memory_space<vmem>>
      %dma_start3A_939 = tpu.memref_slice %arg3[%add3A_936] : memref<33554432xf32, #tpu.memory_space<hbm>> -> memref<1024xf32, #tpu.memory_space<hbm>>
      %dma_start3A_940 = tpu.memref_slice %arg3[%add3A_936] : memref<33554432xf32, #tpu.memory_space<hbm>> -> memref<1024xf32, #tpu.memory_space<hbm>>
      %dma_start3A_941 = arith.constant 5120 : i32
      %dma_start3A_942 = tpu.memref_slice %arg6[%dma_start3A_941] : memref<8192xf32, #tpu.memory_space<vmem>> -> memref<1024xf32, #tpu.memory_space<vmem>>
      tpu.enqueue_dma source(%dma_start3A_942 : memref<1024xf32, #tpu.memory_space<vmem>>) target(%dma_start3A_940 : memref<1024xf32, #tpu.memory_space<hbm>>) target_semaphore(%arg10 : memref<!tpu.dma_semaphore, #tpu.memory_space<semaphore_mem>>)
      %mul3A_943 = arith.constant 8 : i32
      %mul3A_944 = arith.muli %shift_right_arithmetic3A_850, %mul3A_943 : i32
      %add3A_945 = arith.constant 6 : i32
      %add3A_946 = arith.addi %mul3A_944, %add3A_945 : i32
      %mul3A_947 = arith.constant 16384 : i32
      %mul3A_948 = arith.muli %add3A_946, %mul3A_947 : i32
      %mul3A_949 = arith.constant 1024 : i32
      %mul3A_950 = arith.muli %and3A_852, %mul3A_949 : i32
      %add3A_951 = arith.addi %mul3A_948, %mul3A_950 : i32
      %dma_start3A_952 = arith.constant 6144 : i32
      %dma_start3A_953 = tpu.memref_slice %arg6[%dma_start3A_952] : memref<8192xf32, #tpu.memory_space<vmem>> -> memref<1024xf32, #tpu.memory_space<vmem>>
      %dma_start3A_954 = tpu.memref_slice %arg3[%add3A_951] : memref<33554432xf32, #tpu.memory_space<hbm>> -> memref<1024xf32, #tpu.memory_space<hbm>>
      %dma_start3A_955 = tpu.memref_slice %arg3[%add3A_951] : memref<33554432xf32, #tpu.memory_space<hbm>> -> memref<1024xf32, #tpu.memory_space<hbm>>
      %dma_start3A_956 = arith.constant 6144 : i32
      %dma_start3A_957 = tpu.memref_slice %arg6[%dma_start3A_956] : memref<8192xf32, #tpu.memory_space<vmem>> -> memref<1024xf32, #tpu.memory_space<vmem>>
      tpu.enqueue_dma source(%dma_start3A_957 : memref<1024xf32, #tpu.memory_space<vmem>>) target(%dma_start3A_955 : memref<1024xf32, #tpu.memory_space<hbm>>) target_semaphore(%arg10 : memref<!tpu.dma_semaphore, #tpu.memory_space<semaphore_mem>>)
      %mul3A_958 = arith.constant 8 : i32
      %mul3A_959 = arith.muli %shift_right_arithmetic3A_850, %mul3A_958 : i32
      %add3A_960 = arith.constant 7 : i32
      %add3A_961 = arith.addi %mul3A_959, %add3A_960 : i32
      %mul3A_962 = arith.constant 16384 : i32
      %mul3A_963 = arith.muli %add3A_961, %mul3A_962 : i32
      %mul3A_964 = arith.constant 1024 : i32
      %mul3A_965 = arith.muli %and3A_852, %mul3A_964 : i32
      %add3A_966 = arith.addi %mul3A_963, %mul3A_965 : i32
      %dma_start3A_967 = arith.constant 7168 : i32
      %dma_start3A_968 = tpu.memref_slice %arg6[%dma_start3A_967] : memref<8192xf32, #tpu.memory_space<vmem>> -> memref<1024xf32, #tpu.memory_space<vmem>>
      %dma_start3A_969 = tpu.memref_slice %arg3[%add3A_966] : memref<33554432xf32, #tpu.memory_space<hbm>> -> memref<1024xf32, #tpu.memory_space<hbm>>
      %dma_start3A_970 = tpu.memref_slice %arg3[%add3A_966] : memref<33554432xf32, #tpu.memory_space<hbm>> -> memref<1024xf32, #tpu.memory_space<hbm>>
      %dma_start3A_971 = arith.constant 7168 : i32
      %dma_start3A_972 = tpu.memref_slice %arg6[%dma_start3A_971] : memref<8192xf32, #tpu.memory_space<vmem>> -> memref<1024xf32, #tpu.memory_space<vmem>>
      tpu.enqueue_dma source(%dma_start3A_972 : memref<1024xf32, #tpu.memory_space<vmem>>) target(%dma_start3A_970 : memref<1024xf32, #tpu.memory_space<hbm>>) target_semaphore(%arg10 : memref<!tpu.dma_semaphore, #tpu.memory_space<semaphore_mem>>)
      %dma_wait3A_973 = arith.constant 0 : i32
      %dma_wait3A_974 = tpu.memref_slice %arg5[%dma_wait3A_973] : memref<3456xf32, #tpu.memory_space<vmem>> -> memref<1024xf32, #tpu.memory_space<vmem>>
      %dma_wait3A_975 = arith.constant 0 : i32
      %dma_wait3A_976 = tpu.memref_slice %arg2[%dma_wait3A_975] : memref<12582912xf32, #tpu.memory_space<hbm>> -> memref<1024xf32, #tpu.memory_space<hbm>>
      %dma_wait3A_977 = arith.constant 0 : i32
      %dma_wait3A_978 = tpu.memref_slice %arg5[%dma_wait3A_977] : memref<3456xf32, #tpu.memory_space<vmem>> -> memref<1024xf32, #tpu.memory_space<vmem>>
      %dma_wait3A_979 = arith.constant 0 : i32
      %dma_wait3A_980 = tpu.memref_slice %arg2[%dma_wait3A_979] : memref<12582912xf32, #tpu.memory_space<hbm>> -> memref<1024xf32, #tpu.memory_space<hbm>>
      tpu.wait_dma2 semaphore(%arg9 : memref<!tpu.dma_semaphore, #tpu.memory_space<semaphore_mem>>) src(%dma_wait3A_980 : memref<1024xf32, #tpu.memory_space<hbm>>) dst(%dma_wait3A_978 : memref<1024xf32, #tpu.memory_space<vmem>>)
      %dma_wait3A_981 = arith.constant 1024 : i32
      %dma_wait3A_982 = tpu.memref_slice %arg5[%dma_wait3A_981] : memref<3456xf32, #tpu.memory_space<vmem>> -> memref<128xf32, #tpu.memory_space<vmem>>
      %dma_wait3A_983 = arith.constant 0 : i32
      %dma_wait3A_984 = tpu.memref_slice %arg2[%dma_wait3A_983] : memref<12582912xf32, #tpu.memory_space<hbm>> -> memref<128xf32, #tpu.memory_space<hbm>>
      %dma_wait3A_985 = arith.constant 1024 : i32
      %dma_wait3A_986 = tpu.memref_slice %arg5[%dma_wait3A_985] : memref<3456xf32, #tpu.memory_space<vmem>> -> memref<128xf32, #tpu.memory_space<vmem>>
      %dma_wait3A_987 = arith.constant 0 : i32
      %dma_wait3A_988 = tpu.memref_slice %arg2[%dma_wait3A_987] : memref<12582912xf32, #tpu.memory_space<hbm>> -> memref<128xf32, #tpu.memory_space<hbm>>
      tpu.wait_dma2 semaphore(%arg9 : memref<!tpu.dma_semaphore, #tpu.memory_space<semaphore_mem>>) src(%dma_wait3A_988 : memref<128xf32, #tpu.memory_space<hbm>>) dst(%dma_wait3A_986 : memref<128xf32, #tpu.memory_space<vmem>>)
      %dma_wait3A_989 = arith.constant 1152 : i32
      %dma_wait3A_990 = tpu.memref_slice %arg5[%dma_wait3A_989] : memref<3456xf32, #tpu.memory_space<vmem>> -> memref<1024xf32, #tpu.memory_space<vmem>>
      %dma_wait3A_991 = arith.constant 0 : i32
      %dma_wait3A_992 = tpu.memref_slice %arg2[%dma_wait3A_991] : memref<12582912xf32, #tpu.memory_space<hbm>> -> memref<1024xf32, #tpu.memory_space<hbm>>
      %dma_wait3A_993 = arith.constant 1152 : i32
      %dma_wait3A_994 = tpu.memref_slice %arg5[%dma_wait3A_993] : memref<3456xf32, #tpu.memory_space<vmem>> -> memref<1024xf32, #tpu.memory_space<vmem>>
      %dma_wait3A_995 = arith.constant 0 : i32
      %dma_wait3A_996 = tpu.memref_slice %arg2[%dma_wait3A_995] : memref<12582912xf32, #tpu.memory_space<hbm>> -> memref<1024xf32, #tpu.memory_space<hbm>>
      tpu.wait_dma2 semaphore(%arg9 : memref<!tpu.dma_semaphore, #tpu.memory_space<semaphore_mem>>) src(%dma_wait3A_996 : memref<1024xf32, #tpu.memory_space<hbm>>) dst(%dma_wait3A_994 : memref<1024xf32, #tpu.memory_space<vmem>>)
      %dma_wait3A_997 = arith.constant 2176 : i32
      %dma_wait3A_998 = tpu.memref_slice %arg5[%dma_wait3A_997] : memref<3456xf32, #tpu.memory_space<vmem>> -> memref<128xf32, #tpu.memory_space<vmem>>
      %dma_wait3A_999 = arith.constant 0 : i32
      %dma_wait3A_1000 = tpu.memref_slice %arg2[%dma_wait3A_999] : memref<12582912xf32, #tpu.memory_space<hbm>> -> memref<128xf32, #tpu.memory_space<hbm>>
      %dma_wait3A_1001 = arith.constant 2176 : i32
      %dma_wait3A_1002 = tpu.memref_slice %arg5[%dma_wait3A_1001] : memref<3456xf32, #tpu.memory_space<vmem>> -> memref<128xf32, #tpu.memory_space<vmem>>
      %dma_wait3A_1003 = arith.constant 0 : i32
      %dma_wait3A_1004 = tpu.memref_slice %arg2[%dma_wait3A_1003] : memref<12582912xf32, #tpu.memory_space<hbm>> -> memref<128xf32, #tpu.memory_space<hbm>>
      tpu.wait_dma2 semaphore(%arg9 : memref<!tpu.dma_semaphore, #tpu.memory_space<semaphore_mem>>) src(%dma_wait3A_1004 : memref<128xf32, #tpu.memory_space<hbm>>) dst(%dma_wait3A_1002 : memref<128xf32, #tpu.memory_space<vmem>>)
      %dma_wait3A_1005 = arith.constant 2304 : i32
      %dma_wait3A_1006 = tpu.memref_slice %arg5[%dma_wait3A_1005] : memref<3456xf32, #tpu.memory_space<vmem>> -> memref<1024xf32, #tpu.memory_space<vmem>>
      %dma_wait3A_1007 = arith.constant 0 : i32
      %dma_wait3A_1008 = tpu.memref_slice %arg2[%dma_wait3A_1007] : memref<12582912xf32, #tpu.memory_space<hbm>> -> memref<1024xf32, #tpu.memory_space<hbm>>
      %dma_wait3A_1009 = arith.constant 2304 : i32
      %dma_wait3A_1010 = tpu.memref_slice %arg5[%dma_wait3A_1009] : memref<3456xf32, #tpu.memory_space<vmem>> -> memref<1024xf32, #tpu.memory_space<vmem>>
      %dma_wait3A_1011 = arith.constant 0 : i32
      %dma_wait3A_1012 = tpu.memref_slice %arg2[%dma_wait3A_1011] : memref<12582912xf32, #tpu.memory_space<hbm>> -> memref<1024xf32, #tpu.memory_space<hbm>>
      tpu.wait_dma2 semaphore(%arg9 : memref<!tpu.dma_semaphore, #tpu.memory_space<semaphore_mem>>) src(%dma_wait3A_1012 : memref<1024xf32, #tpu.memory_space<hbm>>) dst(%dma_wait3A_1010 : memref<1024xf32, #tpu.memory_space<vmem>>)
      %dma_wait3A_1013 = arith.constant 3328 : i32
      %dma_wait3A_1014 = tpu.memref_slice %arg5[%dma_wait3A_1013] : memref<3456xf32, #tpu.memory_space<vmem>> -> memref<128xf32, #tpu.memory_space<vmem>>
      %dma_wait3A_1015 = arith.constant 0 : i32
      %dma_wait3A_1016 = tpu.memref_slice %arg2[%dma_wait3A_1015] : memref<12582912xf32, #tpu.memory_space<hbm>> -> memref<128xf32, #tpu.memory_space<hbm>>
      %dma_wait3A_1017 = arith.constant 3328 : i32
      %dma_wait3A_1018 = tpu.memref_slice %arg5[%dma_wait3A_1017] : memref<3456xf32, #tpu.memory_space<vmem>> -> memref<128xf32, #tpu.memory_space<vmem>>
      %dma_wait3A_1019 = arith.constant 0 : i32
      %dma_wait3A_1020 = tpu.memref_slice %arg2[%dma_wait3A_1019] : memref<12582912xf32, #tpu.memory_space<hbm>> -> memref<128xf32, #tpu.memory_space<hbm>>
      tpu.wait_dma2 semaphore(%arg9 : memref<!tpu.dma_semaphore, #tpu.memory_space<semaphore_mem>>) src(%dma_wait3A_1020 : memref<128xf32, #tpu.memory_space<hbm>>) dst(%dma_wait3A_1018 : memref<128xf32, #tpu.memory_space<vmem>>)
      %dma_wait3A_1021 = arith.constant 0 : i32
      %dma_wait3A_1022 = tpu.memref_slice %arg7[%dma_wait3A_1021] : memref<8192xf32, #tpu.memory_space<vmem>> -> memref<1024xf32, #tpu.memory_space<vmem>>
      %dma_wait3A_1023 = arith.constant 0 : i32
      %dma_wait3A_1024 = tpu.memref_slice %arg3[%dma_wait3A_1023] : memref<33554432xf32, #tpu.memory_space<hbm>> -> memref<1024xf32, #tpu.memory_space<hbm>>
      %dma_wait3A_1025 = arith.constant 0 : i32
      %dma_wait3A_1026 = tpu.memref_slice %arg3[%dma_wait3A_1025] : memref<33554432xf32, #tpu.memory_space<hbm>> -> memref<1024xf32, #tpu.memory_space<hbm>>
      %dma_wait3A_1027 = arith.constant 0 : i32
      %dma_wait3A_1028 = tpu.memref_slice %arg7[%dma_wait3A_1027] : memref<8192xf32, #tpu.memory_space<vmem>> -> memref<1024xf32, #tpu.memory_space<vmem>>
      tpu.wait_dma2 semaphore(%arg11 : memref<!tpu.dma_semaphore, #tpu.memory_space<semaphore_mem>>) src(%dma_wait3A_1028 : memref<1024xf32, #tpu.memory_space<vmem>>) dst(%dma_wait3A_1026 : memref<1024xf32, #tpu.memory_space<hbm>>)
      %dma_wait3A_1029 = arith.constant 1024 : i32
      %dma_wait3A_1030 = tpu.memref_slice %arg7[%dma_wait3A_1029] : memref<8192xf32, #tpu.memory_space<vmem>> -> memref<1024xf32, #tpu.memory_space<vmem>>
      %dma_wait3A_1031 = arith.constant 0 : i32
      %dma_wait3A_1032 = tpu.memref_slice %arg3[%dma_wait3A_1031] : memref<33554432xf32, #tpu.memory_space<hbm>> -> memref<1024xf32, #tpu.memory_space<hbm>>
      %dma_wait3A_1033 = arith.constant 0 : i32
      %dma_wait3A_1034 = tpu.memref_slice %arg3[%dma_wait3A_1033] : memref<33554432xf32, #tpu.memory_space<hbm>> -> memref<1024xf32, #tpu.memory_space<hbm>>
      %dma_wait3A_1035 = arith.constant 1024 : i32
      %dma_wait3A_1036 = tpu.memref_slice %arg7[%dma_wait3A_1035] : memref<8192xf32, #tpu.memory_space<vmem>> -> memref<1024xf32, #tpu.memory_space<vmem>>
      tpu.wait_dma2 semaphore(%arg11 : memref<!tpu.dma_semaphore, #tpu.memory_space<semaphore_mem>>) src(%dma_wait3A_1036 : memref<1024xf32, #tpu.memory_space<vmem>>) dst(%dma_wait3A_1034 : memref<1024xf32, #tpu.memory_space<hbm>>)
      %dma_wait3A_1037 = arith.constant 2048 : i32
      %dma_wait3A_1038 = tpu.memref_slice %arg7[%dma_wait3A_1037] : memref<8192xf32, #tpu.memory_space<vmem>> -> memref<1024xf32, #tpu.memory_space<vmem>>
      %dma_wait3A_1039 = arith.constant 0 : i32
      %dma_wait3A_1040 = tpu.memref_slice %arg3[%dma_wait3A_1039] : memref<33554432xf32, #tpu.memory_space<hbm>> -> memref<1024xf32, #tpu.memory_space<hbm>>
      %dma_wait3A_1041 = arith.constant 0 : i32
      %dma_wait3A_1042 = tpu.memref_slice %arg3[%dma_wait3A_1041] : memref<33554432xf32, #tpu.memory_space<hbm>> -> memref<1024xf32, #tpu.memory_space<hbm>>
      %dma_wait3A_1043 = arith.constant 2048 : i32
      %dma_wait3A_1044 = tpu.memref_slice %arg7[%dma_wait3A_1043] : memref<8192xf32, #tpu.memory_space<vmem>> -> memref<1024xf32, #tpu.memory_space<vmem>>
      tpu.wait_dma2 semaphore(%arg11 : memref<!tpu.dma_semaphore, #tpu.memory_space<semaphore_mem>>) src(%dma_wait3A_1044 : memref<1024xf32, #tpu.memory_space<vmem>>) dst(%dma_wait3A_1042 : memref<1024xf32, #tpu.memory_space<hbm>>)
      %dma_wait3A_1045 = arith.constant 3072 : i32
      %dma_wait3A_1046 = tpu.memref_slice %arg7[%dma_wait3A_1045] : memref<8192xf32, #tpu.memory_space<vmem>> -> memref<1024xf32, #tpu.memory_space<vmem>>
      %dma_wait3A_1047 = arith.constant 0 : i32
      %dma_wait3A_1048 = tpu.memref_slice %arg3[%dma_wait3A_1047] : memref<33554432xf32, #tpu.memory_space<hbm>> -> memref<1024xf32, #tpu.memory_space<hbm>>
      %dma_wait3A_1049 = arith.constant 0 : i32
      %dma_wait3A_1050 = tpu.memref_slice %arg3[%dma_wait3A_1049] : memref<33554432xf32, #tpu.memory_space<hbm>> -> memref<1024xf32, #tpu.memory_space<hbm>>
      %dma_wait3A_1051 = arith.constant 3072 : i32
      %dma_wait3A_1052 = tpu.memref_slice %arg7[%dma_wait3A_1051] : memref<8192xf32, #tpu.memory_space<vmem>> -> memref<1024xf32, #tpu.memory_space<vmem>>
      tpu.wait_dma2 semaphore(%arg11 : memref<!tpu.dma_semaphore, #tpu.memory_space<semaphore_mem>>) src(%dma_wait3A_1052 : memref<1024xf32, #tpu.memory_space<vmem>>) dst(%dma_wait3A_1050 : memref<1024xf32, #tpu.memory_space<hbm>>)
      %dma_wait3A_1053 = arith.constant 4096 : i32
      %dma_wait3A_1054 = tpu.memref_slice %arg7[%dma_wait3A_1053] : memref<8192xf32, #tpu.memory_space<vmem>> -> memref<1024xf32, #tpu.memory_space<vmem>>
      %dma_wait3A_1055 = arith.constant 0 : i32
      %dma_wait3A_1056 = tpu.memref_slice %arg3[%dma_wait3A_1055] : memref<33554432xf32, #tpu.memory_space<hbm>> -> memref<1024xf32, #tpu.memory_space<hbm>>
      %dma_wait3A_1057 = arith.constant 0 : i32
      %dma_wait3A_1058 = tpu.memref_slice %arg3[%dma_wait3A_1057] : memref<33554432xf32, #tpu.memory_space<hbm>> -> memref<1024xf32, #tpu.memory_space<hbm>>
      %dma_wait3A_1059 = arith.constant 4096 : i32
      %dma_wait3A_1060 = tpu.memref_slice %arg7[%dma_wait3A_1059] : memref<8192xf32, #tpu.memory_space<vmem>> -> memref<1024xf32, #tpu.memory_space<vmem>>
      tpu.wait_dma2 semaphore(%arg11 : memref<!tpu.dma_semaphore, #tpu.memory_space<semaphore_mem>>) src(%dma_wait3A_1060 : memref<1024xf32, #tpu.memory_space<vmem>>) dst(%dma_wait3A_1058 : memref<1024xf32, #tpu.memory_space<hbm>>)
      %dma_wait3A_1061 = arith.constant 5120 : i32
      %dma_wait3A_1062 = tpu.memref_slice %arg7[%dma_wait3A_1061] : memref<8192xf32, #tpu.memory_space<vmem>> -> memref<1024xf32, #tpu.memory_space<vmem>>
      %dma_wait3A_1063 = arith.constant 0 : i32
      %dma_wait3A_1064 = tpu.memref_slice %arg3[%dma_wait3A_1063] : memref<33554432xf32, #tpu.memory_space<hbm>> -> memref<1024xf32, #tpu.memory_space<hbm>>
      %dma_wait3A_1065 = arith.constant 0 : i32
      %dma_wait3A_1066 = tpu.memref_slice %arg3[%dma_wait3A_1065] : memref<33554432xf32, #tpu.memory_space<hbm>> -> memref<1024xf32, #tpu.memory_space<hbm>>
      %dma_wait3A_1067 = arith.constant 5120 : i32
      %dma_wait3A_1068 = tpu.memref_slice %arg7[%dma_wait3A_1067] : memref<8192xf32, #tpu.memory_space<vmem>> -> memref<1024xf32, #tpu.memory_space<vmem>>
      tpu.wait_dma2 semaphore(%arg11 : memref<!tpu.dma_semaphore, #tpu.memory_space<semaphore_mem>>) src(%dma_wait3A_1068 : memref<1024xf32, #tpu.memory_space<vmem>>) dst(%dma_wait3A_1066 : memref<1024xf32, #tpu.memory_space<hbm>>)
      %dma_wait3A_1069 = arith.constant 6144 : i32
      %dma_wait3A_1070 = tpu.memref_slice %arg7[%dma_wait3A_1069] : memref<8192xf32, #tpu.memory_space<vmem>> -> memref<1024xf32, #tpu.memory_space<vmem>>
      %dma_wait3A_1071 = arith.constant 0 : i32
      %dma_wait3A_1072 = tpu.memref_slice %arg3[%dma_wait3A_1071] : memref<33554432xf32, #tpu.memory_space<hbm>> -> memref<1024xf32, #tpu.memory_space<hbm>>
      %dma_wait3A_1073 = arith.constant 0 : i32
      %dma_wait3A_1074 = tpu.memref_slice %arg3[%dma_wait3A_1073] : memref<33554432xf32, #tpu.memory_space<hbm>> -> memref<1024xf32, #tpu.memory_space<hbm>>
      %dma_wait3A_1075 = arith.constant 6144 : i32
      %dma_wait3A_1076 = tpu.memref_slice %arg7[%dma_wait3A_1075] : memref<8192xf32, #tpu.memory_space<vmem>> -> memref<1024xf32, #tpu.memory_space<vmem>>
      tpu.wait_dma2 semaphore(%arg11 : memref<!tpu.dma_semaphore, #tpu.memory_space<semaphore_mem>>) src(%dma_wait3A_1076 : memref<1024xf32, #tpu.memory_space<vmem>>) dst(%dma_wait3A_1074 : memref<1024xf32, #tpu.memory_space<hbm>>)
      %dma_wait3A_1077 = arith.constant 7168 : i32
      %dma_wait3A_1078 = tpu.memref_slice %arg7[%dma_wait3A_1077] : memref<8192xf32, #tpu.memory_space<vmem>> -> memref<1024xf32, #tpu.memory_space<vmem>>
      %dma_wait3A_1079 = arith.constant 0 : i32
      %dma_wait3A_1080 = tpu.memref_slice %arg3[%dma_wait3A_1079] : memref<33554432xf32, #tpu.memory_space<hbm>> -> memref<1024xf32, #tpu.memory_space<hbm>>
      %dma_wait3A_1081 = arith.constant 0 : i32
      %dma_wait3A_1082 = tpu.memref_slice %arg3[%dma_wait3A_1081] : memref<33554432xf32, #tpu.memory_space<hbm>> -> memref<1024xf32, #tpu.memory_space<hbm>>
      %dma_wait3A_1083 = arith.constant 7168 : i32
      %dma_wait3A_1084 = tpu.memref_slice %arg7[%dma_wait3A_1083] : memref<8192xf32, #tpu.memory_space<vmem>> -> memref<1024xf32, #tpu.memory_space<vmem>>
      tpu.wait_dma2 semaphore(%arg11 : memref<!tpu.dma_semaphore, #tpu.memory_space<semaphore_mem>>) src(%dma_wait3A_1084 : memref<1024xf32, #tpu.memory_space<vmem>>) dst(%dma_wait3A_1082 : memref<1024xf32, #tpu.memory_space<hbm>>)
      %parallel_loop3A_1085 = arith.constant 0 : i32
      %parallel_loop3A_1086 = arith.constant 64 : i32
      %parallel_loop3A_1087 = arith.constant 1 : i32
      scf.for %parallel_loop3A_1223 = %parallel_loop3A_1085 to %parallel_loop3A_1086 step %parallel_loop3A_1087  : i32 {
        %parallel_loop3A_1224 = arith.constant 16 : i32
        %parallel_loop3A_1225 = arith.muli %parallel_loop3A_1223, %parallel_loop3A_1224 : i32
        %parallel_loop3A_1226 = vector.broadcast %parallel_loop3A_1225 : i32 to vector<16xi32>
        %parallel_loop3A_1227 = arith.addi %parallel_loop3A_1226, %iota3A : vector<16xi32>
        %parallel_loop3A_1228 = arith.constant 8 : i32
        %parallel_loop3A_1229 = vector.broadcast %parallel_loop3A_1228 : i32 to vector<16xi32>
        %parallel_loop3A_1230 = arith.muli %parallel_loop3A_1227, %parallel_loop3A_1229 : vector<16xi32>
        %parallel_loop3A_1231 = arith.constant 0 : i32
        %parallel_loop3A_1232 = arith.addi %parallel_loop3A_1231, %parallel_loop3A_1225 : i32
        %parallel_loop3A_1233 = arith.index_cast %parallel_loop3A_1232 : i32 to index
        %parallel_loop3A_1234 = tpu.vector_load %arg5[%parallel_loop3A_1233] {strides = array<i32>} : memref<3456xf32, #tpu.memory_space<vmem>>, vector<16xf32>,
        %parallel_loop3A_1235 = arith.constant 0 : i32
        %parallel_loop3A_1236 = arith.addi %parallel_loop3A_1235, %parallel_loop3A_1225 : i32
        %parallel_loop3A_1237 = arith.constant 128 : i32
        %parallel_loop3A_1238 = arith.addi %parallel_loop3A_1236, %parallel_loop3A_1237 : i32
        %parallel_loop3A_1239 = arith.index_cast %parallel_loop3A_1238 : i32 to index
        %parallel_loop3A_1240 = tpu.vector_load %arg5[%parallel_loop3A_1239] {strides = array<i32>} : memref<3456xf32, #tpu.memory_space<vmem>>, vector<16xf32>,
        %parallel_loop3A_1241 = arith.constant 0 : i32
        %parallel_loop3A_1242 = vector.broadcast %parallel_loop3A_1241 : i32 to vector<16xi32>
        %parallel_loop3A_1243 = arith.addi %parallel_loop3A_1230, %parallel_loop3A_1242 : vector<16xi32>
        tpu.vector_store_idx %arg7[%parallel_loop3A_1243], %parallel_loop3A_1234 : memref<8192xf32, #tpu.memory_space<vmem>>[vector<16xi32>], vector<16xf32>,
        %parallel_loop3A_1244 = arith.constant 4 : i32
        %parallel_loop3A_1245 = vector.broadcast %parallel_loop3A_1244 : i32 to vector<16xi32>
        %parallel_loop3A_1246 = arith.addi %parallel_loop3A_1230, %parallel_loop3A_1245 : vector<16xi32>
        tpu.vector_store_idx %arg7[%parallel_loop3A_1246], %parallel_loop3A_1240 : memref<8192xf32, #tpu.memory_space<vmem>>[vector<16xi32>], vector<16xf32>,
        %parallel_loop3A_1247 = arith.constant 1152 : i32
        %parallel_loop3A_1248 = arith.addi %parallel_loop3A_1247, %parallel_loop3A_1225 : i32
        %parallel_loop3A_1249 = arith.index_cast %parallel_loop3A_1248 : i32 to index
        %parallel_loop3A_1250 = tpu.vector_load %arg5[%parallel_loop3A_1249] {strides = array<i32>} : memref<3456xf32, #tpu.memory_space<vmem>>, vector<16xf32>,
        %parallel_loop3A_1251 = arith.constant 1152 : i32
        %parallel_loop3A_1252 = arith.addi %parallel_loop3A_1251, %parallel_loop3A_1225 : i32
        %parallel_loop3A_1253 = arith.constant 128 : i32
        %parallel_loop3A_1254 = arith.addi %parallel_loop3A_1252, %parallel_loop3A_1253 : i32
        %parallel_loop3A_1255 = arith.index_cast %parallel_loop3A_1254 : i32 to index
        %parallel_loop3A_1256 = tpu.vector_load %arg5[%parallel_loop3A_1255] {strides = array<i32>} : memref<3456xf32, #tpu.memory_space<vmem>>, vector<16xf32>,
        %parallel_loop3A_1257 = arith.constant 1 : i32
        %parallel_loop3A_1258 = vector.broadcast %parallel_loop3A_1257 : i32 to vector<16xi32>
        %parallel_loop3A_1259 = arith.addi %parallel_loop3A_1230, %parallel_loop3A_1258 : vector<16xi32>
        tpu.vector_store_idx %arg7[%parallel_loop3A_1259], %parallel_loop3A_1250 : memref<8192xf32, #tpu.memory_space<vmem>>[vector<16xi32>], vector<16xf32>,
        %parallel_loop3A_1260 = arith.constant 5 : i32
        %parallel_loop3A_1261 = vector.broadcast %parallel_loop3A_1260 : i32 to vector<16xi32>
        %parallel_loop3A_1262 = arith.addi %parallel_loop3A_1230, %parallel_loop3A_1261 : vector<16xi32>
        tpu.vector_store_idx %arg7[%parallel_loop3A_1262], %parallel_loop3A_1256 : memref<8192xf32, #tpu.memory_space<vmem>>[vector<16xi32>], vector<16xf32>,
        %parallel_loop3A_1263 = arith.constant 2304 : i32
        %parallel_loop3A_1264 = arith.addi %parallel_loop3A_1263, %parallel_loop3A_1225 : i32
        %parallel_loop3A_1265 = arith.index_cast %parallel_loop3A_1264 : i32 to index
        %parallel_loop3A_1266 = tpu.vector_load %arg5[%parallel_loop3A_1265] {strides = array<i32>} : memref<3456xf32, #tpu.memory_space<vmem>>, vector<16xf32>,
        %parallel_loop3A_1267 = arith.constant 2304 : i32
        %parallel_loop3A_1268 = arith.addi %parallel_loop3A_1267, %parallel_loop3A_1225 : i32
        %parallel_loop3A_1269 = arith.constant 128 : i32
        %parallel_loop3A_1270 = arith.addi %parallel_loop3A_1268, %parallel_loop3A_1269 : i32
        %parallel_loop3A_1271 = arith.index_cast %parallel_loop3A_1270 : i32 to index
        %parallel_loop3A_1272 = tpu.vector_load %arg5[%parallel_loop3A_1271] {strides = array<i32>} : memref<3456xf32, #tpu.memory_space<vmem>>, vector<16xf32>,
        %parallel_loop3A_1273 = arith.constant 2 : i32
        %parallel_loop3A_1274 = vector.broadcast %parallel_loop3A_1273 : i32 to vector<16xi32>
        %parallel_loop3A_1275 = arith.addi %parallel_loop3A_1230, %parallel_loop3A_1274 : vector<16xi32>
        tpu.vector_store_idx %arg7[%parallel_loop3A_1275], %parallel_loop3A_1266 : memref<8192xf32, #tpu.memory_space<vmem>>[vector<16xi32>], vector<16xf32>,
        %parallel_loop3A_1276 = arith.constant 6 : i32
        %parallel_loop3A_1277 = vector.broadcast %parallel_loop3A_1276 : i32 to vector<16xi32>
        %parallel_loop3A_1278 = arith.addi %parallel_loop3A_1230, %parallel_loop3A_1277 : vector<16xi32>
        tpu.vector_store_idx %arg7[%parallel_loop3A_1278], %parallel_loop3A_1272 : memref<8192xf32, #tpu.memory_space<vmem>>[vector<16xi32>], vector<16xf32>,
      } {sc.loop_unroll_factor = 4 : i64, sc.parallel_access}
      %mul3A_1088 = arith.constant 2 : i32
      %mul3A_1089 = arith.muli %mul3A_1088, %scan3A_723 : i32
      %add3A_1090 = arith.constant 3 : i32
      %add3A_1091 = arith.addi %mul3A_1089, %add3A_1090 : i32
      %lt3A_1092 = arith.constant 128 : i32
      %lt3A_1093 = arith.cmpi slt, %add3A_1091, %lt3A_1092 : i32
      %convert_element_type3A_1094 = arith.extui %lt3A_1093 : i1 to i32
      %cond3A_1095 = arith.constant 0 : i32
      %cond3A_1096 = arith.cmpi ne, %convert_element_type3A_1094, %cond3A_1095 : i32
      scf.if %cond3A_1096 {
        %add3A_1223 = arith.constant 3 : i32
        %add3A_1224 = arith.addi %add3A_726, %add3A_1223 : i32
        %mul3A_1225 = arith.constant 1024 : i32
        %mul3A_1226 = arith.muli %add3A_1224, %mul3A_1225 : i32
        %add3A_1227 = arith.constant 16 : i32
        %add3A_1228 = arith.addi %add3A_1224, %add3A_1227 : i32
        %lt3A_1229 = arith.constant 4096 : i32
        %lt3A_1230 = arith.cmpi slt, %add3A_1228, %lt3A_1229 : i32
        %add3A_1231 = arith.constant 16 : i32
        %add3A_1232 = arith.addi %add3A_1224, %add3A_1231 : i32
        %select_n3A_1233 = arith.select %lt3A_1230, %add3A_1232, %add3A_1224 : i32
        %mul3A_1234 = arith.constant 1024 : i32
        %mul3A_1235 = arith.muli %select_n3A_1233, %mul3A_1234 : i32
        %add3A_1236 = arith.constant 0 : i32
        %add3A_1237 = arith.addi %add3A_1236, %mul3A_1226 : i32
        %dma_start3A_1238 = arith.constant 0 : i32
        %dma_start3A_1239 = tpu.memref_slice %arg5[%dma_start3A_1238] : memref<3456xf32, #tpu.memory_space<vmem>> -> memref<1024xf32, #tpu.memory_space<vmem>>
        %dma_start3A_1240 = tpu.memref_slice %arg2[%add3A_1237] : memref<12582912xf32, #tpu.memory_space<hbm>> -> memref<1024xf32, #tpu.memory_space<hbm>>
        %dma_start3A_1241 = arith.constant 0 : i32
        %dma_start3A_1242 = tpu.memref_slice %arg5[%dma_start3A_1241] : memref<3456xf32, #tpu.memory_space<vmem>> -> memref<1024xf32, #tpu.memory_space<vmem>>
        %dma_start3A_1243 = tpu.memref_slice %arg2[%add3A_1237] : memref<12582912xf32, #tpu.memory_space<hbm>> -> memref<1024xf32, #tpu.memory_space<hbm>>
        tpu.enqueue_dma source(%dma_start3A_1243 : memref<1024xf32, #tpu.memory_space<hbm>>) target(%dma_start3A_1242 : memref<1024xf32, #tpu.memory_space<vmem>>) target_semaphore(%arg9 : memref<!tpu.dma_semaphore, #tpu.memory_space<semaphore_mem>>)
        %add3A_1244 = arith.constant 0 : i32
        %add3A_1245 = arith.addi %add3A_1244, %mul3A_1235 : i32
        %dma_start3A_1246 = arith.constant 1024 : i32
        %dma_start3A_1247 = tpu.memref_slice %arg5[%dma_start3A_1246] : memref<3456xf32, #tpu.memory_space<vmem>> -> memref<128xf32, #tpu.memory_space<vmem>>
        %dma_start3A_1248 = tpu.memref_slice %arg2[%add3A_1245] : memref<12582912xf32, #tpu.memory_space<hbm>> -> memref<128xf32, #tpu.memory_space<hbm>>
        %dma_start3A_1249 = arith.constant 1024 : i32
        %dma_start3A_1250 = tpu.memref_slice %arg5[%dma_start3A_1249] : memref<3456xf32, #tpu.memory_space<vmem>> -> memref<128xf32, #tpu.memory_space<vmem>>
        %dma_start3A_1251 = tpu.memref_slice %arg2[%add3A_1245] : memref<12582912xf32, #tpu.memory_space<hbm>> -> memref<128xf32, #tpu.memory_space<hbm>>
        tpu.enqueue_dma source(%dma_start3A_1251 : memref<128xf32, #tpu.memory_space<hbm>>) target(%dma_start3A_1250 : memref<128xf32, #tpu.memory_space<vmem>>) target_semaphore(%arg9 : memref<!tpu.dma_semaphore, #tpu.memory_space<semaphore_mem>>)
        %add3A_1252 = arith.constant 4194304 : i32
        %add3A_1253 = arith.addi %add3A_1252, %mul3A_1226 : i32
        %dma_start3A_1254 = arith.constant 1152 : i32
        %dma_start3A_1255 = tpu.memref_slice %arg5[%dma_start3A_1254] : memref<3456xf32, #tpu.memory_space<vmem>> -> memref<1024xf32, #tpu.memory_space<vmem>>
        %dma_start3A_1256 = tpu.memref_slice %arg2[%add3A_1253] : memref<12582912xf32, #tpu.memory_space<hbm>> -> memref<1024xf32, #tpu.memory_space<hbm>>
        %dma_start3A_1257 = arith.constant 1152 : i32
        %dma_start3A_1258 = tpu.memref_slice %arg5[%dma_start3A_1257] : memref<3456xf32, #tpu.memory_space<vmem>> -> memref<1024xf32, #tpu.memory_space<vmem>>
        %dma_start3A_1259 = tpu.memref_slice %arg2[%add3A_1253] : memref<12582912xf32, #tpu.memory_space<hbm>> -> memref<1024xf32, #tpu.memory_space<hbm>>
        tpu.enqueue_dma source(%dma_start3A_1259 : memref<1024xf32, #tpu.memory_space<hbm>>) target(%dma_start3A_1258 : memref<1024xf32, #tpu.memory_space<vmem>>) target_semaphore(%arg9 : memref<!tpu.dma_semaphore, #tpu.memory_space<semaphore_mem>>)
        %add3A_1260 = arith.constant 4194304 : i32
        %add3A_1261 = arith.addi %add3A_1260, %mul3A_1235 : i32
        %dma_start3A_1262 = arith.constant 2176 : i32
        %dma_start3A_1263 = tpu.memref_slice %arg5[%dma_start3A_1262] : memref<3456xf32, #tpu.memory_space<vmem>> -> memref<128xf32, #tpu.memory_space<vmem>>
        %dma_start3A_1264 = tpu.memref_slice %arg2[%add3A_1261] : memref<12582912xf32, #tpu.memory_space<hbm>> -> memref<128xf32, #tpu.memory_space<hbm>>
        %dma_start3A_1265 = arith.constant 2176 : i32
        %dma_start3A_1266 = tpu.memref_slice %arg5[%dma_start3A_1265] : memref<3456xf32, #tpu.memory_space<vmem>> -> memref<128xf32, #tpu.memory_space<vmem>>
        %dma_start3A_1267 = tpu.memref_slice %arg2[%add3A_1261] : memref<12582912xf32, #tpu.memory_space<hbm>> -> memref<128xf32, #tpu.memory_space<hbm>>
        tpu.enqueue_dma source(%dma_start3A_1267 : memref<128xf32, #tpu.memory_space<hbm>>) target(%dma_start3A_1266 : memref<128xf32, #tpu.memory_space<vmem>>) target_semaphore(%arg9 : memref<!tpu.dma_semaphore, #tpu.memory_space<semaphore_mem>>)
        %add3A_1268 = arith.constant 8388608 : i32
        %add3A_1269 = arith.addi %add3A_1268, %mul3A_1226 : i32
        %dma_start3A_1270 = arith.constant 2304 : i32
        %dma_start3A_1271 = tpu.memref_slice %arg5[%dma_start3A_1270] : memref<3456xf32, #tpu.memory_space<vmem>> -> memref<1024xf32, #tpu.memory_space<vmem>>
        %dma_start3A_1272 = tpu.memref_slice %arg2[%add3A_1269] : memref<12582912xf32, #tpu.memory_space<hbm>> -> memref<1024xf32, #tpu.memory_space<hbm>>
        %dma_start3A_1273 = arith.constant 2304 : i32
        %dma_start3A_1274 = tpu.memref_slice %arg5[%dma_start3A_1273] : memref<3456xf32, #tpu.memory_space<vmem>> -> memref<1024xf32, #tpu.memory_space<vmem>>
        %dma_start3A_1275 = tpu.memref_slice %arg2[%add3A_1269] : memref<12582912xf32, #tpu.memory_space<hbm>> -> memref<1024xf32, #tpu.memory_space<hbm>>
        tpu.enqueue_dma source(%dma_start3A_1275 : memref<1024xf32, #tpu.memory_space<hbm>>) target(%dma_start3A_1274 : memref<1024xf32, #tpu.memory_space<vmem>>) target_semaphore(%arg9 : memref<!tpu.dma_semaphore, #tpu.memory_space<semaphore_mem>>)
        %add3A_1276 = arith.constant 8388608 : i32
        %add3A_1277 = arith.addi %add3A_1276, %mul3A_1235 : i32
        %dma_start3A_1278 = arith.constant 3328 : i32
        %dma_start3A_1279 = tpu.memref_slice %arg5[%dma_start3A_1278] : memref<3456xf32, #tpu.memory_space<vmem>> -> memref<128xf32, #tpu.memory_space<vmem>>
        %dma_start3A_1280 = tpu.memref_slice %arg2[%add3A_1277] : memref<12582912xf32, #tpu.memory_space<hbm>> -> memref<128xf32, #tpu.memory_space<hbm>>
        %dma_start3A_1281 = arith.constant 3328 : i32
        %dma_start3A_1282 = tpu.memref_slice %arg5[%dma_start3A_1281] : memref<3456xf32, #tpu.memory_space<vmem>> -> memref<128xf32, #tpu.memory_space<vmem>>
        %dma_start3A_1283 = tpu.memref_slice %arg2[%add3A_1277] : memref<12582912xf32, #tpu.memory_space<hbm>> -> memref<128xf32, #tpu.memory_space<hbm>>
        tpu.enqueue_dma source(%dma_start3A_1283 : memref<128xf32, #tpu.memory_space<hbm>>) target(%dma_start3A_1282 : memref<128xf32, #tpu.memory_space<vmem>>) target_semaphore(%arg9 : memref<!tpu.dma_semaphore, #tpu.memory_space<semaphore_mem>>)
      } else {
      }
      %add3A_1097 = arith.constant 1 : i32
      %add3A_1098 = arith.addi %add3A_726, %add3A_1097 : i32
      %shift_right_arithmetic3A_1099 = arith.constant 4 : i32
      %shift_right_arithmetic3A_1100 = arith.shrsi %add3A_1098, %shift_right_arithmetic3A_1099 : i32
      %and3A_1101 = arith.constant 15 : i32
      %and3A_1102 = arith.andi %add3A_1098, %and3A_1101 : i32
      %mul3A_1103 = arith.constant 8 : i32
      %mul3A_1104 = arith.muli %shift_right_arithmetic3A_1100, %mul3A_1103 : i32
      %add3A_1105 = arith.constant 0 : i32
      %add3A_1106 = arith.addi %mul3A_1104, %add3A_1105 : i32
      %mul3A_1107 = arith.constant 16384 : i32
      %mul3A_1108 = arith.muli %add3A_1106, %mul3A_1107 : i32
      %mul3A_1109 = arith.constant 1024 : i32
      %mul3A_1110 = arith.muli %and3A_1102, %mul3A_1109 : i32
      %add3A_1111 = arith.addi %mul3A_1108, %mul3A_1110 : i32
      %dma_start3A_1112 = arith.constant 0 : i32
      %dma_start3A_1113 = tpu.memref_slice %arg7[%dma_start3A_1112] : memref<8192xf32, #tpu.memory_space<vmem>> -> memref<1024xf32, #tpu.memory_space<vmem>>
      %dma_start3A_1114 = tpu.memref_slice %arg3[%add3A_1111] : memref<33554432xf32, #tpu.memory_space<hbm>> -> memref<1024xf32, #tpu.memory_space<hbm>>
      %dma_start3A_1115 = tpu.memref_slice %arg3[%add3A_1111] : memref<33554432xf32, #tpu.memory_space<hbm>> -> memref<1024xf32, #tpu.memory_space<hbm>>
      %dma_start3A_1116 = arith.constant 0 : i32
      %dma_start3A_1117 = tpu.memref_slice %arg7[%dma_start3A_1116] : memref<8192xf32, #tpu.memory_space<vmem>> -> memref<1024xf32, #tpu.memory_space<vmem>>
      tpu.enqueue_dma source(%dma_start3A_1117 : memref<1024xf32, #tpu.memory_space<vmem>>) target(%dma_start3A_1115 : memref<1024xf32, #tpu.memory_space<hbm>>) target_semaphore(%arg11 : memref<!tpu.dma_semaphore, #tpu.memory_space<semaphore_mem>>)
      %mul3A_1118 = arith.constant 8 : i32
      %mul3A_1119 = arith.muli %shift_right_arithmetic3A_1100, %mul3A_1118 : i32
      %add3A_1120 = arith.constant 1 : i32
      %add3A_1121 = arith.addi %mul3A_1119, %add3A_1120 : i32
      %mul3A_1122 = arith.constant 16384 : i32
      %mul3A_1123 = arith.muli %add3A_1121, %mul3A_1122 : i32
      %mul3A_1124 = arith.constant 1024 : i32
      %mul3A_1125 = arith.muli %and3A_1102, %mul3A_1124 : i32
      %add3A_1126 = arith.addi %mul3A_1123, %mul3A_1125 : i32
      %dma_start3A_1127 = arith.constant 1024 : i32
      %dma_start3A_1128 = tpu.memref_slice %arg7[%dma_start3A_1127] : memref<8192xf32, #tpu.memory_space<vmem>> -> memref<1024xf32, #tpu.memory_space<vmem>>
      %dma_start3A_1129 = tpu.memref_slice %arg3[%add3A_1126] : memref<33554432xf32, #tpu.memory_space<hbm>> -> memref<1024xf32, #tpu.memory_space<hbm>>
      %dma_start3A_1130 = tpu.memref_slice %arg3[%add3A_1126] : memref<33554432xf32, #tpu.memory_space<hbm>> -> memref<1024xf32, #tpu.memory_space<hbm>>
      %dma_start3A_1131 = arith.constant 1024 : i32
      %dma_start3A_1132 = tpu.memref_slice %arg7[%dma_start3A_1131] : memref<8192xf32, #tpu.memory_space<vmem>> -> memref<1024xf32, #tpu.memory_space<vmem>>
      tpu.enqueue_dma source(%dma_start3A_1132 : memref<1024xf32, #tpu.memory_space<vmem>>) target(%dma_start3A_1130 : memref<1024xf32, #tpu.memory_space<hbm>>) target_semaphore(%arg11 : memref<!tpu.dma_semaphore, #tpu.memory_space<semaphore_mem>>)
      %mul3A_1133 = arith.constant 8 : i32
      %mul3A_1134 = arith.muli %shift_right_arithmetic3A_1100, %mul3A_1133 : i32
      %add3A_1135 = arith.constant 2 : i32
      %add3A_1136 = arith.addi %mul3A_1134, %add3A_1135 : i32
      %mul3A_1137 = arith.constant 16384 : i32
      %mul3A_1138 = arith.muli %add3A_1136, %mul3A_1137 : i32
      %mul3A_1139 = arith.constant 1024 : i32
      %mul3A_1140 = arith.muli %and3A_1102, %mul3A_1139 : i32
      %add3A_1141 = arith.addi %mul3A_1138, %mul3A_1140 : i32
      %dma_start3A_1142 = arith.constant 2048 : i32
      %dma_start3A_1143 = tpu.memref_slice %arg7[%dma_start3A_1142] : memref<8192xf32, #tpu.memory_space<vmem>> -> memref<1024xf32, #tpu.memory_space<vmem>>
      %dma_start3A_1144 = tpu.memref_slice %arg3[%add3A_1141] : memref<33554432xf32, #tpu.memory_space<hbm>> -> memref<1024xf32, #tpu.memory_space<hbm>>
      %dma_start3A_1145 = tpu.memref_slice %arg3[%add3A_1141] : memref<33554432xf32, #tpu.memory_space<hbm>> -> memref<1024xf32, #tpu.memory_space<hbm>>
      %dma_start3A_1146 = arith.constant 2048 : i32
      %dma_start3A_1147 = tpu.memref_slice %arg7[%dma_start3A_1146] : memref<8192xf32, #tpu.memory_space<vmem>> -> memref<1024xf32, #tpu.memory_space<vmem>>
      tpu.enqueue_dma source(%dma_start3A_1147 : memref<1024xf32, #tpu.memory_space<vmem>>) target(%dma_start3A_1145 : memref<1024xf32, #tpu.memory_space<hbm>>) target_semaphore(%arg11 : memref<!tpu.dma_semaphore, #tpu.memory_space<semaphore_mem>>)
      %mul3A_1148 = arith.constant 8 : i32
      %mul3A_1149 = arith.muli %shift_right_arithmetic3A_1100, %mul3A_1148 : i32
      %add3A_1150 = arith.constant 3 : i32
      %add3A_1151 = arith.addi %mul3A_1149, %add3A_1150 : i32
      %mul3A_1152 = arith.constant 16384 : i32
      %mul3A_1153 = arith.muli %add3A_1151, %mul3A_1152 : i32
      %mul3A_1154 = arith.constant 1024 : i32
      %mul3A_1155 = arith.muli %and3A_1102, %mul3A_1154 : i32
      %add3A_1156 = arith.addi %mul3A_1153, %mul3A_1155 : i32
      %dma_start3A_1157 = arith.constant 3072 : i32
      %dma_start3A_1158 = tpu.memref_slice %arg7[%dma_start3A_1157] : memref<8192xf32, #tpu.memory_space<vmem>> -> memref<1024xf32, #tpu.memory_space<vmem>>
      %dma_start3A_1159 = tpu.memref_slice %arg3[%add3A_1156] : memref<33554432xf32, #tpu.memory_space<hbm>> -> memref<1024xf32, #tpu.memory_space<hbm>>
      %dma_start3A_1160 = tpu.memref_slice %arg3[%add3A_1156] : memref<33554432xf32, #tpu.memory_space<hbm>> -> memref<1024xf32, #tpu.memory_space<hbm>>
      %dma_start3A_1161 = arith.constant 3072 : i32
      %dma_start3A_1162 = tpu.memref_slice %arg7[%dma_start3A_1161] : memref<8192xf32, #tpu.memory_space<vmem>> -> memref<1024xf32, #tpu.memory_space<vmem>>
      tpu.enqueue_dma source(%dma_start3A_1162 : memref<1024xf32, #tpu.memory_space<vmem>>) target(%dma_start3A_1160 : memref<1024xf32, #tpu.memory_space<hbm>>) target_semaphore(%arg11 : memref<!tpu.dma_semaphore, #tpu.memory_space<semaphore_mem>>)
      %mul3A_1163 = arith.constant 8 : i32
      %mul3A_1164 = arith.muli %shift_right_arithmetic3A_1100, %mul3A_1163 : i32
      %add3A_1165 = arith.constant 4 : i32
      %add3A_1166 = arith.addi %mul3A_1164, %add3A_1165 : i32
      %mul3A_1167 = arith.constant 16384 : i32
      %mul3A_1168 = arith.muli %add3A_1166, %mul3A_1167 : i32
      %mul3A_1169 = arith.constant 1024 : i32
      %mul3A_1170 = arith.muli %and3A_1102, %mul3A_1169 : i32
      %add3A_1171 = arith.addi %mul3A_1168, %mul3A_1170 : i32
      %dma_start3A_1172 = arith.constant 4096 : i32
      %dma_start3A_1173 = tpu.memref_slice %arg7[%dma_start3A_1172] : memref<8192xf32, #tpu.memory_space<vmem>> -> memref<1024xf32, #tpu.memory_space<vmem>>
      %dma_start3A_1174 = tpu.memref_slice %arg3[%add3A_1171] : memref<33554432xf32, #tpu.memory_space<hbm>> -> memref<1024xf32, #tpu.memory_space<hbm>>
      %dma_start3A_1175 = tpu.memref_slice %arg3[%add3A_1171] : memref<33554432xf32, #tpu.memory_space<hbm>> -> memref<1024xf32, #tpu.memory_space<hbm>>
      %dma_start3A_1176 = arith.constant 4096 : i32
      %dma_start3A_1177 = tpu.memref_slice %arg7[%dma_start3A_1176] : memref<8192xf32, #tpu.memory_space<vmem>> -> memref<1024xf32, #tpu.memory_space<vmem>>
      tpu.enqueue_dma source(%dma_start3A_1177 : memref<1024xf32, #tpu.memory_space<vmem>>) target(%dma_start3A_1175 : memref<1024xf32, #tpu.memory_space<hbm>>) target_semaphore(%arg11 : memref<!tpu.dma_semaphore, #tpu.memory_space<semaphore_mem>>)
      %mul3A_1178 = arith.constant 8 : i32
      %mul3A_1179 = arith.muli %shift_right_arithmetic3A_1100, %mul3A_1178 : i32
      %add3A_1180 = arith.constant 5 : i32
      %add3A_1181 = arith.addi %mul3A_1179, %add3A_1180 : i32
      %mul3A_1182 = arith.constant 16384 : i32
      %mul3A_1183 = arith.muli %add3A_1181, %mul3A_1182 : i32
      %mul3A_1184 = arith.constant 1024 : i32
      %mul3A_1185 = arith.muli %and3A_1102, %mul3A_1184 : i32
      %add3A_1186 = arith.addi %mul3A_1183, %mul3A_1185 : i32
      %dma_start3A_1187 = arith.constant 5120 : i32
      %dma_start3A_1188 = tpu.memref_slice %arg7[%dma_start3A_1187] : memref<8192xf32, #tpu.memory_space<vmem>> -> memref<1024xf32, #tpu.memory_space<vmem>>
      %dma_start3A_1189 = tpu.memref_slice %arg3[%add3A_1186] : memref<33554432xf32, #tpu.memory_space<hbm>> -> memref<1024xf32, #tpu.memory_space<hbm>>
      %dma_start3A_1190 = tpu.memref_slice %arg3[%add3A_1186] : memref<33554432xf32, #tpu.memory_space<hbm>> -> memref<1024xf32, #tpu.memory_space<hbm>>
      %dma_start3A_1191 = arith.constant 5120 : i32
      %dma_start3A_1192 = tpu.memref_slice %arg7[%dma_start3A_1191] : memref<8192xf32, #tpu.memory_space<vmem>> -> memref<1024xf32, #tpu.memory_space<vmem>>
      tpu.enqueue_dma source(%dma_start3A_1192 : memref<1024xf32, #tpu.memory_space<vmem>>) target(%dma_start3A_1190 : memref<1024xf32, #tpu.memory_space<hbm>>) target_semaphore(%arg11 : memref<!tpu.dma_semaphore, #tpu.memory_space<semaphore_mem>>)
      %mul3A_1193 = arith.constant 8 : i32
      %mul3A_1194 = arith.muli %shift_right_arithmetic3A_1100, %mul3A_1193 : i32
      %add3A_1195 = arith.constant 6 : i32
      %add3A_1196 = arith.addi %mul3A_1194, %add3A_1195 : i32
      %mul3A_1197 = arith.constant 16384 : i32
      %mul3A_1198 = arith.muli %add3A_1196, %mul3A_1197 : i32
      %mul3A_1199 = arith.constant 1024 : i32
      %mul3A_1200 = arith.muli %and3A_1102, %mul3A_1199 : i32
      %add3A_1201 = arith.addi %mul3A_1198, %mul3A_1200 : i32
      %dma_start3A_1202 = arith.constant 6144 : i32
      %dma_start3A_1203 = tpu.memref_slice %arg7[%dma_start3A_1202] : memref<8192xf32, #tpu.memory_space<vmem>> -> memref<1024xf32, #tpu.memory_space<vmem>>
      %dma_start3A_1204 = tpu.memref_slice %arg3[%add3A_1201] : memref<33554432xf32, #tpu.memory_space<hbm>> -> memref<1024xf32, #tpu.memory_space<hbm>>
      %dma_start3A_1205 = tpu.memref_slice %arg3[%add3A_1201] : memref<33554432xf32, #tpu.memory_space<hbm>> -> memref<1024xf32, #tpu.memory_space<hbm>>
      %dma_start3A_1206 = arith.constant 6144 : i32
      %dma_start3A_1207 = tpu.memref_slice %arg7[%dma_start3A_1206] : memref<8192xf32, #tpu.memory_space<vmem>> -> memref<1024xf32, #tpu.memory_space<vmem>>
      tpu.enqueue_dma source(%dma_start3A_1207 : memref<1024xf32, #tpu.memory_space<vmem>>) target(%dma_start3A_1205 : memref<1024xf32, #tpu.memory_space<hbm>>) target_semaphore(%arg11 : memref<!tpu.dma_semaphore, #tpu.memory_space<semaphore_mem>>)
      %mul3A_1208 = arith.constant 8 : i32
      %mul3A_1209 = arith.muli %shift_right_arithmetic3A_1100, %mul3A_1208 : i32
      %add3A_1210 = arith.constant 7 : i32
      %add3A_1211 = arith.addi %mul3A_1209, %add3A_1210 : i32
      %mul3A_1212 = arith.constant 16384 : i32
      %mul3A_1213 = arith.muli %add3A_1211, %mul3A_1212 : i32
      %mul3A_1214 = arith.constant 1024 : i32
      %mul3A_1215 = arith.muli %and3A_1102, %mul3A_1214 : i32
      %add3A_1216 = arith.addi %mul3A_1213, %mul3A_1215 : i32
      %dma_start3A_1217 = arith.constant 7168 : i32
      %dma_start3A_1218 = tpu.memref_slice %arg7[%dma_start3A_1217] : memref<8192xf32, #tpu.memory_space<vmem>> -> memref<1024xf32, #tpu.memory_space<vmem>>
      %dma_start3A_1219 = tpu.memref_slice %arg3[%add3A_1216] : memref<33554432xf32, #tpu.memory_space<hbm>> -> memref<1024xf32, #tpu.memory_space<hbm>>
      %dma_start3A_1220 = tpu.memref_slice %arg3[%add3A_1216] : memref<33554432xf32, #tpu.memory_space<hbm>> -> memref<1024xf32, #tpu.memory_space<hbm>>
      %dma_start3A_1221 = arith.constant 7168 : i32
      %dma_start3A_1222 = tpu.memref_slice %arg7[%dma_start3A_1221] : memref<8192xf32, #tpu.memory_space<vmem>> -> memref<1024xf32, #tpu.memory_space<vmem>>
      tpu.enqueue_dma source(%dma_start3A_1222 : memref<1024xf32, #tpu.memory_space<vmem>>) target(%dma_start3A_1220 : memref<1024xf32, #tpu.memory_space<hbm>>) target_semaphore(%arg11 : memref<!tpu.dma_semaphore, #tpu.memory_space<semaphore_mem>>)
    }
    %scan3A_594 = arith.constant 63 : i32
    %dma_wait3A_595 = arith.constant 0 : i32
    %dma_wait3A_596 = tpu.memref_slice %arg6[%dma_wait3A_595] : memref<8192xf32, #tpu.memory_space<vmem>> -> memref<1024xf32, #tpu.memory_space<vmem>>
    %dma_wait3A_597 = arith.constant 0 : i32
    %dma_wait3A_598 = tpu.memref_slice %arg3[%dma_wait3A_597] : memref<33554432xf32, #tpu.memory_space<hbm>> -> memref<1024xf32, #tpu.memory_space<hbm>>
    %dma_wait3A_599 = arith.constant 0 : i32
    %dma_wait3A_600 = tpu.memref_slice %arg3[%dma_wait3A_599] : memref<33554432xf32, #tpu.memory_space<hbm>> -> memref<1024xf32, #tpu.memory_space<hbm>>
    %dma_wait3A_601 = arith.constant 0 : i32
    %dma_wait3A_602 = tpu.memref_slice %arg6[%dma_wait3A_601] : memref<8192xf32, #tpu.memory_space<vmem>> -> memref<1024xf32, #tpu.memory_space<vmem>>
    tpu.wait_dma2 semaphore(%arg10 : memref<!tpu.dma_semaphore, #tpu.memory_space<semaphore_mem>>) src(%dma_wait3A_602 : memref<1024xf32, #tpu.memory_space<vmem>>) dst(%dma_wait3A_600 : memref<1024xf32, #tpu.memory_space<hbm>>)
    %dma_wait3A_603 = arith.constant 1024 : i32
    %dma_wait3A_604 = tpu.memref_slice %arg6[%dma_wait3A_603] : memref<8192xf32, #tpu.memory_space<vmem>> -> memref<1024xf32, #tpu.memory_space<vmem>>
    %dma_wait3A_605 = arith.constant 0 : i32
    %dma_wait3A_606 = tpu.memref_slice %arg3[%dma_wait3A_605] : memref<33554432xf32, #tpu.memory_space<hbm>> -> memref<1024xf32, #tpu.memory_space<hbm>>
    %dma_wait3A_607 = arith.constant 0 : i32
    %dma_wait3A_608 = tpu.memref_slice %arg3[%dma_wait3A_607] : memref<33554432xf32, #tpu.memory_space<hbm>> -> memref<1024xf32, #tpu.memory_space<hbm>>
    %dma_wait3A_609 = arith.constant 1024 : i32
    %dma_wait3A_610 = tpu.memref_slice %arg6[%dma_wait3A_609] : memref<8192xf32, #tpu.memory_space<vmem>> -> memref<1024xf32, #tpu.memory_space<vmem>>
    tpu.wait_dma2 semaphore(%arg10 : memref<!tpu.dma_semaphore, #tpu.memory_space<semaphore_mem>>) src(%dma_wait3A_610 : memref<1024xf32, #tpu.memory_space<vmem>>) dst(%dma_wait3A_608 : memref<1024xf32, #tpu.memory_space<hbm>>)
    %dma_wait3A_611 = arith.constant 2048 : i32
    %dma_wait3A_612 = tpu.memref_slice %arg6[%dma_wait3A_611] : memref<8192xf32, #tpu.memory_space<vmem>> -> memref<1024xf32, #tpu.memory_space<vmem>>
    %dma_wait3A_613 = arith.constant 0 : i32
    %dma_wait3A_614 = tpu.memref_slice %arg3[%dma_wait3A_613] : memref<33554432xf32, #tpu.memory_space<hbm>> -> memref<1024xf32, #tpu.memory_space<hbm>>
    %dma_wait3A_615 = arith.constant 0 : i32
    %dma_wait3A_616 = tpu.memref_slice %arg3[%dma_wait3A_615] : memref<33554432xf32, #tpu.memory_space<hbm>> -> memref<1024xf32, #tpu.memory_space<hbm>>
    %dma_wait3A_617 = arith.constant 2048 : i32
    %dma_wait3A_618 = tpu.memref_slice %arg6[%dma_wait3A_617] : memref<8192xf32, #tpu.memory_space<vmem>> -> memref<1024xf32, #tpu.memory_space<vmem>>
    tpu.wait_dma2 semaphore(%arg10 : memref<!tpu.dma_semaphore, #tpu.memory_space<semaphore_mem>>) src(%dma_wait3A_618 : memref<1024xf32, #tpu.memory_space<vmem>>) dst(%dma_wait3A_616 : memref<1024xf32, #tpu.memory_space<hbm>>)
    %dma_wait3A_619 = arith.constant 3072 : i32
    %dma_wait3A_620 = tpu.memref_slice %arg6[%dma_wait3A_619] : memref<8192xf32, #tpu.memory_space<vmem>> -> memref<1024xf32, #tpu.memory_space<vmem>>
    %dma_wait3A_621 = arith.constant 0 : i32
    %dma_wait3A_622 = tpu.memref_slice %arg3[%dma_wait3A_621] : memref<33554432xf32, #tpu.memory_space<hbm>> -> memref<1024xf32, #tpu.memory_space<hbm>>
    %dma_wait3A_623 = arith.constant 0 : i32
    %dma_wait3A_624 = tpu.memref_slice %arg3[%dma_wait3A_623] : memref<33554432xf32, #tpu.memory_space<hbm>> -> memref<1024xf32, #tpu.memory_space<hbm>>
    %dma_wait3A_625 = arith.constant 3072 : i32
    %dma_wait3A_626 = tpu.memref_slice %arg6[%dma_wait3A_625] : memref<8192xf32, #tpu.memory_space<vmem>> -> memref<1024xf32, #tpu.memory_space<vmem>>
    tpu.wait_dma2 semaphore(%arg10 : memref<!tpu.dma_semaphore, #tpu.memory_space<semaphore_mem>>) src(%dma_wait3A_626 : memref<1024xf32, #tpu.memory_space<vmem>>) dst(%dma_wait3A_624 : memref<1024xf32, #tpu.memory_space<hbm>>)
    %dma_wait3A_627 = arith.constant 4096 : i32
    %dma_wait3A_628 = tpu.memref_slice %arg6[%dma_wait3A_627] : memref<8192xf32, #tpu.memory_space<vmem>> -> memref<1024xf32, #tpu.memory_space<vmem>>
    %dma_wait3A_629 = arith.constant 0 : i32
    %dma_wait3A_630 = tpu.memref_slice %arg3[%dma_wait3A_629] : memref<33554432xf32, #tpu.memory_space<hbm>> -> memref<1024xf32, #tpu.memory_space<hbm>>
    %dma_wait3A_631 = arith.constant 0 : i32
    %dma_wait3A_632 = tpu.memref_slice %arg3[%dma_wait3A_631] : memref<33554432xf32, #tpu.memory_space<hbm>> -> memref<1024xf32, #tpu.memory_space<hbm>>
    %dma_wait3A_633 = arith.constant 4096 : i32
    %dma_wait3A_634 = tpu.memref_slice %arg6[%dma_wait3A_633] : memref<8192xf32, #tpu.memory_space<vmem>> -> memref<1024xf32, #tpu.memory_space<vmem>>
    tpu.wait_dma2 semaphore(%arg10 : memref<!tpu.dma_semaphore, #tpu.memory_space<semaphore_mem>>) src(%dma_wait3A_634 : memref<1024xf32, #tpu.memory_space<vmem>>) dst(%dma_wait3A_632 : memref<1024xf32, #tpu.memory_space<hbm>>)
    %dma_wait3A_635 = arith.constant 5120 : i32
    %dma_wait3A_636 = tpu.memref_slice %arg6[%dma_wait3A_635] : memref<8192xf32, #tpu.memory_space<vmem>> -> memref<1024xf32, #tpu.memory_space<vmem>>
    %dma_wait3A_637 = arith.constant 0 : i32
    %dma_wait3A_638 = tpu.memref_slice %arg3[%dma_wait3A_637] : memref<33554432xf32, #tpu.memory_space<hbm>> -> memref<1024xf32, #tpu.memory_space<hbm>>
    %dma_wait3A_639 = arith.constant 0 : i32
    %dma_wait3A_640 = tpu.memref_slice %arg3[%dma_wait3A_639] : memref<33554432xf32, #tpu.memory_space<hbm>> -> memref<1024xf32, #tpu.memory_space<hbm>>
    %dma_wait3A_641 = arith.constant 5120 : i32
    %dma_wait3A_642 = tpu.memref_slice %arg6[%dma_wait3A_641] : memref<8192xf32, #tpu.memory_space<vmem>> -> memref<1024xf32, #tpu.memory_space<vmem>>
    tpu.wait_dma2 semaphore(%arg10 : memref<!tpu.dma_semaphore, #tpu.memory_space<semaphore_mem>>) src(%dma_wait3A_642 : memref<1024xf32, #tpu.memory_space<vmem>>) dst(%dma_wait3A_640 : memref<1024xf32, #tpu.memory_space<hbm>>)
    %dma_wait3A_643 = arith.constant 6144 : i32
    %dma_wait3A_644 = tpu.memref_slice %arg6[%dma_wait3A_643] : memref<8192xf32, #tpu.memory_space<vmem>> -> memref<1024xf32, #tpu.memory_space<vmem>>
    %dma_wait3A_645 = arith.constant 0 : i32
    %dma_wait3A_646 = tpu.memref_slice %arg3[%dma_wait3A_645] : memref<33554432xf32, #tpu.memory_space<hbm>> -> memref<1024xf32, #tpu.memory_space<hbm>>
    %dma_wait3A_647 = arith.constant 0 : i32
    %dma_wait3A_648 = tpu.memref_slice %arg3[%dma_wait3A_647] : memref<33554432xf32, #tpu.memory_space<hbm>> -> memref<1024xf32, #tpu.memory_space<hbm>>
    %dma_wait3A_649 = arith.constant 6144 : i32
    %dma_wait3A_650 = tpu.memref_slice %arg6[%dma_wait3A_649] : memref<8192xf32, #tpu.memory_space<vmem>> -> memref<1024xf32, #tpu.memory_space<vmem>>
    tpu.wait_dma2 semaphore(%arg10 : memref<!tpu.dma_semaphore, #tpu.memory_space<semaphore_mem>>) src(%dma_wait3A_650 : memref<1024xf32, #tpu.memory_space<vmem>>) dst(%dma_wait3A_648 : memref<1024xf32, #tpu.memory_space<hbm>>)
    %dma_wait3A_651 = arith.constant 7168 : i32
    %dma_wait3A_652 = tpu.memref_slice %arg6[%dma_wait3A_651] : memref<8192xf32, #tpu.memory_space<vmem>> -> memref<1024xf32, #tpu.memory_space<vmem>>
    %dma_wait3A_653 = arith.constant 0 : i32
    %dma_wait3A_654 = tpu.memref_slice %arg3[%dma_wait3A_653] : memref<33554432xf32, #tpu.memory_space<hbm>> -> memref<1024xf32, #tpu.memory_space<hbm>>
    %dma_wait3A_655 = arith.constant 0 : i32
    %dma_wait3A_656 = tpu.memref_slice %arg3[%dma_wait3A_655] : memref<33554432xf32, #tpu.memory_space<hbm>> -> memref<1024xf32, #tpu.memory_space<hbm>>
    %dma_wait3A_657 = arith.constant 7168 : i32
    %dma_wait3A_658 = tpu.memref_slice %arg6[%dma_wait3A_657] : memref<8192xf32, #tpu.memory_space<vmem>> -> memref<1024xf32, #tpu.memory_space<vmem>>
    tpu.wait_dma2 semaphore(%arg10 : memref<!tpu.dma_semaphore, #tpu.memory_space<semaphore_mem>>) src(%dma_wait3A_658 : memref<1024xf32, #tpu.memory_space<vmem>>) dst(%dma_wait3A_656 : memref<1024xf32, #tpu.memory_space<hbm>>)
    %dma_wait3A_659 = arith.constant 0 : i32
    %dma_wait3A_660 = tpu.memref_slice %arg7[%dma_wait3A_659] : memref<8192xf32, #tpu.memory_space<vmem>> -> memref<1024xf32, #tpu.memory_space<vmem>>
    %dma_wait3A_661 = arith.constant 0 : i32
    %dma_wait3A_662 = tpu.memref_slice %arg3[%dma_wait3A_661] : memref<33554432xf32, #tpu.memory_space<hbm>> -> memref<1024xf32, #tpu.memory_space<hbm>>
    %dma_wait3A_663 = arith.constant 0 : i32
    %dma_wait3A_664 = tpu.memref_slice %arg3[%dma_wait3A_663] : memref<33554432xf32, #tpu.memory_space<hbm>> -> memref<1024xf32, #tpu.memory_space<hbm>>
    %dma_wait3A_665 = arith.constant 0 : i32
    %dma_wait3A_666 = tpu.memref_slice %arg7[%dma_wait3A_665] : memref<8192xf32, #tpu.memory_space<vmem>> -> memref<1024xf32, #tpu.memory_space<vmem>>
    tpu.wait_dma2 semaphore(%arg11 : memref<!tpu.dma_semaphore, #tpu.memory_space<semaphore_mem>>) src(%dma_wait3A_666 : memref<1024xf32, #tpu.memory_space<vmem>>) dst(%dma_wait3A_664 : memref<1024xf32, #tpu.memory_space<hbm>>)
    %dma_wait3A_667 = arith.constant 1024 : i32
    %dma_wait3A_668 = tpu.memref_slice %arg7[%dma_wait3A_667] : memref<8192xf32, #tpu.memory_space<vmem>> -> memref<1024xf32, #tpu.memory_space<vmem>>
    %dma_wait3A_669 = arith.constant 0 : i32
    %dma_wait3A_670 = tpu.memref_slice %arg3[%dma_wait3A_669] : memref<33554432xf32, #tpu.memory_space<hbm>> -> memref<1024xf32, #tpu.memory_space<hbm>>
    %dma_wait3A_671 = arith.constant 0 : i32
    %dma_wait3A_672 = tpu.memref_slice %arg3[%dma_wait3A_671] : memref<33554432xf32, #tpu.memory_space<hbm>> -> memref<1024xf32, #tpu.memory_space<hbm>>
    %dma_wait3A_673 = arith.constant 1024 : i32
    %dma_wait3A_674 = tpu.memref_slice %arg7[%dma_wait3A_673] : memref<8192xf32, #tpu.memory_space<vmem>> -> memref<1024xf32, #tpu.memory_space<vmem>>
    tpu.wait_dma2 semaphore(%arg11 : memref<!tpu.dma_semaphore, #tpu.memory_space<semaphore_mem>>) src(%dma_wait3A_674 : memref<1024xf32, #tpu.memory_space<vmem>>) dst(%dma_wait3A_672 : memref<1024xf32, #tpu.memory_space<hbm>>)
    %dma_wait3A_675 = arith.constant 2048 : i32
    %dma_wait3A_676 = tpu.memref_slice %arg7[%dma_wait3A_675] : memref<8192xf32, #tpu.memory_space<vmem>> -> memref<1024xf32, #tpu.memory_space<vmem>>
    %dma_wait3A_677 = arith.constant 0 : i32
    %dma_wait3A_678 = tpu.memref_slice %arg3[%dma_wait3A_677] : memref<33554432xf32, #tpu.memory_space<hbm>> -> memref<1024xf32, #tpu.memory_space<hbm>>
    %dma_wait3A_679 = arith.constant 0 : i32
    %dma_wait3A_680 = tpu.memref_slice %arg3[%dma_wait3A_679] : memref<33554432xf32, #tpu.memory_space<hbm>> -> memref<1024xf32, #tpu.memory_space<hbm>>
    %dma_wait3A_681 = arith.constant 2048 : i32
    %dma_wait3A_682 = tpu.memref_slice %arg7[%dma_wait3A_681] : memref<8192xf32, #tpu.memory_space<vmem>> -> memref<1024xf32, #tpu.memory_space<vmem>>
    tpu.wait_dma2 semaphore(%arg11 : memref<!tpu.dma_semaphore, #tpu.memory_space<semaphore_mem>>) src(%dma_wait3A_682 : memref<1024xf32, #tpu.memory_space<vmem>>) dst(%dma_wait3A_680 : memref<1024xf32, #tpu.memory_space<hbm>>)
    %dma_wait3A_683 = arith.constant 3072 : i32
    %dma_wait3A_684 = tpu.memref_slice %arg7[%dma_wait3A_683] : memref<8192xf32, #tpu.memory_space<vmem>> -> memref<1024xf32, #tpu.memory_space<vmem>>
    %dma_wait3A_685 = arith.constant 0 : i32
    %dma_wait3A_686 = tpu.memref_slice %arg3[%dma_wait3A_685] : memref<33554432xf32, #tpu.memory_space<hbm>> -> memref<1024xf32, #tpu.memory_space<hbm>>
    %dma_wait3A_687 = arith.constant 0 : i32
    %dma_wait3A_688 = tpu.memref_slice %arg3[%dma_wait3A_687] : memref<33554432xf32, #tpu.memory_space<hbm>> -> memref<1024xf32, #tpu.memory_space<hbm>>
    %dma_wait3A_689 = arith.constant 3072 : i32
    %dma_wait3A_690 = tpu.memref_slice %arg7[%dma_wait3A_689] : memref<8192xf32, #tpu.memory_space<vmem>> -> memref<1024xf32, #tpu.memory_space<vmem>>
    tpu.wait_dma2 semaphore(%arg11 : memref<!tpu.dma_semaphore, #tpu.memory_space<semaphore_mem>>) src(%dma_wait3A_690 : memref<1024xf32, #tpu.memory_space<vmem>>) dst(%dma_wait3A_688 : memref<1024xf32, #tpu.memory_space<hbm>>)
    %dma_wait3A_691 = arith.constant 4096 : i32
    %dma_wait3A_692 = tpu.memref_slice %arg7[%dma_wait3A_691] : memref<8192xf32, #tpu.memory_space<vmem>> -> memref<1024xf32, #tpu.memory_space<vmem>>
    %dma_wait3A_693 = arith.constant 0 : i32
    %dma_wait3A_694 = tpu.memref_slice %arg3[%dma_wait3A_693] : memref<33554432xf32, #tpu.memory_space<hbm>> -> memref<1024xf32, #tpu.memory_space<hbm>>
    %dma_wait3A_695 = arith.constant 0 : i32
    %dma_wait3A_696 = tpu.memref_slice %arg3[%dma_wait3A_695] : memref<33554432xf32, #tpu.memory_space<hbm>> -> memref<1024xf32, #tpu.memory_space<hbm>>
    %dma_wait3A_697 = arith.constant 4096 : i32
    %dma_wait3A_698 = tpu.memref_slice %arg7[%dma_wait3A_697] : memref<8192xf32, #tpu.memory_space<vmem>> -> memref<1024xf32, #tpu.memory_space<vmem>>
    tpu.wait_dma2 semaphore(%arg11 : memref<!tpu.dma_semaphore, #tpu.memory_space<semaphore_mem>>) src(%dma_wait3A_698 : memref<1024xf32, #tpu.memory_space<vmem>>) dst(%dma_wait3A_696 : memref<1024xf32, #tpu.memory_space<hbm>>)
    %dma_wait3A_699 = arith.constant 5120 : i32
    %dma_wait3A_700 = tpu.memref_slice %arg7[%dma_wait3A_699] : memref<8192xf32, #tpu.memory_space<vmem>> -> memref<1024xf32, #tpu.memory_space<vmem>>
    %dma_wait3A_701 = arith.constant 0 : i32
    %dma_wait3A_702 = tpu.memref_slice %arg3[%dma_wait3A_701] : memref<33554432xf32, #tpu.memory_space<hbm>> -> memref<1024xf32, #tpu.memory_space<hbm>>
    %dma_wait3A_703 = arith.constant 0 : i32
    %dma_wait3A_704 = tpu.memref_slice %arg3[%dma_wait3A_703] : memref<33554432xf32, #tpu.memory_space<hbm>> -> memref<1024xf32, #tpu.memory_space<hbm>>
    %dma_wait3A_705 = arith.constant 5120 : i32
    %dma_wait3A_706 = tpu.memref_slice %arg7[%dma_wait3A_705] : memref<8192xf32, #tpu.memory_space<vmem>> -> memref<1024xf32, #tpu.memory_space<vmem>>
    tpu.wait_dma2 semaphore(%arg11 : memref<!tpu.dma_semaphore, #tpu.memory_space<semaphore_mem>>) src(%dma_wait3A_706 : memref<1024xf32, #tpu.memory_space<vmem>>) dst(%dma_wait3A_704 : memref<1024xf32, #tpu.memory_space<hbm>>)
    %dma_wait3A_707 = arith.constant 6144 : i32
    %dma_wait3A_708 = tpu.memref_slice %arg7[%dma_wait3A_707] : memref<8192xf32, #tpu.memory_space<vmem>> -> memref<1024xf32, #tpu.memory_space<vmem>>
    %dma_wait3A_709 = arith.constant 0 : i32
    %dma_wait3A_710 = tpu.memref_slice %arg3[%dma_wait3A_709] : memref<33554432xf32, #tpu.memory_space<hbm>> -> memref<1024xf32, #tpu.memory_space<hbm>>
    %dma_wait3A_711 = arith.constant 0 : i32
    %dma_wait3A_712 = tpu.memref_slice %arg3[%dma_wait3A_711] : memref<33554432xf32, #tpu.memory_space<hbm>> -> memref<1024xf32, #tpu.memory_space<hbm>>
    %dma_wait3A_713 = arith.constant 6144 : i32
    %dma_wait3A_714 = tpu.memref_slice %arg7[%dma_wait3A_713] : memref<8192xf32, #tpu.memory_space<vmem>> -> memref<1024xf32, #tpu.memory_space<vmem>>
    tpu.wait_dma2 semaphore(%arg11 : memref<!tpu.dma_semaphore, #tpu.memory_space<semaphore_mem>>) src(%dma_wait3A_714 : memref<1024xf32, #tpu.memory_space<vmem>>) dst(%dma_wait3A_712 : memref<1024xf32, #tpu.memory_space<hbm>>)
    %dma_wait3A_715 = arith.constant 7168 : i32
    %dma_wait3A_716 = tpu.memref_slice %arg7[%dma_wait3A_715] : memref<8192xf32, #tpu.memory_space<vmem>> -> memref<1024xf32, #tpu.memory_space<vmem>>
    %dma_wait3A_717 = arith.constant 0 : i32
    %dma_wait3A_718 = tpu.memref_slice %arg3[%dma_wait3A_717] : memref<33554432xf32, #tpu.memory_space<hbm>> -> memref<1024xf32, #tpu.memory_space<hbm>>
    %dma_wait3A_719 = arith.constant 0 : i32
    %dma_wait3A_720 = tpu.memref_slice %arg3[%dma_wait3A_719] : memref<33554432xf32, #tpu.memory_space<hbm>> -> memref<1024xf32, #tpu.memory_space<hbm>>
    %dma_wait3A_721 = arith.constant 7168 : i32
    %dma_wait3A_722 = tpu.memref_slice %arg7[%dma_wait3A_721] : memref<8192xf32, #tpu.memory_space<vmem>> -> memref<1024xf32, #tpu.memory_space<vmem>>
    tpu.wait_dma2 semaphore(%arg11 : memref<!tpu.dma_semaphore, #tpu.memory_space<semaphore_mem>>) src(%dma_wait3A_722 : memref<1024xf32, #tpu.memory_space<vmem>>) dst(%dma_wait3A_720 : memref<1024xf32, #tpu.memory_space<hbm>>)
    return
  }
}

</mosaic_0001>

<sc_bundles>
// kernel: kernel.4.cloned.1.call-start
scs
__scs_entry_jumppad:
0x0: {  	(pc) =	sbr.rel $0x88, $3  }
0x1: {  	(tag) =	ssettag $0x0;
	lr =	simm.s32 $0x1  }
0x2: {  	[smem:$0x3F9F] =	sst lr;
	_ =	strace $0xD0000000  }
0x3: {  	_ = 	snop  }
0x4: {  	_ = 	snop  }
0x5: {  	_ = 	snop  }
0x6: {  	_ = 	snop  }
0x7: {  	_ = 	snop  }
__scs_overlays_trampoline_lowered:
0x8: {  	[smem:$0x3FAE] =	sst s0  }
0x9: {  	[smem:$0x3FAF] =	sst s1  }
0xa: {  	[smem:$0x3FB0] =	sst s2  }
0xb: {  	[smem:$0x3FB1] =	sst s3  }
0xc: {  	[smem:$0x3FB2] =	sst s4  }
0xd: {  	[smem:$0x3FB3] =	sst s5  }
0xe: {  	[smem:$0x3FB4] =	sst s6  }
0xf: {  	[smem:$0x3FB5] =	sst s7  }
0x10: {  	[smem:$0x3FB6] =	sst s8  }
0x11: {  	[smem:$0x3FB7] =	sst s9;
	s0 =	simm.s32 @!p0 $0x0  }
0x12: {  	s1 =	sld [smem:$0x3F9D];
	s0 =	simm.s32 @p0 $0x1  }
0x13: {  	[smem:$0x3FB8] =	sst s0;
	s0 =	simm.s32 @!p1 $0x0  }
0x14: {  	s2 =	sld [smem:$0x3F9C];
	s0 =	simm.s32 @p1 $0x1  }
0x15: {  	[smem:$0x3FB9] =	sst s0;
	s0 =	simm.s32 @!p2 $0x0  }
0x16: {  	s3 =	sld [smem:$0x3FDB];
	s0 =	simm.s32 @p2 $0x1  }
0x17: {  	s4 =	simm.s32 $0x1BF5;
	[smem:$0x3FBB] =	sst s0  }
0x18: {  	s0 =	sld [smem:$0x3F9E];
	_ =	swait.ge [sflag:s4], $0x0  }
0x19: {  	s7 =	sld [smem:$0x3F9F]  }
0x1a: {  	s8 =	sadd.s32 $0xFFFFE003, lr  }
0x1b: {  	s9 =	sadd.s32 $0xFFFFFEF7, lr;
	s5 =	simm.s32 $0xFFFFFFFF;
	p2 =	slt.u32 s8, $0xFFFFF086  }
0x1c: {  	p1 =	slt.u32 s9, $0xF7A;
	s5 =	simm.s32 @!p2 $0x0  }
0x1d: {  	s5 =	simm.s32 @p1 $0x1;
	p0 =	seq.s32 s7, s2  }
0x1e: {  	s7 =	smul.u32 @!p0 $0xF7A, s2;
	p2 =	seq.s32 @!p0 s5, $0x0  }
0x1f: {  	s9 =	smul.u32 $0xF7A, s1;
	s8 =	simm.s32 @!p0 $0x1BF5;
	p2 =	por !p2, p0  }
0x20: {  	[sflag:s8] =	ssyncset.s32 @!p0 $0xFFFFF086;
	s6 =	sadd.s32 @!p0 s3, s7;
	s7 =	simm.s32 @!p0 $0x108  }
0x21: {  	s3 =	sadd.s32 s3, s9;
	s6 =	sadd.s32 @!p0 $0x88, s6;
	s7 =	simm.s32 @p2 $0x1082  }
0x22: {  	[simem:s7], [sflag:s8] =	dma.local @!p0 [hbm:s6], $0xF7A  }
0x23: {  	s9 =	sor.u32 $0xD0000000, s2;
	s6 =	simm.s32 $0x108;
	_ =	swait.ge @!p0 [sflag:s8], $0x0  }
0x24: {  	s3 =	sadd.s32 $0x88, s3;
	s6 =	simm.s32 @!p1 $0x1082;
	[sflag:s4] =	ssyncset.s32 $0xFFFFF086  }
0x25: {  	[simem:s6], [sflag:s4] =	dma.local [hbm:s3], $0xF7A  }
0x26: {  	[smem:$0x3F9F] =	sst s1;
	(tag) =	ssettag s2;
	_ =	strace s9  }
0x27: {  	s1 =	sld [smem:$0x3FAF]  }
0x28: {  	s2 =	sld [smem:$0x3FB0]  }
0x29: {  	s4 =	sld [smem:$0x3FB2]  }
0x2a: {  	p0 =	seq.s32 s5, $0x0;
	s5 =	sld [smem:$0x3FB3]  }
0x2b: {  	s6 =	sld [smem:$0x3FB4]  }
0x2c: {  	s7 =	sld [smem:$0x3FB5]  }
0x2d: {  	s3 =	simm.s32 $0x108;
	s8 =	sld [smem:$0x3FB6]  }
0x2e: {  	s3 =	simm.s32 @!p0 $0x1082;
	s9 =	sld [smem:$0x3FB7]  }
0x2f: {  	lr =	sadd.s32 s0, s3;
	s0 =	sld [smem:$0x3FAE]  }
0x30: {  	s3 =	sld [smem:$0x3FB1]  }
0x31: {  	[smem:$0x3FBA] =	sst s10  }
0x32: {  	s10 =	sld [smem:$0x3FB8];
	_ =	sdelay $0x3  }
0x33: {  	p0 =	seq.s32 s10, $0x1;
	s10 =	sld [smem:$0x3FBA];
	_ =	sdelay $0x3  }
0x34: {  	[smem:$0x3FBA] =	sst s10  }
0x35: {  	s10 =	sld [smem:$0x3FB9];
	_ =	sdelay $0x3  }
0x36: {  	p1 =	seq.s32 s10, $0x1;
	s10 =	sld [smem:$0x3FBA];
	_ =	sdelay $0x3  }
0x37: {  	[smem:$0x3FBA] =	sst s10  }
0x38: {  	s10 =	sld [smem:$0x3FBB]  }
0x39: {  	_ = 	snop;
	(pc) =	sbr.ind lr, $3  }
0x3a: {  	_ = 	snop  }
0x3b: {  	_ = 	snop  }
0x3c: {  	p2 =	seq.s32 s10, $0x1;
	s10 =	sld [smem:$0x3FBA]  }
0x3d: {  	_ =	shalt  }
0x3e: {  	_ =	shalt  }
0x3f: {  	_ =	shalt  }
0x40: {  	_ =	shalt  }
0x41: {  	_ =	shalt  }
0x42: {  	_ =	shalt  }
0x43: {  	_ =	shalt  }
0x44: {  	_ =	shalt  }
0x45: {  	_ =	shalt  }
0x46: {  	_ =	shalt  }
0x47: {  	_ =	shalt  }
0x48: {  	_ =	shalt  }
0x49: {  	_ =	shalt  }
0x4a: {  	_ =	shalt  }
0x4b: {  	_ =	shalt  }
0x4c: {  	_ =	shalt  }
0x4d: {  	_ =	shalt  }
0x4e: {  	_ =	shalt  }
0x4f: {  	_ =	shalt  }
0x50: {  	_ =	shalt  }
0x51: {  	_ =	shalt  }
0x52: {  	_ =	shalt  }
0x53: {  	_ =	shalt  }
0x54: {  	_ =	shalt  }
0x55: {  	_ =	shalt  }
0x56: {  	_ =	shalt  }
0x57: {  	_ =	shalt  }
0x58: {  	_ =	shalt  }
0x59: {  	_ =	shalt  }
0x5a: {  	_ =	shalt  }
0x5b: {  	_ =	shalt  }
0x5c: {  	_ =	shalt  }
0x5d: {  	_ =	shalt  }
0x5e: {  	_ =	shalt  }
0x5f: {  	_ =	shalt  }
0x60: {  	_ =	shalt  }
0x61: {  	_ =	shalt  }
0x62: {  	_ =	shalt  }
0x63: {  	_ =	shalt  }
0x64: {  	_ =	shalt  }
0x65: {  	_ =	shalt  }
0x66: {  	_ =	shalt  }
0x67: {  	_ =	shalt  }
0x68: {  	_ =	shalt  }
0x69: {  	_ =	shalt  }
0x6a: {  	_ =	shalt  }
0x6b: {  	_ =	shalt  }
0x6c: {  	_ =	shalt  }
0x6d: {  	_ =	shalt  }
0x6e: {  	_ =	shalt  }
0x6f: {  	_ =	shalt  }
0x70: {  	_ =	shalt  }
0x71: {  	_ =	shalt  }
0x72: {  	_ =	shalt  }
0x73: {  	_ =	shalt  }
0x74: {  	_ =	shalt  }
0x75: {  	_ =	shalt  }
0x76: {  	_ =	shalt  }
0x77: {  	_ =	shalt  }
0x78: {  	_ =	shalt  }
0x79: {  	_ =	shalt  }
0x7a: {  	_ =	shalt  }
0x7b: {  	_ =	shalt  }
0x7c: {  	_ =	shalt  }
0x7d: {  	_ =	shalt  }
0x7e: {  	_ =	shalt  }
0x7f: {  	_ =	shalt  }
0x80: {  	_ =	shalt  }
0x81: {  	_ =	shalt  }
0x82: {  	_ =	shalt  }
0x83: {  	_ =	shalt  }
0x84: {  	_ =	shalt  }
0x85: {  	_ =	shalt  }
0x86: {  	_ =	shalt  }
0x87: {  	_ =	shalt  }
.Lfunc_end0:
.L_simem_size_0:
called_computation_lowered:
.L_overlay_start_0:
0x88: {  	s2 =	sld [smem:$0x3FD9]  }
0x89: {  	s3 =	sld [smem:$0x3FFE];
	_ =	sdelay $0x1  }
0x8a: {  	s1 =	srdreg.scid  }
0x8b: {  	s0 =	sand.u32 $0x1, s1  }
0x8c: {  	s17 =	sshll.u32 s0, $0xA;
	s2 =	sadd.s32 s3, s2  }
0x8d: {  	s2 =	sadd.s32 s2, s17  }
0x8e: {  	[smem:$0x3FC6] =	sst s2  }
0x8f: {  	_ = 	snop  }
0x90: {  	s2 =	sld [smem:$0x3FC8];
	(tm) =	ssettm $0x1  }
0x91: {  	s18 =	sld [smem:$0x3FFB];
	_ =	sdelay $0x3  }
0x92: {  	_ =	strace s18  }
0x93: {  	s3 =	sld [smem:$0x3FFC];
	_ =	sdelay $0x3  }
0x94: {  	_ =	strace s3  }
0x95: {  	s3 =	sld [smem:$0x3FFD];
	_ =	sdelay $0x3  }
0x96: {  	_ =	strace s3  }
0x97: {  	_ =	strace $0x8FFFFFFF  }
0x98: {  	s19 =	sld [smem:$0x3FDB];
	_ =	sdelay $0x1  }
0x99: {  	s4 =	simm.s32 $_scs_section_size  }
0x9a: {  	s5 =	simm.s32 $_size__tile_overlayer_lowered;
	s6 =	simm.s32 $_tile_overlayer_lowered  }
0x9b: {  	s22 =	simm.s32 $0x1BFF;
	s21 =	sshll.u32 s6, $0x1;
	s3 =	sadd.s32 s4, s19  }
0x9c: {  	s7 =	simm.s32 $0x0;
	s20 =	sshll.u32 s5, $0x1;
	s5 =	sadd.s32 s21, s3  }
0x9d: {  	[timem:s7], [sflag:s22] =	dma.local [hbm:s5], s20  }
0x9e: {  	_ =	swait.ge [sflag:s22], s20  }
0x9f: {  	s4 =	ssub.s32 $0x0, s20;
	[sflag:s22] =	ssyncset.done $0x0  }
0xa0: {  	[sflag:s22] =	ssyncadd.s32 s4;
	_ =	sdelay $0x1  }
0xa1: {  	s23 =	simm.s32 $0x1B8B  }
0xa2: {  	_ =	swait.ge [sflag:s23], $0x1  }
0xa3: {  	[sflag:s23] =	ssyncset.done $0x0  }
0xa4: {  	s25 =	simm.s32 $0x1B8E;
	s24 =	sld [smem:$0x3FFE];
	[sflag:s23] =	ssyncadd.s32 $0xFFFFFFFF  }
0xa5: {  	s26 =	simm.s32 $execute0_lowered;
	[smem:$0x3FD2] =	sst s25  }
0xa6: {  	s5 =	sshll.u32 s26, $0x1;
	_ =	strace $0x80000046;
	[dreg:$0x1] =	wrdreg $0xFFFFFFFF  }
0xa7: {  	s28 =	simm.s32 $_size_execute0_lowered;
	s3 =	sadd.s32 s3, s5;
	[dreg:$0x0] =	wrdreg $0x0  }
0xa8: {  	s5 =	sshll.u32 s28, $0x1;
	[dreg:$0x2] =	wrdreg s3  }
0xa9: {  	[dreg:$0x3] =	wrdreg s5  }
0xaa: {  	[dreg:$0x4] =	wrdreg $0xC0  }
0xab: {  	_ =	task [dreg:s7], $0x5FFFF  }
0xac: {  	[dreg:$0x1] =	wrdreg $0xFFFFFFFF  }
0xad: {  	[dreg:$0x0] =	wrdreg $0x60  }
0xae: {  	[dreg:$0x2] =	wrdreg s2  }
0xaf: {  	[dreg:$0x3] =	wrdreg s24  }
0xb0: {  	[dreg:$0x4] =	wrdreg $0x9  }
0xb1: {  	_ =	task.clear_ibuf [dreg:s7], $0x5FFFF;
	_ =	strace $0x90000046  }
0xb2: {  	s29 =	simm.s32 $0x9;
	_ =	strace $0x80000048  }
0xb3: {  	_ =	swait.ge [sflag:s29], $0x1  }
0xb4: {  	[sflag:s29] =	ssyncadd.s32 $0xFFFFFFFF  }
0xb5: {  	_ =	strace $0x90000048  }
0xb6: {  	_ =	sfence  }
0xb7: {  	s30 =	sld [smem:$0x0];
	_ =	sdelay $0x2  }
0xb8: {  	s31 =	sshll.u32 s1, $0xD;
	s1 =	sshrl.u32 s1, $0x2  }
0xb9: {  	s3 =	sand.u32 $0x4000, s31;
	s1 =	sadd.s32 s1, s30  }
0xba: {  	s0 =	sor.u32 s3, s0;
	s1 =	sshll.u32 s1, $0x11  }
0xbb: {  	s0 =	sor.u32 s1, s0  }
0xbc: {  	s0 =	sadd.s32 $0x8F2B, s0  }
0xbd: {  	[sflag:s0] =	ssyncadd.remote.s32 $0x1  }
0xbe: {  	_ =	sfence.sel $0xFFFF  }
0xbf: {  	[dreg:$0x0] =	wrdreg $0xFFFFFFFF;
	(pc) =	sbr.abs _section_cstart, $3  }
0xc0: {  	[dreg:$0x1] =	wrdreg $0xFFFFFFFF  }
0xc1: {  	_ =	task.clear_ibuf [dreg:s7], $0x2FFFF;
	_ =	strace $0x9FFFFFFF  }
0xc2: {  	(tm) =	ssettm $0x7FFFFFFF  }
0xc3: {  	_ =	shalt  }
tec
execute0_lowered:
.L_overlay_start_1:
0x0: {  	(tag) =	ssettag $0x1  }
0x1: {  	s2 =	rddreg [dreg:$0x0]  }
0x2: {  	s1 =	srdreg.scid;
	s4 =	stileid.u32  }
0x3: {  	s0 =	rddreg [dreg:$0x1];
	s1 =	sand.u32 $0x1, s1;
	s4 =	sshll.u32 s4, $0x1  }
0x4: {  	s3 =	simm.s32 $0x0;
	s5 =	ssub.s32 $0x2, s1;
	s1 =	sor.u32 s1, s4  }
0x5: {  	[smem:$0x7FF] =	sst s3;
	s13 =	sadd.s32 $0x1C00, s0;
	s7 =	sshll.u32 s1, $0xE  }
0x6: {  	_ =	strace $0x80000047;
	s6 =	sshrl.u32 s5, $0x1;
	s7 =	sadd.s32 s2, s7  }
0x7: {  	s5 =	ssub.s32 s5, s6;
	s8 =	sadd.s32 $0x800, s7;
	[dreg:$0x3] =	wrdreg s7  }
0x8: {  	s6 =	sshll.u32 s1, $0x7;
	s10 =	sadd.s32 $0x80000, s7;
	[dreg:$0x4] =	wrdreg s8  }
0x9: {  	s1 =	sshll.u32 s1, $0x11;
	s11 =	sadd.s32 $0x80800, s7;
	[dreg:$0x5] =	wrdreg s10  }
0xa: {  	s15 =	sadd.s32 $0x2400, s0;
	s12 =	sadd.s32 s1, s13;
	[dreg:$0x6] =	wrdreg s11  }
0xb: {  	s16 =	sadd.s32 $0x2C00, s0;
	s14 =	sadd.s32 s1, s15;
	[dreg:$0x9] =	wrdreg s12  }
0xc: {  	s19 =	sadd.s32 $0x3400, s0;
	s17 =	sadd.s32 s1, s16;
	[dreg:$0xa] =	wrdreg s14  }
0xd: {  	s21 =	sadd.s32 $0x3C00, s0;
	s18 =	sadd.s32 s1, s19;
	[dreg:$0xb] =	wrdreg s17  }
0xe: {  	s22 =	sadd.s32 $0x4400, s0;
	s20 =	sadd.s32 s1, s21;
	[dreg:$0xc] =	wrdreg s18  }
0xf: {  	s23 =	sadd.s32 s1, s22;
	[dreg:$0xd] =	wrdreg s20  }
0x10: {  	s24 =	smax.u32 s5, $0x1;
	[dreg:$0xe] =	wrdreg s23  }
0x11: {  	s25 =	sadd.s32 $0x100000, s7;
	[dreg:$0xf] =	wrdreg s24  }
0x12: {  	s26 =	sadd.s32 $0x100800, s7;
	[dreg:$0x10] =	wrdreg s25  }
0x13: {  	s5 =	sadd.s32 $0x880, s7;
	[dreg:$0x11] =	wrdreg s26  }
0x14: {  	[dreg:$0x13] =	wrdreg s5;
	s11 =	sadd.s32 $0x80880, s7  }
0x15: {  	s12 =	sadd.s32 $0x100080, s7;
	[dreg:$0x15] =	wrdreg s11  }
0x16: {  	s14 =	sadd.s32 $0x100880, s7;
	[dreg:$0x16] =	wrdreg s12  }
0x17: {  	s17 =	sadd.s32 $0x100, s7;
	[dreg:$0x17] =	wrdreg s14  }
0x18: {  	s18 =	sadd.s32 $0x900, s7;
	[dreg:$0x18] =	wrdreg s17  }
0x19: {  	s20 =	sadd.s32 $0x80100, s7;
	[dreg:$0x19] =	wrdreg s18  }
0x1a: {  	s23 =	sadd.s32 $0x100100, s7;
	[dreg:$0x1a] =	wrdreg s20  }
0x1b: {  	s24 =	sadd.s32 $0x80900, s7;
	[dreg:$0x1b] =	wrdreg s23  }
0x1c: {  	s25 =	sadd.s32 $0x100900, s7;
	[dreg:$0x1c] =	wrdreg s24  }
0x1d: {  	s26 =	sadd.s32 $0x180, s7;
	[dreg:$0x1d] =	wrdreg s25  }
0x1e: {  	s4 =	sadd.s32 $0xC00, s0;
	s5 =	sadd.s32 $0x80180, s7;
	[dreg:$0x1e] =	wrdreg s26  }
0x1f: {  	s10 =	sadd.s32 $0x1400, s0;
	s8 =	sadd.s32 s4, s1;
	[smem:$0x7F2] =	sst s5  }
0x20: {  	s9 =	sadd.s32 s1, s10;
	[dreg:$0x7] =	wrdreg s8  }
0x21: {  	s1 =	sadd.s32 $0x80, s7;
	[dreg:$0x8] =	wrdreg s9  }
0x22: {  	s11 =	sadd.s32 $0x100180, s7;
	[dreg:$0x12] =	wrdreg s1  }
0x23: {  	s12 =	sadd.s32 $0x100980, s7;
	[smem:$0x7F4] =	sst s11  }
0x24: {  	s14 =	sadd.s32 $0x80, s8;
	[smem:$0x7F5] =	sst s12  }
0x25: {  	s28 =	simm.s32 $0x400;
	s17 =	sadd.s32 $0x880, s8;
	[smem:$0x7F6] =	sst s14  }
0x26: {  	s30 =	simm.s32 $0x480;
	s18 =	sadd.s32 $0x1080, s8;
	[smem:$0x7F7] =	sst s17  }
0x27: {  	s31 =	simm.s32 $0x880;
	s20 =	sadd.s32 $0x1880, s8;
	[smem:$0x7F8] =	sst s18  }
0x28: {  	s29 =	simm.s32 $0x3B00;
	s23 =	sadd.s32 $0x2080, s8;
	[smem:$0x7F9] =	sst s20  }
0x29: {  	s0 =	simm.s32 $0x4700;
	s24 =	sadd.s32 $0x2880, s8;
	[smem:$0x7FA] =	sst s23  }
0x2a: {  	s25 =	sadd.s32 $0x3080, s8;
	s26 =	sadd.s32 $0x3880, s8;
	[smem:$0x7FB] =	sst s24  }
0x2b: {  	s8 =	simm.s32 $0x5300;
	s5 =	simm.s32 $0x4;
	[smem:$0x7FC] =	sst s25  }
0x2c: {  	s9 =	sadd.s32 $0x80080, s7;
	s1 =	sadd.s32 $0x980, s7;
	[smem:$0x7FD] =	sst s26  }
0x2d: {  	s23 =	simm.s32 $0x1;
	s14 =	simm.s32 $0x1B00;
	s17 =	simm.s32 $0x2  }
0x2e: {  	s11 =	simm.s32 $0x3;
	s18 =	simm.s32 $0x0;
	[dreg:$0x14] =	wrdreg s9  }
0x2f: {  	v0 =	vlaneseq.u32;
	[dreg:$0x1f] =	wrdreg s1;
	s9 =	sadd.s32 $0x80980, s7;
	s1 =	simm.s32 $0x4B00  }
0x30: {  	v0 =	vmul.u32 $0x8, v0;
	s7 =	simm.s32 $0x4F00;
	[smem:$0x7F3] =	sst s9;
	s9 =	simm.s32 $0x5700  }
.LBB2_1:
0x31: {  	[smem:$0x7F1] =	sst s18  }
0x32: {  	s12 =	rddreg [dreg:$0x3]  }
0x33: {  	[tilespmem:s3], [sflag:$0x1] =	stream.linear.gather [hbm4b:s12+s3], $0x400, $0x38;
	[tilespmem:$0x5B00] =	vst v63  }
0x34: {  	s18 =	rddreg [dreg:$0x4]  }
0x35: {  	[tilespmem:s28], [sflag:$0x1] =	stream.linear.gather [hbm4b:s18+s3], $0x80, $0x38;
	[tilespmem:$0x5B00] =	vst v63  }
0x36: {  	s20 =	rddreg [dreg:$0x5]  }
0x37: {  	[tilespmem:s30], [sflag:$0x1] =	stream.linear.gather [hbm4b:s20+s3], $0x400, $0x38;
	[tilespmem:$0x5B00] =	vst v63  }
0x38: {  	s24 =	rddreg [dreg:$0x6]  }
0x39: {  	[tilespmem:s31], [sflag:$0x1] =	stream.linear.gather [hbm4b:s24+s3], $0x80, $0x38;
	[tilespmem:$0x5B00] =	vst v63  }
0x3a: {  	s25 =	rddreg [dreg:$0x10];
	s26 =	simm.s32 $0x900  }
0x3b: {  	[tilespmem:s26], [sflag:$0x1] =	stream.linear.gather [hbm4b:s25+s3], $0x400, $0x38;
	[tilespmem:$0x5B00] =	vst v63  }
0x3c: {  	s20 =	rddreg [dreg:$0x11];
	s24 =	simm.s32 $0xD00  }
0x3d: {  	[tilespmem:s24], [sflag:$0x1] =	stream.linear.gather [hbm4b:s20+s3], $0x80, $0x38;
	[tilespmem:$0x5B00] =	vst v63  }
0x3e: {  	s25 =	rddreg [dreg:$0x12];
	s26 =	simm.s32 $0xD80  }
0x3f: {  	[tilespmem:s26], [sflag:$0x2] =	stream.linear.gather [hbm4b:s25+s3], $0x400, $0x38;
	[tilespmem:$0x5B00] =	vst v63  }
0x40: {  	s20 =	rddreg [dreg:$0x13];
	s24 =	simm.s32 $0x1180  }
0x41: {  	[tilespmem:s24], [sflag:$0x2] =	stream.linear.gather [hbm4b:s20+s3], $0x80, $0x38;
	[tilespmem:$0x5B00] =	vst v63  }
0x42: {  	s25 =	rddreg [dreg:$0x14];
	s26 =	simm.s32 $0x1200  }
0x43: {  	[tilespmem:s26], [sflag:$0x2] =	stream.linear.gather [hbm4b:s25+s3], $0x400, $0x38;
	[tilespmem:$0x5B00] =	vst v63  }
0x44: {  	s20 =	rddreg [dreg:$0x15];
	s24 =	simm.s32 $0x1600  }
0x45: {  	[tilespmem:s24], [sflag:$0x2] =	stream.linear.gather [hbm4b:s20+s3], $0x80, $0x38;
	[tilespmem:$0x5B00] =	vst v63  }
0x46: {  	s25 =	rddreg [dreg:$0x16];
	s26 =	simm.s32 $0x1680  }
0x47: {  	[tilespmem:s26], [sflag:$0x2] =	stream.linear.gather [hbm4b:s25+s3], $0x400, $0x38;
	[tilespmem:$0x5B00] =	vst v63  }
0x48: {  	s18 =	rddreg [dreg:$0x17];
	s20 =	simm.s32 $0x1A80  }
0x49: {  	[tilespmem:s20], [sflag:$0x2] =	stream.linear.gather [hbm4b:s18+s3], $0x80, $0x38;
	[tilespmem:$0x5B00] =	vst v63  }
0x4a: {  	_ =	swait.ge [sflag:s23], $0x400  }
0x4b: {  	[sflag:s23] =	ssyncset.done $0x0  }
0x4c: {  	[sflag:s23] =	ssyncadd.s32 $0xFFFFFC00  }
0x4d: {  	_ =	swait.ge [sflag:s23], $0x80  }
0x4e: {  	[sflag:s23] =	ssyncset.done $0x0  }
0x4f: {  	[sflag:s23] =	ssyncadd.s32 $0xFFFFFF80  }
0x50: {  	_ =	swait.ge [sflag:s23], $0x400  }
0x51: {  	[sflag:s23] =	ssyncset.done $0x0  }
0x52: {  	[sflag:s23] =	ssyncadd.s32 $0xFFFFFC00  }
0x53: {  	_ =	swait.ge [sflag:s23], $0x80  }
0x54: {  	[sflag:s23] =	ssyncset.done $0x0  }
0x55: {  	[sflag:s23] =	ssyncadd.s32 $0xFFFFFF80  }
0x56: {  	_ =	swait.ge [sflag:s23], $0x400  }
0x57: {  	[sflag:s23] =	ssyncset.done $0x0  }
0x58: {  	s24 =	simm.s32 $0x20;
	[sflag:s23] =	ssyncadd.s32 $0xFFFFFC00  }
0x59: {  	v1 =	vmov s24;
	_ =	swait.ge [sflag:s23], $0x80  }
0x5a: {  	v1 =	vshll.u32 v1, $0x3;
	[sflag:s23] =	ssyncset.done $0x0  }
0x5b: {  	v1 =	vor.u32 v0, v1;
	s18 =	simm.s32 $0x500;
	[sflag:s23] =	ssyncadd.s32 $0xFFFFFF80  }
0x5c: {  	v2 =	vmov s3;
	s25 =	simm.s32 $0x10;
	v1 =	vand.u32 $0x7FFFFF78, v1;
	v3 =	vld [tilespmem:s18+$0xFFFFFB20]  }
0x5d: {  	v2 =	vshll.u32 v2, $0x3;
	v4 =	vmov s25;
	v6 =	vor.u32 $0x4, v1;
	v5 =	vld [tilespmem:s18+$0xFFFFFBA0]  }
0x5e: {  	v10 =	vor.u32 v0, v2;
	v4 =	vshll.u32 v4, $0x3;
	v2 =	vld [tilespmem:s18+$0xFFFFFB00]  }
0x5f: {  	v7 =	vor.u32 $0x4, v10;
	s26 =	simm.s32 $0x30;
	v4 =	vor.u32 v0, v4;
	v8 =	vld [tilespmem:s18+$0xFFFFFB80]  }
0x60: {  	v9 =	vmov s26;
	v4 =	vand.u32 $0x7FFFFEF8, v4;
	v11 =	vld [tilespmem:s18+$0xFFFFFB10]  }
0x61: {  	v9 =	vshll.u32 v9, $0x3;
	v12 =	vor.u32 $0x4, v4;
	v13 =	vld [tilespmem:s18+$0xFFFFFB90];
	[tilespmem:v1+s14+$0x0] =	vst.idx.msk $0xffff, v3  }
0x62: {  	v3 =	vor.u32 v0, v9;
	[tilespmem:v6+s14+$0x0] =	vst.idx.msk $0xffff, v5;
	v5 =	vld [tilespmem:s18+$0xFFFFFB30]  }
0x63: {  	[tilespmem:v10+s14+$0x0] =	vst.idx.msk $0xffff, v2;
	v6 =	vor.u32 $0x1, v1;
	v2 =	vld [tilespmem:s18+$0xFFFFFFA0]  }
0x64: {  	[tilespmem:v7+s14+$0x0] =	vst.idx.msk $0xffff, v8;
	v8 =	vor.u32 $0x5, v1;
	v7 =	vld [tilespmem:s18+$0x20]  }
0x65: {  	[tilespmem:v4+s14+$0x0] =	vst.idx.msk $0xffff, v11;
	v11 =	vld [tilespmem:s18+$0xFFFFFBB0];
	v9 =	vor.u32 $0x4, v3  }
0x66: {  	v14 =	vor.u32 $0x1, v10;
	[tilespmem:v12+s14+$0x0] =	vst.idx.msk $0xffff, v13;
	v15 =	vld [tilespmem:s18+$0xFFFFFF80]  }
0x67: {  	v12 =	vor.u32 $0x1, v4;
	v13 =	vld [tilespmem:s18+$0xFFFFFF90];
	[tilespmem:v3+s14+$0x0] =	vst.idx.msk $0xffff, v5  }
0x68: {  	v16 =	vld [tilespmem:s18+$0x10];
	v5 =	vor.u32 $0x5, v4;
	[tilespmem:v6+s14+$0x0] =	vst.idx.msk $0xffff, v2  }
0x69: {  	v17 =	vld [tilespmem:s18+$0x0];
	v2 =	vor.u32 $0x5, v10;
	[tilespmem:v8+s14+$0x0] =	vst.idx.msk $0xffff, v7  }
0x6a: {  	v19 =	vor.u32 $0x2, v1;
	[tilespmem:v9+s14+$0x0] =	vst.idx.msk $0xffff, v11;
	v18 =	vld [tilespmem:s18+$0x420]  }
0x6b: {  	[tilespmem:v14+s14+$0x0] =	vst.idx.msk $0xffff, v15;
	v15 =	vor.u32 $0x6, v1;
	v14 =	vld [tilespmem:s18+$0x4A0]  }
0x6c: {  	[tilespmem:v12+s14+$0x0] =	vst.idx.msk $0xffff, v13;
	v13 =	vld [tilespmem:s18+$0xFFFFFFB0];
	v8 =	vor.u32 $0x1, v3  }
0x6d: {  	v6 =	vor.u32 $0x5, v3;
	v12 =	vld [tilespmem:s18+$0x30];
	[tilespmem:v5+s14+$0x0] =	vst.idx.msk $0xffff, v16  }
0x6e: {  	v7 =	vor.u32 $0x2, v4;
	[tilespmem:v2+s14+$0x0] =	vst.idx.msk $0xffff, v17;
	v11 =	vld [tilespmem:s18+$0x410]  }
0x6f: {  	v1 =	vor.u32 $0x6, v3;
	v4 =	vor.u32 $0x6, v4;
	v9 =	vld [tilespmem:s18+$0x490];
	[tilespmem:v19+s14+$0x0] =	vst.idx.msk $0xffff, v18  }
0x70: {  	s12 =	simm.s32 $0x0;
	s24 =	simm.s32 $0x40;
	v5 =	vor.u32 $0x2, v10;
	v2 =	vor.u32 $0x2, v3;
	v3 =	vor.u32 $0x6, v10;
	v10 =	vld [tilespmem:s18+$0x400];
	[tilespmem:v15+s14+$0x0] =	vst.idx.msk $0xffff, v14  }
.LBB2_2:
0x71: {  	v14 =	vmov s24;
	s20 =	sadd.s32 $0x10, s24;
	s25 =	sadd.s32 $0x20, s24;
	s26 =	sadd.s32 $0x30, s24;
	v15 =	vld [tilespmem:s18+$0x480];
	[tilespmem:v8+s14+$0x0] =	vst.idx.msk $0xffff, v13  }
0x72: {  	v8 =	vmov s20;
	v13 =	vmov s25;
	v16 =	vmov s26;
	[tilespmem:v6+s14+$0x0] =	vst.idx.msk $0xffff, v12  }
0x73: {  	s12 =	sadd.s32 $0x4, s12;
	v6 =	vshll.u32 v8, $0x3;
	v8 =	vshll.u32 v13, $0x3;
	v12 =	vshll.u32 v16, $0x3;
	[tilespmem:v7+s14+$0x0] =	vst.idx.msk $0xffff, v11;
	v7 =	vld [tilespmem:s18+$0x430]  }
0x74: {  	p0 =	slt.u32 s12, $0x3C;
	v11 =	vshll.u32 v14, $0x3;
	v6 =	vor.u32 v0, v6;
	v8 =	vor.u32 v0, v8;
	[tilespmem:v4+s14+$0x0] =	vst.idx.msk $0xffff, v9;
	v4 =	vld [tilespmem:s18+$0x4B0];
	s18 =	sadd.s32 $0x40, s18  }
0x75: {  	v12 =	vor.u32 v0, v12;
	v9 =	vand.u32 $0x7FFFFEF8, v6;
	v13 =	vld [tilespmem:s18+$0xFFFFFB20];
	v14 =	vand.u32 $0x7FFFFF78, v8;
	[tilespmem:v5+s14+$0x0] =	vst.idx.msk $0xffff, v10  }
0x76: {  	v10 =	vor.u32 v0, v11;
	v11 =	vor.u32 $0x4, v9;
	v16 =	vld [tilespmem:s18+$0xFFFFFBA0];
	v17 =	vor.u32 $0x4, v14;
	[tilespmem:v3+s14+$0x0] =	vst.idx.msk $0xffff, v15  }
0x77: {  	v20 =	vor.u32 $0x4, v12;
	v18 =	vor.u32 $0x4, v10;
	v19 =	vor.u32 $0x1, v9;
	v15 =	vld [tilespmem:s18+$0xFFFFFB00]  }
0x78: {  	v8 =	vor.u32 $0x1, v12;
	v6 =	vor.u32 $0x5, v12;
	v22 =	vor.u32 $0x5, v9;
	v21 =	vld [tilespmem:s18+$0xFFFFFB80];
	[tilespmem:v2+s14+$0x0] =	vst.idx.msk $0xffff, v7  }
0x79: {  	v23 =	vor.u32 $0x1, v10;
	v24 =	vor.u32 $0x5, v10;
	v7 =	vor.u32 $0x2, v9;
	v25 =	vld [tilespmem:s18+$0xFFFFFB10];
	[tilespmem:v1+s14+$0x0] =	vst.idx.msk $0xffff, v4  }
0x7a: {  	v2 =	vor.u32 $0x2, v12;
	v4 =	vor.u32 $0x6, v9;
	v1 =	vor.u32 $0x6, v12;
	v26 =	vld [tilespmem:s18+$0xFFFFFB90];
	[tilespmem:v14+s14+$0x0] =	vst.idx.msk $0xffff, v13  }
0x7b: {  	v5 =	vor.u32 $0x2, v10;
	v3 =	vor.u32 $0x6, v10;
	[tilespmem:v17+s14+$0x0] =	vst.idx.msk $0xffff, v16;
	v13 =	vld [tilespmem:s18+$0xFFFFFB30]  }
0x7c: {  	[tilespmem:v10+s14+$0x0] =	vst.idx.msk $0xffff, v15;
	v10 =	vld [tilespmem:s18+$0xFFFFFFA0];
	v15 =	vor.u32 $0x1, v14  }
0x7d: {  	v17 =	vor.u32 $0x5, v14;
	[tilespmem:v18+s14+$0x0] =	vst.idx.msk $0xffff, v21;
	v16 =	vld [tilespmem:s18+$0x20]  }
0x7e: {  	[tilespmem:v9+s14+$0x0] =	vst.idx.msk $0xffff, v25;
	v9 =	vld [tilespmem:s18+$0xFFFFFBB0]  }
0x7f: {  	v18 =	vld [tilespmem:s18+$0xFFFFFF80];
	[tilespmem:v11+s14+$0x0] =	vst.idx.msk $0xffff, v26  }
0x80: {  	v11 =	vld [tilespmem:s18+$0xFFFFFF90];
	[tilespmem:v12+s14+$0x0] =	vst.idx.msk $0xffff, v13  }
0x81: {  	v12 =	vld [tilespmem:s18+$0x10];
	[tilespmem:v15+s14+$0x0] =	vst.idx.msk $0xffff, v10  }
0x82: {  	v10 =	vld [tilespmem:s18+$0x0];
	[tilespmem:v17+s14+$0x0] =	vst.idx.msk $0xffff, v16  }
0x83: {  	v16 =	vor.u32 $0x2, v14;
	v15 =	vld [tilespmem:s18+$0x420];
	[tilespmem:v20+s14+$0x0] =	vst.idx.msk $0xffff, v9  }
0x84: {  	v14 =	vor.u32 $0x6, v14;
	[tilespmem:v23+s14+$0x0] =	vst.idx.msk $0xffff, v18;
	v17 =	vld [tilespmem:s18+$0x4A0]  }
.Ltmp0:
0x85: {  	[tilespmem:v19+s14+$0x0] =	vst.idx.msk $0xffff, v11;
	v13 =	vld [tilespmem:s18+$0xFFFFFFB0];
	(pc) =	sbr.rel @p0 .LBB2_2-.Ltmp0, $4  }
0x86: {  	[tilespmem:v22+s14+$0x0] =	vst.idx.msk $0xffff, v12;
	v12 =	vld [tilespmem:s18+$0x30]  }
0x87: {  	[tilespmem:v24+s14+$0x0] =	vst.idx.msk $0xffff, v10;
	v11 =	vld [tilespmem:s18+$0x410]  }
0x88: {  	v9 =	vld [tilespmem:s18+$0x490];
	[tilespmem:v16+s14+$0x0] =	vst.idx.msk $0xffff, v15  }
0x89: {  	s24 =	sadd.s32 $0x40, s24;
	v10 =	vld [tilespmem:s18+$0x400];
	[tilespmem:v14+s14+$0x0] =	vst.idx.msk $0xffff, v17  }
0x8a: {  	_ =	sdelay $0x3  }
0x8b: {  	[tilespmem:v8+s14+$0x0] =	vst.idx.msk $0xffff, v13  }
0x8c: {  	v8 =	vld [tilespmem:s18+$0x480];
	[tilespmem:v6+s14+$0x0] =	vst.idx.msk $0xffff, v12  }
0x8d: {  	v6 =	vld [tilespmem:s18+$0x430]  }
0x8e: {  	[tilespmem:v7+s14+$0x0] =	vst.idx.msk $0xffff, v11;
	v7 =	vld [tilespmem:s18+$0x4B0]  }
0x8f: {  	[tilespmem:v4+s14+$0x0] =	vst.idx.msk $0xffff, v9  }
0x90: {  	[tilespmem:v5+s14+$0x0] =	vst.idx.msk $0xffff, v10  }
0x91: {  	[tilespmem:v3+s14+$0x0] =	vst.idx.msk $0xffff, v8  }
0x92: {  	[tilespmem:v2+s14+$0x0] =	vst.idx.msk $0xffff, v6  }
0x93: {  	[tilespmem:v1+s14+$0x0] =	vst.idx.msk $0xffff, v7  }
0x94: {  	s12 =	simm.s32 $0x0;
	s25 =	rddreg [dreg:$0x18]  }
0x95: {  	[tilespmem:s12], [sflag:$0x1] =	stream.linear.gather [hbm4b:s25+s12], $0x400, $0x38;
	[tilespmem:$0x5B00] =	vst v63  }
0x96: {  	s26 =	rddreg [dreg:$0x19]  }
0x97: {  	[tilespmem:s28], [sflag:$0x1] =	stream.linear.gather [hbm4b:s26+s12], $0x80, $0x38;
	[tilespmem:$0x5B00] =	vst v63  }
0x98: {  	s28 =	rddreg [dreg:$0x1a]  }
0x99: {  	[tilespmem:s30], [sflag:$0x1] =	stream.linear.gather [hbm4b:s28+s12], $0x400, $0x38;
	[tilespmem:$0x5B00] =	vst v63  }
0x9a: {  	s30 =	rddreg [dreg:$0x1c]  }
0x9b: {  	[tilespmem:s31], [sflag:$0x1] =	stream.linear.gather [hbm4b:s30+s12], $0x80, $0x38;
	[tilespmem:$0x5B00] =	vst v63  }
0x9c: {  	s20 =	simm.s32 $0x900;
	s31 =	rddreg [dreg:$0x1b]  }
0x9d: {  	[tilespmem:s20], [sflag:$0x1] =	stream.linear.gather [hbm4b:s31+s12], $0x400, $0x38;
	[tilespmem:$0x5B00] =	vst v63  }
0x9e: {  	s24 =	simm.s32 $0xD00;
	s20 =	rddreg [dreg:$0x1d]  }
0x9f: {  	[tilespmem:s24], [sflag:$0x1] =	stream.linear.gather [hbm4b:s20+s12], $0x80, $0x38;
	[tilespmem:$0x5B00] =	vst v63  }
0xa0: {  	s25 =	rddreg [dreg:$0x7]  }
0xa1: {  	[hbm4b:s25+s12] =	stream.linear.scatter [tilespmem:s14], [sflag:$0x3], $0x400, $0x38;
	[tilespmem:$0x5B00] =	vst v63  }
0xa2: {  	s26 =	rddreg [dreg:$0x8];
	s28 =	simm.s32 $0x1F00  }
0xa3: {  	[hbm4b:s26+s12] =	stream.linear.scatter [tilespmem:s28], [sflag:$0x3], $0x400, $0x38;
	[tilespmem:$0x5B00] =	vst v63  }
0xa4: {  	s30 =	rddreg [dreg:$0x9];
	s31 =	simm.s32 $0x2300  }
0xa5: {  	[hbm4b:s30+s12] =	stream.linear.scatter [tilespmem:s31], [sflag:$0x3], $0x400, $0x38;
	[tilespmem:$0x5B00] =	vst v63  }
0xa6: {  	s24 =	rddreg [dreg:$0xa];
	s25 =	simm.s32 $0x2700  }
0xa7: {  	[hbm4b:s24+s12] =	stream.linear.scatter [tilespmem:s25], [sflag:$0x3], $0x400, $0x38;
	[tilespmem:$0x5B00] =	vst v63  }
0xa8: {  	s26 =	rddreg [dreg:$0xb];
	s28 =	simm.s32 $0x2B00  }
0xa9: {  	[hbm4b:s26+s12] =	stream.linear.scatter [tilespmem:s28], [sflag:$0x3], $0x400, $0x38;
	[tilespmem:$0x5B00] =	vst v63  }
0xaa: {  	s30 =	rddreg [dreg:$0xc];
	s31 =	simm.s32 $0x2F00  }
0xab: {  	[hbm4b:s30+s12] =	stream.linear.scatter [tilespmem:s31], [sflag:$0x3], $0x400, $0x38;
	[tilespmem:$0x5B00] =	vst v63  }
0xac: {  	s20 =	rddreg [dreg:$0xd];
	s24 =	simm.s32 $0x3300  }
0xad: {  	[hbm4b:s20+s12] =	stream.linear.scatter [tilespmem:s24], [sflag:$0x3], $0x400, $0x38;
	[tilespmem:$0x5B00] =	vst v63  }
0xae: {  	s25 =	rddreg [dreg:$0xe];
	s26 =	simm.s32 $0x3700  }
0xaf: {  	[hbm4b:s25+s12] =	stream.linear.scatter [tilespmem:s26], [sflag:$0x3], $0x400, $0x38;
	[tilespmem:$0x5B00] =	vst v63  }
0xb0: {  	_ =	swait.ge [sflag:s17], $0x400  }
0xb1: {  	[sflag:s17] =	ssyncset.done $0x0  }
0xb2: {  	[sflag:s17] =	ssyncadd.s32 $0xFFFFFC00  }
0xb3: {  	_ =	swait.ge [sflag:s17], $0x80  }
0xb4: {  	[sflag:s17] =	ssyncset.done $0x0  }
0xb5: {  	[sflag:s17] =	ssyncadd.s32 $0xFFFFFF80  }
0xb6: {  	_ =	swait.ge [sflag:s17], $0x400  }
0xb7: {  	[sflag:s17] =	ssyncset.done $0x0  }
0xb8: {  	[sflag:s17] =	ssyncadd.s32 $0xFFFFFC00  }
0xb9: {  	_ =	swait.ge [sflag:s17], $0x80  }
0xba: {  	[sflag:s17] =	ssyncset.done $0x0  }
0xbb: {  	[sflag:s17] =	ssyncadd.s32 $0xFFFFFF80  }
0xbc: {  	_ =	swait.ge [sflag:s17], $0x400  }
0xbd: {  	[sflag:s17] =	ssyncset.done $0x0  }
0xbe: {  	s28 =	simm.s32 $0x20;
	[sflag:s17] =	ssyncadd.s32 $0xFFFFFC00  }
0xbf: {  	v1 =	vmov s28;
	_ =	swait.ge [sflag:s17], $0x80  }
0xc0: {  	v1 =	vshll.u32 v1, $0x3;
	[sflag:s17] =	ssyncset.done $0x0  }
0xc1: {  	s18 =	simm.s32 $0x1280;
	v1 =	vor.u32 v0, v1;
	[sflag:s17] =	ssyncadd.s32 $0xFFFFFF80  }
0xc2: {  	v2 =	vmov s12;
	s30 =	simm.s32 $0x10;
	v1 =	vand.u32 $0x7FFFFF78, v1;
	v3 =	vld [tilespmem:s18+$0xFFFFFB20]  }
0xc3: {  	v2 =	vshll.u32 v2, $0x3;
	v4 =	vmov s30;
	v6 =	vor.u32 $0x4, v1;
	v5 =	vld [tilespmem:s18+$0xFFFFFBA0]  }
0xc4: {  	v10 =	vor.u32 v0, v2;
	v4 =	vshll.u32 v4, $0x3;
	v2 =	vld [tilespmem:s18+$0xFFFFFB00]  }
0xc5: {  	v7 =	vor.u32 $0x4, v10;
	s31 =	simm.s32 $0x30;
	v4 =	vor.u32 v0, v4;
	v8 =	vld [tilespmem:s18+$0xFFFFFB80]  }
0xc6: {  	v9 =	vmov s31;
	v4 =	vand.u32 $0x7FFFFEF8, v4;
	v11 =	vld [tilespmem:s18+$0xFFFFFB10]  }
0xc7: {  	v9 =	vshll.u32 v9, $0x3;
	v12 =	vor.u32 $0x4, v4;
	v13 =	vld [tilespmem:s18+$0xFFFFFB90];
	[tilespmem:v1+s29+$0x0] =	vst.idx.msk $0xffff, v3  }
0xc8: {  	v3 =	vor.u32 v0, v9;
	[tilespmem:v6+s29+$0x0] =	vst.idx.msk $0xffff, v5;
	v5 =	vld [tilespmem:s18+$0xFFFFFB30]  }
0xc9: {  	[tilespmem:v10+s29+$0x0] =	vst.idx.msk $0xffff, v2;
	v6 =	vor.u32 $0x1, v1;
	v2 =	vld [tilespmem:s18+$0xFFFFFFA0]  }
0xca: {  	[tilespmem:v7+s29+$0x0] =	vst.idx.msk $0xffff, v8;
	v8 =	vor.u32 $0x5, v1;
	v7 =	vld [tilespmem:s18+$0x20]  }
0xcb: {  	[tilespmem:v4+s29+$0x0] =	vst.idx.msk $0xffff, v11;
	v11 =	vld [tilespmem:s18+$0xFFFFFBB0];
	v9 =	vor.u32 $0x4, v3  }
0xcc: {  	v14 =	vor.u32 $0x1, v10;
	[tilespmem:v12+s29+$0x0] =	vst.idx.msk $0xffff, v13;
	v15 =	vld [tilespmem:s18+$0xFFFFFF80]  }
0xcd: {  	v12 =	vor.u32 $0x1, v4;
	v13 =	vld [tilespmem:s18+$0xFFFFFF90];
	[tilespmem:v3+s29+$0x0] =	vst.idx.msk $0xffff, v5  }
0xce: {  	v16 =	vld [tilespmem:s18+$0x10];
	v5 =	vor.u32 $0x5, v4;
	[tilespmem:v6+s29+$0x0] =	vst.idx.msk $0xffff, v2  }
0xcf: {  	v17 =	vld [tilespmem:s18+$0x0];
	v2 =	vor.u32 $0x5, v10;
	[tilespmem:v8+s29+$0x0] =	vst.idx.msk $0xffff, v7  }
0xd0: {  	v19 =	vor.u32 $0x2, v1;
	[tilespmem:v9+s29+$0x0] =	vst.idx.msk $0xffff, v11;
	v18 =	vld [tilespmem:s18+$0x420]  }
0xd1: {  	[tilespmem:v14+s29+$0x0] =	vst.idx.msk $0xffff, v15;
	v15 =	vor.u32 $0x6, v1;
	v14 =	vld [tilespmem:s18+$0x4A0]  }
0xd2: {  	[tilespmem:v12+s29+$0x0] =	vst.idx.msk $0xffff, v13;
	v13 =	vld [tilespmem:s18+$0xFFFFFFB0];
	v8 =	vor.u32 $0x1, v3  }
0xd3: {  	v6 =	vor.u32 $0x5, v3;
	v12 =	vld [tilespmem:s18+$0x30];
	[tilespmem:v5+s29+$0x0] =	vst.idx.msk $0xffff, v16  }
0xd4: {  	v7 =	vor.u32 $0x2, v4;
	[tilespmem:v2+s29+$0x0] =	vst.idx.msk $0xffff, v17;
	v11 =	vld [tilespmem:s18+$0x410]  }
0xd5: {  	v1 =	vor.u32 $0x6, v3;
	v4 =	vor.u32 $0x6, v4;
	v9 =	vld [tilespmem:s18+$0x490];
	[tilespmem:v19+s29+$0x0] =	vst.idx.msk $0xffff, v18  }
0xd6: {  	s24 =	simm.s32 $0x40;
	s12 =	simm.s32 $0x0;
	v5 =	vor.u32 $0x2, v10;
	v2 =	vor.u32 $0x2, v3;
	v3 =	vor.u32 $0x6, v10;
	v10 =	vld [tilespmem:s18+$0x400];
	[tilespmem:v15+s29+$0x0] =	vst.idx.msk $0xffff, v14  }
.LBB2_4:
0xd7: {  	v14 =	vmov s24;
	s20 =	sadd.s32 $0x10, s24;
	s25 =	sadd.s32 $0x20, s24;
	s26 =	sadd.s32 $0x30, s24;
	v15 =	vld [tilespmem:s18+$0x480];
	[tilespmem:v8+s29+$0x0] =	vst.idx.msk $0xffff, v13  }
0xd8: {  	v8 =	vmov s20;
	v13 =	vmov s25;
	v16 =	vmov s26;
	[tilespmem:v6+s29+$0x0] =	vst.idx.msk $0xffff, v12  }
0xd9: {  	s12 =	sadd.s32 $0x4, s12;
	v6 =	vshll.u32 v8, $0x3;
	v8 =	vshll.u32 v13, $0x3;
	v12 =	vshll.u32 v16, $0x3;
	[tilespmem:v7+s29+$0x0] =	vst.idx.msk $0xffff, v11;
	v7 =	vld [tilespmem:s18+$0x430]  }
0xda: {  	p0 =	slt.u32 s12, $0x3C;
	v11 =	vshll.u32 v14, $0x3;
	v6 =	vor.u32 v0, v6;
	v8 =	vor.u32 v0, v8;
	[tilespmem:v4+s29+$0x0] =	vst.idx.msk $0xffff, v9;
	v4 =	vld [tilespmem:s18+$0x4B0];
	s18 =	sadd.s32 $0x40, s18  }
0xdb: {  	v12 =	vor.u32 v0, v12;
	v9 =	vand.u32 $0x7FFFFEF8, v6;
	v13 =	vld [tilespmem:s18+$0xFFFFFB20];
	v14 =	vand.u32 $0x7FFFFF78, v8;
	[tilespmem:v5+s29+$0x0] =	vst.idx.msk $0xffff, v10  }
0xdc: {  	v10 =	vor.u32 v0, v11;
	v11 =	vor.u32 $0x4, v9;
	v16 =	vld [tilespmem:s18+$0xFFFFFBA0];
	v17 =	vor.u32 $0x4, v14;
	[tilespmem:v3+s29+$0x0] =	vst.idx.msk $0xffff, v15  }
0xdd: {  	v20 =	vor.u32 $0x4, v12;
	v18 =	vor.u32 $0x4, v10;
	v19 =	vor.u32 $0x1, v9;
	v15 =	vld [tilespmem:s18+$0xFFFFFB00]  }
0xde: {  	v8 =	vor.u32 $0x1, v12;
	v6 =	vor.u32 $0x5, v12;
	v22 =	vor.u32 $0x5, v9;
	v21 =	vld [tilespmem:s18+$0xFFFFFB80];
	[tilespmem:v2+s29+$0x0] =	vst.idx.msk $0xffff, v7  }
0xdf: {  	v23 =	vor.u32 $0x1, v10;
	v24 =	vor.u32 $0x5, v10;
	v7 =	vor.u32 $0x2, v9;
	v25 =	vld [tilespmem:s18+$0xFFFFFB10];
	[tilespmem:v1+s29+$0x0] =	vst.idx.msk $0xffff, v4  }
0xe0: {  	v2 =	vor.u32 $0x2, v12;
	v4 =	vor.u32 $0x6, v9;
	v1 =	vor.u32 $0x6, v12;
	v26 =	vld [tilespmem:s18+$0xFFFFFB90];
	[tilespmem:v14+s29+$0x0] =	vst.idx.msk $0xffff, v13  }
0xe1: {  	v5 =	vor.u32 $0x2, v10;
	v3 =	vor.u32 $0x6, v10;
	[tilespmem:v17+s29+$0x0] =	vst.idx.msk $0xffff, v16;
	v13 =	vld [tilespmem:s18+$0xFFFFFB30]  }
0xe2: {  	[tilespmem:v10+s29+$0x0] =	vst.idx.msk $0xffff, v15;
	v10 =	vld [tilespmem:s18+$0xFFFFFFA0];
	v15 =	vor.u32 $0x1, v14  }
0xe3: {  	v17 =	vor.u32 $0x5, v14;
	[tilespmem:v18+s29+$0x0] =	vst.idx.msk $0xffff, v21;
	v16 =	vld [tilespmem:s18+$0x20]  }
0xe4: {  	[tilespmem:v9+s29+$0x0] =	vst.idx.msk $0xffff, v25;
	v9 =	vld [tilespmem:s18+$0xFFFFFBB0]  }
0xe5: {  	v18 =	vld [tilespmem:s18+$0xFFFFFF80];
	[tilespmem:v11+s29+$0x0] =	vst.idx.msk $0xffff, v26  }
0xe6: {  	v11 =	vld [tilespmem:s18+$0xFFFFFF90];
	[tilespmem:v12+s29+$0x0] =	vst.idx.msk $0xffff, v13  }
0xe7: {  	v12 =	vld [tilespmem:s18+$0x10];
	[tilespmem:v15+s29+$0x0] =	vst.idx.msk $0xffff, v10  }
0xe8: {  	v10 =	vld [tilespmem:s18+$0x0];
	[tilespmem:v17+s29+$0x0] =	vst.idx.msk $0xffff, v16  }
0xe9: {  	v16 =	vor.u32 $0x2, v14;
	v15 =	vld [tilespmem:s18+$0x420];
	[tilespmem:v20+s29+$0x0] =	vst.idx.msk $0xffff, v9  }
0xea: {  	v14 =	vor.u32 $0x6, v14;
	[tilespmem:v23+s29+$0x0] =	vst.idx.msk $0xffff, v18;
	v17 =	vld [tilespmem:s18+$0x4A0]  }
.Ltmp1:
0xeb: {  	[tilespmem:v19+s29+$0x0] =	vst.idx.msk $0xffff, v11;
	v13 =	vld [tilespmem:s18+$0xFFFFFFB0];
	(pc) =	sbr.rel @p0 .LBB2_4-.Ltmp1, $4  }
0xec: {  	[tilespmem:v22+s29+$0x0] =	vst.idx.msk $0xffff, v12;
	v12 =	vld [tilespmem:s18+$0x30]  }
0xed: {  	[tilespmem:v24+s29+$0x0] =	vst.idx.msk $0xffff, v10;
	v11 =	vld [tilespmem:s18+$0x410]  }
0xee: {  	v9 =	vld [tilespmem:s18+$0x490];
	[tilespmem:v16+s29+$0x0] =	vst.idx.msk $0xffff, v15  }
0xef: {  	s24 =	sadd.s32 $0x40, s24;
	v10 =	vld [tilespmem:s18+$0x400];
	[tilespmem:v14+s29+$0x0] =	vst.idx.msk $0xffff, v17  }
0xf0: {  	_ =	sdelay $0x3  }
0xf1: {  	[tilespmem:v8+s29+$0x0] =	vst.idx.msk $0xffff, v13  }
0xf2: {  	v62 =	vld [tilespmem:s18+$0x480];
	[tilespmem:v6+s29+$0x0] =	vst.idx.msk $0xffff, v12  }
0xf3: {  	v6 =	vld [tilespmem:s18+$0x430]  }
0xf4: {  	[tilespmem:v7+s29+$0x0] =	vst.idx.msk $0xffff, v11;
	v63 =	vld [tilespmem:s18+$0x4B0]  }
0xf5: {  	[tilespmem:v4+s29+$0x0] =	vst.idx.msk $0xffff, v9  }
0xf6: {  	[tilespmem:v5+s29+$0x0] =	vst.idx.msk $0xffff, v10  }
0xf7: {  	[tilespmem:v3+s29+$0x0] =	vst.idx.msk $0xffff, v62  }
0xf8: {  	[tilespmem:v2+s29+$0x0] =	vst.idx.msk $0xffff, v6  }
0xf9: {  	[tilespmem:v1+s29+$0x0] =	vst.idx.msk $0xffff, v63  }
0xfa: {  	s12 =	rddreg [dreg:$0x1e]  }
0xfb: {  	s20 =	simm.s32 $0xD80;
	s24 =	rddreg [dreg:$0x1f]  }
0xfc: {  	[tilespmem:s20], [sflag:$0x2] =	stream.linear.gather [hbm4b:s12+s3], $0x400, $0x38;
	[tilespmem:$0x5B00] =	vst v63  }
0xfd: {  	s25 =	simm.s32 $0x1180;
	s26 =	sld [smem:$0x7F2]  }
0xfe: {  	[tilespmem:s25], [sflag:$0x2] =	stream.linear.gather [hbm4b:s24+s3], $0x80, $0x38;
	[tilespmem:$0x5B00] =	vst v63  }
0xff: {  	s28 =	simm.s32 $0x1200;
	s30 =	sld [smem:$0x7F3]  }
0x100: {  	[tilespmem:s28], [sflag:$0x2] =	stream.linear.gather [hbm4b:s26+s3], $0x400, $0x38;
	[tilespmem:$0x5B00] =	vst v63  }
0x101: {  	s31 =	simm.s32 $0x1600;
	s20 =	sld [smem:$0x7F4]  }
0x102: {  	[tilespmem:s31], [sflag:$0x2] =	stream.linear.gather [hbm4b:s30+s3], $0x80, $0x38;
	[tilespmem:$0x5B00] =	vst v63  }
0x103: {  	s24 =	simm.s32 $0x1680;
	s25 =	sld [smem:$0x7F5]  }
0x104: {  	[tilespmem:s24], [sflag:$0x2] =	stream.linear.gather [hbm4b:s20+s3], $0x400, $0x38;
	[tilespmem:$0x5B00] =	vst v63  }
0x105: {  	s26 =	simm.s32 $0x1A80;
	s28 =	sld [smem:$0x7F6]  }
0x106: {  	[tilespmem:s26], [sflag:$0x2] =	stream.linear.gather [hbm4b:s25+s3], $0x80, $0x38;
	[tilespmem:$0x5B00] =	vst v63  }
0x107: {  	s30 =	sld [smem:$0x7F7]  }
0x108: {  	[hbm4b:s28+s3] =	stream.linear.scatter [tilespmem:s29], [sflag:$0x4], $0x400, $0x38;
	[tilespmem:$0x5B00] =	vst v63  }
0x109: {  	s31 =	simm.s32 $0x3F00;
	s20 =	sld [smem:$0x7F8]  }
0x10a: {  	[hbm4b:s30+s3] =	stream.linear.scatter [tilespmem:s31], [sflag:$0x4], $0x400, $0x38;
	[tilespmem:$0x5B00] =	vst v63  }
0x10b: {  	s24 =	simm.s32 $0x4300;
	s25 =	sld [smem:$0x7F9]  }
0x10c: {  	[hbm4b:s20+s3] =	stream.linear.scatter [tilespmem:s24], [sflag:$0x4], $0x400, $0x38;
	[tilespmem:$0x5B00] =	vst v63  }
0x10d: {  	s26 =	sld [smem:$0x7FA]  }
0x10e: {  	[hbm4b:s25+s3] =	stream.linear.scatter [tilespmem:s0], [sflag:$0x4], $0x400, $0x38;
	[tilespmem:$0x5B00] =	vst v63  }
0x10f: {  	s28 =	sld [smem:$0x7FB]  }
0x110: {  	[hbm4b:s26+s3] =	stream.linear.scatter [tilespmem:s1], [sflag:$0x4], $0x400, $0x38;
	[tilespmem:$0x5B00] =	vst v63  }
0x111: {  	s30 =	sld [smem:$0x7FC]  }
0x112: {  	[hbm4b:s28+s3] =	stream.linear.scatter [tilespmem:s7], [sflag:$0x4], $0x400, $0x38;
	[tilespmem:$0x5B00] =	vst v63  }
0x113: {  	s31 =	sld [smem:$0x7FD]  }
0x114: {  	[hbm4b:s30+s3] =	stream.linear.scatter [tilespmem:s8], [sflag:$0x4], $0x400, $0x38;
	[tilespmem:$0x5B00] =	vst v63  }
0x115: {  	s24 =	simm.s32 $0x1  }
0x116: {  	[hbm4b:s31+s3] =	stream.linear.scatter [tilespmem:s9], [sflag:$0x4], $0x400, $0x38;
	[tilespmem:$0x5B00] =	vst v63  }
.LBB2_6:
0x117: {  	_ =	swait.ge [sflag:s23], $0x400  }
0x118: {  	[sflag:s23] =	ssyncset.done $0x0  }
0x119: {  	[sflag:s23] =	ssyncadd.s32 $0xFFFFFC00  }
0x11a: {  	_ =	swait.ge [sflag:s23], $0x80  }
0x11b: {  	[sflag:s23] =	ssyncset.done $0x0  }
0x11c: {  	[sflag:s23] =	ssyncadd.s32 $0xFFFFFF80  }
0x11d: {  	_ =	swait.ge [sflag:s23], $0x400  }
0x11e: {  	[sflag:s23] =	ssyncset.done $0x0  }
0x11f: {  	[sflag:s23] =	ssyncadd.s32 $0xFFFFFC00  }
0x120: {  	_ =	swait.ge [sflag:s23], $0x80  }
0x121: {  	[sflag:s23] =	ssyncset.done $0x0  }
0x122: {  	[sflag:s23] =	ssyncadd.s32 $0xFFFFFF80  }
0x123: {  	_ =	swait.ge [sflag:s23], $0x400  }
0x124: {  	[sflag:s23] =	ssyncset.done $0x0  }
0x125: {  	[sflag:s23] =	ssyncadd.s32 $0xFFFFFC00  }
0x126: {  	_ =	swait.ge [sflag:s23], $0x80  }
0x127: {  	[sflag:s23] =	ssyncset.done $0x0  }
0x128: {  	[sflag:s23] =	ssyncadd.s32 $0xFFFFFF80  }
0x129: {  	_ =	swait.ge [sflag:s11], $0x400  }
0x12a: {  	[sflag:s11] =	ssyncset.done $0x0  }
0x12b: {  	[sflag:s11] =	ssyncadd.s32 $0xFFFFFC00  }
0x12c: {  	_ =	swait.ge [sflag:s11], $0x400  }
0x12d: {  	[sflag:s11] =	ssyncset.done $0x0  }
0x12e: {  	[sflag:s11] =	ssyncadd.s32 $0xFFFFFC00  }
0x12f: {  	_ =	swait.ge [sflag:s11], $0x400  }
0x130: {  	[sflag:s11] =	ssyncset.done $0x0  }
0x131: {  	[sflag:s11] =	ssyncadd.s32 $0xFFFFFC00  }
0x132: {  	_ =	swait.ge [sflag:s11], $0x400  }
0x133: {  	[sflag:s11] =	ssyncset.done $0x0  }
0x134: {  	[sflag:s11] =	ssyncadd.s32 $0xFFFFFC00  }
0x135: {  	_ =	swait.ge [sflag:s11], $0x400  }
0x136: {  	[sflag:s11] =	ssyncset.done $0x0  }
0x137: {  	[sflag:s11] =	ssyncadd.s32 $0xFFFFFC00  }
0x138: {  	_ =	swait.ge [sflag:s11], $0x400  }
0x139: {  	[sflag:s11] =	ssyncset.done $0x0  }
0x13a: {  	[sflag:s11] =	ssyncadd.s32 $0xFFFFFC00  }
0x13b: {  	_ =	swait.ge [sflag:s11], $0x400  }
0x13c: {  	[sflag:s11] =	ssyncset.done $0x0  }
0x13d: {  	s12 =	simm.s32 $0x20;
	[sflag:s11] =	ssyncadd.s32 $0xFFFFFC00  }
0x13e: {  	v1 =	vmov s12;
	_ =	swait.ge [sflag:s11], $0x400  }
0x13f: {  	v1 =	vshll.u32 v1, $0x3;
	[sflag:s11] =	ssyncset.done $0x0  }
0x140: {  	s28 =	simm.s32 $0x0;
	s18 =	simm.s32 $0x500;
	v1 =	vor.u32 v0, v1;
	[sflag:s11] =	ssyncadd.s32 $0xFFFFFC00  }
0x141: {  	s30 =	simm.s32 $0x10;
	v2 =	vmov s28;
	v1 =	vand.u32 $0x7FFFFF78, v1;
	v3 =	vld [tilespmem:s18+$0xFFFFFB20]  }
0x142: {  	v4 =	vmov s30;
	v2 =	vshll.u32 v2, $0x3;
	v6 =	vor.u32 $0x4, v1;
	v5 =	vld [tilespmem:s18+$0xFFFFFBA0]  }
0x143: {  	v4 =	vshll.u32 v4, $0x3;
	v9 =	vor.u32 v0, v2;
	v2 =	vld [tilespmem:s18+$0xFFFFFB00]  }
0x144: {  	s31 =	simm.s32 $0x30;
	v4 =	vor.u32 v0, v4;
	v7 =	vor.u32 $0x4, v9;
	v8 =	vld [tilespmem:s18+$0xFFFFFB80]  }
0x145: {  	v10 =	vmov s31;
	v4 =	vand.u32 $0x7FFFFEF8, v4;
	v11 =	vld [tilespmem:s18+$0xFFFFFB10]  }
0x146: {  	v10 =	vshll.u32 v10, $0x3;
	v12 =	vor.u32 $0x4, v4;
	v13 =	vld [tilespmem:s18+$0xFFFFFB90];
	[tilespmem:v1+s14+$0x0] =	vst.idx.msk $0xffff, v3  }
0x147: {  	v3 =	vor.u32 v0, v10;
	[tilespmem:v6+s14+$0x0] =	vst.idx.msk $0xffff, v5;
	v5 =	vld [tilespmem:s18+$0xFFFFFB30]  }
0x148: {  	[tilespmem:v9+s14+$0x0] =	vst.idx.msk $0xffff, v2;
	v6 =	vor.u32 $0x1, v1;
	v2 =	vld [tilespmem:s18+$0xFFFFFFA0]  }
0x149: {  	[tilespmem:v7+s14+$0x0] =	vst.idx.msk $0xffff, v8;
	v8 =	vor.u32 $0x5, v1;
	v7 =	vld [tilespmem:s18+$0x20]  }
0x14a: {  	[tilespmem:v4+s14+$0x0] =	vst.idx.msk $0xffff, v11;
	v11 =	vld [tilespmem:s18+$0xFFFFFBB0];
	v10 =	vor.u32 $0x4, v3  }
0x14b: {  	v14 =	vor.u32 $0x1, v9;
	[tilespmem:v12+s14+$0x0] =	vst.idx.msk $0xffff, v13;
	v15 =	vld [tilespmem:s18+$0xFFFFFF80]  }
0x14c: {  	v12 =	vor.u32 $0x1, v4;
	v13 =	vld [tilespmem:s18+$0xFFFFFF90];
	[tilespmem:v3+s14+$0x0] =	vst.idx.msk $0xffff, v5  }
0x14d: {  	v16 =	vld [tilespmem:s18+$0x10];
	v5 =	vor.u32 $0x5, v4;
	[tilespmem:v6+s14+$0x0] =	vst.idx.msk $0xffff, v2  }
0x14e: {  	v17 =	vld [tilespmem:s18+$0x0];
	v2 =	vor.u32 $0x5, v9;
	[tilespmem:v8+s14+$0x0] =	vst.idx.msk $0xffff, v7  }
0x14f: {  	v19 =	vor.u32 $0x2, v1;
	[tilespmem:v10+s14+$0x0] =	vst.idx.msk $0xffff, v11;
	v18 =	vld [tilespmem:s18+$0x420]  }
0x150: {  	[tilespmem:v14+s14+$0x0] =	vst.idx.msk $0xffff, v15;
	v15 =	vor.u32 $0x6, v1;
	v14 =	vld [tilespmem:s18+$0x4A0]  }
0x151: {  	[tilespmem:v12+s14+$0x0] =	vst.idx.msk $0xffff, v13;
	v13 =	vld [tilespmem:s18+$0xFFFFFFB0];
	v8 =	vor.u32 $0x1, v3  }
0x152: {  	v6 =	vor.u32 $0x5, v3;
	v12 =	vld [tilespmem:s18+$0x30];
	[tilespmem:v5+s14+$0x0] =	vst.idx.msk $0xffff, v16  }
0x153: {  	v7 =	vor.u32 $0x2, v4;
	[tilespmem:v2+s14+$0x0] =	vst.idx.msk $0xffff, v17;
	v11 =	vld [tilespmem:s18+$0x410]  }
0x154: {  	v1 =	vor.u32 $0x6, v3;
	v4 =	vor.u32 $0x6, v4;
	v10 =	vld [tilespmem:s18+$0x490];
	[tilespmem:v19+s14+$0x0] =	vst.idx.msk $0xffff, v18  }
0x155: {  	s25 =	simm.s32 $0x40;
	s12 =	simm.s32 $0x0;
	v5 =	vor.u32 $0x2, v9;
	v2 =	vor.u32 $0x2, v3;
	v3 =	vor.u32 $0x6, v9;
	v9 =	vld [tilespmem:s18+$0x400];
	[tilespmem:v15+s14+$0x0] =	vst.idx.msk $0xffff, v14  }
.LBB2_7:
0x156: {  	v14 =	vmov s25;
	s20 =	sadd.s32 $0x10, s25;
	s26 =	sadd.s32 $0x20, s25;
	s28 =	sadd.s32 $0x30, s25;
	v15 =	vld [tilespmem:s18+$0x480];
	[tilespmem:v8+s14+$0x0] =	vst.idx.msk $0xffff, v13  }
0x157: {  	v8 =	vmov s20;
	v13 =	vmov s26;
	v16 =	vmov s28;
	[tilespmem:v6+s14+$0x0] =	vst.idx.msk $0xffff, v12  }
0x158: {  	s12 =	sadd.s32 $0x4, s12;
	v6 =	vshll.u32 v8, $0x3;
	v8 =	vshll.u32 v13, $0x3;
	v12 =	vshll.u32 v16, $0x3;
	[tilespmem:v7+s14+$0x0] =	vst.idx.msk $0xffff, v11;
	v7 =	vld [tilespmem:s18+$0x430]  }
0x159: {  	p0 =	slt.u32 s12, $0x3C;
	v11 =	vshll.u32 v14, $0x3;
	v6 =	vor.u32 v0, v6;
	v8 =	vor.u32 v0, v8;
	[tilespmem:v4+s14+$0x0] =	vst.idx.msk $0xffff, v10;
	v4 =	vld [tilespmem:s18+$0x4B0];
	s18 =	sadd.s32 $0x40, s18  }
0x15a: {  	v12 =	vor.u32 v0, v12;
	v10 =	vand.u32 $0x7FFFFEF8, v6;
	v13 =	vld [tilespmem:s18+$0xFFFFFB20];
	v14 =	vand.u32 $0x7FFFFF78, v8;
	[tilespmem:v5+s14+$0x0] =	vst.idx.msk $0xffff, v9  }
0x15b: {  	v9 =	vor.u32 v0, v11;
	v11 =	vor.u32 $0x4, v10;
	v16 =	vld [tilespmem:s18+$0xFFFFFBA0];
	v17 =	vor.u32 $0x4, v14;
	[tilespmem:v3+s14+$0x0] =	vst.idx.msk $0xffff, v15  }
0x15c: {  	v20 =	vor.u32 $0x4, v12;
	v18 =	vor.u32 $0x4, v9;
	v19 =	vor.u32 $0x1, v10;
	v15 =	vld [tilespmem:s18+$0xFFFFFB00]  }
0x15d: {  	v8 =	vor.u32 $0x1, v12;
	v6 =	vor.u32 $0x5, v12;
	v22 =	vor.u32 $0x5, v10;
	v21 =	vld [tilespmem:s18+$0xFFFFFB80];
	[tilespmem:v2+s14+$0x0] =	vst.idx.msk $0xffff, v7  }
0x15e: {  	v23 =	vor.u32 $0x1, v9;
	v24 =	vor.u32 $0x5, v9;
	v7 =	vor.u32 $0x2, v10;
	v25 =	vld [tilespmem:s18+$0xFFFFFB10];
	[tilespmem:v1+s14+$0x0] =	vst.idx.msk $0xffff, v4  }
0x15f: {  	v2 =	vor.u32 $0x2, v12;
	v4 =	vor.u32 $0x6, v10;
	v1 =	vor.u32 $0x6, v12;
	v26 =	vld [tilespmem:s18+$0xFFFFFB90];
	[tilespmem:v14+s14+$0x0] =	vst.idx.msk $0xffff, v13  }
0x160: {  	v5 =	vor.u32 $0x2, v9;
	v3 =	vor.u32 $0x6, v9;
	[tilespmem:v17+s14+$0x0] =	vst.idx.msk $0xffff, v16;
	v13 =	vld [tilespmem:s18+$0xFFFFFB30]  }
0x161: {  	[tilespmem:v9+s14+$0x0] =	vst.idx.msk $0xffff, v15;
	v9 =	vld [tilespmem:s18+$0xFFFFFFA0];
	v15 =	vor.u32 $0x1, v14  }
0x162: {  	v17 =	vor.u32 $0x5, v14;
	[tilespmem:v18+s14+$0x0] =	vst.idx.msk $0xffff, v21;
	v16 =	vld [tilespmem:s18+$0x20]  }
0x163: {  	[tilespmem:v10+s14+$0x0] =	vst.idx.msk $0xffff, v25;
	v10 =	vld [tilespmem:s18+$0xFFFFFBB0]  }
0x164: {  	v18 =	vld [tilespmem:s18+$0xFFFFFF80];
	[tilespmem:v11+s14+$0x0] =	vst.idx.msk $0xffff, v26  }
0x165: {  	v11 =	vld [tilespmem:s18+$0xFFFFFF90];
	[tilespmem:v12+s14+$0x0] =	vst.idx.msk $0xffff, v13  }
0x166: {  	v12 =	vld [tilespmem:s18+$0x10];
	[tilespmem:v15+s14+$0x0] =	vst.idx.msk $0xffff, v9  }
0x167: {  	v9 =	vld [tilespmem:s18+$0x0];
	[tilespmem:v17+s14+$0x0] =	vst.idx.msk $0xffff, v16  }
0x168: {  	v16 =	vor.u32 $0x2, v14;
	v15 =	vld [tilespmem:s18+$0x420];
	[tilespmem:v20+s14+$0x0] =	vst.idx.msk $0xffff, v10  }
0x169: {  	v14 =	vor.u32 $0x6, v14;
	[tilespmem:v23+s14+$0x0] =	vst.idx.msk $0xffff, v18;
	v17 =	vld [tilespmem:s18+$0x4A0]  }
.Ltmp2:
0x16a: {  	[tilespmem:v19+s14+$0x0] =	vst.idx.msk $0xffff, v11;
	v13 =	vld [tilespmem:s18+$0xFFFFFFB0];
	(pc) =	sbr.rel @p0 .LBB2_7-.Ltmp2, $4  }
0x16b: {  	[tilespmem:v22+s14+$0x0] =	vst.idx.msk $0xffff, v12;
	v12 =	vld [tilespmem:s18+$0x30]  }
0x16c: {  	[tilespmem:v24+s14+$0x0] =	vst.idx.msk $0xffff, v9;
	v11 =	vld [tilespmem:s18+$0x410]  }
0x16d: {  	v10 =	vld [tilespmem:s18+$0x490];
	[tilespmem:v16+s14+$0x0] =	vst.idx.msk $0xffff, v15  }
0x16e: {  	s25 =	sadd.s32 $0x40, s25;
	v9 =	vld [tilespmem:s18+$0x400];
	[tilespmem:v14+s14+$0x0] =	vst.idx.msk $0xffff, v17  }
0x16f: {  	_ =	sdelay $0x3  }
0x170: {  	[tilespmem:v8+s14+$0x0] =	vst.idx.msk $0xffff, v13  }
0x171: {  	v8 =	vld [tilespmem:s18+$0x480];
	[tilespmem:v6+s14+$0x0] =	vst.idx.msk $0xffff, v12  }
0x172: {  	v6 =	vld [tilespmem:s18+$0x430]  }
0x173: {  	s12 =	sshll.u32 s24, $0x1;
	[tilespmem:v7+s14+$0x0] =	vst.idx.msk $0xffff, v11;
	v7 =	vld [tilespmem:s18+$0x4B0]  }
0x174: {  	p0 =	seq.s32 s24, $0x3F;
	s18 =	sadd.s32 s6, s12;
	[tilespmem:v4+s14+$0x0] =	vst.idx.msk $0xffff, v10  }
0x175: {  	p1 =	slt.u32 @!p0 s18, $0xFEE;
	[tilespmem:v5+s14+$0x0] =	vst.idx.msk $0xffff, v9  }
0x176: {  	s12 =	sadd.s32 @!p0 $0x2, s18;
	s20 =	sadd.s32 @!p0 $0x12, s18;
	p1 =	por !p1, p0;
	[tilespmem:v3+s14+$0x0] =	vst.idx.msk $0xffff, v8  }
0x177: {  	s20 =	smov.u32 @p1 s12;
	s12 =	sshll.u32 @!p0 s12, $0x7;
	[tilespmem:v2+s14+$0x0] =	vst.idx.msk $0xffff, v6  }
0x178: {  	s26 =	simm.s32 @!p0 $0x0;
	s20 =	sshll.u32 @!p0 s20, $0xA;
	s25 =	sadd.s32 @!p0 s2, s12;
	[tilespmem:v1+s14+$0x0] =	vst.idx.msk $0xffff, v7  }
0x179: {  	[tilespmem:s26], [sflag:$0x1] =	stream.linear.gather @!p0 [hbm4b:s25+s26], $0x400, $0x38;
	[tilespmem:$0x5B00] =	vst v63  }
0x17a: {  	s12 =	sand.u32 @!p0 $0x1FFFFF80, s12;
	s25 =	sshrl.u32 @!p0 s20, $0x3  }
0x17b: {  	s28 =	simm.s32 @!p0 $0x400;
	s12 =	sadd.s32 @!p0 s2, s12;
	s25 =	sadd.s32 @!p0 s2, s25  }
0x17c: {  	[tilespmem:s28], [sflag:$0x1] =	stream.linear.gather @!p0 [hbm4b:s25+s26], $0x80, $0x38;
	[tilespmem:$0x5B00] =	vst v63  }
0x17d: {  	s25 =	sadd.s32 @!p0 $0x80000, s12;
	s28 =	simm.s32 @!p0 $0x480  }
0x17e: {  	[tilespmem:s28], [sflag:$0x1] =	stream.linear.gather @!p0 [hbm4b:s25+s26], $0x400, $0x38;
	[tilespmem:$0x5B00] =	vst v63  }
0x17f: {  	s25 =	sadd.s32 @!p0 $0x400000, s20  }
0x180: {  	s25 =	sshrl.u32 @!p0 s25, $0x3  }
0x181: {  	s28 =	simm.s32 @!p0 $0x880;
	s25 =	sadd.s32 @!p0 s2, s25  }
0x182: {  	[tilespmem:s28], [sflag:$0x1] =	stream.linear.gather @!p0 [hbm4b:s25+s26], $0x80, $0x38;
	[tilespmem:$0x5B00] =	vst v63  }
0x183: {  	s12 =	sadd.s32 @!p0 $0x100000, s12;
	s25 =	simm.s32 @!p0 $0x900  }
0x184: {  	[tilespmem:s25], [sflag:$0x1] =	stream.linear.gather @!p0 [hbm4b:s12+s26], $0x400, $0x38;
	[tilespmem:$0x5B00] =	vst v63  }
0x185: {  	s12 =	sadd.s32 @!p0 $0x800000, s20  }
0x186: {  	s12 =	sshrl.u32 @!p0 s12, $0x3  }
0x187: {  	s20 =	simm.s32 @!p0 $0xD00;
	s12 =	sadd.s32 @!p0 s2, s12  }
0x188: {  	[tilespmem:s20], [sflag:$0x1] =	stream.linear.gather @!p0 [hbm4b:s12+s26], $0x80, $0x38;
	[tilespmem:$0x5B00] =	vst v63  }
0x189: {  	s12 =	sshll.u32 s24, $0xB;
	s26 =	sshll.u32 s18, $0xD  }
0x18a: {  	s28 =	sand.u32 $0x3800, s12;
	s26 =	sand.u32 $0x7FFE0000, s26  }
0x18b: {  	s20 =	sor.u32 s28, s26  }
0x18c: {  	s25 =	sshrl.u32 s20, $0x3  }
0x18d: {  	s20 =	simm.s32 $0x0;
	s30 =	sadd.s32 s4, s25  }
0x18e: {  	[hbm4b:s30+s20] =	stream.linear.scatter [tilespmem:s14], [sflag:$0x3], $0x400, $0x38;
	[tilespmem:$0x5B00] =	vst v63  }
0x18f: {  	s31 =	sadd.s32 s25, s10;
	s30 =	simm.s32 $0x1F00  }
0x190: {  	[hbm4b:s31+s20] =	stream.linear.scatter [tilespmem:s30], [sflag:$0x3], $0x400, $0x38;
	[tilespmem:$0x5B00] =	vst v63  }
0x191: {  	s28 =	sadd.s32 s25, s13;
	s31 =	simm.s32 $0x2300  }
0x192: {  	[hbm4b:s28+s20] =	stream.linear.scatter [tilespmem:s31], [sflag:$0x3], $0x400, $0x38;
	[tilespmem:$0x5B00] =	vst v63  }
0x193: {  	s28 =	sadd.s32 s25, s15;
	s31 =	simm.s32 $0x2700  }
0x194: {  	[hbm4b:s28+s20] =	stream.linear.scatter [tilespmem:s31], [sflag:$0x3], $0x400, $0x38;
	[tilespmem:$0x5B00] =	vst v63  }
0x195: {  	s12 =	sor.u32 s12, s26;
	s28 =	sadd.s32 s25, s16;
	s31 =	simm.s32 $0x2B00  }
0x196: {  	[hbm4b:s28+s20] =	stream.linear.scatter [tilespmem:s31], [sflag:$0x3], $0x400, $0x38;
	[tilespmem:$0x5B00] =	vst v63  }
0x197: {  	s12 =	sshrl.u32 s12, $0x3;
	s28 =	sadd.s32 s25, s19;
	s31 =	simm.s32 $0x2F00  }
0x198: {  	[hbm4b:s28+s20] =	stream.linear.scatter [tilespmem:s31], [sflag:$0x3], $0x400, $0x38;
	[tilespmem:$0x5B00] =	vst v63  }
0x199: {  	s12 =	sor.u32 $0x3800, s12;
	s28 =	sadd.s32 s25, s21;
	s31 =	simm.s32 $0x3300  }
0x19a: {  	[hbm4b:s28+s20] =	stream.linear.scatter [tilespmem:s31], [sflag:$0x3], $0x400, $0x38;
	[tilespmem:$0x5B00] =	vst v63  }
0x19b: {  	s12 =	sadd.s32 s4, s12;
	s31 =	simm.s32 $0x3700  }
0x19c: {  	[hbm4b:s12+s20] =	stream.linear.scatter [tilespmem:s31], [sflag:$0x3], $0x400, $0x38;
	[tilespmem:$0x5B00] =	vst v63  }
0x19d: {  	_ =	swait.ge [sflag:s17], $0x400  }
0x19e: {  	[sflag:s17] =	ssyncset.done $0x0  }
0x19f: {  	[sflag:s17] =	ssyncadd.s32 $0xFFFFFC00  }
0x1a0: {  	_ =	swait.ge [sflag:s17], $0x80  }
0x1a1: {  	[sflag:s17] =	ssyncset.done $0x0  }
0x1a2: {  	[sflag:s17] =	ssyncadd.s32 $0xFFFFFF80  }
0x1a3: {  	_ =	swait.ge [sflag:s17], $0x400  }
0x1a4: {  	[sflag:s17] =	ssyncset.done $0x0  }
0x1a5: {  	[sflag:s17] =	ssyncadd.s32 $0xFFFFFC00  }
0x1a6: {  	_ =	swait.ge [sflag:s17], $0x80  }
0x1a7: {  	[sflag:s17] =	ssyncset.done $0x0  }
0x1a8: {  	[sflag:s17] =	ssyncadd.s32 $0xFFFFFF80  }
0x1a9: {  	_ =	swait.ge [sflag:s17], $0x400  }
0x1aa: {  	[sflag:s17] =	ssyncset.done $0x0  }
0x1ab: {  	[sflag:s17] =	ssyncadd.s32 $0xFFFFFC00  }
0x1ac: {  	_ =	swait.ge [sflag:s17], $0x80  }
0x1ad: {  	[sflag:s17] =	ssyncset.done $0x0  }
0x1ae: {  	[sflag:s17] =	ssyncadd.s32 $0xFFFFFF80  }
0x1af: {  	_ =	swait.ge [sflag:s5], $0x400  }
0x1b0: {  	[sflag:s5] =	ssyncset.done $0x0  }
0x1b1: {  	[sflag:s5] =	ssyncadd.s32 $0xFFFFFC00  }
0x1b2: {  	_ =	swait.ge [sflag:s5], $0x400  }
0x1b3: {  	[sflag:s5] =	ssyncset.done $0x0  }
0x1b4: {  	[sflag:s5] =	ssyncadd.s32 $0xFFFFFC00  }
0x1b5: {  	_ =	swait.ge [sflag:s5], $0x400  }
0x1b6: {  	[sflag:s5] =	ssyncset.done $0x0  }
0x1b7: {  	[sflag:s5] =	ssyncadd.s32 $0xFFFFFC00  }
0x1b8: {  	_ =	swait.ge [sflag:s5], $0x400  }
0x1b9: {  	[sflag:s5] =	ssyncset.done $0x0  }
0x1ba: {  	[sflag:s5] =	ssyncadd.s32 $0xFFFFFC00  }
0x1bb: {  	_ =	swait.ge [sflag:s5], $0x400  }
0x1bc: {  	[sflag:s5] =	ssyncset.done $0x0  }
0x1bd: {  	[sflag:s5] =	ssyncadd.s32 $0xFFFFFC00  }
0x1be: {  	_ =	swait.ge [sflag:s5], $0x400  }
0x1bf: {  	[sflag:s5] =	ssyncset.done $0x0  }
0x1c0: {  	[sflag:s5] =	ssyncadd.s32 $0xFFFFFC00  }
0x1c1: {  	_ =	swait.ge [sflag:s5], $0x400  }
0x1c2: {  	[sflag:s5] =	ssyncset.done $0x0  }
0x1c3: {  	s28 =	simm.s32 $0x20;
	[sflag:s5] =	ssyncadd.s32 $0xFFFFFC00  }
0x1c4: {  	v1 =	vmov s28;
	_ =	swait.ge [sflag:s5], $0x400  }
0x1c5: {  	v1 =	vshll.u32 v1, $0x3;
	[sflag:s5] =	ssyncset.done $0x0  }
0x1c6: {  	s12 =	simm.s32 $0x1280;
	v1 =	vor.u32 v0, v1;
	[sflag:s5] =	ssyncadd.s32 $0xFFFFFC00  }
0x1c7: {  	v2 =	vmov s20;
	s30 =	simm.s32 $0x10;
	v1 =	vand.u32 $0x7FFFFF78, v1;
	v3 =	vld [tilespmem:s12+$0xFFFFFB20]  }
0x1c8: {  	v2 =	vshll.u32 v2, $0x3;
	v4 =	vmov s30;
	v6 =	vor.u32 $0x4, v1;
	v5 =	vld [tilespmem:s12+$0xFFFFFBA0]  }
0x1c9: {  	v9 =	vor.u32 v0, v2;
	v4 =	vshll.u32 v4, $0x3;
	v2 =	vld [tilespmem:s12+$0xFFFFFB00]  }
0x1ca: {  	v7 =	vor.u32 $0x4, v9;
	v4 =	vor.u32 v0, v4;
	s31 =	simm.s32 $0x30;
	v8 =	vld [tilespmem:s12+$0xFFFFFB80]  }
0x1cb: {  	v4 =	vand.u32 $0x7FFFFEF8, v4;
	v10 =	vmov s31;
	v11 =	vld [tilespmem:s12+$0xFFFFFB10]  }
0x1cc: {  	v12 =	vor.u32 $0x4, v4;
	v10 =	vshll.u32 v10, $0x3;
	v13 =	vld [tilespmem:s12+$0xFFFFFB90];
	[tilespmem:v1+s29+$0x0] =	vst.idx.msk $0xffff, v3  }
0x1cd: {  	v3 =	vor.u32 v0, v10;
	[tilespmem:v6+s29+$0x0] =	vst.idx.msk $0xffff, v5;
	v5 =	vld [tilespmem:s12+$0xFFFFFB30]  }
0x1ce: {  	[tilespmem:v9+s29+$0x0] =	vst.idx.msk $0xffff, v2;
	v6 =	vor.u32 $0x1, v1;
	v2 =	vld [tilespmem:s12+$0xFFFFFFA0]  }
0x1cf: {  	[tilespmem:v7+s29+$0x0] =	vst.idx.msk $0xffff, v8;
	v8 =	vor.u32 $0x5, v1;
	v7 =	vld [tilespmem:s12+$0x20]  }
0x1d0: {  	[tilespmem:v4+s29+$0x0] =	vst.idx.msk $0xffff, v11;
	v11 =	vld [tilespmem:s12+$0xFFFFFBB0];
	v10 =	vor.u32 $0x4, v3  }
0x1d1: {  	v14 =	vor.u32 $0x1, v9;
	[tilespmem:v12+s29+$0x0] =	vst.idx.msk $0xffff, v13;
	v15 =	vld [tilespmem:s12+$0xFFFFFF80]  }
0x1d2: {  	v12 =	vor.u32 $0x1, v4;
	v13 =	vld [tilespmem:s12+$0xFFFFFF90];
	[tilespmem:v3+s29+$0x0] =	vst.idx.msk $0xffff, v5  }
0x1d3: {  	v16 =	vld [tilespmem:s12+$0x10];
	v5 =	vor.u32 $0x5, v4;
	[tilespmem:v6+s29+$0x0] =	vst.idx.msk $0xffff, v2  }
0x1d4: {  	v17 =	vld [tilespmem:s12+$0x0];
	v2 =	vor.u32 $0x5, v9;
	[tilespmem:v8+s29+$0x0] =	vst.idx.msk $0xffff, v7  }
0x1d5: {  	v19 =	vor.u32 $0x2, v1;
	[tilespmem:v10+s29+$0x0] =	vst.idx.msk $0xffff, v11;
	v18 =	vld [tilespmem:s12+$0x420]  }
0x1d6: {  	[tilespmem:v14+s29+$0x0] =	vst.idx.msk $0xffff, v15;
	v15 =	vor.u32 $0x6, v1;
	v14 =	vld [tilespmem:s12+$0x4A0]  }
0x1d7: {  	[tilespmem:v12+s29+$0x0] =	vst.idx.msk $0xffff, v13;
	v13 =	vld [tilespmem:s12+$0xFFFFFFB0];
	v8 =	vor.u32 $0x1, v3  }
0x1d8: {  	v6 =	vor.u32 $0x5, v3;
	v12 =	vld [tilespmem:s12+$0x30];
	[tilespmem:v5+s29+$0x0] =	vst.idx.msk $0xffff, v16  }
0x1d9: {  	v7 =	vor.u32 $0x2, v4;
	[tilespmem:v2+s29+$0x0] =	vst.idx.msk $0xffff, v17;
	v11 =	vld [tilespmem:s12+$0x410]  }
0x1da: {  	v1 =	vor.u32 $0x6, v3;
	v4 =	vor.u32 $0x6, v4;
	v10 =	vld [tilespmem:s12+$0x490];
	[tilespmem:v19+s29+$0x0] =	vst.idx.msk $0xffff, v18  }
0x1db: {  	s26 =	simm.s32 $0x0;
	s20 =	simm.s32 $0x40;
	v5 =	vor.u32 $0x2, v9;
	v2 =	vor.u32 $0x2, v3;
	v3 =	vor.u32 $0x6, v9;
	v9 =	vld [tilespmem:s12+$0x400];
	[tilespmem:v15+s29+$0x0] =	vst.idx.msk $0xffff, v14  }
.LBB2_9:
0x1dc: {  	v14 =	vmov s20;
	s28 =	sadd.s32 $0x10, s20;
	s30 =	sadd.s32 $0x20, s20;
	s31 =	sadd.s32 $0x30, s20;
	v15 =	vld [tilespmem:s12+$0x480];
	[tilespmem:v8+s29+$0x0] =	vst.idx.msk $0xffff, v13  }
0x1dd: {  	v8 =	vmov s28;
	v13 =	vmov s30;
	v16 =	vmov s31;
	[tilespmem:v6+s29+$0x0] =	vst.idx.msk $0xffff, v12  }
0x1de: {  	s26 =	sadd.s32 $0x4, s26;
	v6 =	vshll.u32 v8, $0x3;
	v8 =	vshll.u32 v13, $0x3;
	v12 =	vshll.u32 v16, $0x3;
	[tilespmem:v7+s29+$0x0] =	vst.idx.msk $0xffff, v11;
	v7 =	vld [tilespmem:s12+$0x430]  }
0x1df: {  	p1 =	slt.u32 s26, $0x3C;
	v11 =	vshll.u32 v14, $0x3;
	v6 =	vor.u32 v0, v6;
	v8 =	vor.u32 v0, v8;
	[tilespmem:v4+s29+$0x0] =	vst.idx.msk $0xffff, v10;
	v4 =	vld [tilespmem:s12+$0x4B0];
	s12 =	sadd.s32 $0x40, s12  }
0x1e0: {  	v12 =	vor.u32 v0, v12;
	v10 =	vand.u32 $0x7FFFFEF8, v6;
	v13 =	vld [tilespmem:s12+$0xFFFFFB20];
	v14 =	vand.u32 $0x7FFFFF78, v8;
	[tilespmem:v5+s29+$0x0] =	vst.idx.msk $0xffff, v9  }
0x1e1: {  	v9 =	vor.u32 v0, v11;
	v11 =	vor.u32 $0x4, v10;
	v16 =	vld [tilespmem:s12+$0xFFFFFBA0];
	v17 =	vor.u32 $0x4, v14;
	[tilespmem:v3+s29+$0x0] =	vst.idx.msk $0xffff, v15  }
0x1e2: {  	v20 =	vor.u32 $0x4, v12;
	v18 =	vor.u32 $0x4, v9;
	v19 =	vor.u32 $0x1, v10;
	v15 =	vld [tilespmem:s12+$0xFFFFFB00]  }
0x1e3: {  	v8 =	vor.u32 $0x1, v12;
	v6 =	vor.u32 $0x5, v12;
	v22 =	vor.u32 $0x5, v10;
	v21 =	vld [tilespmem:s12+$0xFFFFFB80];
	[tilespmem:v2+s29+$0x0] =	vst.idx.msk $0xffff, v7  }
0x1e4: {  	v23 =	vor.u32 $0x1, v9;
	v24 =	vor.u32 $0x5, v9;
	v7 =	vor.u32 $0x2, v10;
	v25 =	vld [tilespmem:s12+$0xFFFFFB10];
	[tilespmem:v1+s29+$0x0] =	vst.idx.msk $0xffff, v4  }
0x1e5: {  	v2 =	vor.u32 $0x2, v12;
	v4 =	vor.u32 $0x6, v10;
	v1 =	vor.u32 $0x6, v12;
	v26 =	vld [tilespmem:s12+$0xFFFFFB90];
	[tilespmem:v14+s29+$0x0] =	vst.idx.msk $0xffff, v13  }
0x1e6: {  	v5 =	vor.u32 $0x2, v9;
	v3 =	vor.u32 $0x6, v9;
	[tilespmem:v17+s29+$0x0] =	vst.idx.msk $0xffff, v16;
	v13 =	vld [tilespmem:s12+$0xFFFFFB30]  }
0x1e7: {  	[tilespmem:v9+s29+$0x0] =	vst.idx.msk $0xffff, v15;
	v9 =	vld [tilespmem:s12+$0xFFFFFFA0];
	v15 =	vor.u32 $0x1, v14  }
0x1e8: {  	v17 =	vor.u32 $0x5, v14;
	[tilespmem:v18+s29+$0x0] =	vst.idx.msk $0xffff, v21;
	v16 =	vld [tilespmem:s12+$0x20]  }
0x1e9: {  	[tilespmem:v10+s29+$0x0] =	vst.idx.msk $0xffff, v25;
	v10 =	vld [tilespmem:s12+$0xFFFFFBB0]  }
0x1ea: {  	v18 =	vld [tilespmem:s12+$0xFFFFFF80];
	[tilespmem:v11+s29+$0x0] =	vst.idx.msk $0xffff, v26  }
0x1eb: {  	v11 =	vld [tilespmem:s12+$0xFFFFFF90];
	[tilespmem:v12+s29+$0x0] =	vst.idx.msk $0xffff, v13  }
0x1ec: {  	v12 =	vld [tilespmem:s12+$0x10];
	[tilespmem:v15+s29+$0x0] =	vst.idx.msk $0xffff, v9  }
0x1ed: {  	v9 =	vld [tilespmem:s12+$0x0];
	[tilespmem:v17+s29+$0x0] =	vst.idx.msk $0xffff, v16  }
0x1ee: {  	v16 =	vor.u32 $0x2, v14;
	v15 =	vld [tilespmem:s12+$0x420];
	[tilespmem:v20+s29+$0x0] =	vst.idx.msk $0xffff, v10  }
0x1ef: {  	v14 =	vor.u32 $0x6, v14;
	[tilespmem:v23+s29+$0x0] =	vst.idx.msk $0xffff, v18;
	v17 =	vld [tilespmem:s12+$0x4A0]  }
.Ltmp3:
0x1f0: {  	[tilespmem:v19+s29+$0x0] =	vst.idx.msk $0xffff, v11;
	v13 =	vld [tilespmem:s12+$0xFFFFFFB0];
	(pc) =	sbr.rel @p1 .LBB2_9-.Ltmp3, $4  }
0x1f1: {  	[tilespmem:v22+s29+$0x0] =	vst.idx.msk $0xffff, v12;
	v12 =	vld [tilespmem:s12+$0x30]  }
0x1f2: {  	[tilespmem:v24+s29+$0x0] =	vst.idx.msk $0xffff, v9;
	v11 =	vld [tilespmem:s12+$0x410]  }
0x1f3: {  	v10 =	vld [tilespmem:s12+$0x490];
	[tilespmem:v16+s29+$0x0] =	vst.idx.msk $0xffff, v15  }
0x1f4: {  	s20 =	sadd.s32 $0x40, s20;
	v9 =	vld [tilespmem:s12+$0x400];
	[tilespmem:v14+s29+$0x0] =	vst.idx.msk $0xffff, v17  }
0x1f5: {  	_ =	sdelay $0x3  }
0x1f6: {  	[tilespmem:v8+s29+$0x0] =	vst.idx.msk $0xffff, v13  }
0x1f7: {  	v62 =	vld [tilespmem:s12+$0x480];
	[tilespmem:v6+s29+$0x0] =	vst.idx.msk $0xffff, v12  }
0x1f8: {  	v6 =	vld [tilespmem:s12+$0x430]  }
0x1f9: {  	[tilespmem:v7+s29+$0x0] =	vst.idx.msk $0xffff, v11;
	v63 =	vld [tilespmem:s12+$0x4B0]  }
0x1fa: {  	[tilespmem:v4+s29+$0x0] =	vst.idx.msk $0xffff, v10  }
0x1fb: {  	p1 =	slt.u32 @!p0 s18, $0xFED;
	[tilespmem:v5+s29+$0x0] =	vst.idx.msk $0xffff, v9  }
0x1fc: {  	p1 =	por !p1, p0;
	s12 =	sadd.s32 @!p0 $0x3, s18;
	s18 =	sadd.s32 @!p0 $0x13, s18;
	[tilespmem:v3+s29+$0x0] =	vst.idx.msk $0xffff, v62  }
0x1fd: {  	s26 =	simm.s32 @!p0 $0x0;
	s18 =	smov.u32 @p1 s12;
	s12 =	sshll.u32 @!p0 s12, $0x7;
	[tilespmem:v2+s29+$0x0] =	vst.idx.msk $0xffff, v6  }
0x1fe: {  	s28 =	simm.s32 @!p0 $0xD80;
	s18 =	sshll.u32 @!p0 s18, $0xA;
	s20 =	sadd.s32 @!p0 s2, s12;
	[tilespmem:v1+s29+$0x0] =	vst.idx.msk $0xffff, v63  }
0x1ff: {  	[tilespmem:s28], [sflag:$0x2] =	stream.linear.gather @!p0 [hbm4b:s20+s26], $0x400, $0x38;
	[tilespmem:$0x5B00] =	vst v63  }
0x200: {  	s12 =	sand.u32 @!p0 $0x1FFFFF80, s12;
	s20 =	sshrl.u32 @!p0 s18, $0x3  }
0x201: {  	s12 =	sadd.s32 @!p0 s2, s12;
	s28 =	simm.s32 @!p0 $0x1180;
	s20 =	sadd.s32 @!p0 s2, s20  }
0x202: {  	[tilespmem:s28], [sflag:$0x2] =	stream.linear.gather @!p0 [hbm4b:s20+s26], $0x80, $0x38;
	[tilespmem:$0x5B00] =	vst v63  }
0x203: {  	s20 =	sadd.s32 @!p0 $0x80000, s12;
	s28 =	simm.s32 @!p0 $0x1200  }
0x204: {  	[tilespmem:s28], [sflag:$0x2] =	stream.linear.gather @!p0 [hbm4b:s20+s26], $0x400, $0x38;
	[tilespmem:$0x5B00] =	vst v63  }
0x205: {  	s20 =	sadd.s32 @!p0 $0x400000, s18  }
0x206: {  	s20 =	sshrl.u32 @!p0 s20, $0x3  }
0x207: {  	s28 =	simm.s32 @!p0 $0x1600;
	s20 =	sadd.s32 @!p0 s2, s20  }
0x208: {  	[tilespmem:s28], [sflag:$0x2] =	stream.linear.gather @!p0 [hbm4b:s20+s26], $0x80, $0x38;
	[tilespmem:$0x5B00] =	vst v63  }
0x209: {  	s12 =	sadd.s32 @!p0 $0x100000, s12;
	s20 =	simm.s32 @!p0 $0x1680  }
0x20a: {  	[tilespmem:s20], [sflag:$0x2] =	stream.linear.gather @!p0 [hbm4b:s12+s26], $0x400, $0x38;
	[tilespmem:$0x5B00] =	vst v63  }
0x20b: {  	s12 =	sadd.s32 @!p0 $0x800000, s18  }
0x20c: {  	s12 =	sshrl.u32 @!p0 s12, $0x3  }
0x20d: {  	s18 =	simm.s32 @!p0 $0x1A80;
	s12 =	sadd.s32 @!p0 s2, s12  }
0x20e: {  	[tilespmem:s18], [sflag:$0x2] =	stream.linear.gather @!p0 [hbm4b:s12+s26], $0x80, $0x38;
	[tilespmem:$0x5B00] =	vst v63  }
0x20f: {  	s12 =	sor.u32 $0x80, s25  }
0x210: {  	s28 =	sadd.s32 s4, s12  }
0x211: {  	[hbm4b:s28+s3] =	stream.linear.scatter [tilespmem:s29], [sflag:$0x4], $0x400, $0x38;
	[tilespmem:$0x5B00] =	vst v63  }
0x212: {  	s31 =	simm.s32 $0x3F00;
	s30 =	sadd.s32 s12, s10  }
0x213: {  	[hbm4b:s30+s3] =	stream.linear.scatter [tilespmem:s31], [sflag:$0x4], $0x400, $0x38;
	[tilespmem:$0x5B00] =	vst v63  }
0x214: {  	s25 =	simm.s32 $0x4300;
	s20 =	sadd.s32 s12, s13  }
0x215: {  	[hbm4b:s20+s3] =	stream.linear.scatter [tilespmem:s25], [sflag:$0x4], $0x400, $0x38;
	[tilespmem:$0x5B00] =	vst v63  }
0x216: {  	s26 =	sadd.s32 s12, s15  }
0x217: {  	[hbm4b:s26+s3] =	stream.linear.scatter [tilespmem:s0], [sflag:$0x4], $0x400, $0x38;
	[tilespmem:$0x5B00] =	vst v63  }
0x218: {  	s24 =	sadd.s32 $0x1, s24;
	s28 =	sadd.s32 s12, s16  }
0x219: {  	[hbm4b:s28+s3] =	stream.linear.scatter [tilespmem:s1], [sflag:$0x4], $0x400, $0x38;
	[tilespmem:$0x5B00] =	vst v63  }
0x21a: {  	p0 =	sne.s32 s24, $0x40;
	s30 =	sadd.s32 s12, s19  }
0x21b: {  	[hbm4b:s30+s3] =	stream.linear.scatter [tilespmem:s7], [sflag:$0x4], $0x400, $0x38;
	[tilespmem:$0x5B00] =	vst v63  }
.Ltmp4:
0x21c: {  	_ = 	snop;
	(pc) =	sbr.rel @p0 .LBB2_6-.Ltmp4, $4  }
0x21d: {  	s31 =	sadd.s32 s12, s21  }
0x21e: {  	[hbm4b:s31+s3] =	stream.linear.scatter [tilespmem:s8], [sflag:$0x4], $0x400, $0x38;
	[tilespmem:$0x5B00] =	vst v63  }
0x21f: {  	s12 =	sadd.s32 s12, s22  }
0x220: {  	[hbm4b:s12+s3] =	stream.linear.scatter [tilespmem:s9], [sflag:$0x4], $0x400, $0x38;
	[tilespmem:$0x5B00] =	vst v63  }
0x221: {  	_ =	swait.ge [sflag:s11], $0x400  }
0x222: {  	[sflag:s11] =	ssyncset.done $0x0  }
0x223: {  	[sflag:s11] =	ssyncadd.s32 $0xFFFFFC00  }
0x224: {  	_ =	swait.ge [sflag:s11], $0x400  }
0x225: {  	[sflag:s11] =	ssyncset.done $0x0  }
0x226: {  	[sflag:s11] =	ssyncadd.s32 $0xFFFFFC00  }
0x227: {  	_ =	swait.ge [sflag:s11], $0x400  }
0x228: {  	[sflag:s11] =	ssyncset.done $0x0  }
0x229: {  	[sflag:s11] =	ssyncadd.s32 $0xFFFFFC00  }
0x22a: {  	_ =	swait.ge [sflag:s11], $0x400  }
0x22b: {  	[sflag:s11] =	ssyncset.done $0x0  }
0x22c: {  	[sflag:s11] =	ssyncadd.s32 $0xFFFFFC00  }
0x22d: {  	_ =	swait.ge [sflag:s11], $0x400  }
0x22e: {  	[sflag:s11] =	ssyncset.done $0x0  }
0x22f: {  	[sflag:s11] =	ssyncadd.s32 $0xFFFFFC00  }
0x230: {  	_ =	swait.ge [sflag:s11], $0x400  }
0x231: {  	[sflag:s11] =	ssyncset.done $0x0  }
0x232: {  	[sflag:s11] =	ssyncadd.s32 $0xFFFFFC00  }
0x233: {  	_ =	swait.ge [sflag:s11], $0x400  }
0x234: {  	[sflag:s11] =	ssyncset.done $0x0  }
0x235: {  	[sflag:s11] =	ssyncadd.s32 $0xFFFFFC00  }
0x236: {  	_ =	swait.ge [sflag:s11], $0x400  }
0x237: {  	[sflag:s11] =	ssyncset.done $0x0  }
0x238: {  	[sflag:s11] =	ssyncadd.s32 $0xFFFFFC00  }
0x239: {  	_ =	swait.ge [sflag:s5], $0x400  }
0x23a: {  	[sflag:s5] =	ssyncset.done $0x0  }
0x23b: {  	[sflag:s5] =	ssyncadd.s32 $0xFFFFFC00  }
0x23c: {  	_ =	swait.ge [sflag:s5], $0x400  }
0x23d: {  	[sflag:s5] =	ssyncset.done $0x0  }
0x23e: {  	[sflag:s5] =	ssyncadd.s32 $0xFFFFFC00  }
0x23f: {  	_ =	swait.ge [sflag:s5], $0x400  }
0x240: {  	[sflag:s5] =	ssyncset.done $0x0  }
0x241: {  	[sflag:s5] =	ssyncadd.s32 $0xFFFFFC00  }
0x242: {  	_ =	swait.ge [sflag:s5], $0x400  }
0x243: {  	[sflag:s5] =	ssyncset.done $0x0  }
0x244: {  	[sflag:s5] =	ssyncadd.s32 $0xFFFFFC00  }
0x245: {  	_ =	swait.ge [sflag:s5], $0x400  }
0x246: {  	[sflag:s5] =	ssyncset.done $0x0  }
0x247: {  	[sflag:s5] =	ssyncadd.s32 $0xFFFFFC00  }
0x248: {  	_ =	swait.ge [sflag:s5], $0x400  }
0x249: {  	[sflag:s5] =	ssyncset.done $0x0  }
0x24a: {  	[sflag:s5] =	ssyncadd.s32 $0xFFFFFC00  }
0x24b: {  	_ =	swait.ge [sflag:s5], $0x400  }
0x24c: {  	[sflag:s5] =	ssyncset.done $0x0  }
0x24d: {  	[sflag:s5] =	ssyncadd.s32 $0xFFFFFC00  }
0x24e: {  	_ =	swait.ge [sflag:s5], $0x400  }
0x24f: {  	s18 =	sld [smem:$0x7F1];
	_ =	sdelay $0x2  }
0x250: {  	s12 =	rddreg [dreg:$0xf];
	s18 =	sadd.s32 $0x1, s18  }
0x251: {  	p0 =	sne.s32 s18, s12  }
.Ltmp5:
0x252: {  	_ = 	snop;
	(pc) =	sbr.rel @p0 .LBB2_1-.Ltmp5, $3  }
0x253: {  	_ =	sdelay $0x1  }
0x254: {  	s28 =	simm.s32 $0x400;
	[sflag:s5] =	ssyncset.done $0x0  }
0x255: {  	s30 =	simm.s32 $0x480;
	s31 =	simm.s32 $0x880;
	[sflag:s5] =	ssyncadd.s32 $0xFFFFFC00  }
0x256: {  	_ =	sfence.sel $0x180000  }
0x257: {  	[bflag:$0x0] =	sbarrier.arrive $0xFFFF  }
0x258: {  	_ =	strace $0x90000047  }
0x259: {  	s0 =	stileid.u32;
	[bflag:$0x2] =	sbarrier.arrive $0xFFFF  }
0x25a: {  	p0 =	sne.s32 s0, $0x0;
	s0 =	rddreg [dreg:$0x2]  }
0x25b: {  	s0 =	sadd.s32 @!p0 $0x100000, s0  }
0x25c: {  	[sflag:s0] =	ssyncadd.tile.s32 @!p0 $0x1;
	_ =	shalt  }
.Lfunc_end2:
_tile_overlayer_lowered:
.L_overlay_start_2:
0x25d: {  	(tag) =	ssettag $0x2  }
0x25e: {  	s0 =	rddreg [dreg:$0x0];
	s2 =	stileid.u32  }
0x25f: {  	s1 =	rddreg [dreg:$0x1];
	p0 =	sne.s32 s2, $0x0  }
0x260: {  	s3 =	rddreg [dreg:$0x2];
	[bflag:$0x3] =	sbarrier.arrive $0xFFFF;
	s2 =	simm.s32 @!p0 $0x1C05  }
0x261: {  	[timem:s3], [sflag:s2] =	dma.local @!p0 [hbm:s0], s1  }
0x262: {  	s0 =	simm.s32 @!p0 $0x5  }
0x263: {  	_ =	swait.ge @!p0 [sflag:s0], s1  }
0x264: {  	s1 =	ssub.s32 @!p0 $0x0, s1;
	[sflag:s0] =	ssyncset.done @!p0 $0x0  }
0x265: {  	[sflag:s0] =	ssyncadd.s32 @!p0 s1  }
0x266: {  	[bflag:$0x3] =	sbarrier.arrive $0xFFFF  }
0x267: {  	_ =	shalt  }

// kernel: kernel.7.cloned.1.call-start
scs
__scs_entry_jumppad:
0x0: {  	(pc) =	sbr.rel $0x88, $3  }
0x1: {  	(tag) =	ssettag $0x0;
	lr =	simm.s32 $0x1  }
0x2: {  	[smem:$0x3F9F] =	sst lr;
	_ =	strace $0xD0000000  }
0x3: {  	_ = 	snop  }
0x4: {  	_ = 	snop  }
0x5: {  	_ = 	snop  }
0x6: {  	_ = 	snop  }
0x7: {  	_ = 	snop  }
__scs_overlays_trampoline_lowered:
0x8: {  	[smem:$0x3FAE] =	sst s0  }
0x9: {  	[smem:$0x3FAF] =	sst s1  }
0xa: {  	[smem:$0x3FB0] =	sst s2  }
0xb: {  	[smem:$0x3FB1] =	sst s3  }
0xc: {  	[smem:$0x3FB2] =	sst s4  }
0xd: {  	[smem:$0x3FB3] =	sst s5  }
0xe: {  	[smem:$0x3FB4] =	sst s6  }
0xf: {  	[smem:$0x3FB5] =	sst s7  }
0x10: {  	[smem:$0x3FB6] =	sst s8  }
0x11: {  	[smem:$0x3FB7] =	sst s9;
	s0 =	simm.s32 @!p0 $0x0  }
0x12: {  	s1 =	sld [smem:$0x3F9D];
	s0 =	simm.s32 @p0 $0x1  }
0x13: {  	[smem:$0x3FB8] =	sst s0;
	s0 =	simm.s32 @!p1 $0x0  }
0x14: {  	s2 =	sld [smem:$0x3F9C];
	s0 =	simm.s32 @p1 $0x1  }
0x15: {  	[smem:$0x3FB9] =	sst s0;
	s0 =	simm.s32 @!p2 $0x0  }
0x16: {  	s3 =	sld [smem:$0x3FDB];
	s0 =	simm.s32 @p2 $0x1  }
0x17: {  	s4 =	simm.s32 $0x1BF5;
	[smem:$0x3FBB] =	sst s0  }
0x18: {  	s0 =	sld [smem:$0x3F9E];
	_ =	swait.ge [sflag:s4], $0x0  }
0x19: {  	s7 =	sld [smem:$0x3F9F]  }
0x1a: {  	s8 =	sadd.s32 $0xFFFFE003, lr  }
0x1b: {  	s9 =	sadd.s32 $0xFFFFFEF7, lr;
	s5 =	simm.s32 $0xFFFFFFFF;
	p2 =	slt.u32 s8, $0xFFFFF086  }
0x1c: {  	p1 =	slt.u32 s9, $0xF7A;
	s5 =	simm.s32 @!p2 $0x0  }
0x1d: {  	s5 =	simm.s32 @p1 $0x1;
	p0 =	seq.s32 s7, s2  }
0x1e: {  	s7 =	smul.u32 @!p0 $0xF7A, s2;
	p2 =	seq.s32 @!p0 s5, $0x0  }
0x1f: {  	s9 =	smul.u32 $0xF7A, s1;
	s8 =	simm.s32 @!p0 $0x1BF5;
	p2 =	por !p2, p0  }
0x20: {  	[sflag:s8] =	ssyncset.s32 @!p0 $0xFFFFF086;
	s6 =	sadd.s32 @!p0 s3, s7;
	s7 =	simm.s32 @!p0 $0x108  }
0x21: {  	s3 =	sadd.s32 s3, s9;
	s6 =	sadd.s32 @!p0 $0x88, s6;
	s7 =	simm.s32 @p2 $0x1082  }
0x22: {  	[simem:s7], [sflag:s8] =	dma.local @!p0 [hbm:s6], $0xF7A  }
0x23: {  	s9 =	sor.u32 $0xD0000000, s2;
	s6 =	simm.s32 $0x108;
	_ =	swait.ge @!p0 [sflag:s8], $0x0  }
0x24: {  	s3 =	sadd.s32 $0x88, s3;
	s6 =	simm.s32 @!p1 $0x1082;
	[sflag:s4] =	ssyncset.s32 $0xFFFFF086  }
0x25: {  	[simem:s6], [sflag:s4] =	dma.local [hbm:s3], $0xF7A  }
0x26: {  	[smem:$0x3F9F] =	sst s1;
	(tag) =	ssettag s2;
	_ =	strace s9  }
0x27: {  	s1 =	sld [smem:$0x3FAF]  }
0x28: {  	s2 =	sld [smem:$0x3FB0]  }
0x29: {  	s4 =	sld [smem:$0x3FB2]  }
0x2a: {  	p0 =	seq.s32 s5, $0x0;
	s5 =	sld [smem:$0x3FB3]  }
0x2b: {  	s6 =	sld [smem:$0x3FB4]  }
0x2c: {  	s7 =	sld [smem:$0x3FB5]  }
0x2d: {  	s3 =	simm.s32 $0x108;
	s8 =	sld [smem:$0x3FB6]  }
0x2e: {  	s3 =	simm.s32 @!p0 $0x1082;
	s9 =	sld [smem:$0x3FB7]  }
0x2f: {  	lr =	sadd.s32 s0, s3;
	s0 =	sld [smem:$0x3FAE]  }
0x30: {  	s3 =	sld [smem:$0x3FB1]  }
0x31: {  	[smem:$0x3FBA] =	sst s10  }
0x32: {  	s10 =	sld [smem:$0x3FB8];
	_ =	sdelay $0x3  }
0x33: {  	p0 =	seq.s32 s10, $0x1;
	s10 =	sld [smem:$0x3FBA];
	_ =	sdelay $0x3  }
0x34: {  	[smem:$0x3FBA] =	sst s10  }
0x35: {  	s10 =	sld [smem:$0x3FB9];
	_ =	sdelay $0x3  }
0x36: {  	p1 =	seq.s32 s10, $0x1;
	s10 =	sld [smem:$0x3FBA];
	_ =	sdelay $0x3  }
0x37: {  	[smem:$0x3FBA] =	sst s10  }
0x38: {  	s10 =	sld [smem:$0x3FBB]  }
0x39: {  	_ = 	snop;
	(pc) =	sbr.ind lr, $3  }
0x3a: {  	_ = 	snop  }
0x3b: {  	_ = 	snop  }
0x3c: {  	p2 =	seq.s32 s10, $0x1;
	s10 =	sld [smem:$0x3FBA]  }
0x3d: {  	_ =	shalt  }
0x3e: {  	_ =	shalt  }
0x3f: {  	_ =	shalt  }
0x40: {  	_ =	shalt  }
0x41: {  	_ =	shalt  }
0x42: {  	_ =	shalt  }
0x43: {  	_ =	shalt  }
0x44: {  	_ =	shalt  }
0x45: {  	_ =	shalt  }
0x46: {  	_ =	shalt  }
0x47: {  	_ =	shalt  }
0x48: {  	_ =	shalt  }
0x49: {  	_ =	shalt  }
0x4a: {  	_ =	shalt  }
0x4b: {  	_ =	shalt  }
0x4c: {  	_ =	shalt  }
0x4d: {  	_ =	shalt  }
0x4e: {  	_ =	shalt  }
0x4f: {  	_ =	shalt  }
0x50: {  	_ =	shalt  }
0x51: {  	_ =	shalt  }
0x52: {  	_ =	shalt  }
0x53: {  	_ =	shalt  }
0x54: {  	_ =	shalt  }
0x55: {  	_ =	shalt  }
0x56: {  	_ =	shalt  }
0x57: {  	_ =	shalt  }
0x58: {  	_ =	shalt  }
0x59: {  	_ =	shalt  }
0x5a: {  	_ =	shalt  }
0x5b: {  	_ =	shalt  }
0x5c: {  	_ =	shalt  }
0x5d: {  	_ =	shalt  }
0x5e: {  	_ =	shalt  }
0x5f: {  	_ =	shalt  }
0x60: {  	_ =	shalt  }
0x61: {  	_ =	shalt  }
0x62: {  	_ =	shalt  }
0x63: {  	_ =	shalt  }
0x64: {  	_ =	shalt  }
0x65: {  	_ =	shalt  }
0x66: {  	_ =	shalt  }
0x67: {  	_ =	shalt  }
0x68: {  	_ =	shalt  }
0x69: {  	_ =	shalt  }
0x6a: {  	_ =	shalt  }
0x6b: {  	_ =	shalt  }
0x6c: {  	_ =	shalt  }
0x6d: {  	_ =	shalt  }
0x6e: {  	_ =	shalt  }
0x6f: {  	_ =	shalt  }
0x70: {  	_ =	shalt  }
0x71: {  	_ =	shalt  }
0x72: {  	_ =	shalt  }
0x73: {  	_ =	shalt  }
0x74: {  	_ =	shalt  }
0x75: {  	_ =	shalt  }
0x76: {  	_ =	shalt  }
0x77: {  	_ =	shalt  }
0x78: {  	_ =	shalt  }
0x79: {  	_ =	shalt  }
0x7a: {  	_ =	shalt  }
0x7b: {  	_ =	shalt  }
0x7c: {  	_ =	shalt  }
0x7d: {  	_ =	shalt  }
0x7e: {  	_ =	shalt  }
0x7f: {  	_ =	shalt  }
0x80: {  	_ =	shalt  }
0x81: {  	_ =	shalt  }
0x82: {  	_ =	shalt  }
0x83: {  	_ =	shalt  }
0x84: {  	_ =	shalt  }
0x85: {  	_ =	shalt  }
0x86: {  	_ =	shalt  }
0x87: {  	_ =	shalt  }
.Lfunc_end0:
.L_simem_size_0:
called_computation.1_lowered:
.L_overlay_start_0:
0x88: {  	s2 =	sld [smem:$0x3FD9]  }
0x89: {  	s3 =	sld [smem:$0x3FFE];
	_ =	sdelay $0x1  }
0x8a: {  	s1 =	srdreg.scid  }
0x8b: {  	s0 =	sand.u32 $0x1, s1  }
0x8c: {  	s17 =	sshll.u32 s0, $0xA;
	s2 =	sadd.s32 s3, s2  }
0x8d: {  	s2 =	sadd.s32 s2, s17  }
0x8e: {  	[smem:$0x3FC6] =	sst s2  }
0x8f: {  	_ = 	snop  }
0x90: {  	s2 =	sld [smem:$0x3FD0];
	(tm) =	ssettm $0x1  }
0x91: {  	s18 =	sld [smem:$0x3FFB];
	_ =	sdelay $0x3  }
0x92: {  	_ =	strace s18  }
0x93: {  	s3 =	sld [smem:$0x3FFC];
	_ =	sdelay $0x3  }
0x94: {  	_ =	strace s3  }
0x95: {  	s3 =	sld [smem:$0x3FFD];
	_ =	sdelay $0x3  }
0x96: {  	_ =	strace s3  }
0x97: {  	_ =	strace $0x8FFFFFFF  }
0x98: {  	s19 =	sld [smem:$0x3FDB];
	_ =	sdelay $0x1  }
0x99: {  	s4 =	simm.s32 $_scs_section_size  }
0x9a: {  	s5 =	simm.s32 $_size__tile_overlayer_lowered;
	s6 =	simm.s32 $_tile_overlayer_lowered  }
0x9b: {  	s22 =	simm.s32 $0x1BFF;
	s21 =	sshll.u32 s6, $0x1;
	s3 =	sadd.s32 s4, s19  }
0x9c: {  	s7 =	simm.s32 $0x0;
	s20 =	sshll.u32 s5, $0x1;
	s5 =	sadd.s32 s21, s3  }
0x9d: {  	[timem:s7], [sflag:s22] =	dma.local [hbm:s5], s20  }
0x9e: {  	_ =	swait.ge [sflag:s22], s20  }
0x9f: {  	s4 =	ssub.s32 $0x0, s20;
	[sflag:s22] =	ssyncset.done $0x0  }
0xa0: {  	[sflag:s22] =	ssyncadd.s32 s4;
	_ =	sdelay $0x1  }
0xa1: {  	s23 =	simm.s32 $0x1B8B  }
0xa2: {  	_ =	swait.ge [sflag:s23], $0x1  }
0xa3: {  	[sflag:s23] =	ssyncset.done $0x0  }
0xa4: {  	s25 =	simm.s32 $0x1B8E;
	s24 =	sld [smem:$0x3FFE];
	[sflag:s23] =	ssyncadd.s32 $0xFFFFFFFF  }
0xa5: {  	s26 =	simm.s32 $execute0_lowered;
	[smem:$0x3FD2] =	sst s25  }
0xa6: {  	s5 =	sshll.u32 s26, $0x1;
	_ =	strace $0x80000049;
	[dreg:$0x1] =	wrdreg $0xFFFFFFFF  }
0xa7: {  	s28 =	simm.s32 $_size_execute0_lowered;
	s3 =	sadd.s32 s3, s5;
	[dreg:$0x0] =	wrdreg $0x0  }
0xa8: {  	s5 =	sshll.u32 s28, $0x1;
	[dreg:$0x2] =	wrdreg s3  }
0xa9: {  	[dreg:$0x3] =	wrdreg s5  }
0xaa: {  	[dreg:$0x4] =	wrdreg $0xC0  }
0xab: {  	_ =	task [dreg:s7], $0x5FFFF  }
0xac: {  	[dreg:$0x1] =	wrdreg $0xFFFFFFFF  }
0xad: {  	[dreg:$0x0] =	wrdreg $0x60  }
0xae: {  	[dreg:$0x2] =	wrdreg s24  }
0xaf: {  	[dreg:$0x3] =	wrdreg s2  }
0xb0: {  	[dreg:$0x4] =	wrdreg $0x9  }
0xb1: {  	_ =	task.clear_ibuf [dreg:s7], $0x5FFFF;
	_ =	strace $0x90000049  }
0xb2: {  	s29 =	simm.s32 $0x9;
	_ =	strace $0x8000004B  }
0xb3: {  	_ =	swait.ge [sflag:s29], $0x1  }
0xb4: {  	[sflag:s29] =	ssyncadd.s32 $0xFFFFFFFF  }
0xb5: {  	_ =	strace $0x9000004B  }
0xb6: {  	_ =	sfence  }
0xb7: {  	s30 =	sld [smem:$0x0];
	_ =	sdelay $0x2  }
0xb8: {  	s31 =	sshll.u32 s1, $0xD;
	s1 =	sshrl.u32 s1, $0x2  }
0xb9: {  	s3 =	sand.u32 $0x4000, s31;
	s1 =	sadd.s32 s1, s30  }
0xba: {  	s0 =	sor.u32 s3, s0;
	s1 =	sshll.u32 s1, $0x11  }
0xbb: {  	s0 =	sor.u32 s1, s0  }
0xbc: {  	s0 =	sadd.s32 $0x8F2B, s0  }
0xbd: {  	[sflag:s0] =	ssyncadd.remote.s32 $0x1  }
0xbe: {  	_ =	sfence.sel $0xFFFF  }
0xbf: {  	[dreg:$0x0] =	wrdreg $0xFFFFFFFF;
	(pc) =	sbr.abs _section_cstart, $3  }
0xc0: {  	[dreg:$0x1] =	wrdreg $0xFFFFFFFF  }
0xc1: {  	_ =	task.clear_ibuf [dreg:s7], $0x2FFFF;
	_ =	strace $0x9FFFFFFF  }
0xc2: {  	(tm) =	ssettm $0x7FFFFFFF  }
0xc3: {  	_ =	shalt  }
tec
execute0_lowered:
.L_overlay_start_1:
0x0: {  	(tag) =	ssettag $0x1  }
0x1: {  	s0 =	rddreg [dreg:$0x0]  }
0x2: {  	s15 =	rddreg [dreg:$0x1];
	s2 =	simm.s32 $0x0;
	s3 =	srdreg.scid  }
0x3: {  	s1 =	stileid.u32;
	s28 =	simm.s32 $0x5000;
	s11 =	simm.s32 $0x4  }
0x4: {  	s13 =	simm.s32 $0x7000;
	s12 =	simm.s32 $0x1;
	s30 =	simm.s32 $0x2  }
0x5: {  	[smem:$0x7FF] =	sst s2;
	s4 =	sadd.s32 $0x400C00, s0;
	s3 =	sand.u32 $0x1, s3  }
0x6: {  	s6 =	sshll.u32 s1, $0x10;
	s5 =	sadd.s32 $0xC00, s0;
	s7 =	sadd.s32 $0x420C00, s0  }
0x7: {  	s14 =	sadd.s32 $0x440C00, s0;
	s8 =	ssub.s32 $0x2, s3;
	s3 =	sshll.u32 s3, $0xF  }
0x8: {  	s16 =	sadd.s32 $0x460C00, s0;
	_ =	strace $0x8000004A;
	s6 =	sor.u32 s3, s6  }
0x9: {  	[dreg:$0x3] =	wrdreg s4;
	s19 =	sshrl.u32 s6, $0x3;
	s29 =	sor.u32 $0x1000, s6  }
0xa: {  	s9 =	sshrl.u32 s8, $0x1;
	s20 =	sadd.s32 s4, s19;
	[dreg:$0xa] =	wrdreg s29  }
0xb: {  	s18 =	ssub.s32 s8, s9;
	s21 =	sadd.s32 s15, s19;
	[dreg:$0x4] =	wrdreg s20  }
0xc: {  	s22 =	sor.u32 $0x80, s19;
	s31 =	smax.u32 s18, $0x1;
	[dreg:$0x5] =	wrdreg s21  }
0xd: {  	s1 =	simm.s32 $0x800;
	s23 =	sadd.s32 s4, s22;
	[dreg:$0xb] =	wrdreg s31  }
0xe: {  	s8 =	sor.u32 $0x100, s19;
	s24 =	sadd.s32 s15, s22;
	[dreg:$0x6] =	wrdreg s23  }
0xf: {  	s3 =	simm.s32 $0x0;
	s25 =	sadd.s32 s4, s8;
	[dreg:$0x7] =	wrdreg s24  }
0x10: {  	s26 =	sadd.s32 s15, s8;
	s4 =	sor.u32 $0xC00, s6;
	[dreg:$0x8] =	wrdreg s25  }
0x11: {  	v0 =	vlaneseq.u32;
	s22 =	simm.s32 $0x2800;
	s20 =	simm.s32 $0x5;
	[dreg:$0x9] =	wrdreg s26  }
0x12: {  	v0 =	vmul.u32 $0x8, v0;
	s23 =	simm.s32 $0x80;
	s25 =	simm.s32 $0x3000;
	s24 =	simm.s32 $0x9000  }
.LBB2_1:
0x13: {  	[dreg:$0xc] =	wrdreg s3  }
0x14: {  	s0 =	rddreg [dreg:$0x4]  }
0x15: {  	[tilespmem:s2], [sflag:$0x3] =	stream.linear.gather [hbm4b:s0+s2], $0x400, $0x38;
	[tilespmem:$0xC800] =	vst v63  }
0x16: {  	s10 =	rddreg [dreg:$0x5]  }
0x17: {  	[tilespmem:s1], [sflag:$0x3] =	stream.linear.gather [hbm4b:s10+s2], $0x400, $0x38;
	[tilespmem:$0xC800] =	vst v63  }
0x18: {  	s17 =	rddreg [dreg:$0x6];
	s18 =	simm.s32 $0x400  }
0x19: {  	[tilespmem:s18], [sflag:$0x4] =	stream.linear.gather [hbm4b:s17+s2], $0x400, $0x38;
	[tilespmem:$0xC800] =	vst v63  }
0x1a: {  	s19 =	rddreg [dreg:$0x7];
	s21 =	simm.s32 $0xC00;
	s26 =	simm.s32 $0x3  }
0x1b: {  	[tilespmem:s21], [sflag:$0x4] =	stream.linear.gather [hbm4b:s19+s2], $0x400, $0x38;
	[tilespmem:$0xC800] =	vst v63  }
0x1c: {  	_ =	swait.ge [sflag:s26], $0x400  }
0x1d: {  	[sflag:s26] =	ssyncset.done $0x0  }
0x1e: {  	[sflag:s26] =	ssyncadd.s32 $0xFFFFFC00  }
0x1f: {  	_ =	swait.ge [sflag:s26], $0x400  }
0x20: {  	[sflag:s26] =	ssyncset.done $0x0  }
0x21: {  	s8 =	simm.s32 $0x10;
	[sflag:s26] =	ssyncadd.s32 $0xFFFFFC00  }
0x22: {  	s9 =	simm.s32 $0x810;
	v1 =	vld [tilespmem:s8+$0x0]  }
0x23: {  	v2 =	vld [tilespmem:s9+$0x0]  }
0x24: {  	v3 =	vld [tilespmem:s8+$0xFFFFFFF0]  }
0x25: {  	v4 =	vld [tilespmem:s9+$0xFFFFFFF0];
	_ =	sdelay $0x2  }
0x26: {  	v1 =	vmul.f32 $2.047000000e+03, v1  }
0x27: {  	v2 =	vmul.f32 $2.047000000e+03, v2;
	v5 =	vmul.f32 $2.047000000e+03, v3  }
0x28: {  	v7 =	vmul.f32 $2.047000000e+03, v4;
	v3 =	vtrunc.f32 v1  }
0x29: {  	v6 =	vtrunc.f32 v2;
	v3 =	vcvt.f32.s32 v3  }
0x2a: {  	v8 =	vtrunc.f32 v7;
	v4 =	vcvt.f32.s32 v6  }
0x2b: {  	v6 =	vtrunc.f32 v5;
	v8 =	vcvt.f32.s32 v8;
	vm0 =	vgt.s32 v3, $0x0  }
0x2c: {  	s29 =	simm.s32 $0x30;
	v6 =	vcvt.f32.s32 v6;
	vm11 =	vgt.s32 v4, $0x0;
	v3 =	vnsel vm0, $0x0, v3  }
0x2d: {  	s10 =	simm.s32 $0x830;
	vm13 =	vgt.s32 v8, $0x0;
	v9 =	vmin.u32 v3, $0x7FE;
	v3 =	vnsel vm11, $0x0, v4;
	v4 =	vld [tilespmem:s29+$0x0]  }
0x2e: {  	v11 =	vld [tilespmem:s10+$0x0];
	vm12 =	vgt.s32 v6, $0x0;
	v10 =	vcvt.s32.f32 v9;
	v3 =	vmin.u32 v3, $0x7FE  }
0x2f: {  	v13 =	vld [tilespmem:s29+$0xFFFFFFF0];
	v8 =	vnsel vm13, $0x0, v8;
	v6 =	vnsel vm12, $0x0, v6;
	v12 =	vcvt.s32.f32 v3  }
0x30: {  	s18 =	simm.s32 $0x0;
	v8 =	vmin.u32 v8, $0x7FE;
	v6 =	vmin.u32 v6, $0x7FE;
	v1 =	vsub.f32 v1, v10  }
0x31: {  	s19 =	sand.u32 $0x380, s18;
	s9 =	simm.s32 $0x1010;
	v15 =	vcvt.s32.f32 v8;
	v63 =	vcvt.s32.f32 v6;
	v10 =	vld [tilespmem:s10+$0xFFFFFFF0];
	v2 =	vsub.f32 v2, v12  }
0x32: {  	s17 =	simm.s32 $0x1810;
	s21 =	sor.u32 $0x2000, s19;
	s26 =	sand.u32 $0x70, s8;
	v8 =	vshll.u32 v8, $0xB;
	v14 =	vshll.u32 v3, $0xB;
	[tilespmem:s9+$0x0] =	vst v1;
	v3 =	vmul.f32 $2.047000000e+03, v4  }
0x33: {  	s29 =	sor.u32 s26, s21;
	v5 =	vsub.f32 v5, v63;
	v1 =	vor.u32 v9, v14;
	v4 =	vmul.f32 $2.047000000e+03, v11;
	[tilespmem:s17+$0x0] =	vst v2  }
0x34: {  	s19 =	sor.u32 $0x2400, s19;
	v2 =	vadd.s32 $0x1, v1;
	[tilespmem:s29+$0x0] =	vst v1;
	v1 =	vmul.f32 $2.047000000e+03, v13;
	v9 =	vtrunc.f32 v3  }
0x35: {  	s26 =	sor.u32 s26, s19;
	v7 =	vsub.f32 v7, v15;
	[tilespmem:s9+$0xFFFFFFF0] =	vst v5;
	v11 =	vtrunc.f32 v4;
	v9 =	vcvt.f32.s32 v9  }
0x36: {  	s18 =	sand.u32 $0x60, s18;
	v5 =	vor.u32 v6, v8;
	[tilespmem:s26+$0x0] =	vst v2;
	v2 =	vmul.f32 $2.047000000e+03, v10;
	v10 =	vcvt.f32.s32 v11  }
0x37: {  	s21 =	sor.u32 s18, s21;
	[tilespmem:s17+$0xFFFFFFF0] =	vst v7;
	v11 =	vadd.s32 $0x1, v5;
	v6 =	vtrunc.f32 v1;
	vm14 =	vgt.s32 v9, $0x0  }
0x38: {  	s31 =	sor.u32 s18, s19;
	[tilespmem:s21+$0x0] =	vst v5;
	v7 =	vtrunc.f32 v2;
	vm15 =	vgt.s32 v10, $0x0;
	v8 =	vnsel vm14, $0x0, v9  }
0x39: {  	s18 =	simm.s32 $0x2;
	s19 =	simm.s32 $0x50;
	[tilespmem:s31+$0x0] =	vst v11;
	v6 =	vcvt.f32.s32 v6;
	v5 =	vmin.u32 v8, $0x7FE;
	v8 =	vnsel vm15, $0x0, v10  }
.LBB2_2:
0x3a: {  	v9 =	vld [tilespmem:s19+$0x0];
	v7 =	vcvt.f32.s32 v7;
	v10 =	vcvt.s32.f32 v5;
	v8 =	vmin.u32 v8, $0x7FE;
	s10 =	sadd.s32 $0x20, s10  }
0x3b: {  	s8 =	sadd.s32 $0x20, s8;
	v11 =	vld [tilespmem:s10+$0x0];
	vm0 =	vgt.s32 v6, $0x0;
	v12 =	vcvt.s32.f32 v8  }
0x3c: {  	s17 =	sadd.s32 $0x20, s17;
	s21 =	sadd.s32 $0xFFFFFFF0, s8;
	v13 =	vld [tilespmem:s19+$0xFFFFFFF0];
	v6 =	vnsel vm0, $0x0, v6;
	vm0 =	vgt.s32 v7, $0x0;
	v3 =	vsub.f32 v3, v10  }
0x3d: {  	s18 =	sadd.s32 $0x2, s18;
	s9 =	sadd.s32 $0x20, s9;
	s26 =	sand.u32 $0x380, s21;
	v10 =	vld [tilespmem:s10+$0xFFFFFFF0];
	v6 =	vmin.u32 v6, $0x7FE;
	v7 =	vnsel vm0, $0x0, v7;
	v4 =	vsub.f32 v4, v12  }
0x3e: {  	p0 =	slt.u32 s18, $0x3E;
	v8 =	vshll.u32 v8, $0xB;
	s31 =	sand.u32 $0x70, s8;
	s29 =	sor.u32 $0x2000, s26;
	v12 =	vcvt.s32.f32 v6;
	v7 =	vmin.u32 v7, $0x7FE;
	[tilespmem:s9+$0x0] =	vst v3  }
0x3f: {  	s21 =	sand.u32 $0x60, s21;
	v5 =	vor.u32 v5, v8;
	s26 =	sor.u32 $0x2400, s26;
	s0 =	sor.u32 s31, s29;
	v3 =	vmul.f32 $2.047000000e+03, v9;
	v9 =	vcvt.s32.f32 v7;
	[tilespmem:s17+$0x0] =	vst v4  }
0x40: {  	s29 =	sor.u32 s21, s29;
	s21 =	sor.u32 s21, s26;
	v7 =	vshll.u32 v7, $0xB;
	v4 =	vmul.f32 $2.047000000e+03, v11;
	[tilespmem:s0+$0x0] =	vst v5;
	v5 =	vadd.s32 $0x1, v5;
	s0 =	sor.u32 s31, s26  }
0x41: {  	v11 =	vsub.f32 v1, v12;
	v8 =	vtrunc.f32 v3;
	v1 =	vmul.f32 $2.047000000e+03, v13;
	[tilespmem:s0+$0x0] =	vst v5  }
.Ltmp0:
0x42: {  	v9 =	vsub.f32 v2, v9;
	v5 =	vcvt.f32.s32 v8;
	v8 =	vtrunc.f32 v4;
	(pc) =	sbr.rel @p0 .LBB2_2-.Ltmp0, $4  }
0x43: {  	v6 =	vor.u32 v6, v7;
	v2 =	vmul.f32 $2.047000000e+03, v10;
	v8 =	vcvt.f32.s32 v8;
	[tilespmem:s9+$0xFFFFFFF0] =	vst v11  }
0x44: {  	v10 =	vtrunc.f32 v1;
	vm0 =	vgt.s32 v5, $0x0;
	[tilespmem:s17+$0xFFFFFFF0] =	vst v9;
	v9 =	vadd.s32 $0x1, v6  }
0x45: {  	v7 =	vtrunc.f32 v2;
	v5 =	vnsel vm0, $0x0, v5;
	vm0 =	vgt.s32 v8, $0x0;
	[tilespmem:s29+$0x0] =	vst v6  }
0x46: {  	s19 =	sadd.s32 $0x20, s19;
	v6 =	vcvt.f32.s32 v10;
	v5 =	vmin.u32 v5, $0x7FE;
	v8 =	vnsel vm0, $0x0, v8;
	[tilespmem:s21+$0x0] =	vst v9  }
0x47: {  	v7 =	vcvt.f32.s32 v7;
	v9 =	vcvt.s32.f32 v5;
	v8 =	vmin.u32 v8, $0x7FE  }
0x48: {  	s0 =	sadd.s32 $0x20, s8;
	vm0 =	vgt.s32 v6, $0x0;
	v10 =	vcvt.s32.f32 v8  }
0x49: {  	s8 =	sadd.s32 $0xFFFFFFF0, s0;
	v6 =	vnsel vm0, $0x0, v6;
	vm15 =	vgt.s32 v7, $0x0;
	v3 =	vsub.f32 v3, v9  }
0x4a: {  	s9 =	sadd.s32 $0x20, s9;
	s10 =	sand.u32 $0x380, s8;
	v6 =	vmin.u32 v6, $0x7FE;
	v7 =	vnsel vm15, $0x0, v7;
	v4 =	vsub.f32 v4, v10  }
0x4b: {  	s17 =	sadd.s32 $0x20, s17;
	s0 =	sand.u32 $0x70, s0;
	s18 =	sor.u32 $0x2000, s10;
	v62 =	vcvt.s32.f32 v6;
	v7 =	vmin.u32 v7, $0x7FE;
	[tilespmem:s9+$0x0] =	vst v3;
	v3 =	vshll.u32 v8, $0xB  }
0x4c: {  	s10 =	sor.u32 $0x2400, s10;
	s19 =	sor.u32 s0, s18;
	v63 =	vcvt.s32.f32 v7;
	[tilespmem:s17+$0x0] =	vst v4;
	v3 =	vor.u32 v5, v3  }
0x4d: {  	s0 =	sor.u32 s0, s10;
	[tilespmem:s19+$0x0] =	vst v3;
	v3 =	vadd.s32 $0x1, v3;
	v1 =	vsub.f32 v1, v62  }
0x4e: {  	[tilespmem:s0+$0x0] =	vst v3;
	v2 =	vsub.f32 v2, v63  }
0x4f: {  	s29 =	sand.u32 $0x60, s8;
	[tilespmem:s9+$0xFFFFFFF0] =	vst v1;
	v1 =	vshll.u32 v7, $0xB  }
0x50: {  	s8 =	sor.u32 s29, s18;
	[tilespmem:s17+$0xFFFFFFF0] =	vst v2;
	v1 =	vor.u32 v6, v1  }
0x51: {  	s0 =	sor.u32 s29, s10;
	v2 =	vadd.s32 $0x1, v1;
	[tilespmem:s8+$0x0] =	vst v1  }
0x52: {  	[tilespmem:s0+$0x0] =	vst v2  }
0x53: {  	s21 =	simm.s32 $0x0;
	s0 =	rddreg [dreg:$0x8]  }
0x54: {  	[tilespmem:s21], [sflag:$0x3] =	stream.linear.gather [hbm4b:s0+s21], $0x400, $0x38;
	[tilespmem:$0xC800] =	vst v63  }
0x55: {  	s31 =	rddreg [dreg:$0x9]  }
0x56: {  	[tilespmem:s1], [sflag:$0x3] =	stream.linear.gather [hbm4b:s31+s21], $0x400, $0x38;
	[tilespmem:$0xC800] =	vst v63  }
0x57: {  	s3 =	simm.s32 $0x2000  }
0x58: {  	[tilespmem:s25], [sflag:$0x1] =	stream.indirect.gather [hbm4b:s5+s23], $0x8, s3, s23, $0xb8;
	[tilespmem:$0xC800] =	vst v63  }
0x59: {  	s8 =	simm.s32 $0x2400  }
0x5a: {  	[tilespmem:s28], [sflag:$0x1] =	stream.indirect.gather [hbm4b:s5+s23], $0x8, s8, s23, $0xb8;
	[tilespmem:$0xC800] =	vst v63  }
0x5b: {  	s10 =	simm.s32 $0x3400;
	s9 =	simm.s32 $0x2080  }
0x5c: {  	[tilespmem:s10], [sflag:$0x1] =	stream.indirect.gather [hbm4b:s5+s23], $0x8, s9, s23, $0xb8;
	[tilespmem:$0xC800] =	vst v63  }
0x5d: {  	s18 =	simm.s32 $0x5400;
	s17 =	simm.s32 $0x2480  }
0x5e: {  	[tilespmem:s18], [sflag:$0x1] =	stream.indirect.gather [hbm4b:s5+s23], $0x8, s17, s23, $0xb8;
	[tilespmem:$0xC800] =	vst v63  }
0x5f: {  	s26 =	simm.s32 $0x3800;
	s19 =	simm.s32 $0x2100  }
0x60: {  	[tilespmem:s26], [sflag:$0x1] =	stream.indirect.gather [hbm4b:s5+s23], $0x8, s19, s23, $0xb8;
	[tilespmem:$0xC800] =	vst v63  }
0x61: {  	s29 =	simm.s32 $0x2500;
	s31 =	simm.s32 $0x5800  }
0x62: {  	[tilespmem:s31], [sflag:$0x1] =	stream.indirect.gather [hbm4b:s5+s23], $0x8, s29, s23, $0xb8;
	[tilespmem:$0xC800] =	vst v63  }
0x63: {  	s3 =	simm.s32 $0x2180;
	s8 =	simm.s32 $0x3C00  }
0x64: {  	[tilespmem:s8], [sflag:$0x1] =	stream.indirect.gather [hbm4b:s5+s23], $0x8, s3, s23, $0xb8;
	[tilespmem:$0xC800] =	vst v63  }
0x65: {  	s9 =	simm.s32 $0x2580;
	s10 =	simm.s32 $0x5C00  }
0x66: {  	[tilespmem:s10], [sflag:$0x1] =	stream.indirect.gather [hbm4b:s5+s23], $0x8, s9, s23, $0xb8;
	[tilespmem:$0xC800] =	vst v63  }
0x67: {  	s17 =	simm.s32 $0x2200;
	s18 =	simm.s32 $0x4000  }
0x68: {  	[tilespmem:s18], [sflag:$0x1] =	stream.indirect.gather [hbm4b:s5+s23], $0x8, s17, s23, $0xb8;
	[tilespmem:$0xC800] =	vst v63  }
0x69: {  	s19 =	simm.s32 $0x2600;
	s26 =	simm.s32 $0x6000  }
0x6a: {  	[tilespmem:s26], [sflag:$0x1] =	stream.indirect.gather [hbm4b:s5+s23], $0x8, s19, s23, $0xb8;
	[tilespmem:$0xC800] =	vst v63  }
0x6b: {  	s29 =	simm.s32 $0x2280;
	s31 =	simm.s32 $0x4400  }
0x6c: {  	[tilespmem:s31], [sflag:$0x1] =	stream.indirect.gather [hbm4b:s5+s23], $0x8, s29, s23, $0xb8;
	[tilespmem:$0xC800] =	vst v63  }
0x6d: {  	s3 =	simm.s32 $0x2680;
	s8 =	simm.s32 $0x6400  }
0x6e: {  	[tilespmem:s8], [sflag:$0x1] =	stream.indirect.gather [hbm4b:s5+s23], $0x8, s3, s23, $0xb8;
	[tilespmem:$0xC800] =	vst v63  }
0x6f: {  	s9 =	simm.s32 $0x2300;
	s10 =	simm.s32 $0x4800  }
0x70: {  	[tilespmem:s10], [sflag:$0x1] =	stream.indirect.gather [hbm4b:s5+s23], $0x8, s9, s23, $0xb8;
	[tilespmem:$0xC800] =	vst v63  }
0x71: {  	s17 =	simm.s32 $0x2700;
	s18 =	simm.s32 $0x6800  }
0x72: {  	[tilespmem:s18], [sflag:$0x1] =	stream.indirect.gather [hbm4b:s5+s23], $0x8, s17, s23, $0xb8;
	[tilespmem:$0xC800] =	vst v63  }
0x73: {  	s19 =	simm.s32 $0x2380;
	s26 =	simm.s32 $0x4C00  }
0x74: {  	[tilespmem:s26], [sflag:$0x1] =	stream.indirect.gather [hbm4b:s5+s23], $0x8, s19, s23, $0xb8;
	[tilespmem:$0xC800] =	vst v63  }
0x75: {  	s29 =	simm.s32 $0x2780;
	s31 =	simm.s32 $0x6C00;
	s19 =	simm.s32 $0x0  }
0x76: {  	[tilespmem:s31], [sflag:$0x1] =	stream.indirect.gather [hbm4b:s5+s23], $0x8, s29, s23, $0xb8;
	[tilespmem:$0xC800] =	vst v63  }
.LBB2_4:
0x77: {  	_ =	swait.ge [sflag:s11], $0x400  }
0x78: {  	[sflag:s11] =	ssyncset.done $0x0  }
0x79: {  	[sflag:s11] =	ssyncadd.s32 $0xFFFFFC00  }
0x7a: {  	_ =	swait.ge [sflag:s11], $0x400  }
0x7b: {  	[sflag:s11] =	ssyncset.done $0x0  }
0x7c: {  	s0 =	simm.s32 $0x410;
	[sflag:s11] =	ssyncadd.s32 $0xFFFFFC00  }
0x7d: {  	s8 =	simm.s32 $0xC10;
	v1 =	vld [tilespmem:s0+$0x0]  }
0x7e: {  	v2 =	vld [tilespmem:s8+$0x0]  }
0x7f: {  	v4 =	vld [tilespmem:s0+$0xFFFFFFF0]  }
0x80: {  	v3 =	vld [tilespmem:s8+$0xFFFFFFF0];
	_ =	sdelay $0x2  }
0x81: {  	v1 =	vmul.f32 $2.047000000e+03, v1  }
0x82: {  	v2 =	vmul.f32 $2.047000000e+03, v2;
	v7 =	vmul.f32 $2.047000000e+03, v4  }
0x83: {  	v5 =	vmul.f32 $2.047000000e+03, v3;
	v3 =	vtrunc.f32 v1  }
0x84: {  	v6 =	vtrunc.f32 v2;
	v8 =	vtrunc.f32 v7  }
0x85: {  	v3 =	vcvt.f32.s32 v3;
	v4 =	vcvt.f32.s32 v6  }
0x86: {  	v6 =	vtrunc.f32 v5;
	v8 =	vcvt.f32.s32 v8  }
0x87: {  	s29 =	simm.s32 $0x430;
	v6 =	vcvt.f32.s32 v6;
	vm0 =	vgt.s32 v3, $0x0  }
0x88: {  	v9 =	vld [tilespmem:s29+$0x0];
	vm11 =	vgt.s32 v4, $0x0;
	vm12 =	vgt.s32 v8, $0x0;
	v3 =	vnsel vm0, $0x0, v3  }
0x89: {  	s8 =	simm.s32 $0xC30;
	v4 =	vnsel vm11, $0x0, v4;
	v8 =	vnsel vm12, $0x0, v8;
	v3 =	vmin.u32 v3, $0x7FE  }
0x8a: {  	v11 =	vld [tilespmem:s8+$0x0];
	vm13 =	vgt.s32 v6, $0x0;
	v8 =	vmin.u32 v8, $0x7FE;
	v10 =	vcvt.s32.f32 v3  }
0x8b: {  	v4 =	vmin.u32 v4, $0x7FE;
	v6 =	vnsel vm13, $0x0, v6;
	v62 =	vcvt.s32.f32 v8  }
0x8c: {  	v13 =	vld [tilespmem:s8+$0xFFFFFFF0];
	v12 =	vcvt.s32.f32 v4;
	v6 =	vmin.u32 v6, $0x7FE;
	v1 =	vsub.f32 v1, v10  }
0x8d: {  	s9 =	simm.s32 $0x1410;
	v14 =	vshll.u32 v4, $0xB;
	v4 =	vmul.f32 $2.047000000e+03, v9;
	v10 =	vld [tilespmem:s29+$0xFFFFFFF0];
	v7 =	vsub.f32 v7, v62  }
0x8e: {  	s31 =	sand.u32 $0x60, s21;
	s17 =	sand.u32 $0x380, s21;
	v9 =	vcvt.s32.f32 v6;
	v2 =	vsub.f32 v2, v12;
	[tilespmem:s9+$0x0] =	vst v1  }
0x8f: {  	s10 =	simm.s32 $0x1C10;
	s18 =	sor.u32 $0x2800, s17;
	s26 =	sor.u32 $0x10, s31;
	v1 =	vor.u32 v3, v14;
	v3 =	vmul.f32 $2.047000000e+03, v11;
	v11 =	vtrunc.f32 v4;
	[tilespmem:s9+$0xFFFFFFF0] =	vst v7  }
0x90: {  	s17 =	sor.u32 $0x2C00, s17;
	v6 =	vshll.u32 v6, $0xB;
	s29 =	sor.u32 s26, s18;
	v5 =	vsub.f32 v5, v9;
	[tilespmem:s10+$0x0] =	vst v2;
	v11 =	vcvt.f32.s32 v11  }
0x91: {  	s26 =	sor.u32 s26, s17;
	v2 =	vadd.s32 $0x1, v1;
	[tilespmem:s29+$0x0] =	vst v1;
	v1 =	vmul.f32 $2.047000000e+03, v13;
	v63 =	vtrunc.f32 v3  }
0x92: {  	v7 =	vor.u32 v8, v6;
	[tilespmem:s26+$0x0] =	vst v2;
	v2 =	vmul.f32 $2.047000000e+03, v10;
	v9 =	vcvt.f32.s32 v63  }
0x93: {  	s18 =	sor.u32 s31, s18;
	[tilespmem:s10+$0xFFFFFFF0] =	vst v5;
	vm14 =	vgt.s32 v11, $0x0;
	v10 =	vadd.s32 $0x1, v7;
	v6 =	vtrunc.f32 v1  }
0x94: {  	s0 =	sor.u32 s31, s17;
	[tilespmem:s18+$0x0] =	vst v7;
	v8 =	vnsel vm14, $0x0, v11;
	v5 =	vtrunc.f32 v2;
	vm15 =	vgt.s32 v9, $0x0  }
0x95: {  	s17 =	simm.s32 $0x0;
	s18 =	simm.s32 $0x2;
	s26 =	simm.s32 $0x450;
	[tilespmem:s0+$0x0] =	vst v10;
	v7 =	vcvt.f32.s32 v5;
	v5 =	vmin.u32 v8, $0x7FE;
	v8 =	vnsel vm15, $0x0, v9  }
.LBB2_5:
0x96: {  	v9 =	vld [tilespmem:s26+$0x0];
	v6 =	vcvt.f32.s32 v6;
	v10 =	vcvt.s32.f32 v5;
	v8 =	vmin.u32 v8, $0x7FE;
	s8 =	sadd.s32 $0x20, s8  }
0x97: {  	v11 =	vld [tilespmem:s8+$0x0];
	vm0 =	vgt.s32 v7, $0x0;
	v12 =	vcvt.s32.f32 v8  }
0x98: {  	s10 =	sadd.s32 $0x20, s10;
	s9 =	sadd.s32 $0x20, s9;
	s17 =	sadd.s32 $0x20, s17;
	v13 =	vld [tilespmem:s8+$0xFFFFFFF0];
	v7 =	vnsel vm0, $0x0, v7;
	vm0 =	vgt.s32 v6, $0x0;
	v4 =	vsub.f32 v4, v10  }
0x99: {  	s18 =	sadd.s32 $0x2, s18;
	s0 =	sand.u32 $0x60, s17;
	s29 =	sand.u32 $0x380, s17;
	v10 =	vld [tilespmem:s26+$0xFFFFFFF0];
	v7 =	vmin.u32 v7, $0x7FE;
	v6 =	vnsel vm0, $0x0, v6;
	v3 =	vsub.f32 v3, v12  }
0x9a: {  	p0 =	slt.u32 s18, $0x3E;
	v8 =	vshll.u32 v8, $0xB;
	s31 =	sor.u32 $0x2800, s29;
	s3 =	sor.u32 $0x10, s0;
	v12 =	vcvt.s32.f32 v7;
	v6 =	vmin.u32 v6, $0x7FE;
	[tilespmem:s9+$0x0] =	vst v4  }
0x9b: {  	s29 =	sor.u32 $0x2C00, s29;
	v5 =	vor.u32 v5, v8;
	s1 =	sor.u32 s0, s31;
	s31 =	sor.u32 s3, s31;
	v4 =	vmul.f32 $2.047000000e+03, v9;
	v9 =	vcvt.s32.f32 v6;
	[tilespmem:s10+$0x0] =	vst v3  }
0x9c: {  	s0 =	sor.u32 s0, s29;
	s3 =	sor.u32 s3, s29;
	v6 =	vshll.u32 v6, $0xB;
	v3 =	vmul.f32 $2.047000000e+03, v11;
	[tilespmem:s31+$0x0] =	vst v5;
	v5 =	vadd.s32 $0x1, v5  }
0x9d: {  	v12 =	vsub.f32 v2, v12;
	v8 =	vmul.f32 $2.047000000e+03, v13;
	v11 =	vtrunc.f32 v4;
	[tilespmem:s3+$0x0] =	vst v5  }
.Ltmp1:
0x9e: {  	v9 =	vsub.f32 v1, v9;
	v5 =	vcvt.f32.s32 v11;
	v11 =	vtrunc.f32 v3;
	(pc) =	sbr.rel @p0 .LBB2_5-.Ltmp1, $4  }
0x9f: {  	v7 =	vor.u32 v7, v6;
	v2 =	vmul.f32 $2.047000000e+03, v10;
	v10 =	vcvt.f32.s32 v11;
	[tilespmem:s9+$0xFFFFFFF0] =	vst v12;
	v1 =	vmovc v8  }
0xa0: {  	v6 =	vtrunc.f32 v1;
	vm0 =	vgt.s32 v5, $0x0;
	[tilespmem:s10+$0xFFFFFFF0] =	vst v9;
	v9 =	vadd.s32 $0x1, v7  }
0xa1: {  	v8 =	vtrunc.f32 v2;
	v5 =	vnsel vm0, $0x0, v5;
	vm0 =	vgt.s32 v10, $0x0;
	[tilespmem:s1+$0x0] =	vst v7  }
0xa2: {  	s26 =	sadd.s32 $0x20, s26;
	v7 =	vcvt.f32.s32 v8;
	v5 =	vmin.u32 v5, $0x7FE;
	v8 =	vnsel vm0, $0x0, v10;
	[tilespmem:s0+$0x0] =	vst v9  }
0xa3: {  	v6 =	vcvt.f32.s32 v6;
	v9 =	vcvt.s32.f32 v5;
	v8 =	vmin.u32 v8, $0x7FE  }
0xa4: {  	vm0 =	vgt.s32 v7, $0x0;
	v10 =	vcvt.s32.f32 v8  }
0xa5: {  	s0 =	sadd.s32 $0x20, s17;
	v7 =	vnsel vm0, $0x0, v7;
	vm15 =	vgt.s32 v6, $0x0;
	v4 =	vsub.f32 v4, v9  }
0xa6: {  	s1 =	sadd.s32 $0x20, s9;
	s3 =	sand.u32 $0x60, s0;
	s0 =	sand.u32 $0x380, s0;
	v7 =	vmin.u32 v7, $0x7FE;
	v6 =	vnsel vm15, $0x0, v6;
	v3 =	vsub.f32 v3, v10  }
0xa7: {  	s9 =	sadd.s32 $0x20, s10;
	s26 =	sor.u32 $0x2800, s0;
	s8 =	sor.u32 $0x10, s3;
	v9 =	vcvt.s32.f32 v7;
	v6 =	vmin.u32 v6, $0x7FE;
	[tilespmem:s1+$0x0] =	vst v4;
	v4 =	vshll.u32 v8, $0xB  }
0xa8: {  	s0 =	sor.u32 $0x2C00, s0;
	s18 =	sor.u32 s8, s26;
	v8 =	vcvt.s32.f32 v6;
	[tilespmem:s9+$0x0] =	vst v3;
	v3 =	vor.u32 v5, v4  }
0xa9: {  	s8 =	sor.u32 s8, s0;
	[tilespmem:s18+$0x0] =	vst v3;
	v3 =	vadd.s32 $0x1, v3;
	v2 =	vsub.f32 v2, v9  }
0xaa: {  	[tilespmem:s8+$0x0] =	vst v3;
	v1 =	vsub.f32 v1, v8  }
0xab: {  	v3 =	vshll.u32 v6, $0xB;
	[tilespmem:s1+$0xFFFFFFF0] =	vst v2  }
0xac: {  	s26 =	sor.u32 s3, s26;
	v2 =	vor.u32 v7, v3;
	[tilespmem:s9+$0xFFFFFFF0] =	vst v1  }
0xad: {  	p0 =	seq.s32 s19, $0xF;
	s0 =	sor.u32 s3, s0;
	s8 =	sshll.u32 s19, $0xB;
	v1 =	vadd.s32 $0x1, v2;
	[tilespmem:s26+$0x0] =	vst v2  }
0xae: {  	s9 =	sadd.s32 @!p0 s8, s4;
	[tilespmem:s0+$0x0] =	vst v1  }
0xaf: {  	s1 =	sshrl.u32 @!p0 s9, $0x3;
	s0 =	rddreg [dreg:$0x3]  }
0xb0: {  	s3 =	simm.s32 @!p0 $0x0;
	s9 =	simm.s32 @!p0 $0x400;
	s0 =	sadd.s32 @!p0 s0, s1  }
0xb1: {  	[tilespmem:s9], [sflag:$0x4] =	stream.linear.gather @!p0 [hbm4b:s0+s3], $0x400, $0x38;
	[tilespmem:$0xC800] =	vst v63  }
0xb2: {  	s0 =	sadd.s32 @!p0 s15, s1;
	s1 =	simm.s32 @!p0 $0xC00  }
0xb3: {  	[tilespmem:s1], [sflag:$0x4] =	stream.linear.gather @!p0 [hbm4b:s0+s3], $0x400, $0x38;
	[tilespmem:$0xC800] =	vst v63  }
0xb4: {  	_ = 	snop  }
0xb5: {  	[tilespmem:s13], [sflag:$0x2] =	stream.indirect.gather [hbm4b:s5+s23], $0x8, s22, s23, $0xb8;
	[tilespmem:$0xC800] =	vst v63  }
0xb6: {  	s1 =	simm.s32 $0x2C00  }
0xb7: {  	[tilespmem:s24], [sflag:$0x2] =	stream.indirect.gather [hbm4b:s5+s23], $0x8, s1, s23, $0xb8;
	[tilespmem:$0xC800] =	vst v63  }
0xb8: {  	s9 =	simm.s32 $0x7400;
	s3 =	simm.s32 $0x2880  }
0xb9: {  	[tilespmem:s9], [sflag:$0x2] =	stream.indirect.gather [hbm4b:s5+s23], $0x8, s3, s23, $0xb8;
	[tilespmem:$0xC800] =	vst v63  }
0xba: {  	s10 =	simm.s32 $0x2C80;
	s17 =	simm.s32 $0x9400  }
0xbb: {  	[tilespmem:s17], [sflag:$0x2] =	stream.indirect.gather [hbm4b:s5+s23], $0x8, s10, s23, $0xb8;
	[tilespmem:$0xC800] =	vst v63  }
0xbc: {  	s18 =	simm.s32 $0x2900;
	s26 =	simm.s32 $0x7800  }
0xbd: {  	[tilespmem:s26], [sflag:$0x2] =	stream.indirect.gather [hbm4b:s5+s23], $0x8, s18, s23, $0xb8;
	[tilespmem:$0xC800] =	vst v63  }
0xbe: {  	s3 =	simm.s32 $0x2D00;
	s9 =	simm.s32 $0x9800  }
0xbf: {  	[tilespmem:s9], [sflag:$0x2] =	stream.indirect.gather [hbm4b:s5+s23], $0x8, s3, s23, $0xb8;
	[tilespmem:$0xC800] =	vst v63  }
0xc0: {  	s10 =	simm.s32 $0x2980;
	s17 =	simm.s32 $0x7C00  }
0xc1: {  	[tilespmem:s17], [sflag:$0x2] =	stream.indirect.gather [hbm4b:s5+s23], $0x8, s10, s23, $0xb8;
	[tilespmem:$0xC800] =	vst v63  }
0xc2: {  	s18 =	simm.s32 $0x2D80;
	s26 =	simm.s32 $0x9C00  }
0xc3: {  	[tilespmem:s26], [sflag:$0x2] =	stream.indirect.gather [hbm4b:s5+s23], $0x8, s18, s23, $0xb8;
	[tilespmem:$0xC800] =	vst v63  }
0xc4: {  	s3 =	simm.s32 $0x2A00;
	s9 =	simm.s32 $0x8000  }
0xc5: {  	[tilespmem:s9], [sflag:$0x2] =	stream.indirect.gather [hbm4b:s5+s23], $0x8, s3, s23, $0xb8;
	[tilespmem:$0xC800] =	vst v63  }
0xc6: {  	s10 =	simm.s32 $0x2E00;
	s17 =	simm.s32 $0xA000  }
0xc7: {  	[tilespmem:s17], [sflag:$0x2] =	stream.indirect.gather [hbm4b:s5+s23], $0x8, s10, s23, $0xb8;
	[tilespmem:$0xC800] =	vst v63  }
0xc8: {  	s18 =	simm.s32 $0x2A80;
	s26 =	simm.s32 $0x8400  }
0xc9: {  	[tilespmem:s26], [sflag:$0x2] =	stream.indirect.gather [hbm4b:s5+s23], $0x8, s18, s23, $0xb8;
	[tilespmem:$0xC800] =	vst v63  }
0xca: {  	s3 =	simm.s32 $0x2E80;
	s9 =	simm.s32 $0xA400  }
0xcb: {  	[tilespmem:s9], [sflag:$0x2] =	stream.indirect.gather [hbm4b:s5+s23], $0x8, s3, s23, $0xb8;
	[tilespmem:$0xC800] =	vst v63  }
0xcc: {  	s10 =	simm.s32 $0x2B00;
	s17 =	simm.s32 $0x8800  }
0xcd: {  	[tilespmem:s17], [sflag:$0x2] =	stream.indirect.gather [hbm4b:s5+s23], $0x8, s10, s23, $0xb8;
	[tilespmem:$0xC800] =	vst v63  }
0xce: {  	s18 =	simm.s32 $0x2F00;
	s26 =	simm.s32 $0xA800  }
0xcf: {  	[tilespmem:s26], [sflag:$0x2] =	stream.indirect.gather [hbm4b:s5+s23], $0x8, s18, s23, $0xb8;
	[tilespmem:$0xC800] =	vst v63  }
0xd0: {  	s1 =	simm.s32 $0x2B80;
	s3 =	simm.s32 $0x8C00  }
0xd1: {  	[tilespmem:s3], [sflag:$0x2] =	stream.indirect.gather [hbm4b:s5+s23], $0x8, s1, s23, $0xb8;
	[tilespmem:$0xC800] =	vst v63  }
0xd2: {  	s9 =	simm.s32 $0x2F80;
	s10 =	simm.s32 $0xAC00  }
0xd3: {  	[tilespmem:s10], [sflag:$0x2] =	stream.indirect.gather [hbm4b:s5+s23], $0x8, s9, s23, $0xb8;
	[tilespmem:$0xC800] =	vst v63  }
0xd4: {  	_ =	swait.ge [sflag:s12], $0x2000  }
0xd5: {  	[sflag:s12] =	ssyncset.done $0x0  }
0xd6: {  	s17 =	simm.s32 $0x10;
	[sflag:s12] =	ssyncadd.s32 $0xFFFFE000  }
0xd7: {  	v1 =	vmov s17;
	_ =	swait.ge [sflag:s12], $0x2000  }
0xd8: {  	v1 =	vshll.u32 v1, $0x3;
	[sflag:s12] =	ssyncset.done $0x0  }
0xd9: {  	s18 =	simm.s32 $0x1010;
	v3 =	vor.u32 v0, v1;
	[sflag:s12] =	ssyncadd.s32 $0xFFFFE000  }
0xda: {  	s26 =	simm.s32 $0x1810;
	v1 =	vld [tilespmem:s18+$0x0]  }
0xdb: {  	v2 =	vld [tilespmem:s26+$0x0]  }
0xdc: {  	v4 =	vor.u32 $0x4, v3;
	_ =	sdelay $0x1  }
0xdd: {  	v5 =	vld.idx.msk [tilespmem:v3+s25+$0x0], $0xffff  }
0xde: {  	v6 =	vld.idx.msk [tilespmem:v3+s28+$0x0], $0xffff  }
0xdf: {  	v7 =	vsub.f32 $1.000000000e+00, v1;
	v8 =	vsub.f32 $1.000000000e+00, v2  }
0xe0: {  	v9 =	vld.idx.msk [tilespmem:v4+s25+$0x0], $0xffff  }
0xe1: {  	v10 =	vmul.f32 v8, v7;
	v11 =	vmul.f32 v8, v1  }
0xe2: {  	v4 =	vld.idx.msk [tilespmem:v4+s28+$0x0], $0xffff;
	v7 =	vmul.f32 v2, v7  }
0xe3: {  	v5 =	vmul.f32 v10, v5;
	v6 =	vmul.f32 v11, v6;
	_ =	sdelay $0x1  }
0xe4: {  	v12 =	vmul.f32 v2, v1;
	v2 =	vmul.f32 v9, v7;
	v1 =	vadd.f32 v6, v5;
	_ =	sdelay $0x1  }
0xe5: {  	s17 =	simm.s32 $0x1030;
	s9 =	simm.s32 $0x0;
	v4 =	vmul.f32 v4, v12;
	v6 =	vor.u32 $0x1, v3;
	v1 =	vadd.f32 v2, v1  }
0xe6: {  	v17 =	vld [tilespmem:s17+$0x0];
	v5 =	vmov s9  }
0xe7: {  	s10 =	simm.s32 $0x30;
	v29 =	vld [tilespmem:s17+$0xFFFFFFF0];
	v2 =	vshll.u32 v5, $0x3;
	v1 =	vadd.f32 v4, v1  }
0xe8: {  	v13 =	vmov s10;
	v8 =	vld [tilespmem:s18+$0xFFFFFFF0];
	s18 =	simm.s32 $0x1830;
	s9 =	simm.s32 $0xB410;
	v5 =	vor.u32 v0, v2;
	v2 =	vor.u32 $0x5, v3  }
0xe9: {  	v13 =	vshll.u32 v13, $0x3;
	v19 =	vld [tilespmem:s18+$0x0];
	[tilespmem:s9+$0xFFFFFC00] =	vst v1  }
0xea: {  	v13 =	vor.u32 v0, v13;
	v1 =	vld.idx.msk [tilespmem:v6+s25+$0x0], $0xffff  }
0xeb: {  	v4 =	vld.idx.msk [tilespmem:v6+s28+$0x0], $0xffff  }
0xec: {  	v9 =	vld [tilespmem:s26+$0xFFFFFFF0]  }
0xed: {  	v15 =	vld.idx.msk [tilespmem:v2+s25+$0x0], $0xffff  }
0xee: {  	v16 =	vld.idx.msk [tilespmem:v2+s28+$0x0], $0xffff  }
0xef: {  	v20 =	vor.u32 $0x4, v13;
	v24 =	vld.idx.msk [tilespmem:v13+s25+$0x0], $0xffff;
	v27 =	vsub.f32 $1.000000000e+00, v17;
	s26 =	simm.s32 $0x20;
	v14 =	vor.u32 $0x4, v5  }
0xf0: {  	v25 =	vld.idx.msk [tilespmem:v13+s28+$0x0], $0xffff;
	v26 =	vmov s26;
	s26 =	simm.s32 $0x1850;
	v1 =	vmul.f32 v1, v10;
	v2 =	vmul.f32 v4, v11  }
0xf1: {  	v26 =	vshll.u32 v26, $0x3;
	v53 =	vld [tilespmem:s26+$0xFFFFFFF0];
	v28 =	vsub.f32 $1.000000000e+00, v19;
	v18 =	vsub.f32 $1.000000000e+00, v9  }
0xf2: {  	v6 =	vld.idx.msk [tilespmem:v5+s25+$0x0], $0xffff;
	v4 =	vsub.f32 $1.000000000e+00, v8;
	v15 =	vmul.f32 v15, v7;
	v23 =	vadd.f32 v2, v1  }
0xf3: {  	v26 =	vor.u32 v0, v26;
	v31 =	vmul.f32 v28, v27;
	v21 =	vld.idx.msk [tilespmem:v5+s28+$0x0], $0xffff;
	v16 =	vmul.f32 v16, v12  }
0xf4: {  	v22 =	vld.idx.msk [tilespmem:v14+s25+$0x0], $0xffff;
	v2 =	vmul.f32 v9, v4;
	v1 =	vmul.f32 v18, v4;
	v15 =	vadd.f32 v15, v23  }
0xf5: {  	v14 =	vld.idx.msk [tilespmem:v14+s28+$0x0], $0xffff;
	v4 =	vmul.f32 v18, v8;
	v18 =	vmul.f32 v28, v17  }
0xf6: {  	v23 =	vor.u32 $0x2, v3;
	v15 =	vadd.f32 v16, v15;
	v16 =	vld.idx.msk [tilespmem:v20+s25+$0x0], $0xffff  }
0xf7: {  	v30 =	vor.u32 $0x6, v3;
	v28 =	vld.idx.msk [tilespmem:v20+s28+$0x0], $0xffff;
	v3 =	vmul.f32 v31, v24;
	v24 =	vmul.f32 v18, v25  }
0xf8: {  	v20 =	vmul.f32 v19, v27;
	v27 =	vld [tilespmem:s18+$0xFFFFFFF0];
	v19 =	vmul.f32 v19, v17  }
0xf9: {  	v17 =	vadd.f32 v24, v3;
	v3 =	vmul.f32 v9, v8;
	v8 =	vmul.f32 v22, v2;
	v22 =	vld.idx.msk [tilespmem:v26+s25+$0x0], $0xffff;
	s18 =	simm.s32 $0x1050  }
0xfa: {  	v6 =	vmul.f32 v1, v6;
	v21 =	vmul.f32 v4, v21;
	v48 =	vld [tilespmem:s18+$0xFFFFFFF0];
	[tilespmem:s9+$0x0] =	vst v15  }
0xfb: {  	v25 =	vor.u32 $0x4, v26;
	v15 =	vld.idx.msk [tilespmem:v23+s25+$0x0], $0xffff;
	v16 =	vmul.f32 v16, v20  }
0xfc: {  	v6 =	vadd.f32 v21, v6;
	v23 =	vld.idx.msk [tilespmem:v23+s28+$0x0], $0xffff  }
0xfd: {  	v24 =	vor.u32 $0x1, v13;
	v9 =	vmul.f32 v28, v19;
	v21 =	vld.idx.msk [tilespmem:v30+s25+$0x0], $0xffff;
	v16 =	vadd.f32 v16, v17  }
0xfe: {  	v14 =	vmul.f32 v14, v3;
	v6 =	vadd.f32 v8, v6;
	v28 =	vld.idx.msk [tilespmem:v30+s28+$0x0], $0xffff  }
0xff: {  	v30 =	vld.idx.msk [tilespmem:v26+s28+$0x0], $0xffff;
	v17 =	vor.u32 $0x1, v5;
	v8 =	vadd.f32 v9, v16  }
0x100: {  	s10 =	simm.s32 $0xB430;
	v32 =	vor.u32 $0x5, v13;
	v6 =	vadd.f32 v14, v6;
	v14 =	vld.idx.msk [tilespmem:v25+s28+$0x0], $0xffff  }
0x101: {  	v40 =	vor.u32 $0x6, v13;
	v16 =	vld.idx.msk [tilespmem:v25+s25+$0x0], $0xffff;
	[tilespmem:s10+$0xFFFFFC00] =	vst v8  }
0x102: {  	v35 =	vsub.f32 $1.000000000e+00, v29;
	v34 =	vor.u32 $0x1, v26;
	v37 =	vor.u32 $0x5, v26;
	v25 =	vld.idx.msk [tilespmem:v24+s25+$0x0], $0xffff  }
0x103: {  	s17 =	simm.s32 $0x40;
	v33 =	vor.u32 $0x5, v5;
	v38 =	vsub.f32 $1.000000000e+00, v27;
	[tilespmem:s9+$0xFFFFFBF0] =	vst v6;
	v6 =	vmul.f32 v27, v29;
	v24 =	vld.idx.msk [tilespmem:v24+s28+$0x0], $0xffff  }
0x104: {  	s3 =	simm.s32 $0x50;
	v10 =	vmul.f32 v15, v10;
	v12 =	vmul.f32 v28, v12;
	v28 =	vmov s17;
	v36 =	vld.idx.msk [tilespmem:v17+s25+$0x0], $0xffff  }
0x105: {  	v15 =	vmul.f32 v23, v11;
	v11 =	vmov s3;
	v28 =	vshll.u32 v28, $0x3;
	v23 =	vld.idx.msk [tilespmem:v32+s25+$0x0], $0xffff  }
0x106: {  	v9 =	vor.u32 $0x2, v5;
	v44 =	vor.u32 v0, v28;
	v8 =	vor.u32 $0x6, v5;
	v39 =	vld.idx.msk [tilespmem:v17+s28+$0x0], $0xffff  }
0x107: {  	v5 =	vmul.f32 v27, v35;
	v17 =	vmul.f32 v21, v7;
	v21 =	vld.idx.msk [tilespmem:v32+s28+$0x0], $0xffff;
	v7 =	vshll.u32 v11, $0x3  }
0x108: {  	v27 =	vld.idx.msk [tilespmem:v33+s25+$0x0], $0xffff;
	v11 =	vor.u32 v0, v7;
	v25 =	vmul.f32 v25, v31;
	v24 =	vmul.f32 v24, v18  }
0x109: {  	v15 =	vadd.f32 v15, v10;
	v10 =	vmul.f32 v38, v35;
	v7 =	vmul.f32 v38, v29;
	v29 =	vld [tilespmem:s18+$0x0]  }
0x10a: {  	v63 =	vor.u32 $0x4, v11;
	v23 =	vmul.f32 v23, v20;
	v24 =	vadd.f32 v24, v25;
	v25 =	vld [tilespmem:s26+$0x0]  }
0x10b: {  	v17 =	vadd.f32 v17, v15;
	v15 =	vmul.f32 v10, v22;
	v22 =	vmul.f32 v7, v30;
	v30 =	vld.idx.msk [tilespmem:v33+s28+$0x0], $0xffff  }
0x10c: {  	v54 =	vld.idx.msk [tilespmem:v44+s25+$0x0], $0xffff;
	v21 =	vmul.f32 v21, v19;
	v23 =	vadd.f32 v23, v24;
	v24 =	vor.u32 $0x2, v13  }
0x10d: {  	v56 =	vsub.f32 $1.000000000e+00, v48;
	v43 =	vmul.f32 v14, v6;
	v14 =	vor.u32 $0x6, v26;
	v49 =	vld.idx.msk [tilespmem:v11+s25+$0x0], $0xffff  }
0x10e: {  	v52 =	vor.u32 $0x4, v44;
	v16 =	vmul.f32 v16, v5;
	v50 =	vld.idx.msk [tilespmem:v11+s28+$0x0], $0xffff;
	v21 =	vadd.f32 v21, v23  }
0x10f: {  	v27 =	vmul.f32 v27, v2;
	v41 =	vsub.f32 $1.000000000e+00, v29;
	v28 =	vld.idx.msk [tilespmem:v63+s25+$0x0], $0xffff;
	v42 =	vsub.f32 $1.000000000e+00, v25  }
0x110: {  	v22 =	vadd.f32 v22, v15;
	v15 =	vor.u32 $0x2, v26;
	v36 =	vmul.f32 v36, v1;
	v23 =	vld.idx.msk [tilespmem:v63+s28+$0x0], $0xffff;
	[tilespmem:s10+$0x0] =	vst v21  }
0x111: {  	v21 =	vadd.f32 v12, v17;
	v51 =	vld.idx.msk [tilespmem:v24+s25+$0x0], $0xffff;
	v13 =	vmul.f32 v42, v41;
	v17 =	vmul.f32 v42, v29  }
0x112: {  	v26 =	vmul.f32 v39, v4;
	v22 =	vadd.f32 v16, v22;
	v16 =	vmul.f32 v25, v41;
	v24 =	vld.idx.msk [tilespmem:v24+s28+$0x0], $0xffff  }
0x113: {  	v58 =	vor.u32 $0x1, v11;
	v57 =	vld.idx.msk [tilespmem:v44+s28+$0x0], $0xffff;
	v35 =	vmul.f32 v13, v49;
	v38 =	vmul.f32 v17, v50  }
0x114: {  	v26 =	vadd.f32 v26, v36;
	v22 =	vadd.f32 v43, v22;
	v12 =	vmul.f32 v25, v29;
	v25 =	vld.idx.msk [tilespmem:v40+s25+$0x0], $0xffff  }
0x115: {  	v59 =	vld.idx.msk [tilespmem:v52+s25+$0x0], $0xffff;
	v30 =	vmul.f32 v30, v3;
	v28 =	vmul.f32 v28, v16;
	v29 =	vadd.f32 v38, v35  }
0x116: {  	[tilespmem:s10+$0xFFFFFBF0] =	vst v22;
	v22 =	vadd.f32 v27, v26;
	v26 =	vsub.f32 $1.000000000e+00, v53;
	v55 =	vld.idx.msk [tilespmem:v40+s28+$0x0], $0xffff;
	v23 =	vmul.f32 v23, v12  }
0x117: {  	v60 =	vld.idx.msk [tilespmem:v34+s25+$0x0], $0xffff;
	v24 =	vmul.f32 v24, v18;
	v28 =	vadd.f32 v28, v29;
	v29 =	vmul.f32 v51, v31  }
0x118: {  	v30 =	vadd.f32 v30, v22;
	[tilespmem:s9+$0x400] =	vst v21;
	v21 =	vmul.f32 v53, v48;
	v18 =	vmul.f32 v53, v56  }
0x119: {  	v41 =	vld.idx.msk [tilespmem:v52+s28+$0x0], $0xffff;
	v31 =	vmul.f32 v25, v20;
	v27 =	vadd.f32 v23, v28;
	v24 =	vadd.f32 v24, v29  }
0x11a: {  	s17 =	simm.s32 $0xB450;
	v20 =	vmul.f32 v26, v48;
	v23 =	vmul.f32 v26, v56;
	v29 =	vor.u32 $0x5, v11;
	v28 =	vld.idx.msk [tilespmem:v34+s28+$0x0], $0xffff  }
0x11b: {  	v19 =	vmul.f32 v55, v19;
	[tilespmem:s17+$0xFFFFFC00] =	vst v27;
	v27 =	vld.idx.msk [tilespmem:v37+s25+$0x0], $0xffff;
	v26 =	vadd.f32 v31, v24  }
0x11c: {  	v62 =	vmul.f32 v20, v57;
	v61 =	vmul.f32 v23, v54;
	v31 =	vld.idx.msk [tilespmem:v58+s25+$0x0], $0xffff  }
0x11d: {  	v22 =	vor.u32 $0x2, v44;
	[tilespmem:s9+$0xFFFFFFF0] =	vst v30;
	v30 =	vmul.f32 v60, v10;
	v33 =	vld.idx.msk [tilespmem:v58+s28+$0x0], $0xffff;
	v63 =	vadd.f32 v19, v26  }
0x11e: {  	v25 =	vor.u32 $0x1, v44;
	v35 =	vmul.f32 v59, v18;
	v36 =	vadd.f32 v62, v61;
	v26 =	vld.idx.msk [tilespmem:v37+s28+$0x0], $0xffff  }
0x11f: {  	s29 =	simm.s32 $0x4;
	s31 =	simm.s32 $0x60;
	v34 =	vmul.f32 v41, v21;
	v24 =	vor.u32 $0x5, v44;
	v19 =	vor.u32 $0x6, v44;
	v32 =	vld.idx.msk [tilespmem:v29+s25+$0x0], $0xffff;
	[tilespmem:s10+$0x400] =	vst v63  }
.LBB2_7:
0x120: {  	v37 =	vmov s31;
	s0 =	sadd.s32 $0x10, s31;
	v35 =	vadd.f32 v35, v36;
	v28 =	vmul.f32 v28, v7;
	v36 =	vld.idx.msk [tilespmem:v9+s25+$0x0], $0xffff  }
0x121: {  	v27 =	vmul.f32 v27, v5;
	v37 =	vshll.u32 v37, $0x3;
	v38 =	vmov s0;
	v29 =	vld.idx.msk [tilespmem:v29+s28+$0x0], $0xffff  }
0x122: {  	v37 =	vor.u32 v0, v37;
	v38 =	vshll.u32 v38, $0x3;
	v34 =	vadd.f32 v34, v35;
	v35 =	vld.idx.msk [tilespmem:v9+s28+$0x0], $0xffff;
	v9 =	vmovc v15  }
0x123: {  	s29 =	sadd.s32 $0x2, s29;
	v31 =	vmul.f32 v31, v13;
	v33 =	vmul.f32 v33, v17;
	v38 =	vor.u32 v0, v38;
	v39 =	vld.idx.msk [tilespmem:v8+s25+$0x0], $0xffff  }
0x124: {  	s18 =	sadd.s32 $0x20, s18;
	p1 =	slt.u32 s29, $0x3E;
	v15 =	vmovc v22;
	v40 =	vor.u32 $0x4, v37;
	v41 =	vor.u32 $0x1, v37;
	v42 =	vor.u32 $0x5, v37;
	[tilespmem:s17+$0xFFFFFBF0] =	vst v34;
	v34 =	vld.idx.msk [tilespmem:v8+s28+$0x0], $0xffff;
	v8 =	vmovc v14  }
0x125: {  	s26 =	sadd.s32 $0x20, s26;
	v44 =	vor.u32 $0x4, v38;
	v31 =	vadd.f32 v33, v31;
	v32 =	vmul.f32 v32, v16;
	v14 =	vmovc v19;
	v43 =	vld [tilespmem:s18+$0x0]  }
0x126: {  	v28 =	vadd.f32 v28, v30;
	v22 =	vor.u32 $0x2, v37;
	v26 =	vmul.f32 v26, v6;
	v33 =	vld [tilespmem:s26+$0x0]  }
0x127: {  	v31 =	vadd.f32 v32, v31;
	v29 =	vmul.f32 v29, v12;
	v32 =	vor.u32 $0x2, v11;
	v30 =	vld [tilespmem:s18+$0xFFFFFFF0]  }
0x128: {  	v19 =	vor.u32 $0x6, v37;
	v27 =	vadd.f32 v27, v28;
	v28 =	vmul.f32 v36, v1;
	v1 =	vmovc v10;
	v45 =	vld.idx.msk [tilespmem:v38+s25+$0x0], $0xffff  }
0x129: {  	v4 =	vmul.f32 v35, v4;
	v46 =	vadd.f32 v29, v31;
	v29 =	vmul.f32 v39, v2;
	v36 =	vld.idx.msk [tilespmem:v38+s28+$0x0], $0xffff  }
0x12a: {  	v26 =	vadd.f32 v26, v27;
	v35 =	vor.u32 $0x6, v11;
	v11 =	vmovc v38;
	v27 =	vmul.f32 v34, v3;
	v31 =	vld.idx.msk [tilespmem:v44+s28+$0x0], $0xffff  }
0x12b: {  	v2 =	vmovc v5;
	v5 =	vmovc v18;
	v3 =	vmov v6;
	v34 =	vsub.f32 $1.000000000e+00, v43;
	v38 =	vsub.f32 $1.000000000e+00, v33;
	v39 =	vld.idx.msk [tilespmem:v44+s25+$0x0], $0xffff;
	[tilespmem:s17+$0x0] =	vst v46  }
0x12c: {  	v10 =	vmovc v23;
	v6 =	vmov v21;
	v44 =	vsub.f32 $1.000000000e+00, v30;
	v18 =	vld.idx.msk [tilespmem:v32+s25+$0x0], $0xffff;
	[tilespmem:s10+$0xFFFFFFF0] =	vst v26;
	v26 =	vadd.f32 v4, v28  }
0x12d: {  	v4 =	vmovc v7;
	v7 =	vmov v20;
	v23 =	vmul.f32 v38, v34;
	v38 =	vmul.f32 v38, v43;
	v21 =	vld.idx.msk [tilespmem:v32+s28+$0x0], $0xffff  }
0x12e: {  	v32 =	vmul.f32 v33, v34;
	v20 =	vld [tilespmem:s26+$0xFFFFFFF0];
	v26 =	vadd.f32 v29, v26  }
0x12f: {  	v28 =	vmul.f32 v23, v45;
	v29 =	vmul.f32 v38, v36;
	v34 =	vld.idx.msk [tilespmem:v35+s25+$0x0], $0xffff  }
0x130: {  	v33 =	vmul.f32 v33, v43;
	v36 =	vld.idx.msk [tilespmem:v37+s25+$0x0], $0xffff;
	v26 =	vadd.f32 v27, v26  }
0x131: {  	v27 =	vadd.f32 v29, v28;
	v28 =	vmul.f32 v39, v32;
	v35 =	vld.idx.msk [tilespmem:v35+s28+$0x0], $0xffff  }
0x132: {  	v29 =	vmul.f32 v31, v33;
	v39 =	vor.u32 $0x1, v11;
	v37 =	vld.idx.msk [tilespmem:v37+s28+$0x0], $0xffff;
	[tilespmem:s9+$0x3F0] =	vst v26;
	s9 =	smov.u32 s10;
	s10 =	smov.u32 s17  }
0x133: {  	v17 =	vmul.f32 v21, v17;
	v26 =	vld.idx.msk [tilespmem:v40+s25+$0x0], $0xffff;
	v27 =	vadd.f32 v28, v27;
	v28 =	vmul.f32 v18, v13  }
0x134: {  	v31 =	vsub.f32 $1.000000000e+00, v20;
	v18 =	vmul.f32 v20, v44;
	v21 =	vmul.f32 v20, v30;
	v13 =	vmovc v23;
	v40 =	vld.idx.msk [tilespmem:v40+s28+$0x0], $0xffff  }
0x135: {  	v46 =	vmul.f32 v34, v16;
	v27 =	vadd.f32 v29, v27;
	v43 =	vld.idx.msk [tilespmem:v25+s25+$0x0], $0xffff;
	v45 =	vadd.f32 v17, v28  }
0x136: {  	s17 =	sadd.s32 $0x20, s17;
	v23 =	vmul.f32 v31, v44;
	v20 =	vmul.f32 v31, v30;
	v29 =	vor.u32 $0x5, v11;
	v28 =	vld.idx.msk [tilespmem:v25+s28+$0x0], $0xffff;
	v25 =	vmovc v41  }
.Ltmp2:
0x137: {  	v34 =	vmul.f32 v35, v12;
	v17 =	vmov v38;
	[tilespmem:s17+$0xFFFFFC00] =	vst v27;
	v27 =	vld.idx.msk [tilespmem:v24+s25+$0x0], $0xffff;
	v30 =	vadd.f32 v46, v45;
	(pc) =	sbr.rel @p1 .LBB2_7-.Ltmp2, $4  }
0x138: {  	v16 =	vmovc v32;
	v12 =	vmov v33;
	v36 =	vmul.f32 v23, v36;
	v37 =	vmul.f32 v20, v37;
	v31 =	vld.idx.msk [tilespmem:v39+s25+$0x0], $0xffff  }
0x139: {  	v35 =	vmul.f32 v26, v18;
	v33 =	vld.idx.msk [tilespmem:v39+s28+$0x0], $0xffff;
	v38 =	vadd.f32 v34, v30  }
0x13a: {  	v36 =	vadd.f32 v37, v36;
	v34 =	vmul.f32 v40, v21;
	v26 =	vld.idx.msk [tilespmem:v24+s28+$0x0], $0xffff;
	v24 =	vmov v42  }
0x13b: {  	s31 =	sadd.s32 $0x20, s31;
	v30 =	vmul.f32 v43, v10;
	v32 =	vld.idx.msk [tilespmem:v29+s25+$0x0], $0xffff;
	[tilespmem:s10+$0x400] =	vst v38  }
0x13c: {  	v35 =	vadd.f32 v35, v36;
	_ =	sdelay $0x1  }
0x13d: {  	v34 =	vadd.f32 v34, v35;
	_ =	sdelay $0x1  }
0x13e: {  	v29 =	vld.idx.msk [tilespmem:v29+s28+$0x0], $0xffff;
	[tilespmem:s17+$0xFFFFFBF0] =	vst v34  }
0x13f: {  	v28 =	vmul.f32 v28, v7;
	v34 =	vld.idx.msk [tilespmem:v25+s25+$0x0], $0xffff  }
0x140: {  	v63 =	vld.idx.msk [tilespmem:v25+s28+$0x0], $0xffff  }
0x141: {  	v36 =	vld.idx.msk [tilespmem:v9+s25+$0x0], $0xffff;
	v27 =	vmul.f32 v27, v5;
	v28 =	vadd.f32 v28, v30  }
0x142: {  	v31 =	vmul.f32 v31, v13;
	v33 =	vmul.f32 v33, v17;
	v37 =	vld.idx.msk [tilespmem:v24+s25+$0x0], $0xffff  }
0x143: {  	v38 =	vld.idx.msk [tilespmem:v9+s28+$0x0], $0xffff;
	v26 =	vmul.f32 v26, v6;
	v27 =	vadd.f32 v27, v28  }
0x144: {  	v31 =	vadd.f32 v33, v31;
	v32 =	vmul.f32 v32, v16;
	v40 =	vld.idx.msk [tilespmem:v24+s28+$0x0], $0xffff  }
0x145: {  	v41 =	vld.idx.msk [tilespmem:v8+s25+$0x0], $0xffff;
	v26 =	vadd.f32 v26, v27;
	v43 =	vmul.f32 v34, v23;
	v25 =	vmul.f32 v63, v20  }
0x146: {  	v39 =	vor.u32 $0x2, v11;
	v44 =	vld.idx.msk [tilespmem:v8+s28+$0x0], $0xffff;
	v29 =	vmul.f32 v29, v12  }
0x147: {  	v31 =	vadd.f32 v32, v31;
	[tilespmem:s10+$0xFFFFFFF0] =	vst v26;
	v45 =	vmul.f32 v37, v18;
	v25 =	vadd.f32 v25, v43  }
0x148: {  	v48 =	vld.idx.msk [tilespmem:v15+s25+$0x0], $0xffff  }
0x149: {  	v29 =	vadd.f32 v29, v31;
	v49 =	vld.idx.msk [tilespmem:v15+s28+$0x0], $0xffff;
	v24 =	vmul.f32 v40, v21;
	v25 =	vadd.f32 v45, v25  }
0x14a: {  	v51 =	vld.idx.msk [tilespmem:v14+s25+$0x0], $0xffff  }
0x14b: {  	v42 =	vor.u32 $0x6, v11;
	v56 =	vld.idx.msk [tilespmem:v14+s28+$0x0], $0xffff;
	[tilespmem:s17+$0x0] =	vst v29;
	v24 =	vadd.f32 v24, v25  }
0x14c: {  	v29 =	vld.idx.msk [tilespmem:v39+s25+$0x0], $0xffff  }
0x14d: {  	v1 =	vmul.f32 v36, v1;
	v4 =	vmul.f32 v38, v4;
	v46 =	vld.idx.msk [tilespmem:v39+s28+$0x0], $0xffff;
	[tilespmem:s17+$0xFFFFFFF0] =	vst v24  }
0x14e: {  	v24 =	vld.idx.msk [tilespmem:v22+s25+$0x0], $0xffff  }
0x14f: {  	v2 =	vmul.f32 v41, v2;
	v1 =	vadd.f32 v4, v1;
	v50 =	vld.idx.msk [tilespmem:v22+s28+$0x0], $0xffff  }
0x150: {  	v47 =	vld.idx.msk [tilespmem:v42+s25+$0x0], $0xffff  }
0x151: {  	v3 =	vmul.f32 v44, v3;
	v1 =	vadd.f32 v2, v1;
	v10 =	vmul.f32 v48, v10;
	v54 =	vld.idx.msk [tilespmem:v19+s25+$0x0], $0xffff  }
0x152: {  	v11 =	vld.idx.msk [tilespmem:v42+s28+$0x0], $0xffff;
	v57 =	vmul.f32 v49, v7;
	v60 =	vmul.f32 v51, v5  }
0x153: {  	v1 =	vadd.f32 v3, v1;
	v52 =	vmul.f32 v29, v13;
	v53 =	vmul.f32 v46, v17;
	v58 =	vld.idx.msk [tilespmem:v19+s28+$0x0], $0xffff  }
0x154: {  	v7 =	vadd.f32 v57, v10;
	v2 =	vmul.f32 v24, v23;
	v59 =	vmul.f32 v50, v20  }
0x155: {  	v3 =	vmul.f32 v56, v6;
	v55 =	vmul.f32 v47, v16;
	v13 =	vadd.f32 v53, v52  }
0x156: {  	v5 =	vadd.f32 v60, v7;
	v62 =	vmul.f32 v54, v18;
	v2 =	vadd.f32 v59, v2  }
0x157: {  	v61 =	vmul.f32 v11, v12;
	v4 =	vadd.f32 v55, v13  }
0x158: {  	[tilespmem:s9+$0x3F0] =	vst v1;
	v1 =	vadd.f32 v3, v5;
	v63 =	vmul.f32 v58, v21;
	v2 =	vadd.f32 v62, v2  }
0x159: {  	v4 =	vadd.f32 v61, v4  }
0x15a: {  	s0 =	sor.u32 s6, s8;
	[tilespmem:s10+$0x3F0] =	vst v1;
	v2 =	vadd.f32 v63, v2  }
0x15b: {  	s9 =	sshrl.u32 s0, $0x3;
	[tilespmem:s17+$0x400] =	vst v4  }
0x15c: {  	s1 =	simm.s32 $0xB000;
	s0 =	sadd.s32 s7, s9;
	[tilespmem:s17+$0x3F0] =	vst v2  }
0x15d: {  	[hbm4b:s0+s2] =	stream.linear.scatter [tilespmem:s1], [sflag:$0x5], $0x400, $0x38;
	[tilespmem:$0xC800] =	vst v63  }
.Ltmp3:
0x15e: {  	_ = 	snop;
	(pc) =	sbr.rel @p0 .LBB2_12-.Ltmp3, $4  }
0x15f: {  	s26 =	simm.s32 $0xB400;
	s18 =	sadd.s32 s9, s14  }
0x160: {  	[hbm4b:s18+s2] =	stream.linear.scatter [tilespmem:s26], [sflag:$0x5], $0x400, $0x38;
	[tilespmem:$0xC800] =	vst v63  }
0x161: {  	s31 =	simm.s32 $0xB800;
	s29 =	sadd.s32 s9, s16  }
0x162: {  	[hbm4b:s29+s2] =	stream.linear.scatter [tilespmem:s31], [sflag:$0x5], $0x400, $0x38;
	[tilespmem:$0xC800] =	vst v63  }
0x163: {  	s0 =	simm.s32 $0x3  }
0x164: {  	_ =	swait.ge [sflag:s0], $0x400  }
0x165: {  	[sflag:s0] =	ssyncset.done $0x0  }
0x166: {  	[sflag:s0] =	ssyncadd.s32 $0xFFFFFC00  }
0x167: {  	_ =	swait.ge [sflag:s0], $0x400  }
0x168: {  	[sflag:s0] =	ssyncset.done $0x0  }
0x169: {  	s10 =	simm.s32 $0x10;
	[sflag:s0] =	ssyncadd.s32 $0xFFFFFC00  }
0x16a: {  	s3 =	simm.s32 $0x810;
	v1 =	vld [tilespmem:s10+$0x0]  }
0x16b: {  	v2 =	vld [tilespmem:s3+$0x0]  }
0x16c: {  	v3 =	vld [tilespmem:s10+$0xFFFFFFF0]  }
0x16d: {  	v4 =	vld [tilespmem:s3+$0xFFFFFFF0];
	_ =	sdelay $0x2  }
0x16e: {  	v1 =	vmul.f32 $2.047000000e+03, v1  }
0x16f: {  	v2 =	vmul.f32 $2.047000000e+03, v2;
	v5 =	vmul.f32 $2.047000000e+03, v3  }
0x170: {  	v7 =	vmul.f32 $2.047000000e+03, v4;
	v3 =	vtrunc.f32 v1  }
0x171: {  	v6 =	vtrunc.f32 v2;
	v3 =	vcvt.f32.s32 v3  }
0x172: {  	v8 =	vtrunc.f32 v7;
	v4 =	vcvt.f32.s32 v6  }
0x173: {  	v6 =	vtrunc.f32 v5;
	v8 =	vcvt.f32.s32 v8;
	vm0 =	vgt.s32 v3, $0x0  }
0x174: {  	s22 =	smov.u32 s4;
	s4 =	smov.u32 s6;
	s6 =	simm.s32 $0x30;
	v6 =	vcvt.f32.s32 v6;
	vm11 =	vgt.s32 v4, $0x0;
	v3 =	vnsel vm0, $0x0, v3  }
0x175: {  	s18 =	simm.s32 $0x830;
	vm13 =	vgt.s32 v8, $0x0;
	v9 =	vmin.u32 v3, $0x7FE;
	v3 =	vnsel vm11, $0x0, v4;
	v4 =	vld [tilespmem:s6+$0x0]  }
0x176: {  	v11 =	vld [tilespmem:s18+$0x0];
	vm12 =	vgt.s32 v6, $0x0;
	v10 =	vcvt.s32.f32 v9;
	v3 =	vmin.u32 v3, $0x7FE  }
0x177: {  	v13 =	vld [tilespmem:s6+$0xFFFFFFF0];
	v8 =	vnsel vm13, $0x0, v8;
	v6 =	vnsel vm12, $0x0, v6;
	v12 =	vcvt.s32.f32 v3  }
0x178: {  	s21 =	smov.u32 s15;
	s15 =	simm.s32 $0x0;
	v8 =	vmin.u32 v8, $0x7FE;
	v6 =	vmin.u32 v6, $0x7FE;
	v1 =	vsub.f32 v1, v10  }
0x179: {  	s17 =	simm.s32 $0x1010;
	s1 =	sand.u32 $0x380, s15;
	v15 =	vcvt.s32.f32 v8;
	v63 =	vcvt.s32.f32 v6;
	v10 =	vld [tilespmem:s18+$0xFFFFFFF0];
	v2 =	vsub.f32 v2, v12  }
0x17a: {  	s26 =	simm.s32 $0x1810;
	s29 =	sand.u32 $0x70, s10;
	s3 =	sor.u32 $0x2000, s1;
	v8 =	vshll.u32 v8, $0xB;
	v14 =	vshll.u32 v3, $0xB;
	[tilespmem:s17+$0x0] =	vst v1;
	v3 =	vmul.f32 $2.047000000e+03, v4  }
0x17b: {  	s31 =	sor.u32 s29, s3;
	v5 =	vsub.f32 v5, v63;
	v1 =	vor.u32 v9, v14;
	v4 =	vmul.f32 $2.047000000e+03, v11;
	[tilespmem:s26+$0x0] =	vst v2  }
0x17c: {  	s1 =	sor.u32 $0x2400, s1;
	v2 =	vadd.s32 $0x1, v1;
	[tilespmem:s31+$0x0] =	vst v1;
	v1 =	vmul.f32 $2.047000000e+03, v13;
	v9 =	vtrunc.f32 v3  }
0x17d: {  	s29 =	sor.u32 s29, s1;
	v7 =	vsub.f32 v7, v15;
	[tilespmem:s17+$0xFFFFFFF0] =	vst v5;
	v11 =	vtrunc.f32 v4;
	v9 =	vcvt.f32.s32 v9  }
0x17e: {  	s0 =	sand.u32 $0x60, s15;
	v5 =	vor.u32 v6, v8;
	[tilespmem:s29+$0x0] =	vst v2;
	v2 =	vmul.f32 $2.047000000e+03, v10;
	v10 =	vcvt.f32.s32 v11  }
0x17f: {  	s3 =	sor.u32 s0, s3;
	[tilespmem:s26+$0xFFFFFFF0] =	vst v7;
	v11 =	vadd.s32 $0x1, v5;
	v6 =	vtrunc.f32 v1;
	vm14 =	vgt.s32 v9, $0x0  }
0x180: {  	s0 =	sor.u32 s0, s1;
	[tilespmem:s3+$0x0] =	vst v5;
	v7 =	vtrunc.f32 v2;
	vm15 =	vgt.s32 v10, $0x0;
	v8 =	vnsel vm14, $0x0, v9  }
0x181: {  	s31 =	simm.s32 $0x50;
	s29 =	simm.s32 $0x2;
	[tilespmem:s0+$0x0] =	vst v11;
	v6 =	vcvt.f32.s32 v6;
	v5 =	vmin.u32 v8, $0x7FE;
	v8 =	vnsel vm15, $0x0, v10  }
.LBB2_10:
0x182: {  	v9 =	vld [tilespmem:s31+$0x0];
	v7 =	vcvt.f32.s32 v7;
	v10 =	vcvt.s32.f32 v5;
	v8 =	vmin.u32 v8, $0x7FE;
	s18 =	sadd.s32 $0x20, s18  }
0x183: {  	s10 =	sadd.s32 $0x20, s10;
	v11 =	vld [tilespmem:s18+$0x0];
	vm0 =	vgt.s32 v6, $0x0;
	v12 =	vcvt.s32.f32 v8  }
0x184: {  	s26 =	sadd.s32 $0x20, s26;
	s0 =	sadd.s32 $0xFFFFFFF0, s10;
	v13 =	vld [tilespmem:s31+$0xFFFFFFF0];
	v6 =	vnsel vm0, $0x0, v6;
	vm0 =	vgt.s32 v7, $0x0;
	v3 =	vsub.f32 v3, v10  }
0x185: {  	s29 =	sadd.s32 $0x2, s29;
	s17 =	sadd.s32 $0x20, s17;
	s1 =	sand.u32 $0x380, s0;
	v10 =	vld [tilespmem:s18+$0xFFFFFFF0];
	v6 =	vmin.u32 v6, $0x7FE;
	v7 =	vnsel vm0, $0x0, v7;
	v4 =	vsub.f32 v4, v12  }
0x186: {  	p0 =	slt.u32 s29, $0x3E;
	v8 =	vshll.u32 v8, $0xB;
	s6 =	sand.u32 $0x70, s10;
	s3 =	sor.u32 $0x2000, s1;
	v12 =	vcvt.s32.f32 v6;
	v7 =	vmin.u32 v7, $0x7FE;
	[tilespmem:s17+$0x0] =	vst v3  }
0x187: {  	s0 =	sand.u32 $0x60, s0;
	v5 =	vor.u32 v5, v8;
	s1 =	sor.u32 $0x2400, s1;
	s15 =	sor.u32 s6, s3;
	v3 =	vmul.f32 $2.047000000e+03, v9;
	v9 =	vcvt.s32.f32 v7;
	[tilespmem:s26+$0x0] =	vst v4  }
0x188: {  	s3 =	sor.u32 s0, s3;
	s0 =	sor.u32 s0, s1;
	s1 =	sor.u32 s6, s1;
	v7 =	vshll.u32 v7, $0xB;
	v4 =	vmul.f32 $2.047000000e+03, v11;
	[tilespmem:s15+$0x0] =	vst v5;
	v5 =	vadd.s32 $0x1, v5  }
0x189: {  	v11 =	vsub.f32 v1, v12;
	v8 =	vtrunc.f32 v3;
	v1 =	vmul.f32 $2.047000000e+03, v13;
	[tilespmem:s1+$0x0] =	vst v5  }
.Ltmp4:
0x18a: {  	v9 =	vsub.f32 v2, v9;
	v5 =	vcvt.f32.s32 v8;
	v8 =	vtrunc.f32 v4;
	(pc) =	sbr.rel @p0 .LBB2_10-.Ltmp4, $4  }
0x18b: {  	v6 =	vor.u32 v6, v7;
	v2 =	vmul.f32 $2.047000000e+03, v10;
	v8 =	vcvt.f32.s32 v8;
	[tilespmem:s17+$0xFFFFFFF0] =	vst v11  }
0x18c: {  	v10 =	vtrunc.f32 v1;
	vm0 =	vgt.s32 v5, $0x0;
	[tilespmem:s26+$0xFFFFFFF0] =	vst v9;
	v9 =	vadd.s32 $0x1, v6  }
0x18d: {  	v7 =	vtrunc.f32 v2;
	v5 =	vnsel vm0, $0x0, v5;
	vm0 =	vgt.s32 v8, $0x0;
	[tilespmem:s3+$0x0] =	vst v6  }
0x18e: {  	s31 =	sadd.s32 $0x20, s31;
	v6 =	vcvt.f32.s32 v10;
	v5 =	vmin.u32 v5, $0x7FE;
	v8 =	vnsel vm0, $0x0, v8;
	[tilespmem:s0+$0x0] =	vst v9  }
0x18f: {  	v7 =	vcvt.f32.s32 v7;
	v9 =	vcvt.s32.f32 v5;
	v8 =	vmin.u32 v8, $0x7FE  }
0x190: {  	s0 =	sadd.s32 $0x20, s10;
	vm0 =	vgt.s32 v6, $0x0;
	v10 =	vcvt.s32.f32 v8  }
0x191: {  	s1 =	sadd.s32 $0xFFFFFFF0, s0;
	v6 =	vnsel vm0, $0x0, v6;
	vm15 =	vgt.s32 v7, $0x0;
	v3 =	vsub.f32 v3, v9  }
0x192: {  	s6 =	sadd.s32 $0x20, s17;
	s3 =	sand.u32 $0x380, s1;
	v6 =	vmin.u32 v6, $0x7FE;
	v7 =	vnsel vm15, $0x0, v7;
	v4 =	vsub.f32 v4, v10  }
0x193: {  	s26 =	sadd.s32 $0x20, s26;
	s0 =	sand.u32 $0x70, s0;
	s15 =	sor.u32 $0x2000, s3;
	v62 =	vcvt.s32.f32 v6;
	v7 =	vmin.u32 v7, $0x7FE;
	[tilespmem:s6+$0x0] =	vst v3;
	v3 =	vshll.u32 v8, $0xB  }
0x194: {  	s3 =	sor.u32 $0x2400, s3;
	s29 =	sor.u32 s0, s15;
	v63 =	vcvt.s32.f32 v7;
	[tilespmem:s26+$0x0] =	vst v4;
	v3 =	vor.u32 v5, v3  }
0x195: {  	s0 =	sor.u32 s0, s3;
	[tilespmem:s29+$0x0] =	vst v3;
	v3 =	vadd.s32 $0x1, v3;
	v1 =	vsub.f32 v1, v62  }
0x196: {  	[tilespmem:s0+$0x0] =	vst v3;
	v2 =	vsub.f32 v2, v63  }
0x197: {  	s31 =	sand.u32 $0x60, s1;
	[tilespmem:s6+$0xFFFFFFF0] =	vst v1;
	v1 =	vshll.u32 v7, $0xB  }
0x198: {  	s1 =	sor.u32 s31, s15;
	[tilespmem:s26+$0xFFFFFFF0] =	vst v2;
	v1 =	vor.u32 v6, v1  }
0x199: {  	p0 =	sgt.u32 s19, $0xD;
	s0 =	sor.u32 s31, s3;
	s6 =	rddreg [dreg:$0xa];
	v2 =	vadd.s32 $0x1, v1;
	[tilespmem:s1+$0x0] =	vst v1  }
0x19a: {  	s6 =	sadd.s32 @!p0 s8, s6;
	[tilespmem:s0+$0x0] =	vst v2  }
0x19b: {  	s1 =	sshrl.u32 @!p0 s6, $0x3;
	s0 =	rddreg [dreg:$0x3]  }
0x19c: {  	s3 =	simm.s32 @!p0 $0x0;
	s0 =	sadd.s32 @!p0 s0, s1  }
0x19d: {  	[tilespmem:s3], [sflag:$0x3] =	stream.linear.gather @!p0 [hbm4b:s0+s3], $0x400, $0x38;
	[tilespmem:$0xC800] =	vst v63  }
0x19e: {  	s0 =	sadd.s32 @!p0 s21, s1;
	s1 =	simm.s32 @!p0 $0x800  }
0x19f: {  	[tilespmem:s1], [sflag:$0x3] =	stream.linear.gather @!p0 [hbm4b:s0+s3], $0x400, $0x38;
	[tilespmem:$0xC800] =	vst v63  }
0x1a0: {  	s3 =	simm.s32 $0x2000  }
0x1a1: {  	[tilespmem:s25], [sflag:$0x1] =	stream.indirect.gather [hbm4b:s5+s23], $0x8, s3, s23, $0xb8;
	[tilespmem:$0xC800] =	vst v63  }
0x1a2: {  	s6 =	simm.s32 $0x2400  }
0x1a3: {  	[tilespmem:s28], [sflag:$0x1] =	stream.indirect.gather [hbm4b:s5+s23], $0x8, s6, s23, $0xb8;
	[tilespmem:$0xC800] =	vst v63  }
0x1a4: {  	s10 =	simm.s32 $0x3400;
	s8 =	simm.s32 $0x2080  }
0x1a5: {  	[tilespmem:s10], [sflag:$0x1] =	stream.indirect.gather [hbm4b:s5+s23], $0x8, s8, s23, $0xb8;
	[tilespmem:$0xC800] =	vst v63  }
0x1a6: {  	s17 =	simm.s32 $0x2480;
	s18 =	simm.s32 $0x5400  }
0x1a7: {  	[tilespmem:s18], [sflag:$0x1] =	stream.indirect.gather [hbm4b:s5+s23], $0x8, s17, s23, $0xb8;
	[tilespmem:$0xC800] =	vst v63  }
0x1a8: {  	s15 =	smov.u32 s21;
	s26 =	simm.s32 $0x3800;
	s21 =	simm.s32 $0x2100  }
0x1a9: {  	[tilespmem:s26], [sflag:$0x1] =	stream.indirect.gather [hbm4b:s5+s23], $0x8, s21, s23, $0xb8;
	[tilespmem:$0xC800] =	vst v63  }
0x1aa: {  	s29 =	simm.s32 $0x2500;
	s31 =	simm.s32 $0x5800  }
0x1ab: {  	[tilespmem:s31], [sflag:$0x1] =	stream.indirect.gather [hbm4b:s5+s23], $0x8, s29, s23, $0xb8;
	[tilespmem:$0xC800] =	vst v63  }
0x1ac: {  	s3 =	simm.s32 $0x2180;
	s6 =	simm.s32 $0x3C00  }
0x1ad: {  	[tilespmem:s6], [sflag:$0x1] =	stream.indirect.gather [hbm4b:s5+s23], $0x8, s3, s23, $0xb8;
	[tilespmem:$0xC800] =	vst v63  }
0x1ae: {  	s8 =	simm.s32 $0x2580;
	s10 =	simm.s32 $0x5C00  }
0x1af: {  	[tilespmem:s10], [sflag:$0x1] =	stream.indirect.gather [hbm4b:s5+s23], $0x8, s8, s23, $0xb8;
	[tilespmem:$0xC800] =	vst v63  }
0x1b0: {  	s17 =	simm.s32 $0x2200;
	s18 =	simm.s32 $0x4000  }
0x1b1: {  	[tilespmem:s18], [sflag:$0x1] =	stream.indirect.gather [hbm4b:s5+s23], $0x8, s17, s23, $0xb8;
	[tilespmem:$0xC800] =	vst v63  }
0x1b2: {  	s21 =	simm.s32 $0x2600;
	s26 =	simm.s32 $0x6000  }
0x1b3: {  	[tilespmem:s26], [sflag:$0x1] =	stream.indirect.gather [hbm4b:s5+s23], $0x8, s21, s23, $0xb8;
	[tilespmem:$0xC800] =	vst v63  }
0x1b4: {  	s29 =	simm.s32 $0x2280;
	s31 =	simm.s32 $0x4400  }
0x1b5: {  	[tilespmem:s31], [sflag:$0x1] =	stream.indirect.gather [hbm4b:s5+s23], $0x8, s29, s23, $0xb8;
	[tilespmem:$0xC800] =	vst v63  }
0x1b6: {  	s3 =	simm.s32 $0x2680;
	s6 =	simm.s32 $0x6400  }
0x1b7: {  	[tilespmem:s6], [sflag:$0x1] =	stream.indirect.gather [hbm4b:s5+s23], $0x8, s3, s23, $0xb8;
	[tilespmem:$0xC800] =	vst v63  }
0x1b8: {  	s8 =	simm.s32 $0x2300;
	s10 =	simm.s32 $0x4800;
	s17 =	simm.s32 $0x2700  }
0x1b9: {  	[tilespmem:s10], [sflag:$0x1] =	stream.indirect.gather [hbm4b:s5+s23], $0x8, s8, s23, $0xb8;
	[tilespmem:$0xC800] =	vst v63  }
0x1ba: {  	s18 =	simm.s32 $0x6800;
	s21 =	simm.s32 $0x2380;
	s26 =	simm.s32 $0x4C00  }
0x1bb: {  	[tilespmem:s18], [sflag:$0x1] =	stream.indirect.gather [hbm4b:s5+s23], $0x8, s17, s23, $0xb8;
	[tilespmem:$0xC800] =	vst v63  }
0x1bc: {  	s29 =	simm.s32 $0x2780;
	s31 =	simm.s32 $0x6C00;
	s6 =	smov.u32 s4  }
0x1bd: {  	[tilespmem:s26], [sflag:$0x1] =	stream.indirect.gather [hbm4b:s5+s23], $0x8, s21, s23, $0xb8;
	[tilespmem:$0xC800] =	vst v63  }
0x1be: {  	s4 =	smov.u32 s22;
	s22 =	simm.s32 $0x2800;
	s21 =	simm.s32 $0x0  }
0x1bf: {  	[tilespmem:s31], [sflag:$0x1] =	stream.indirect.gather [hbm4b:s5+s23], $0x8, s29, s23, $0xb8;
	[tilespmem:$0xC800] =	vst v63  }
.LBB2_12:
0x1c0: {  	_ =	swait.ge [sflag:s30], $0x2000  }
0x1c1: {  	[sflag:s30] =	ssyncset.done $0x0  }
0x1c2: {  	s0 =	simm.s32 $0x10;
	[sflag:s30] =	ssyncadd.s32 $0xFFFFE000  }
0x1c3: {  	v1 =	vmov s0;
	_ =	swait.ge [sflag:s30], $0x2000  }
0x1c4: {  	v1 =	vshll.u32 v1, $0x3;
	[sflag:s30] =	ssyncset.done $0x0  }
0x1c5: {  	s26 =	simm.s32 $0x1410;
	v3 =	vor.u32 v0, v1;
	[sflag:s30] =	ssyncadd.s32 $0xFFFFE000  }
0x1c6: {  	s1 =	simm.s32 $0x1C10;
	v1 =	vld [tilespmem:s26+$0x0]  }
0x1c7: {  	v2 =	vld [tilespmem:s1+$0x0]  }
0x1c8: {  	v4 =	vor.u32 $0x4, v3;
	_ =	sdelay $0x1  }
0x1c9: {  	v5 =	vld.idx.msk [tilespmem:v3+s13+$0x0], $0xffff  }
0x1ca: {  	v6 =	vld.idx.msk [tilespmem:v3+s24+$0x0], $0xffff  }
0x1cb: {  	v7 =	vsub.f32 $1.000000000e+00, v1;
	v8 =	vsub.f32 $1.000000000e+00, v2  }
0x1cc: {  	v9 =	vld.idx.msk [tilespmem:v4+s13+$0x0], $0xffff  }
0x1cd: {  	v10 =	vmul.f32 v8, v7;
	v11 =	vmul.f32 v8, v1  }
0x1ce: {  	v4 =	vld.idx.msk [tilespmem:v4+s24+$0x0], $0xffff;
	v7 =	vmul.f32 v2, v7  }
0x1cf: {  	v5 =	vmul.f32 v10, v5;
	v6 =	vmul.f32 v11, v6;
	_ =	sdelay $0x1  }
0x1d0: {  	v12 =	vmul.f32 v2, v1;
	v2 =	vmul.f32 v9, v7;
	v1 =	vadd.f32 v6, v5;
	_ =	sdelay $0x1  }
0x1d1: {  	s3 =	simm.s32 $0x0;
	s17 =	simm.s32 $0x1430;
	v4 =	vmul.f32 v4, v12;
	v6 =	vor.u32 $0x1, v3;
	v1 =	vadd.f32 v2, v1  }
0x1d2: {  	s18 =	simm.s32 $0x1C30;
	v17 =	vld [tilespmem:s17+$0x0];
	v5 =	vmov s3  }
0x1d3: {  	s10 =	simm.s32 $0x30;
	v19 =	vld [tilespmem:s18+$0x0];
	v2 =	vshll.u32 v5, $0x3;
	v1 =	vadd.f32 v4, v1  }
0x1d4: {  	s8 =	simm.s32 $0xC010;
	v13 =	vmov s10;
	v29 =	vld [tilespmem:s17+$0xFFFFFFF0];
	v5 =	vor.u32 v0, v2;
	v2 =	vor.u32 $0x5, v3  }
0x1d5: {  	v13 =	vshll.u32 v13, $0x3;
	v8 =	vld [tilespmem:s26+$0xFFFFFFF0];
	[tilespmem:s8+$0xFFFFFC00] =	vst v1  }
0x1d6: {  	v13 =	vor.u32 v0, v13;
	v1 =	vld.idx.msk [tilespmem:v6+s13+$0x0], $0xffff  }
0x1d7: {  	v4 =	vld.idx.msk [tilespmem:v6+s24+$0x0], $0xffff  }
0x1d8: {  	v9 =	vld [tilespmem:s1+$0xFFFFFFF0]  }
0x1d9: {  	v15 =	vld.idx.msk [tilespmem:v2+s13+$0x0], $0xffff  }
0x1da: {  	v16 =	vld.idx.msk [tilespmem:v2+s24+$0x0], $0xffff  }
0x1db: {  	v20 =	vor.u32 $0x4, v13;
	v24 =	vld.idx.msk [tilespmem:v13+s13+$0x0], $0xffff;
	v27 =	vsub.f32 $1.000000000e+00, v17;
	s26 =	simm.s32 $0x20;
	v14 =	vor.u32 $0x4, v5  }
0x1dc: {  	v25 =	vld.idx.msk [tilespmem:v13+s24+$0x0], $0xffff;
	v26 =	vmov s26;
	s26 =	simm.s32 $0x1C50;
	v1 =	vmul.f32 v1, v10;
	v2 =	vmul.f32 v4, v11  }
0x1dd: {  	v28 =	vsub.f32 $1.000000000e+00, v19;
	v26 =	vshll.u32 v26, $0x3;
	v53 =	vld [tilespmem:s26+$0xFFFFFFF0];
	v18 =	vsub.f32 $1.000000000e+00, v9  }
0x1de: {  	v6 =	vld.idx.msk [tilespmem:v5+s13+$0x0], $0xffff;
	v4 =	vsub.f32 $1.000000000e+00, v8;
	v15 =	vmul.f32 v15, v7;
	v23 =	vadd.f32 v2, v1  }
0x1df: {  	v31 =	vmul.f32 v28, v27;
	v26 =	vor.u32 v0, v26;
	v21 =	vld.idx.msk [tilespmem:v5+s24+$0x0], $0xffff;
	v16 =	vmul.f32 v16, v12  }
0x1e0: {  	v22 =	vld.idx.msk [tilespmem:v14+s13+$0x0], $0xffff;
	v2 =	vmul.f32 v9, v4;
	v1 =	vmul.f32 v18, v4;
	v15 =	vadd.f32 v15, v23  }
0x1e1: {  	v14 =	vld.idx.msk [tilespmem:v14+s24+$0x0], $0xffff;
	v4 =	vmul.f32 v18, v8;
	v18 =	vmul.f32 v28, v17  }
0x1e2: {  	v23 =	vor.u32 $0x2, v3;
	v15 =	vadd.f32 v16, v15;
	v16 =	vld.idx.msk [tilespmem:v20+s13+$0x0], $0xffff  }
0x1e3: {  	v30 =	vor.u32 $0x6, v3;
	v28 =	vld.idx.msk [tilespmem:v20+s24+$0x0], $0xffff;
	v3 =	vmul.f32 v31, v24;
	v24 =	vmul.f32 v18, v25  }
0x1e4: {  	v20 =	vmul.f32 v19, v27;
	v27 =	vld [tilespmem:s18+$0xFFFFFFF0];
	v19 =	vmul.f32 v19, v17  }
0x1e5: {  	v17 =	vadd.f32 v24, v3;
	v3 =	vmul.f32 v9, v8;
	v8 =	vmul.f32 v22, v2;
	v22 =	vld.idx.msk [tilespmem:v26+s13+$0x0], $0xffff;
	s18 =	simm.s32 $0x1450  }
0x1e6: {  	v6 =	vmul.f32 v1, v6;
	v21 =	vmul.f32 v4, v21;
	v48 =	vld [tilespmem:s18+$0xFFFFFFF0];
	[tilespmem:s8+$0x0] =	vst v15  }
0x1e7: {  	v25 =	vor.u32 $0x4, v26;
	v15 =	vld.idx.msk [tilespmem:v23+s13+$0x0], $0xffff;
	v16 =	vmul.f32 v16, v20  }
0x1e8: {  	v6 =	vadd.f32 v21, v6;
	v23 =	vld.idx.msk [tilespmem:v23+s24+$0x0], $0xffff  }
0x1e9: {  	v24 =	vor.u32 $0x1, v13;
	v9 =	vmul.f32 v28, v19;
	v21 =	vld.idx.msk [tilespmem:v30+s13+$0x0], $0xffff;
	v16 =	vadd.f32 v16, v17  }
0x1ea: {  	v14 =	vmul.f32 v14, v3;
	v6 =	vadd.f32 v8, v6;
	v28 =	vld.idx.msk [tilespmem:v30+s24+$0x0], $0xffff  }
0x1eb: {  	v30 =	vld.idx.msk [tilespmem:v26+s24+$0x0], $0xffff;
	v17 =	vor.u32 $0x1, v5;
	v8 =	vadd.f32 v9, v16  }
0x1ec: {  	s10 =	simm.s32 $0xC030;
	v32 =	vor.u32 $0x5, v13;
	v6 =	vadd.f32 v14, v6;
	v14 =	vld.idx.msk [tilespmem:v25+s24+$0x0], $0xffff  }
0x1ed: {  	v40 =	vor.u32 $0x6, v13;
	v16 =	vld.idx.msk [tilespmem:v25+s13+$0x0], $0xffff;
	[tilespmem:s10+$0xFFFFFC00] =	vst v8  }
0x1ee: {  	v35 =	vsub.f32 $1.000000000e+00, v29;
	v34 =	vor.u32 $0x1, v26;
	v37 =	vor.u32 $0x5, v26;
	v25 =	vld.idx.msk [tilespmem:v24+s13+$0x0], $0xffff  }
0x1ef: {  	s17 =	simm.s32 $0x40;
	v33 =	vor.u32 $0x5, v5;
	v38 =	vsub.f32 $1.000000000e+00, v27;
	[tilespmem:s8+$0xFFFFFBF0] =	vst v6;
	v6 =	vmul.f32 v27, v29;
	v24 =	vld.idx.msk [tilespmem:v24+s24+$0x0], $0xffff  }
0x1f0: {  	s3 =	simm.s32 $0x50;
	v10 =	vmul.f32 v15, v10;
	v12 =	vmul.f32 v28, v12;
	v28 =	vmov s17;
	v36 =	vld.idx.msk [tilespmem:v17+s13+$0x0], $0xffff  }
0x1f1: {  	v15 =	vmul.f32 v23, v11;
	v11 =	vmov s3;
	v28 =	vshll.u32 v28, $0x3;
	v23 =	vld.idx.msk [tilespmem:v32+s13+$0x0], $0xffff  }
0x1f2: {  	v9 =	vor.u32 $0x2, v5;
	v44 =	vor.u32 v0, v28;
	v8 =	vor.u32 $0x6, v5;
	v39 =	vld.idx.msk [tilespmem:v17+s24+$0x0], $0xffff  }
0x1f3: {  	v5 =	vmul.f32 v27, v35;
	v17 =	vmul.f32 v21, v7;
	v21 =	vld.idx.msk [tilespmem:v32+s24+$0x0], $0xffff;
	v7 =	vshll.u32 v11, $0x3  }
0x1f4: {  	v27 =	vld.idx.msk [tilespmem:v33+s13+$0x0], $0xffff;
	v11 =	vor.u32 v0, v7;
	v25 =	vmul.f32 v25, v31;
	v24 =	vmul.f32 v24, v18  }
0x1f5: {  	v15 =	vadd.f32 v15, v10;
	v10 =	vmul.f32 v38, v35;
	v7 =	vmul.f32 v38, v29;
	v29 =	vld [tilespmem:s18+$0x0]  }
0x1f6: {  	v63 =	vor.u32 $0x4, v11;
	v23 =	vmul.f32 v23, v20;
	v24 =	vadd.f32 v24, v25;
	v25 =	vld [tilespmem:s26+$0x0]  }
0x1f7: {  	v17 =	vadd.f32 v17, v15;
	v15 =	vmul.f32 v10, v22;
	v22 =	vmul.f32 v7, v30;
	v30 =	vld.idx.msk [tilespmem:v33+s24+$0x0], $0xffff  }
0x1f8: {  	v54 =	vld.idx.msk [tilespmem:v44+s13+$0x0], $0xffff;
	v21 =	vmul.f32 v21, v19;
	v23 =	vadd.f32 v23, v24;
	v24 =	vor.u32 $0x2, v13  }
0x1f9: {  	v56 =	vsub.f32 $1.000000000e+00, v48;
	v43 =	vmul.f32 v14, v6;
	v14 =	vor.u32 $0x6, v26;
	v49 =	vld.idx.msk [tilespmem:v11+s13+$0x0], $0xffff  }
0x1fa: {  	v52 =	vor.u32 $0x4, v44;
	v16 =	vmul.f32 v16, v5;
	v50 =	vld.idx.msk [tilespmem:v11+s24+$0x0], $0xffff;
	v21 =	vadd.f32 v21, v23  }
0x1fb: {  	v27 =	vmul.f32 v27, v2;
	v41 =	vsub.f32 $1.000000000e+00, v29;
	v28 =	vld.idx.msk [tilespmem:v63+s13+$0x0], $0xffff;
	v42 =	vsub.f32 $1.000000000e+00, v25  }
0x1fc: {  	v22 =	vadd.f32 v22, v15;
	v15 =	vor.u32 $0x2, v26;
	v36 =	vmul.f32 v36, v1;
	v23 =	vld.idx.msk [tilespmem:v63+s24+$0x0], $0xffff;
	[tilespmem:s10+$0x0] =	vst v21  }
0x1fd: {  	v21 =	vadd.f32 v12, v17;
	v51 =	vld.idx.msk [tilespmem:v24+s13+$0x0], $0xffff;
	v13 =	vmul.f32 v42, v41;
	v17 =	vmul.f32 v42, v29  }
0x1fe: {  	v26 =	vmul.f32 v39, v4;
	v22 =	vadd.f32 v16, v22;
	v16 =	vmul.f32 v25, v41;
	v24 =	vld.idx.msk [tilespmem:v24+s24+$0x0], $0xffff  }
0x1ff: {  	v58 =	vor.u32 $0x1, v11;
	v57 =	vld.idx.msk [tilespmem:v44+s24+$0x0], $0xffff;
	v35 =	vmul.f32 v13, v49;
	v38 =	vmul.f32 v17, v50  }
0x200: {  	v26 =	vadd.f32 v26, v36;
	v22 =	vadd.f32 v43, v22;
	v12 =	vmul.f32 v25, v29;
	v25 =	vld.idx.msk [tilespmem:v40+s13+$0x0], $0xffff  }
0x201: {  	v59 =	vld.idx.msk [tilespmem:v52+s13+$0x0], $0xffff;
	v30 =	vmul.f32 v30, v3;
	v28 =	vmul.f32 v28, v16;
	v29 =	vadd.f32 v38, v35  }
0x202: {  	[tilespmem:s10+$0xFFFFFBF0] =	vst v22;
	v22 =	vadd.f32 v27, v26;
	v26 =	vsub.f32 $1.000000000e+00, v53;
	v55 =	vld.idx.msk [tilespmem:v40+s24+$0x0], $0xffff;
	v23 =	vmul.f32 v23, v12  }
0x203: {  	v60 =	vld.idx.msk [tilespmem:v34+s13+$0x0], $0xffff;
	v24 =	vmul.f32 v24, v18;
	v28 =	vadd.f32 v28, v29;
	v29 =	vmul.f32 v51, v31  }
0x204: {  	v30 =	vadd.f32 v30, v22;
	[tilespmem:s8+$0x400] =	vst v21;
	v21 =	vmul.f32 v53, v48;
	v18 =	vmul.f32 v53, v56  }
0x205: {  	v41 =	vld.idx.msk [tilespmem:v52+s24+$0x0], $0xffff;
	v31 =	vmul.f32 v25, v20;
	v27 =	vadd.f32 v23, v28;
	v24 =	vadd.f32 v24, v29  }
0x206: {  	s17 =	simm.s32 $0xC050;
	v20 =	vmul.f32 v26, v48;
	v23 =	vmul.f32 v26, v56;
	v29 =	vor.u32 $0x5, v11;
	v28 =	vld.idx.msk [tilespmem:v34+s24+$0x0], $0xffff  }
0x207: {  	v19 =	vmul.f32 v55, v19;
	[tilespmem:s17+$0xFFFFFC00] =	vst v27;
	v27 =	vld.idx.msk [tilespmem:v37+s13+$0x0], $0xffff;
	v26 =	vadd.f32 v31, v24  }
0x208: {  	v62 =	vmul.f32 v20, v57;
	v61 =	vmul.f32 v23, v54;
	v31 =	vld.idx.msk [tilespmem:v58+s13+$0x0], $0xffff  }
0x209: {  	v22 =	vor.u32 $0x2, v44;
	[tilespmem:s8+$0xFFFFFFF0] =	vst v30;
	v30 =	vmul.f32 v60, v10;
	v33 =	vld.idx.msk [tilespmem:v58+s24+$0x0], $0xffff;
	v63 =	vadd.f32 v19, v26  }
0x20a: {  	v25 =	vor.u32 $0x1, v44;
	v35 =	vmul.f32 v59, v18;
	v36 =	vadd.f32 v62, v61;
	v26 =	vld.idx.msk [tilespmem:v37+s24+$0x0], $0xffff  }
0x20b: {  	s29 =	simm.s32 $0x4;
	s31 =	simm.s32 $0x60;
	v34 =	vmul.f32 v41, v21;
	v24 =	vor.u32 $0x5, v44;
	v19 =	vor.u32 $0x6, v44;
	v32 =	vld.idx.msk [tilespmem:v29+s13+$0x0], $0xffff;
	[tilespmem:s10+$0x400] =	vst v63  }
.LBB2_13:
0x20c: {  	v37 =	vmov s31;
	s0 =	sadd.s32 $0x10, s31;
	v35 =	vadd.f32 v35, v36;
	v28 =	vmul.f32 v28, v7;
	v36 =	vld.idx.msk [tilespmem:v9+s13+$0x0], $0xffff  }
0x20d: {  	v27 =	vmul.f32 v27, v5;
	v37 =	vshll.u32 v37, $0x3;
	v38 =	vmov s0;
	v29 =	vld.idx.msk [tilespmem:v29+s24+$0x0], $0xffff  }
0x20e: {  	v37 =	vor.u32 v0, v37;
	v38 =	vshll.u32 v38, $0x3;
	v34 =	vadd.f32 v34, v35;
	v35 =	vld.idx.msk [tilespmem:v9+s24+$0x0], $0xffff;
	v9 =	vmovc v15  }
0x20f: {  	s29 =	sadd.s32 $0x2, s29;
	v31 =	vmul.f32 v31, v13;
	v33 =	vmul.f32 v33, v17;
	v38 =	vor.u32 v0, v38;
	v39 =	vld.idx.msk [tilespmem:v8+s13+$0x0], $0xffff  }
0x210: {  	s18 =	sadd.s32 $0x20, s18;
	p0 =	slt.u32 s29, $0x3E;
	v15 =	vmovc v22;
	v40 =	vor.u32 $0x4, v37;
	v41 =	vor.u32 $0x1, v37;
	v42 =	vor.u32 $0x5, v37;
	[tilespmem:s17+$0xFFFFFBF0] =	vst v34;
	v34 =	vld.idx.msk [tilespmem:v8+s24+$0x0], $0xffff;
	v8 =	vmovc v14  }
0x211: {  	s26 =	sadd.s32 $0x20, s26;
	v44 =	vor.u32 $0x4, v38;
	v31 =	vadd.f32 v33, v31;
	v32 =	vmul.f32 v32, v16;
	v14 =	vmovc v19;
	v43 =	vld [tilespmem:s18+$0x0]  }
0x212: {  	v28 =	vadd.f32 v28, v30;
	v22 =	vor.u32 $0x2, v37;
	v26 =	vmul.f32 v26, v6;
	v33 =	vld [tilespmem:s26+$0x0]  }
0x213: {  	v31 =	vadd.f32 v32, v31;
	v29 =	vmul.f32 v29, v12;
	v32 =	vor.u32 $0x2, v11;
	v30 =	vld [tilespmem:s18+$0xFFFFFFF0]  }
0x214: {  	v19 =	vor.u32 $0x6, v37;
	v27 =	vadd.f32 v27, v28;
	v28 =	vmul.f32 v36, v1;
	v1 =	vmovc v10;
	v45 =	vld.idx.msk [tilespmem:v38+s13+$0x0], $0xffff  }
0x215: {  	v4 =	vmul.f32 v35, v4;
	v46 =	vadd.f32 v29, v31;
	v29 =	vmul.f32 v39, v2;
	v36 =	vld.idx.msk [tilespmem:v38+s24+$0x0], $0xffff  }
0x216: {  	v26 =	vadd.f32 v26, v27;
	v35 =	vor.u32 $0x6, v11;
	v11 =	vmovc v38;
	v27 =	vmul.f32 v34, v3;
	v31 =	vld.idx.msk [tilespmem:v44+s24+$0x0], $0xffff  }
0x217: {  	v2 =	vmovc v5;
	v5 =	vmovc v18;
	v3 =	vmov v6;
	v34 =	vsub.f32 $1.000000000e+00, v43;
	v38 =	vsub.f32 $1.000000000e+00, v33;
	v39 =	vld.idx.msk [tilespmem:v44+s13+$0x0], $0xffff;
	[tilespmem:s17+$0x0] =	vst v46  }
0x218: {  	v10 =	vmovc v23;
	v6 =	vmov v21;
	v44 =	vsub.f32 $1.000000000e+00, v30;
	v18 =	vld.idx.msk [tilespmem:v32+s13+$0x0], $0xffff;
	[tilespmem:s10+$0xFFFFFFF0] =	vst v26;
	v26 =	vadd.f32 v4, v28  }
0x219: {  	v4 =	vmovc v7;
	v7 =	vmov v20;
	v23 =	vmul.f32 v38, v34;
	v38 =	vmul.f32 v38, v43;
	v21 =	vld.idx.msk [tilespmem:v32+s24+$0x0], $0xffff  }
0x21a: {  	v32 =	vmul.f32 v33, v34;
	v20 =	vld [tilespmem:s26+$0xFFFFFFF0];
	v26 =	vadd.f32 v29, v26  }
0x21b: {  	v28 =	vmul.f32 v23, v45;
	v29 =	vmul.f32 v38, v36;
	v34 =	vld.idx.msk [tilespmem:v35+s13+$0x0], $0xffff  }
0x21c: {  	v33 =	vmul.f32 v33, v43;
	v36 =	vld.idx.msk [tilespmem:v37+s13+$0x0], $0xffff;
	v26 =	vadd.f32 v27, v26  }
0x21d: {  	v27 =	vadd.f32 v29, v28;
	v28 =	vmul.f32 v39, v32;
	v35 =	vld.idx.msk [tilespmem:v35+s24+$0x0], $0xffff  }
0x21e: {  	v29 =	vmul.f32 v31, v33;
	v39 =	vor.u32 $0x1, v11;
	v37 =	vld.idx.msk [tilespmem:v37+s24+$0x0], $0xffff;
	[tilespmem:s8+$0x3F0] =	vst v26;
	s8 =	smov.u32 s10;
	s10 =	smov.u32 s17  }
0x21f: {  	v17 =	vmul.f32 v21, v17;
	v26 =	vld.idx.msk [tilespmem:v40+s13+$0x0], $0xffff;
	v27 =	vadd.f32 v28, v27;
	v28 =	vmul.f32 v18, v13  }
0x220: {  	v31 =	vsub.f32 $1.000000000e+00, v20;
	v18 =	vmul.f32 v20, v44;
	v21 =	vmul.f32 v20, v30;
	v13 =	vmovc v23;
	v40 =	vld.idx.msk [tilespmem:v40+s24+$0x0], $0xffff  }
0x221: {  	v46 =	vmul.f32 v34, v16;
	v27 =	vadd.f32 v29, v27;
	v43 =	vld.idx.msk [tilespmem:v25+s13+$0x0], $0xffff;
	v45 =	vadd.f32 v17, v28  }
0x222: {  	s17 =	sadd.s32 $0x20, s17;
	v23 =	vmul.f32 v31, v44;
	v20 =	vmul.f32 v31, v30;
	v29 =	vor.u32 $0x5, v11;
	v28 =	vld.idx.msk [tilespmem:v25+s24+$0x0], $0xffff;
	v25 =	vmovc v41  }
.Ltmp5:
0x223: {  	v34 =	vmul.f32 v35, v12;
	v17 =	vmov v38;
	[tilespmem:s17+$0xFFFFFC00] =	vst v27;
	v27 =	vld.idx.msk [tilespmem:v24+s13+$0x0], $0xffff;
	v30 =	vadd.f32 v46, v45;
	(pc) =	sbr.rel @p0 .LBB2_13-.Ltmp5, $4  }
0x224: {  	v16 =	vmovc v32;
	v12 =	vmov v33;
	v36 =	vmul.f32 v23, v36;
	v37 =	vmul.f32 v20, v37;
	v31 =	vld.idx.msk [tilespmem:v39+s13+$0x0], $0xffff  }
0x225: {  	v35 =	vmul.f32 v26, v18;
	v33 =	vld.idx.msk [tilespmem:v39+s24+$0x0], $0xffff;
	v38 =	vadd.f32 v34, v30  }
0x226: {  	v36 =	vadd.f32 v37, v36;
	v34 =	vmul.f32 v40, v21;
	v26 =	vld.idx.msk [tilespmem:v24+s24+$0x0], $0xffff;
	v24 =	vmov v42  }
0x227: {  	s31 =	sadd.s32 $0x20, s31;
	v30 =	vmul.f32 v43, v10;
	v32 =	vld.idx.msk [tilespmem:v29+s13+$0x0], $0xffff;
	[tilespmem:s10+$0x400] =	vst v38  }
0x228: {  	v35 =	vadd.f32 v35, v36;
	_ =	sdelay $0x1  }
0x229: {  	v34 =	vadd.f32 v34, v35;
	_ =	sdelay $0x1  }
0x22a: {  	v29 =	vld.idx.msk [tilespmem:v29+s24+$0x0], $0xffff;
	[tilespmem:s17+$0xFFFFFBF0] =	vst v34  }
0x22b: {  	v28 =	vmul.f32 v28, v7;
	v34 =	vld.idx.msk [tilespmem:v25+s13+$0x0], $0xffff  }
0x22c: {  	v63 =	vld.idx.msk [tilespmem:v25+s24+$0x0], $0xffff  }
0x22d: {  	v36 =	vld.idx.msk [tilespmem:v9+s13+$0x0], $0xffff;
	v27 =	vmul.f32 v27, v5;
	v28 =	vadd.f32 v28, v30  }
0x22e: {  	v31 =	vmul.f32 v31, v13;
	v33 =	vmul.f32 v33, v17;
	v37 =	vld.idx.msk [tilespmem:v24+s13+$0x0], $0xffff  }
0x22f: {  	v38 =	vld.idx.msk [tilespmem:v9+s24+$0x0], $0xffff;
	v26 =	vmul.f32 v26, v6;
	v27 =	vadd.f32 v27, v28  }
0x230: {  	v31 =	vadd.f32 v33, v31;
	v32 =	vmul.f32 v32, v16;
	v40 =	vld.idx.msk [tilespmem:v24+s24+$0x0], $0xffff  }
0x231: {  	v41 =	vld.idx.msk [tilespmem:v8+s13+$0x0], $0xffff;
	v26 =	vadd.f32 v26, v27;
	v43 =	vmul.f32 v34, v23;
	v25 =	vmul.f32 v63, v20  }
0x232: {  	v39 =	vor.u32 $0x2, v11;
	v44 =	vld.idx.msk [tilespmem:v8+s24+$0x0], $0xffff;
	v29 =	vmul.f32 v29, v12  }
0x233: {  	v31 =	vadd.f32 v32, v31;
	[tilespmem:s10+$0xFFFFFFF0] =	vst v26;
	v45 =	vmul.f32 v37, v18;
	v25 =	vadd.f32 v25, v43  }
0x234: {  	v48 =	vld.idx.msk [tilespmem:v15+s13+$0x0], $0xffff  }
0x235: {  	v29 =	vadd.f32 v29, v31;
	v49 =	vld.idx.msk [tilespmem:v15+s24+$0x0], $0xffff;
	v24 =	vmul.f32 v40, v21;
	v25 =	vadd.f32 v45, v25  }
0x236: {  	v51 =	vld.idx.msk [tilespmem:v14+s13+$0x0], $0xffff  }
0x237: {  	v42 =	vor.u32 $0x6, v11;
	v56 =	vld.idx.msk [tilespmem:v14+s24+$0x0], $0xffff;
	[tilespmem:s17+$0x0] =	vst v29;
	v24 =	vadd.f32 v24, v25  }
0x238: {  	v29 =	vld.idx.msk [tilespmem:v39+s13+$0x0], $0xffff  }
0x239: {  	v1 =	vmul.f32 v36, v1;
	v4 =	vmul.f32 v38, v4;
	v46 =	vld.idx.msk [tilespmem:v39+s24+$0x0], $0xffff;
	[tilespmem:s17+$0xFFFFFFF0] =	vst v24  }
0x23a: {  	v24 =	vld.idx.msk [tilespmem:v22+s13+$0x0], $0xffff  }
0x23b: {  	v2 =	vmul.f32 v41, v2;
	v1 =	vadd.f32 v4, v1;
	v50 =	vld.idx.msk [tilespmem:v22+s24+$0x0], $0xffff  }
0x23c: {  	v47 =	vld.idx.msk [tilespmem:v42+s13+$0x0], $0xffff  }
0x23d: {  	v3 =	vmul.f32 v44, v3;
	v1 =	vadd.f32 v2, v1;
	v10 =	vmul.f32 v48, v10;
	v54 =	vld.idx.msk [tilespmem:v19+s13+$0x0], $0xffff  }
0x23e: {  	v11 =	vld.idx.msk [tilespmem:v42+s24+$0x0], $0xffff;
	v57 =	vmul.f32 v49, v7;
	v60 =	vmul.f32 v51, v5  }
0x23f: {  	v1 =	vadd.f32 v3, v1;
	v52 =	vmul.f32 v29, v13;
	v53 =	vmul.f32 v46, v17;
	v58 =	vld.idx.msk [tilespmem:v19+s24+$0x0], $0xffff  }
0x240: {  	v7 =	vadd.f32 v57, v10;
	v2 =	vmul.f32 v24, v23;
	v59 =	vmul.f32 v50, v20  }
0x241: {  	v3 =	vmul.f32 v56, v6;
	v55 =	vmul.f32 v47, v16;
	v13 =	vadd.f32 v53, v52  }
0x242: {  	v5 =	vadd.f32 v60, v7;
	v62 =	vmul.f32 v54, v18;
	v2 =	vadd.f32 v59, v2  }
0x243: {  	v61 =	vmul.f32 v11, v12;
	v4 =	vadd.f32 v55, v13  }
0x244: {  	[tilespmem:s8+$0x3F0] =	vst v1;
	v1 =	vadd.f32 v3, v5;
	v63 =	vmul.f32 v58, v21;
	v2 =	vadd.f32 v62, v2  }
0x245: {  	v4 =	vadd.f32 v61, v4  }
0x246: {  	[tilespmem:s10+$0x3F0] =	vst v1;
	v2 =	vadd.f32 v63, v2  }
0x247: {  	s0 =	sor.u32 $0x80, s9;
	[tilespmem:s17+$0x400] =	vst v4  }
0x248: {  	s3 =	simm.s32 $0xBC00;
	s1 =	sadd.s32 s7, s0;
	[tilespmem:s17+$0x3F0] =	vst v2  }
0x249: {  	[hbm4b:s1+s2] =	stream.linear.scatter [tilespmem:s3], [sflag:$0x5], $0x400, $0x38;
	[tilespmem:$0xC800] =	vst v63  }
0x24a: {  	s29 =	simm.s32 $0xC000;
	s26 =	sadd.s32 s0, s14  }
0x24b: {  	[hbm4b:s26+s2] =	stream.linear.scatter [tilespmem:s29], [sflag:$0x5], $0x400, $0x38;
	[tilespmem:$0xC800] =	vst v63  }
0x24c: {  	s31 =	simm.s32 $0xC400;
	s0 =	sadd.s32 s0, s16  }
0x24d: {  	[hbm4b:s0+s2] =	stream.linear.scatter [tilespmem:s31], [sflag:$0x5], $0x400, $0x38;
	[tilespmem:$0xC800] =	vst v63  }
0x24e: {  	_ =	swait.ge [sflag:s20], $0x400  }
0x24f: {  	[sflag:s20] =	ssyncset.done $0x0  }
0x250: {  	[sflag:s20] =	ssyncadd.s32 $0xFFFFFC00  }
0x251: {  	_ =	swait.ge [sflag:s20], $0x400  }
0x252: {  	[sflag:s20] =	ssyncset.done $0x0  }
0x253: {  	[sflag:s20] =	ssyncadd.s32 $0xFFFFFC00  }
0x254: {  	_ =	swait.ge [sflag:s20], $0x400  }
0x255: {  	[sflag:s20] =	ssyncset.done $0x0  }
0x256: {  	[sflag:s20] =	ssyncadd.s32 $0xFFFFFC00  }
0x257: {  	_ =	swait.ge [sflag:s20], $0x400  }
0x258: {  	[sflag:s20] =	ssyncset.done $0x0  }
0x259: {  	s19 =	sadd.s32 $0x1, s19;
	[sflag:s20] =	ssyncadd.s32 $0xFFFFFC00  }
0x25a: {  	p0 =	sne.s32 s19, $0x10;
	_ =	swait.ge [sflag:s20], $0x400  }
.Ltmp6:
0x25b: {  	[sflag:s20] =	ssyncset.done $0x0;
	(pc) =	sbr.rel @p0 .LBB2_4-.Ltmp6, $4  }
0x25c: {  	[sflag:s20] =	ssyncadd.s32 $0xFFFFFC00  }
0x25d: {  	_ =	swait.ge [sflag:s20], $0x400  }
0x25e: {  	[sflag:s20] =	ssyncset.done $0x0  }
0x25f: {  	[sflag:s20] =	ssyncadd.s32 $0xFFFFFC00  }
0x260: {  	s3 =	rddreg [dreg:$0xc]  }
0x261: {  	s0 =	rddreg [dreg:$0xb];
	s3 =	sadd.s32 $0x1, s3  }
0x262: {  	p0 =	sne.s32 s3, s0  }
.Ltmp7:
0x263: {  	_ = 	snop;
	(pc) =	sbr.rel @p0 .LBB2_1-.Ltmp7, $2  }
0x264: {  	_ =	sdelay $0x2  }
0x265: {  	s1 =	simm.s32 $0x800  }
0x266: {  	_ =	sfence.sel $0x180000  }
0x267: {  	[bflag:$0x0] =	sbarrier.arrive $0xFFFF  }
0x268: {  	_ =	strace $0x9000004A  }
0x269: {  	s0 =	stileid.u32;
	[bflag:$0x2] =	sbarrier.arrive $0xFFFF  }
0x26a: {  	p0 =	sne.s32 s0, $0x0;
	s0 =	rddreg [dreg:$0x2]  }
0x26b: {  	s0 =	sadd.s32 @!p0 $0x100000, s0  }
0x26c: {  	[sflag:s0] =	ssyncadd.tile.s32 @!p0 $0x1;
	_ =	shalt  }
.Lfunc_end2:
_tile_overlayer_lowered:
.L_overlay_start_2:
0x26d: {  	(tag) =	ssettag $0x2  }
0x26e: {  	s0 =	rddreg [dreg:$0x0];
	s2 =	stileid.u32  }
0x26f: {  	s1 =	rddreg [dreg:$0x1];
	p0 =	sne.s32 s2, $0x0  }
0x270: {  	s3 =	rddreg [dreg:$0x2];
	[bflag:$0x3] =	sbarrier.arrive $0xFFFF;
	s2 =	simm.s32 @!p0 $0x1C06  }
0x271: {  	[timem:s3], [sflag:s2] =	dma.local @!p0 [hbm:s0], s1  }
0x272: {  	s0 =	simm.s32 @!p0 $0x6  }
0x273: {  	_ =	swait.ge @!p0 [sflag:s0], s1  }
0x274: {  	s1 =	ssub.s32 @!p0 $0x0, s1;
	[sflag:s0] =	ssyncset.done @!p0 $0x0  }
0x275: {  	[sflag:s0] =	ssyncadd.s32 @!p0 s1  }
0x276: {  	[bflag:$0x3] =	sbarrier.arrive $0xFFFF  }
0x277: {  	_ =	shalt  }

</sc_bundles>
